<compile_context>
chip_gen: v7x
topology: tpu7x:2x2x1
jax: 0.10.2.dev20260603
libtpu: 0.0.44.dev20260713+nightly
codegen_flags: <defaults>
</compile_context>

<pallas_src>
import functools

import jax
import jax.numpy as jnp
from jax import lax
from jax.experimental import pallas as pl
from jax.experimental.pallas import tpu as pltpu
from jax.experimental.pallas import tpu_sc as plsc

SEQ = 40
DIM = 128
NC = 2
NS = 16
NW = NC * NS
C = 4
NBUF = 6
LA = 3


def _sc_add(batch):
    rows_per_w = batch // NW
    nch = rows_per_w // C
    mesh = plsc.VectorSubcoreMesh(core_axis_name="c", subcore_axis_name="s")

    @functools.partial(
        pl.kernel,
        out_type=jax.ShapeDtypeStruct((batch, SEQ, DIM), jnp.float32),
        mesh=mesh,
        compiler_params=pltpu.CompilerParams(use_tc_tiling_on_sc=True),
        scratch_types=[
            pltpu.VMEM((SEQ, DIM), jnp.float32),
            [pltpu.VMEM((C, SEQ, DIM), jnp.float32) for _ in range(NBUF)],
            [pltpu.SemaphoreType.DMA for _ in range(NBUF)],
            [pltpu.SemaphoreType.DMA for _ in range(NBUF)],
        ],
    )
    def k(x_hbm, t_hbm, o_hbm, tbl, bufs, in_sems, out_sems):
        wid = lax.axis_index("s") * NC + lax.axis_index("c")
        base = wid * rows_per_w
        pltpu.sync_copy(t_hbm, tbl)

        def start_in(b, g):
            pltpu.async_copy(x_hbm.at[pl.ds(base + g * C, C)], bufs[b], in_sems[b])

        def wait_in(b):
            pltpu.make_async_copy(x_hbm.at[pl.ds(base, C)], bufs[b], in_sems[b]).wait()

        def start_out(b, g):
            pltpu.async_copy(bufs[b], o_hbm.at[pl.ds(base + g * C, C)], out_sems[b])

        def wait_out(b):
            pltpu.make_async_copy(bufs[b], o_hbm.at[pl.ds(base, C)], out_sems[b]).wait()

        def add_table(buf):
            def tbody(t, carry):
                for d in range(DIM // 16):
                    tv = tbl[t, pl.ds(d * 16, 16)]
                    for c in range(C):
                        plsc.addupdate(buf.at[c, t, pl.ds(d * 16, 16)], tv)
                return carry

            lax.fori_loop(0, SEQ, tbody, 0)

        for b0 in range(LA):
            start_in(b0, b0)

        def chunk_body(i, carry):
            for b0 in range(NBUF):
                g = i * NBUF + b0
                wait_in(b0)
                add_table(bufs[b0])
                start_out(b0, g)
                bn = (b0 + LA) % NBUF

                @pl.when(g + LA < nch)
                def _():
                    @pl.when(g >= NBUF - LA)
                    def _():
                        wait_out(bn)

                    start_in(bn, g + LA)

            return carry

        lax.fori_loop(0, nch // NBUF, chunk_body, 0)
        for g in range((nch // NBUF) * NBUF, nch):
            b0 = g % NBUF
            wait_in(b0)
            add_table(bufs[b0])
            start_out(b0, g)
        for b0 in range(NBUF):
            wait_out(b0)

    return k


def kernel(x, table):
    return _sc_add(x.shape[0])(x, table)

# --- scband reference (transcript-rebuilt; emitter-appended) ---
"""Pipeline reference for scband-positional-embedding-58514634440761 (READ-ONLY COPY).

The authoritative reference and input builder live on the scoring server;
editing this copy changes nothing except your own understanding.
"""

import jax, jax.numpy as jnp
import numpy as np

SEQ_LENGTH = 40
OUTPUT_DIM = 128
BATCH = 16384

def setup_inputs(seed: int = 0) -> dict:
    key = jax.random.key(seed)
    k1, k2 = jax.random.split(key)
    x = jax.random.normal(k1, (BATCH, SEQ_LENGTH, OUTPUT_DIM), dtype=jnp.float32)
    # Embedding table: keras Embedding default init is uniform(-0.05, 0.05)
    table = jax.random.uniform(k2, (SEQ_LENGTH, OUTPUT_DIM), dtype=jnp.float32, minval=-0.05, maxval=0.05)
    return {"x": x, "table": table}

def reference(x, table):
    positions = jnp.arange(0, SEQ_LENGTH)
    positions_embedding = jnp.take(table, positions, axis=0)
    return x + positions_embedding

if __name__ == "__main__":
    import jax
    _d = setup_inputs()
    print(jax.jit(kernel)(*tuple(_d.values())))

</pallas_src>

<mosaic_0001>
#map = affine_map<(d0, d1) -> (0, 0, 0)>
#map1 = affine_map<(d0, d1) -> (0, 0)>
module attributes {stable_mosaic.version = 14 : i64} {
  func.func @k(%arg0: i32, %arg1: i32, %arg2: memref<16384x40x128xf32, #tpu.memory_space<hbm>>, %arg3: memref<40x128xf32, #tpu.memory_space<hbm>>, %arg4: memref<16384x40x128xf32, #tpu.memory_space<hbm>>, %arg5: memref<40x128xf32, #tpu.memory_space<vmem>>, %arg6: memref<4x40x128xf32, #tpu.memory_space<vmem>>, %arg7: memref<4x40x128xf32, #tpu.memory_space<vmem>>, %arg8: memref<4x40x128xf32, #tpu.memory_space<vmem>>, %arg9: memref<4x40x128xf32, #tpu.memory_space<vmem>>, %arg10: memref<4x40x128xf32, #tpu.memory_space<vmem>>, %arg11: memref<4x40x128xf32, #tpu.memory_space<vmem>>, %arg12: memref<!tpu.dma_semaphore, #tpu.memory_space<semaphore_mem>>, %arg13: memref<!tpu.dma_semaphore, #tpu.memory_space<semaphore_mem>>, %arg14: memref<!tpu.dma_semaphore, #tpu.memory_space<semaphore_mem>>, %arg15: memref<!tpu.dma_semaphore, #tpu.memory_space<semaphore_mem>>, %arg16: memref<!tpu.dma_semaphore, #tpu.memory_space<semaphore_mem>>, %arg17: memref<!tpu.dma_semaphore, #tpu.memory_space<semaphore_mem>>, %arg18: memref<!tpu.dma_semaphore, #tpu.memory_space<semaphore_mem>>, %arg19: memref<!tpu.dma_semaphore, #tpu.memory_space<semaphore_mem>>, %arg20: memref<!tpu.dma_semaphore, #tpu.memory_space<semaphore_mem>>, %arg21: memref<!tpu.dma_semaphore, #tpu.memory_space<semaphore_mem>>, %arg22: memref<!tpu.dma_semaphore, #tpu.memory_space<semaphore_mem>>, %arg23: memref<!tpu.dma_semaphore, #tpu.memory_space<semaphore_mem>>) attributes {dimension_semantics = [#tpu.dimension_semantics<core_parallel>, #tpu.dimension_semantics<subcore_parallel>], iteration_bounds = array<i64: 2, 16>, scalar_prefetch = 0 : i64, scratch_operands = 19 : i64, tpu.core_type = #tpu.core_type<sc_vector_subcore>, window_params = [{transform_indices = #map}, {transform_indices = #map1}, {transform_indices = #map}]} {
    %mul3A = arith.constant 2 : i32
    %mul3A_0 = arith.muli %arg1, %mul3A : i32
    %add3A = arith.addi %mul3A_0, %arg0 : i32
    %mul3A_1 = arith.constant 512 : i32
    %mul3A_2 = arith.muli %add3A, %mul3A_1 : i32
    "tpu.region"() ({
      %run_scoped3A = tpu.sem_alloc : memref<!tpu.dma_semaphore, #tpu.memory_space<semaphore_mem>>
      tpu.enqueue_dma source(%arg3 : memref<40x128xf32, #tpu.memory_space<hbm>>) target(%arg5 : memref<40x128xf32, #tpu.memory_space<vmem>>) target_semaphore(%run_scoped3A : memref<!tpu.dma_semaphore, #tpu.memory_space<semaphore_mem>>)
      tpu.wait_dma2 semaphore(%run_scoped3A : memref<!tpu.dma_semaphore, #tpu.memory_space<semaphore_mem>>) src(%arg3 : memref<40x128xf32, #tpu.memory_space<hbm>>) dst(%arg5 : memref<40x128xf32, #tpu.memory_space<vmem>>)
      tpu.yield
    }) : () -> ()
    %add3A_3 = arith.constant 0 : i32
    %add3A_4 = arith.addi %mul3A_2, %add3A_3 : i32
    %dma_start3A = arith.constant 0 : i32
    %dma_start3A_5 = arith.constant 0 : i32
    %dma_start3A_6 = tpu.memref_slice %arg2[%add3A_4, %dma_start3A, %dma_start3A_5] : memref<16384x40x128xf32, #tpu.memory_space<hbm>> -> memref<4x40x128xf32, #tpu.memory_space<hbm>>
    %dma_start3A_7 = arith.constant 0 : i32
    %dma_start3A_8 = arith.constant 0 : i32
    %dma_start3A_9 = tpu.memref_slice %arg2[%add3A_4, %dma_start3A_7, %dma_start3A_8] : memref<16384x40x128xf32, #tpu.memory_space<hbm>> -> memref<4x40x128xf32, #tpu.memory_space<hbm>>
    tpu.enqueue_dma source(%dma_start3A_9 : memref<4x40x128xf32, #tpu.memory_space<hbm>>) target(%arg6 : memref<4x40x128xf32, #tpu.memory_space<vmem>>) target_semaphore(%arg12 : memref<!tpu.dma_semaphore, #tpu.memory_space<semaphore_mem>>)
    %add3A_10 = arith.constant 4 : i32
    %add3A_11 = arith.addi %mul3A_2, %add3A_10 : i32
    %dma_start3A_12 = arith.constant 0 : i32
    %dma_start3A_13 = arith.constant 0 : i32
    %dma_start3A_14 = tpu.memref_slice %arg2[%add3A_11, %dma_start3A_12, %dma_start3A_13] : memref<16384x40x128xf32, #tpu.memory_space<hbm>> -> memref<4x40x128xf32, #tpu.memory_space<hbm>>
    %dma_start3A_15 = arith.constant 0 : i32
    %dma_start3A_16 = arith.constant 0 : i32
    %dma_start3A_17 = tpu.memref_slice %arg2[%add3A_11, %dma_start3A_15, %dma_start3A_16] : memref<16384x40x128xf32, #tpu.memory_space<hbm>> -> memref<4x40x128xf32, #tpu.memory_space<hbm>>
    tpu.enqueue_dma source(%dma_start3A_17 : memref<4x40x128xf32, #tpu.memory_space<hbm>>) target(%arg7 : memref<4x40x128xf32, #tpu.memory_space<vmem>>) target_semaphore(%arg13 : memref<!tpu.dma_semaphore, #tpu.memory_space<semaphore_mem>>)
    %add3A_18 = arith.constant 8 : i32
    %add3A_19 = arith.addi %mul3A_2, %add3A_18 : i32
    %dma_start3A_20 = arith.constant 0 : i32
    %dma_start3A_21 = arith.constant 0 : i32
    %dma_start3A_22 = tpu.memref_slice %arg2[%add3A_19, %dma_start3A_20, %dma_start3A_21] : memref<16384x40x128xf32, #tpu.memory_space<hbm>> -> memref<4x40x128xf32, #tpu.memory_space<hbm>>
    %dma_start3A_23 = arith.constant 0 : i32
    %dma_start3A_24 = arith.constant 0 : i32
    %dma_start3A_25 = tpu.memref_slice %arg2[%add3A_19, %dma_start3A_23, %dma_start3A_24] : memref<16384x40x128xf32, #tpu.memory_space<hbm>> -> memref<4x40x128xf32, #tpu.memory_space<hbm>>
    tpu.enqueue_dma source(%dma_start3A_25 : memref<4x40x128xf32, #tpu.memory_space<hbm>>) target(%arg8 : memref<4x40x128xf32, #tpu.memory_space<vmem>>) target_semaphore(%arg14 : memref<!tpu.dma_semaphore, #tpu.memory_space<semaphore_mem>>)
    %scan3A = arith.constant 0 : i32
    %scan3A_26 = arith.constant 0 : i32
    %scan3A_27 = arith.constant 21 : i32
    %scan3A_28 = arith.addi %scan3A_26, %scan3A_27 : i32
    %scan3A_29 = arith.constant 1 : i32
    scf.for %scan3A_106 = %scan3A_26 to %scan3A_28 step %scan3A_29  : i32 {
      %mul3A_107 = arith.constant 6 : i32
      %mul3A_108 = arith.muli %scan3A_106, %mul3A_107 : i32
      %add3A_109 = arith.constant 0 : i32
      %add3A_110 = arith.addi %mul3A_108, %add3A_109 : i32
      %dma_wait3A_111 = arith.constant 0 : i32
      %dma_wait3A_112 = arith.constant 0 : i32
      %dma_wait3A_113 = tpu.memref_slice %arg2[%mul3A_2, %dma_wait3A_111, %dma_wait3A_112] : memref<16384x40x128xf32, #tpu.memory_space<hbm>> -> memref<4x40x128xf32, #tpu.memory_space<hbm>>
      %dma_wait3A_114 = arith.constant 0 : i32
      %dma_wait3A_115 = arith.constant 0 : i32
      %dma_wait3A_116 = tpu.memref_slice %arg2[%mul3A_2, %dma_wait3A_114, %dma_wait3A_115] : memref<16384x40x128xf32, #tpu.memory_space<hbm>> -> memref<4x40x128xf32, #tpu.memory_space<hbm>>
      tpu.wait_dma2 semaphore(%arg12 : memref<!tpu.dma_semaphore, #tpu.memory_space<semaphore_mem>>) src(%dma_wait3A_116 : memref<4x40x128xf32, #tpu.memory_space<hbm>>) dst(%arg6 : memref<4x40x128xf32, #tpu.memory_space<vmem>>)
      %scan3A_117 = arith.constant 0 : i32
      %scan3A_118 = arith.constant 0 : i32
      %scan3A_119 = arith.constant 40 : i32
      %scan3A_120 = arith.addi %scan3A_118, %scan3A_119 : i32
      %scan3A_121 = arith.constant 1 : i32
      scf.for %scan3A_296 = %scan3A_118 to %scan3A_120 step %scan3A_121  : i32 {
        %get3A = arith.index_cast %scan3A_296 : i32 to index
        %get3A_297 = arith.constant 0 : index
        %get3A_298 = tpu.vector_load %arg5[%get3A, %get3A_297] {strides = array<i32>} : memref<40x128xf32, #tpu.memory_space<vmem>>, vector<1x16xf32>,
        %get3A_299 = vector.shape_cast %get3A_298 : vector<1x16xf32> to vector<16xf32>
        %swap3A = arith.constant 0 : i32
        %swap3A_300 = arith.index_cast %swap3A : i32 to index
        %swap3A_301 = arith.index_cast %scan3A_296 : i32 to index
        %swap3A_302 = arith.constant 0 : index
        %swap3A_303 = tpu.vector_load %arg6[%swap3A_300, %swap3A_301, %swap3A_302] {strides = array<i32>} : memref<4x40x128xf32, #tpu.memory_space<vmem>>, vector<1x1x16xf32>,
        %swap3A_304 = vector.shape_cast %swap3A_303 : vector<1x1x16xf32> to vector<16xf32>
        %swap3A_305 = vector.shape_cast %get3A_299 : vector<16xf32> to vector<1x1x16xf32>
        tpu.vector_store %arg6[%swap3A_300, %swap3A_301, %swap3A_302], %swap3A_305 {add = true, strides = array<i32>} : memref<4x40x128xf32, #tpu.memory_space<vmem>>, vector<1x1x16xf32>,
        %swap3A_306 = arith.constant 1 : i32
        %swap3A_307 = arith.index_cast %swap3A_306 : i32 to index
        %swap3A_308 = arith.index_cast %scan3A_296 : i32 to index
        %swap3A_309 = arith.constant 0 : index
        %swap3A_310 = tpu.vector_load %arg6[%swap3A_307, %swap3A_308, %swap3A_309] {strides = array<i32>} : memref<4x40x128xf32, #tpu.memory_space<vmem>>, vector<1x1x16xf32>,
        %swap3A_311 = vector.shape_cast %swap3A_310 : vector<1x1x16xf32> to vector<16xf32>
        %swap3A_312 = vector.shape_cast %get3A_299 : vector<16xf32> to vector<1x1x16xf32>
        tpu.vector_store %arg6[%swap3A_307, %swap3A_308, %swap3A_309], %swap3A_312 {add = true, strides = array<i32>} : memref<4x40x128xf32, #tpu.memory_space<vmem>>, vector<1x1x16xf32>,
        %swap3A_313 = arith.constant 2 : i32
        %swap3A_314 = arith.index_cast %swap3A_313 : i32 to index
        %swap3A_315 = arith.index_cast %scan3A_296 : i32 to index
        %swap3A_316 = arith.constant 0 : index
        %swap3A_317 = tpu.vector_load %arg6[%swap3A_314, %swap3A_315, %swap3A_316] {strides = array<i32>} : memref<4x40x128xf32, #tpu.memory_space<vmem>>, vector<1x1x16xf32>,
        %swap3A_318 = vector.shape_cast %swap3A_317 : vector<1x1x16xf32> to vector<16xf32>
        %swap3A_319 = vector.shape_cast %get3A_299 : vector<16xf32> to vector<1x1x16xf32>
        tpu.vector_store %arg6[%swap3A_314, %swap3A_315, %swap3A_316], %swap3A_319 {add = true, strides = array<i32>} : memref<4x40x128xf32, #tpu.memory_space<vmem>>, vector<1x1x16xf32>,
        %swap3A_320 = arith.constant 3 : i32
        %swap3A_321 = arith.index_cast %swap3A_320 : i32 to index
        %swap3A_322 = arith.index_cast %scan3A_296 : i32 to index
        %swap3A_323 = arith.constant 0 : index
        %swap3A_324 = tpu.vector_load %arg6[%swap3A_321, %swap3A_322, %swap3A_323] {strides = array<i32>} : memref<4x40x128xf32, #tpu.memory_space<vmem>>, vector<1x1x16xf32>,
        %swap3A_325 = vector.shape_cast %swap3A_324 : vector<1x1x16xf32> to vector<16xf32>
        %swap3A_326 = vector.shape_cast %get3A_299 : vector<16xf32> to vector<1x1x16xf32>
        tpu.vector_store %arg6[%swap3A_321, %swap3A_322, %swap3A_323], %swap3A_326 {add = true, strides = array<i32>} : memref<4x40x128xf32, #tpu.memory_space<vmem>>, vector<1x1x16xf32>,
        %get3A_327 = arith.index_cast %scan3A_296 : i32 to index
        %get3A_328 = arith.constant 16 : index
        %get3A_329 = tpu.vector_load %arg5[%get3A_327, %get3A_328] {strides = array<i32>} : memref<40x128xf32, #tpu.memory_space<vmem>>, vector<1x16xf32>,
        %get3A_330 = vector.shape_cast %get3A_329 : vector<1x16xf32> to vector<16xf32>
        %swap3A_331 = arith.constant 0 : i32
        %swap3A_332 = arith.index_cast %swap3A_331 : i32 to index
        %swap3A_333 = arith.index_cast %scan3A_296 : i32 to index
        %swap3A_334 = arith.constant 16 : index
        %swap3A_335 = tpu.vector_load %arg6[%swap3A_332, %swap3A_333, %swap3A_334] {strides = array<i32>} : memref<4x40x128xf32, #tpu.memory_space<vmem>>, vector<1x1x16xf32>,
        %swap3A_336 = vector.shape_cast %swap3A_335 : vector<1x1x16xf32> to vector<16xf32>
        %swap3A_337 = vector.shape_cast %get3A_330 : vector<16xf32> to vector<1x1x16xf32>
        tpu.vector_store %arg6[%swap3A_332, %swap3A_333, %swap3A_334], %swap3A_337 {add = true, strides = array<i32>} : memref<4x40x128xf32, #tpu.memory_space<vmem>>, vector<1x1x16xf32>,
        %swap3A_338 = arith.constant 1 : i32
        %swap3A_339 = arith.index_cast %swap3A_338 : i32 to index
        %swap3A_340 = arith.index_cast %scan3A_296 : i32 to index
        %swap3A_341 = arith.constant 16 : index
        %swap3A_342 = tpu.vector_load %arg6[%swap3A_339, %swap3A_340, %swap3A_341] {strides = array<i32>} : memref<4x40x128xf32, #tpu.memory_space<vmem>>, vector<1x1x16xf32>,
        %swap3A_343 = vector.shape_cast %swap3A_342 : vector<1x1x16xf32> to vector<16xf32>
        %swap3A_344 = vector.shape_cast %get3A_330 : vector<16xf32> to vector<1x1x16xf32>
        tpu.vector_store %arg6[%swap3A_339, %swap3A_340, %swap3A_341], %swap3A_344 {add = true, strides = array<i32>} : memref<4x40x128xf32, #tpu.memory_space<vmem>>, vector<1x1x16xf32>,
        %swap3A_345 = arith.constant 2 : i32
        %swap3A_346 = arith.index_cast %swap3A_345 : i32 to index
        %swap3A_347 = arith.index_cast %scan3A_296 : i32 to index
        %swap3A_348 = arith.constant 16 : index
        %swap3A_349 = tpu.vector_load %arg6[%swap3A_346, %swap3A_347, %swap3A_348] {strides = array<i32>} : memref<4x40x128xf32, #tpu.memory_space<vmem>>, vector<1x1x16xf32>,
        %swap3A_350 = vector.shape_cast %swap3A_349 : vector<1x1x16xf32> to vector<16xf32>
        %swap3A_351 = vector.shape_cast %get3A_330 : vector<16xf32> to vector<1x1x16xf32>
        tpu.vector_store %arg6[%swap3A_346, %swap3A_347, %swap3A_348], %swap3A_351 {add = true, strides = array<i32>} : memref<4x40x128xf32, #tpu.memory_space<vmem>>, vector<1x1x16xf32>,
        %swap3A_352 = arith.constant 3 : i32
        %swap3A_353 = arith.index_cast %swap3A_352 : i32 to index
        %swap3A_354 = arith.index_cast %scan3A_296 : i32 to index
        %swap3A_355 = arith.constant 16 : index
        %swap3A_356 = tpu.vector_load %arg6[%swap3A_353, %swap3A_354, %swap3A_355] {strides = array<i32>} : memref<4x40x128xf32, #tpu.memory_space<vmem>>, vector<1x1x16xf32>,
        %swap3A_357 = vector.shape_cast %swap3A_356 : vector<1x1x16xf32> to vector<16xf32>
        %swap3A_358 = vector.shape_cast %get3A_330 : vector<16xf32> to vector<1x1x16xf32>
        tpu.vector_store %arg6[%swap3A_353, %swap3A_354, %swap3A_355], %swap3A_358 {add = true, strides = array<i32>} : memref<4x40x128xf32, #tpu.memory_space<vmem>>, vector<1x1x16xf32>,
        %get3A_359 = arith.index_cast %scan3A_296 : i32 to index
        %get3A_360 = arith.constant 32 : index
        %get3A_361 = tpu.vector_load %arg5[%get3A_359, %get3A_360] {strides = array<i32>} : memref<40x128xf32, #tpu.memory_space<vmem>>, vector<1x16xf32>,
        %get3A_362 = vector.shape_cast %get3A_361 : vector<1x16xf32> to vector<16xf32>
        %swap3A_363 = arith.constant 0 : i32
        %swap3A_364 = arith.index_cast %swap3A_363 : i32 to index
        %swap3A_365 = arith.index_cast %scan3A_296 : i32 to index
        %swap3A_366 = arith.constant 32 : index
        %swap3A_367 = tpu.vector_load %arg6[%swap3A_364, %swap3A_365, %swap3A_366] {strides = array<i32>} : memref<4x40x128xf32, #tpu.memory_space<vmem>>, vector<1x1x16xf32>,
        %swap3A_368 = vector.shape_cast %swap3A_367 : vector<1x1x16xf32> to vector<16xf32>
        %swap3A_369 = vector.shape_cast %get3A_362 : vector<16xf32> to vector<1x1x16xf32>
        tpu.vector_store %arg6[%swap3A_364, %swap3A_365, %swap3A_366], %swap3A_369 {add = true, strides = array<i32>} : memref<4x40x128xf32, #tpu.memory_space<vmem>>, vector<1x1x16xf32>,
        %swap3A_370 = arith.constant 1 : i32
        %swap3A_371 = arith.index_cast %swap3A_370 : i32 to index
        %swap3A_372 = arith.index_cast %scan3A_296 : i32 to index
        %swap3A_373 = arith.constant 32 : index
        %swap3A_374 = tpu.vector_load %arg6[%swap3A_371, %swap3A_372, %swap3A_373] {strides = array<i32>} : memref<4x40x128xf32, #tpu.memory_space<vmem>>, vector<1x1x16xf32>,
        %swap3A_375 = vector.shape_cast %swap3A_374 : vector<1x1x16xf32> to vector<16xf32>
        %swap3A_376 = vector.shape_cast %get3A_362 : vector<16xf32> to vector<1x1x16xf32>
        tpu.vector_store %arg6[%swap3A_371, %swap3A_372, %swap3A_373], %swap3A_376 {add = true, strides = array<i32>} : memref<4x40x128xf32, #tpu.memory_space<vmem>>, vector<1x1x16xf32>,
        %swap3A_377 = arith.constant 2 : i32
        %swap3A_378 = arith.index_cast %swap3A_377 : i32 to index
        %swap3A_379 = arith.index_cast %scan3A_296 : i32 to index
        %swap3A_380 = arith.constant 32 : index
        %swap3A_381 = tpu.vector_load %arg6[%swap3A_378, %swap3A_379, %swap3A_380] {strides = array<i32>} : memref<4x40x128xf32, #tpu.memory_space<vmem>>, vector<1x1x16xf32>,
        %swap3A_382 = vector.shape_cast %swap3A_381 : vector<1x1x16xf32> to vector<16xf32>
        %swap3A_383 = vector.shape_cast %get3A_362 : vector<16xf32> to vector<1x1x16xf32>
        tpu.vector_store %arg6[%swap3A_378, %swap3A_379, %swap3A_380], %swap3A_383 {add = true, strides = array<i32>} : memref<4x40x128xf32, #tpu.memory_space<vmem>>, vector<1x1x16xf32>,
        %swap3A_384 = arith.constant 3 : i32
        %swap3A_385 = arith.index_cast %swap3A_384 : i32 to index
        %swap3A_386 = arith.index_cast %scan3A_296 : i32 to index
        %swap3A_387 = arith.constant 32 : index
        %swap3A_388 = tpu.vector_load %arg6[%swap3A_385, %swap3A_386, %swap3A_387] {strides = array<i32>} : memref<4x40x128xf32, #tpu.memory_space<vmem>>, vector<1x1x16xf32>,
        %swap3A_389 = vector.shape_cast %swap3A_388 : vector<1x1x16xf32> to vector<16xf32>
        %swap3A_390 = vector.shape_cast %get3A_362 : vector<16xf32> to vector<1x1x16xf32>
        tpu.vector_store %arg6[%swap3A_385, %swap3A_386, %swap3A_387], %swap3A_390 {add = true, strides = array<i32>} : memref<4x40x128xf32, #tpu.memory_space<vmem>>, vector<1x1x16xf32>,
        %get3A_391 = arith.index_cast %scan3A_296 : i32 to index
        %get3A_392 = arith.constant 48 : index
        %get3A_393 = tpu.vector_load %arg5[%get3A_391, %get3A_392] {strides = array<i32>} : memref<40x128xf32, #tpu.memory_space<vmem>>, vector<1x16xf32>,
        %get3A_394 = vector.shape_cast %get3A_393 : vector<1x16xf32> to vector<16xf32>
        %swap3A_395 = arith.constant 0 : i32
        %swap3A_396 = arith.index_cast %swap3A_395 : i32 to index
        %swap3A_397 = arith.index_cast %scan3A_296 : i32 to index
        %swap3A_398 = arith.constant 48 : index
        %swap3A_399 = tpu.vector_load %arg6[%swap3A_396, %swap3A_397, %swap3A_398] {strides = array<i32>} : memref<4x40x128xf32, #tpu.memory_space<vmem>>, vector<1x1x16xf32>,
        %swap3A_400 = vector.shape_cast %swap3A_399 : vector<1x1x16xf32> to vector<16xf32>
        %swap3A_401 = vector.shape_cast %get3A_394 : vector<16xf32> to vector<1x1x16xf32>
        tpu.vector_store %arg6[%swap3A_396, %swap3A_397, %swap3A_398], %swap3A_401 {add = true, strides = array<i32>} : memref<4x40x128xf32, #tpu.memory_space<vmem>>, vector<1x1x16xf32>,
        %swap3A_402 = arith.constant 1 : i32
        %swap3A_403 = arith.index_cast %swap3A_402 : i32 to index
        %swap3A_404 = arith.index_cast %scan3A_296 : i32 to index
        %swap3A_405 = arith.constant 48 : index
        %swap3A_406 = tpu.vector_load %arg6[%swap3A_403, %swap3A_404, %swap3A_405] {strides = array<i32>} : memref<4x40x128xf32, #tpu.memory_space<vmem>>, vector<1x1x16xf32>,
        %swap3A_407 = vector.shape_cast %swap3A_406 : vector<1x1x16xf32> to vector<16xf32>
        %swap3A_408 = vector.shape_cast %get3A_394 : vector<16xf32> to vector<1x1x16xf32>
        tpu.vector_store %arg6[%swap3A_403, %swap3A_404, %swap3A_405], %swap3A_408 {add = true, strides = array<i32>} : memref<4x40x128xf32, #tpu.memory_space<vmem>>, vector<1x1x16xf32>,
        %swap3A_409 = arith.constant 2 : i32
        %swap3A_410 = arith.index_cast %swap3A_409 : i32 to index
        %swap3A_411 = arith.index_cast %scan3A_296 : i32 to index
        %swap3A_412 = arith.constant 48 : index
        %swap3A_413 = tpu.vector_load %arg6[%swap3A_410, %swap3A_411, %swap3A_412] {strides = array<i32>} : memref<4x40x128xf32, #tpu.memory_space<vmem>>, vector<1x1x16xf32>,
        %swap3A_414 = vector.shape_cast %swap3A_413 : vector<1x1x16xf32> to vector<16xf32>
        %swap3A_415 = vector.shape_cast %get3A_394 : vector<16xf32> to vector<1x1x16xf32>
        tpu.vector_store %arg6[%swap3A_410, %swap3A_411, %swap3A_412], %swap3A_415 {add = true, strides = array<i32>} : memref<4x40x128xf32, #tpu.memory_space<vmem>>, vector<1x1x16xf32>,
        %swap3A_416 = arith.constant 3 : i32
        %swap3A_417 = arith.index_cast %swap3A_416 : i32 to index
        %swap3A_418 = arith.index_cast %scan3A_296 : i32 to index
        %swap3A_419 = arith.constant 48 : index
        %swap3A_420 = tpu.vector_load %arg6[%swap3A_417, %swap3A_418, %swap3A_419] {strides = array<i32>} : memref<4x40x128xf32, #tpu.memory_space<vmem>>, vector<1x1x16xf32>,
        %swap3A_421 = vector.shape_cast %swap3A_420 : vector<1x1x16xf32> to vector<16xf32>
        %swap3A_422 = vector.shape_cast %get3A_394 : vector<16xf32> to vector<1x1x16xf32>
        tpu.vector_store %arg6[%swap3A_417, %swap3A_418, %swap3A_419], %swap3A_422 {add = true, strides = array<i32>} : memref<4x40x128xf32, #tpu.memory_space<vmem>>, vector<1x1x16xf32>,
        %get3A_423 = arith.index_cast %scan3A_296 : i32 to index
        %get3A_424 = arith.constant 64 : index
        %get3A_425 = tpu.vector_load %arg5[%get3A_423, %get3A_424] {strides = array<i32>} : memref<40x128xf32, #tpu.memory_space<vmem>>, vector<1x16xf32>,
        %get3A_426 = vector.shape_cast %get3A_425 : vector<1x16xf32> to vector<16xf32>
        %swap3A_427 = arith.constant 0 : i32
        %swap3A_428 = arith.index_cast %swap3A_427 : i32 to index
        %swap3A_429 = arith.index_cast %scan3A_296 : i32 to index
        %swap3A_430 = arith.constant 64 : index
        %swap3A_431 = tpu.vector_load %arg6[%swap3A_428, %swap3A_429, %swap3A_430] {strides = array<i32>} : memref<4x40x128xf32, #tpu.memory_space<vmem>>, vector<1x1x16xf32>,
        %swap3A_432 = vector.shape_cast %swap3A_431 : vector<1x1x16xf32> to vector<16xf32>
        %swap3A_433 = vector.shape_cast %get3A_426 : vector<16xf32> to vector<1x1x16xf32>
        tpu.vector_store %arg6[%swap3A_428, %swap3A_429, %swap3A_430], %swap3A_433 {add = true, strides = array<i32>} : memref<4x40x128xf32, #tpu.memory_space<vmem>>, vector<1x1x16xf32>,
        %swap3A_434 = arith.constant 1 : i32
        %swap3A_435 = arith.index_cast %swap3A_434 : i32 to index
        %swap3A_436 = arith.index_cast %scan3A_296 : i32 to index
        %swap3A_437 = arith.constant 64 : index
        %swap3A_438 = tpu.vector_load %arg6[%swap3A_435, %swap3A_436, %swap3A_437] {strides = array<i32>} : memref<4x40x128xf32, #tpu.memory_space<vmem>>, vector<1x1x16xf32>,
        %swap3A_439 = vector.shape_cast %swap3A_438 : vector<1x1x16xf32> to vector<16xf32>
        %swap3A_440 = vector.shape_cast %get3A_426 : vector<16xf32> to vector<1x1x16xf32>
        tpu.vector_store %arg6[%swap3A_435, %swap3A_436, %swap3A_437], %swap3A_440 {add = true, strides = array<i32>} : memref<4x40x128xf32, #tpu.memory_space<vmem>>, vector<1x1x16xf32>,
        %swap3A_441 = arith.constant 2 : i32
        %swap3A_442 = arith.index_cast %swap3A_441 : i32 to index
        %swap3A_443 = arith.index_cast %scan3A_296 : i32 to index
        %swap3A_444 = arith.constant 64 : index
        %swap3A_445 = tpu.vector_load %arg6[%swap3A_442, %swap3A_443, %swap3A_444] {strides = array<i32>} : memref<4x40x128xf32, #tpu.memory_space<vmem>>, vector<1x1x16xf32>,
        %swap3A_446 = vector.shape_cast %swap3A_445 : vector<1x1x16xf32> to vector<16xf32>
        %swap3A_447 = vector.shape_cast %get3A_426 : vector<16xf32> to vector<1x1x16xf32>
        tpu.vector_store %arg6[%swap3A_442, %swap3A_443, %swap3A_444], %swap3A_447 {add = true, strides = array<i32>} : memref<4x40x128xf32, #tpu.memory_space<vmem>>, vector<1x1x16xf32>,
        %swap3A_448 = arith.constant 3 : i32
        %swap3A_449 = arith.index_cast %swap3A_448 : i32 to index
        %swap3A_450 = arith.index_cast %scan3A_296 : i32 to index
        %swap3A_451 = arith.constant 64 : index
        %swap3A_452 = tpu.vector_load %arg6[%swap3A_449, %swap3A_450, %swap3A_451] {strides = array<i32>} : memref<4x40x128xf32, #tpu.memory_space<vmem>>, vector<1x1x16xf32>,
        %swap3A_453 = vector.shape_cast %swap3A_452 : vector<1x1x16xf32> to vector<16xf32>
        %swap3A_454 = vector.shape_cast %get3A_426 : vector<16xf32> to vector<1x1x16xf32>
        tpu.vector_store %arg6[%swap3A_449, %swap3A_450, %swap3A_451], %swap3A_454 {add = true, strides = array<i32>} : memref<4x40x128xf32, #tpu.memory_space<vmem>>, vector<1x1x16xf32>,
        %get3A_455 = arith.index_cast %scan3A_296 : i32 to index
        %get3A_456 = arith.constant 80 : index
        %get3A_457 = tpu.vector_load %arg5[%get3A_455, %get3A_456] {strides = array<i32>} : memref<40x128xf32, #tpu.memory_space<vmem>>, vector<1x16xf32>,
        %get3A_458 = vector.shape_cast %get3A_457 : vector<1x16xf32> to vector<16xf32>
        %swap3A_459 = arith.constant 0 : i32
        %swap3A_460 = arith.index_cast %swap3A_459 : i32 to index
        %swap3A_461 = arith.index_cast %scan3A_296 : i32 to index
        %swap3A_462 = arith.constant 80 : index
        %swap3A_463 = tpu.vector_load %arg6[%swap3A_460, %swap3A_461, %swap3A_462] {strides = array<i32>} : memref<4x40x128xf32, #tpu.memory_space<vmem>>, vector<1x1x16xf32>,
        %swap3A_464 = vector.shape_cast %swap3A_463 : vector<1x1x16xf32> to vector<16xf32>
        %swap3A_465 = vector.shape_cast %get3A_458 : vector<16xf32> to vector<1x1x16xf32>
        tpu.vector_store %arg6[%swap3A_460, %swap3A_461, %swap3A_462], %swap3A_465 {add = true, strides = array<i32>} : memref<4x40x128xf32, #tpu.memory_space<vmem>>, vector<1x1x16xf32>,
        %swap3A_466 = arith.constant 1 : i32
        %swap3A_467 = arith.index_cast %swap3A_466 : i32 to index
        %swap3A_468 = arith.index_cast %scan3A_296 : i32 to index
        %swap3A_469 = arith.constant 80 : index
        %swap3A_470 = tpu.vector_load %arg6[%swap3A_467, %swap3A_468, %swap3A_469] {strides = array<i32>} : memref<4x40x128xf32, #tpu.memory_space<vmem>>, vector<1x1x16xf32>,
        %swap3A_471 = vector.shape_cast %swap3A_470 : vector<1x1x16xf32> to vector<16xf32>
        %swap3A_472 = vector.shape_cast %get3A_458 : vector<16xf32> to vector<1x1x16xf32>
        tpu.vector_store %arg6[%swap3A_467, %swap3A_468, %swap3A_469], %swap3A_472 {add = true, strides = array<i32>} : memref<4x40x128xf32, #tpu.memory_space<vmem>>, vector<1x1x16xf32>,
        %swap3A_473 = arith.constant 2 : i32
        %swap3A_474 = arith.index_cast %swap3A_473 : i32 to index
        %swap3A_475 = arith.index_cast %scan3A_296 : i32 to index
        %swap3A_476 = arith.constant 80 : index
        %swap3A_477 = tpu.vector_load %arg6[%swap3A_474, %swap3A_475, %swap3A_476] {strides = array<i32>} : memref<4x40x128xf32, #tpu.memory_space<vmem>>, vector<1x1x16xf32>,
        %swap3A_478 = vector.shape_cast %swap3A_477 : vector<1x1x16xf32> to vector<16xf32>
        %swap3A_479 = vector.shape_cast %get3A_458 : vector<16xf32> to vector<1x1x16xf32>
        tpu.vector_store %arg6[%swap3A_474, %swap3A_475, %swap3A_476], %swap3A_479 {add = true, strides = array<i32>} : memref<4x40x128xf32, #tpu.memory_space<vmem>>, vector<1x1x16xf32>,
        %swap3A_480 = arith.constant 3 : i32
        %swap3A_481 = arith.index_cast %swap3A_480 : i32 to index
        %swap3A_482 = arith.index_cast %scan3A_296 : i32 to index
        %swap3A_483 = arith.constant 80 : index
        %swap3A_484 = tpu.vector_load %arg6[%swap3A_481, %swap3A_482, %swap3A_483] {strides = array<i32>} : memref<4x40x128xf32, #tpu.memory_space<vmem>>, vector<1x1x16xf32>,
        %swap3A_485 = vector.shape_cast %swap3A_484 : vector<1x1x16xf32> to vector<16xf32>
        %swap3A_486 = vector.shape_cast %get3A_458 : vector<16xf32> to vector<1x1x16xf32>
        tpu.vector_store %arg6[%swap3A_481, %swap3A_482, %swap3A_483], %swap3A_486 {add = true, strides = array<i32>} : memref<4x40x128xf32, #tpu.memory_space<vmem>>, vector<1x1x16xf32>,
        %get3A_487 = arith.index_cast %scan3A_296 : i32 to index
        %get3A_488 = arith.constant 96 : index
        %get3A_489 = tpu.vector_load %arg5[%get3A_487, %get3A_488] {strides = array<i32>} : memref<40x128xf32, #tpu.memory_space<vmem>>, vector<1x16xf32>,
        %get3A_490 = vector.shape_cast %get3A_489 : vector<1x16xf32> to vector<16xf32>
        %swap3A_491 = arith.constant 0 : i32
        %swap3A_492 = arith.index_cast %swap3A_491 : i32 to index
        %swap3A_493 = arith.index_cast %scan3A_296 : i32 to index
        %swap3A_494 = arith.constant 96 : index
        %swap3A_495 = tpu.vector_load %arg6[%swap3A_492, %swap3A_493, %swap3A_494] {strides = array<i32>} : memref<4x40x128xf32, #tpu.memory_space<vmem>>, vector<1x1x16xf32>,
        %swap3A_496 = vector.shape_cast %swap3A_495 : vector<1x1x16xf32> to vector<16xf32>
        %swap3A_497 = vector.shape_cast %get3A_490 : vector<16xf32> to vector<1x1x16xf32>
        tpu.vector_store %arg6[%swap3A_492, %swap3A_493, %swap3A_494], %swap3A_497 {add = true, strides = array<i32>} : memref<4x40x128xf32, #tpu.memory_space<vmem>>, vector<1x1x16xf32>,
        %swap3A_498 = arith.constant 1 : i32
        %swap3A_499 = arith.index_cast %swap3A_498 : i32 to index
        %swap3A_500 = arith.index_cast %scan3A_296 : i32 to index
        %swap3A_501 = arith.constant 96 : index
        %swap3A_502 = tpu.vector_load %arg6[%swap3A_499, %swap3A_500, %swap3A_501] {strides = array<i32>} : memref<4x40x128xf32, #tpu.memory_space<vmem>>, vector<1x1x16xf32>,
        %swap3A_503 = vector.shape_cast %swap3A_502 : vector<1x1x16xf32> to vector<16xf32>
        %swap3A_504 = vector.shape_cast %get3A_490 : vector<16xf32> to vector<1x1x16xf32>
        tpu.vector_store %arg6[%swap3A_499, %swap3A_500, %swap3A_501], %swap3A_504 {add = true, strides = array<i32>} : memref<4x40x128xf32, #tpu.memory_space<vmem>>, vector<1x1x16xf32>,
        %swap3A_505 = arith.constant 2 : i32
        %swap3A_506 = arith.index_cast %swap3A_505 : i32 to index
        %swap3A_507 = arith.index_cast %scan3A_296 : i32 to index
        %swap3A_508 = arith.constant 96 : index
        %swap3A_509 = tpu.vector_load %arg6[%swap3A_506, %swap3A_507, %swap3A_508] {strides = array<i32>} : memref<4x40x128xf32, #tpu.memory_space<vmem>>, vector<1x1x16xf32>,
        %swap3A_510 = vector.shape_cast %swap3A_509 : vector<1x1x16xf32> to vector<16xf32>
        %swap3A_511 = vector.shape_cast %get3A_490 : vector<16xf32> to vector<1x1x16xf32>
        tpu.vector_store %arg6[%swap3A_506, %swap3A_507, %swap3A_508], %swap3A_511 {add = true, strides = array<i32>} : memref<4x40x128xf32, #tpu.memory_space<vmem>>, vector<1x1x16xf32>,
        %swap3A_512 = arith.constant 3 : i32
        %swap3A_513 = arith.index_cast %swap3A_512 : i32 to index
        %swap3A_514 = arith.index_cast %scan3A_296 : i32 to index
        %swap3A_515 = arith.constant 96 : index
        %swap3A_516 = tpu.vector_load %arg6[%swap3A_513, %swap3A_514, %swap3A_515] {strides = array<i32>} : memref<4x40x128xf32, #tpu.memory_space<vmem>>, vector<1x1x16xf32>,
        %swap3A_517 = vector.shape_cast %swap3A_516 : vector<1x1x16xf32> to vector<16xf32>
        %swap3A_518 = vector.shape_cast %get3A_490 : vector<16xf32> to vector<1x1x16xf32>
        tpu.vector_store %arg6[%swap3A_513, %swap3A_514, %swap3A_515], %swap3A_518 {add = true, strides = array<i32>} : memref<4x40x128xf32, #tpu.memory_space<vmem>>, vector<1x1x16xf32>,
        %get3A_519 = arith.index_cast %scan3A_296 : i32 to index
        %get3A_520 = arith.constant 112 : index
        %get3A_521 = tpu.vector_load %arg5[%get3A_519, %get3A_520] {strides = array<i32>} : memref<40x128xf32, #tpu.memory_space<vmem>>, vector<1x16xf32>,
        %get3A_522 = vector.shape_cast %get3A_521 : vector<1x16xf32> to vector<16xf32>
        %swap3A_523 = arith.constant 0 : i32
        %swap3A_524 = arith.index_cast %swap3A_523 : i32 to index
        %swap3A_525 = arith.index_cast %scan3A_296 : i32 to index
        %swap3A_526 = arith.constant 112 : index
        %swap3A_527 = tpu.vector_load %arg6[%swap3A_524, %swap3A_525, %swap3A_526] {strides = array<i32>} : memref<4x40x128xf32, #tpu.memory_space<vmem>>, vector<1x1x16xf32>,
        %swap3A_528 = vector.shape_cast %swap3A_527 : vector<1x1x16xf32> to vector<16xf32>
        %swap3A_529 = vector.shape_cast %get3A_522 : vector<16xf32> to vector<1x1x16xf32>
        tpu.vector_store %arg6[%swap3A_524, %swap3A_525, %swap3A_526], %swap3A_529 {add = true, strides = array<i32>} : memref<4x40x128xf32, #tpu.memory_space<vmem>>, vector<1x1x16xf32>,
        %swap3A_530 = arith.constant 1 : i32
        %swap3A_531 = arith.index_cast %swap3A_530 : i32 to index
        %swap3A_532 = arith.index_cast %scan3A_296 : i32 to index
        %swap3A_533 = arith.constant 112 : index
        %swap3A_534 = tpu.vector_load %arg6[%swap3A_531, %swap3A_532, %swap3A_533] {strides = array<i32>} : memref<4x40x128xf32, #tpu.memory_space<vmem>>, vector<1x1x16xf32>,
        %swap3A_535 = vector.shape_cast %swap3A_534 : vector<1x1x16xf32> to vector<16xf32>
        %swap3A_536 = vector.shape_cast %get3A_522 : vector<16xf32> to vector<1x1x16xf32>
        tpu.vector_store %arg6[%swap3A_531, %swap3A_532, %swap3A_533], %swap3A_536 {add = true, strides = array<i32>} : memref<4x40x128xf32, #tpu.memory_space<vmem>>, vector<1x1x16xf32>,
        %swap3A_537 = arith.constant 2 : i32
        %swap3A_538 = arith.index_cast %swap3A_537 : i32 to index
        %swap3A_539 = arith.index_cast %scan3A_296 : i32 to index
        %swap3A_540 = arith.constant 112 : index
        %swap3A_541 = tpu.vector_load %arg6[%swap3A_538, %swap3A_539, %swap3A_540] {strides = array<i32>} : memref<4x40x128xf32, #tpu.memory_space<vmem>>, vector<1x1x16xf32>,
        %swap3A_542 = vector.shape_cast %swap3A_541 : vector<1x1x16xf32> to vector<16xf32>
        %swap3A_543 = vector.shape_cast %get3A_522 : vector<16xf32> to vector<1x1x16xf32>
        tpu.vector_store %arg6[%swap3A_538, %swap3A_539, %swap3A_540], %swap3A_543 {add = true, strides = array<i32>} : memref<4x40x128xf32, #tpu.memory_space<vmem>>, vector<1x1x16xf32>,
        %swap3A_544 = arith.constant 3 : i32
        %swap3A_545 = arith.index_cast %swap3A_544 : i32 to index
        %swap3A_546 = arith.index_cast %scan3A_296 : i32 to index
        %swap3A_547 = arith.constant 112 : index
        %swap3A_548 = tpu.vector_load %arg6[%swap3A_545, %swap3A_546, %swap3A_547] {strides = array<i32>} : memref<4x40x128xf32, #tpu.memory_space<vmem>>, vector<1x1x16xf32>,
        %swap3A_549 = vector.shape_cast %swap3A_548 : vector<1x1x16xf32> to vector<16xf32>
        %swap3A_550 = vector.shape_cast %get3A_522 : vector<16xf32> to vector<1x1x16xf32>
        tpu.vector_store %arg6[%swap3A_545, %swap3A_546, %swap3A_547], %swap3A_550 {add = true, strides = array<i32>} : memref<4x40x128xf32, #tpu.memory_space<vmem>>, vector<1x1x16xf32>,
      }
      %scan3A_122 = arith.constant 40 : i32
      %mul3A_123 = arith.constant 4 : i32
      %mul3A_124 = arith.muli %add3A_110, %mul3A_123 : i32
      %add3A_125 = arith.addi %mul3A_2, %mul3A_124 : i32
      %dma_start3A_126 = arith.constant 0 : i32
      %dma_start3A_127 = arith.constant 0 : i32
      %dma_start3A_128 = tpu.memref_slice %arg4[%add3A_125, %dma_start3A_126, %dma_start3A_127] : memref<16384x40x128xf32, #tpu.memory_space<hbm>> -> memref<4x40x128xf32, #tpu.memory_space<hbm>>
      %dma_start3A_129 = arith.constant 0 : i32
      %dma_start3A_130 = arith.constant 0 : i32
      %dma_start3A_131 = tpu.memref_slice %arg4[%add3A_125, %dma_start3A_129, %dma_start3A_130] : memref<16384x40x128xf32, #tpu.memory_space<hbm>> -> memref<4x40x128xf32, #tpu.memory_space<hbm>>
      tpu.enqueue_dma source(%arg6 : memref<4x40x128xf32, #tpu.memory_space<vmem>>) target(%dma_start3A_131 : memref<4x40x128xf32, #tpu.memory_space<hbm>>) target_semaphore(%arg18 : memref<!tpu.dma_semaphore, #tpu.memory_space<semaphore_mem>>)
      %add3A_132 = arith.constant 3 : i32
      %add3A_133 = arith.addi %add3A_110, %add3A_132 : i32
      %lt3A = arith.constant 128 : i32
      %lt3A_134 = arith.cmpi slt, %add3A_133, %lt3A : i32
      %convert_element_type3A = arith.extui %lt3A_134 : i1 to i32
      %cond3A = arith.constant 0 : i32
      %cond3A_135 = arith.cmpi ne, %convert_element_type3A, %cond3A : i32
      scf.if %cond3A_135 {
        %ge3A = arith.constant 3 : i32
        %ge3A_296 = arith.cmpi sge, %add3A_110, %ge3A : i32
        %convert_element_type3A_297 = arith.extui %ge3A_296 : i1 to i32
        %cond3A_298 = arith.constant 0 : i32
        %cond3A_299 = arith.cmpi ne, %convert_element_type3A_297, %cond3A_298 : i32
        scf.if %cond3A_299 {
          %dma_wait3A_311 = arith.constant 0 : i32
          %dma_wait3A_312 = arith.constant 0 : i32
          %dma_wait3A_313 = tpu.memref_slice %arg4[%mul3A_2, %dma_wait3A_311, %dma_wait3A_312] : memref<16384x40x128xf32, #tpu.memory_space<hbm>> -> memref<4x40x128xf32, #tpu.memory_space<hbm>>
          %dma_wait3A_314 = arith.constant 0 : i32
          %dma_wait3A_315 = arith.constant 0 : i32
          %dma_wait3A_316 = tpu.memref_slice %arg4[%mul3A_2, %dma_wait3A_314, %dma_wait3A_315] : memref<16384x40x128xf32, #tpu.memory_space<hbm>> -> memref<4x40x128xf32, #tpu.memory_space<hbm>>
          tpu.wait_dma2 semaphore(%arg21 : memref<!tpu.dma_semaphore, #tpu.memory_space<semaphore_mem>>) src(%arg9 : memref<4x40x128xf32, #tpu.memory_space<vmem>>) dst(%dma_wait3A_316 : memref<4x40x128xf32, #tpu.memory_space<hbm>>)
        } else {
        }
        %add3A_300 = arith.constant 3 : i32
        %add3A_301 = arith.addi %add3A_110, %add3A_300 : i32
        %mul3A_302 = arith.constant 4 : i32
        %mul3A_303 = arith.muli %add3A_301, %mul3A_302 : i32
        %add3A_304 = arith.addi %mul3A_2, %mul3A_303 : i32
        %dma_start3A_305 = arith.constant 0 : i32
        %dma_start3A_306 = arith.constant 0 : i32
        %dma_start3A_307 = tpu.memref_slice %arg2[%add3A_304, %dma_start3A_305, %dma_start3A_306] : memref<16384x40x128xf32, #tpu.memory_space<hbm>> -> memref<4x40x128xf32, #tpu.memory_space<hbm>>
        %dma_start3A_308 = arith.constant 0 : i32
        %dma_start3A_309 = arith.constant 0 : i32
        %dma_start3A_310 = tpu.memref_slice %arg2[%add3A_304, %dma_start3A_308, %dma_start3A_309] : memref<16384x40x128xf32, #tpu.memory_space<hbm>> -> memref<4x40x128xf32, #tpu.memory_space<hbm>>
        tpu.enqueue_dma source(%dma_start3A_310 : memref<4x40x128xf32, #tpu.memory_space<hbm>>) target(%arg9 : memref<4x40x128xf32, #tpu.memory_space<vmem>>) target_semaphore(%arg15 : memref<!tpu.dma_semaphore, #tpu.memory_space<semaphore_mem>>)
      } else {
      }
      %mul3A_136 = arith.constant 6 : i32
      %mul3A_137 = arith.muli %scan3A_106, %mul3A_136 : i32
      %add3A_138 = arith.constant 1 : i32
      %add3A_139 = arith.addi %mul3A_137, %add3A_138 : i32
      %dma_wait3A_140 = arith.constant 0 : i32
      %dma_wait3A_141 = arith.constant 0 : i32
      %dma_wait3A_142 = tpu.memref_slice %arg2[%mul3A_2, %dma_wait3A_140, %dma_wait3A_141] : memref<16384x40x128xf32, #tpu.memory_space<hbm>> -> memref<4x40x128xf32, #tpu.memory_space<hbm>>
      %dma_wait3A_143 = arith.constant 0 : i32
      %dma_wait3A_144 = arith.constant 0 : i32
      %dma_wait3A_145 = tpu.memref_slice %arg2[%mul3A_2, %dma_wait3A_143, %dma_wait3A_144] : memref<16384x40x128xf32, #tpu.memory_space<hbm>> -> memref<4x40x128xf32, #tpu.memory_space<hbm>>
      tpu.wait_dma2 semaphore(%arg13 : memref<!tpu.dma_semaphore, #tpu.memory_space<semaphore_mem>>) src(%dma_wait3A_145 : memref<4x40x128xf32, #tpu.memory_space<hbm>>) dst(%arg7 : memref<4x40x128xf32, #tpu.memory_space<vmem>>)
      %scan3A_146 = arith.constant 0 : i32
      %scan3A_147 = arith.constant 0 : i32
      %scan3A_148 = arith.constant 40 : i32
      %scan3A_149 = arith.addi %scan3A_147, %scan3A_148 : i32
      %scan3A_150 = arith.constant 1 : i32
      scf.for %scan3A_296 = %scan3A_147 to %scan3A_149 step %scan3A_150  : i32 {
        %get3A = arith.index_cast %scan3A_296 : i32 to index
        %get3A_297 = arith.constant 0 : index
        %get3A_298 = tpu.vector_load %arg5[%get3A, %get3A_297] {strides = array<i32>} : memref<40x128xf32, #tpu.memory_space<vmem>>, vector<1x16xf32>,
        %get3A_299 = vector.shape_cast %get3A_298 : vector<1x16xf32> to vector<16xf32>
        %swap3A = arith.constant 0 : i32
        %swap3A_300 = arith.index_cast %swap3A : i32 to index
        %swap3A_301 = arith.index_cast %scan3A_296 : i32 to index
        %swap3A_302 = arith.constant 0 : index
        %swap3A_303 = tpu.vector_load %arg7[%swap3A_300, %swap3A_301, %swap3A_302] {strides = array<i32>} : memref<4x40x128xf32, #tpu.memory_space<vmem>>, vector<1x1x16xf32>,
        %swap3A_304 = vector.shape_cast %swap3A_303 : vector<1x1x16xf32> to vector<16xf32>
        %swap3A_305 = vector.shape_cast %get3A_299 : vector<16xf32> to vector<1x1x16xf32>
        tpu.vector_store %arg7[%swap3A_300, %swap3A_301, %swap3A_302], %swap3A_305 {add = true, strides = array<i32>} : memref<4x40x128xf32, #tpu.memory_space<vmem>>, vector<1x1x16xf32>,
        %swap3A_306 = arith.constant 1 : i32
        %swap3A_307 = arith.index_cast %swap3A_306 : i32 to index
        %swap3A_308 = arith.index_cast %scan3A_296 : i32 to index
        %swap3A_309 = arith.constant 0 : index
        %swap3A_310 = tpu.vector_load %arg7[%swap3A_307, %swap3A_308, %swap3A_309] {strides = array<i32>} : memref<4x40x128xf32, #tpu.memory_space<vmem>>, vector<1x1x16xf32>,
        %swap3A_311 = vector.shape_cast %swap3A_310 : vector<1x1x16xf32> to vector<16xf32>
        %swap3A_312 = vector.shape_cast %get3A_299 : vector<16xf32> to vector<1x1x16xf32>
        tpu.vector_store %arg7[%swap3A_307, %swap3A_308, %swap3A_309], %swap3A_312 {add = true, strides = array<i32>} : memref<4x40x128xf32, #tpu.memory_space<vmem>>, vector<1x1x16xf32>,
        %swap3A_313 = arith.constant 2 : i32
        %swap3A_314 = arith.index_cast %swap3A_313 : i32 to index
        %swap3A_315 = arith.index_cast %scan3A_296 : i32 to index
        %swap3A_316 = arith.constant 0 : index
        %swap3A_317 = tpu.vector_load %arg7[%swap3A_314, %swap3A_315, %swap3A_316] {strides = array<i32>} : memref<4x40x128xf32, #tpu.memory_space<vmem>>, vector<1x1x16xf32>,
        %swap3A_318 = vector.shape_cast %swap3A_317 : vector<1x1x16xf32> to vector<16xf32>
        %swap3A_319 = vector.shape_cast %get3A_299 : vector<16xf32> to vector<1x1x16xf32>
        tpu.vector_store %arg7[%swap3A_314, %swap3A_315, %swap3A_316], %swap3A_319 {add = true, strides = array<i32>} : memref<4x40x128xf32, #tpu.memory_space<vmem>>, vector<1x1x16xf32>,
        %swap3A_320 = arith.constant 3 : i32
        %swap3A_321 = arith.index_cast %swap3A_320 : i32 to index
        %swap3A_322 = arith.index_cast %scan3A_296 : i32 to index
        %swap3A_323 = arith.constant 0 : index
        %swap3A_324 = tpu.vector_load %arg7[%swap3A_321, %swap3A_322, %swap3A_323] {strides = array<i32>} : memref<4x40x128xf32, #tpu.memory_space<vmem>>, vector<1x1x16xf32>,
        %swap3A_325 = vector.shape_cast %swap3A_324 : vector<1x1x16xf32> to vector<16xf32>
        %swap3A_326 = vector.shape_cast %get3A_299 : vector<16xf32> to vector<1x1x16xf32>
        tpu.vector_store %arg7[%swap3A_321, %swap3A_322, %swap3A_323], %swap3A_326 {add = true, strides = array<i32>} : memref<4x40x128xf32, #tpu.memory_space<vmem>>, vector<1x1x16xf32>,
        %get3A_327 = arith.index_cast %scan3A_296 : i32 to index
        %get3A_328 = arith.constant 16 : index
        %get3A_329 = tpu.vector_load %arg5[%get3A_327, %get3A_328] {strides = array<i32>} : memref<40x128xf32, #tpu.memory_space<vmem>>, vector<1x16xf32>,
        %get3A_330 = vector.shape_cast %get3A_329 : vector<1x16xf32> to vector<16xf32>
        %swap3A_331 = arith.constant 0 : i32
        %swap3A_332 = arith.index_cast %swap3A_331 : i32 to index
        %swap3A_333 = arith.index_cast %scan3A_296 : i32 to index
        %swap3A_334 = arith.constant 16 : index
        %swap3A_335 = tpu.vector_load %arg7[%swap3A_332, %swap3A_333, %swap3A_334] {strides = array<i32>} : memref<4x40x128xf32, #tpu.memory_space<vmem>>, vector<1x1x16xf32>,
        %swap3A_336 = vector.shape_cast %swap3A_335 : vector<1x1x16xf32> to vector<16xf32>
        %swap3A_337 = vector.shape_cast %get3A_330 : vector<16xf32> to vector<1x1x16xf32>
        tpu.vector_store %arg7[%swap3A_332, %swap3A_333, %swap3A_334], %swap3A_337 {add = true, strides = array<i32>} : memref<4x40x128xf32, #tpu.memory_space<vmem>>, vector<1x1x16xf32>,
        %swap3A_338 = arith.constant 1 : i32
        %swap3A_339 = arith.index_cast %swap3A_338 : i32 to index
        %swap3A_340 = arith.index_cast %scan3A_296 : i32 to index
        %swap3A_341 = arith.constant 16 : index
        %swap3A_342 = tpu.vector_load %arg7[%swap3A_339, %swap3A_340, %swap3A_341] {strides = array<i32>} : memref<4x40x128xf32, #tpu.memory_space<vmem>>, vector<1x1x16xf32>,
        %swap3A_343 = vector.shape_cast %swap3A_342 : vector<1x1x16xf32> to vector<16xf32>
        %swap3A_344 = vector.shape_cast %get3A_330 : vector<16xf32> to vector<1x1x16xf32>
        tpu.vector_store %arg7[%swap3A_339, %swap3A_340, %swap3A_341], %swap3A_344 {add = true, strides = array<i32>} : memref<4x40x128xf32, #tpu.memory_space<vmem>>, vector<1x1x16xf32>,
        %swap3A_345 = arith.constant 2 : i32
        %swap3A_346 = arith.index_cast %swap3A_345 : i32 to index
        %swap3A_347 = arith.index_cast %scan3A_296 : i32 to index
        %swap3A_348 = arith.constant 16 : index
        %swap3A_349 = tpu.vector_load %arg7[%swap3A_346, %swap3A_347, %swap3A_348] {strides = array<i32>} : memref<4x40x128xf32, #tpu.memory_space<vmem>>, vector<1x1x16xf32>,
        %swap3A_350 = vector.shape_cast %swap3A_349 : vector<1x1x16xf32> to vector<16xf32>
        %swap3A_351 = vector.shape_cast %get3A_330 : vector<16xf32> to vector<1x1x16xf32>
        tpu.vector_store %arg7[%swap3A_346, %swap3A_347, %swap3A_348], %swap3A_351 {add = true, strides = array<i32>} : memref<4x40x128xf32, #tpu.memory_space<vmem>>, vector<1x1x16xf32>,
        %swap3A_352 = arith.constant 3 : i32
        %swap3A_353 = arith.index_cast %swap3A_352 : i32 to index
        %swap3A_354 = arith.index_cast %scan3A_296 : i32 to index
        %swap3A_355 = arith.constant 16 : index
        %swap3A_356 = tpu.vector_load %arg7[%swap3A_353, %swap3A_354, %swap3A_355] {strides = array<i32>} : memref<4x40x128xf32, #tpu.memory_space<vmem>>, vector<1x1x16xf32>,
        %swap3A_357 = vector.shape_cast %swap3A_356 : vector<1x1x16xf32> to vector<16xf32>
        %swap3A_358 = vector.shape_cast %get3A_330 : vector<16xf32> to vector<1x1x16xf32>
        tpu.vector_store %arg7[%swap3A_353, %swap3A_354, %swap3A_355], %swap3A_358 {add = true, strides = array<i32>} : memref<4x40x128xf32, #tpu.memory_space<vmem>>, vector<1x1x16xf32>,
        %get3A_359 = arith.index_cast %scan3A_296 : i32 to index
        %get3A_360 = arith.constant 32 : index
        %get3A_361 = tpu.vector_load %arg5[%get3A_359, %get3A_360] {strides = array<i32>} : memref<40x128xf32, #tpu.memory_space<vmem>>, vector<1x16xf32>,
        %get3A_362 = vector.shape_cast %get3A_361 : vector<1x16xf32> to vector<16xf32>
        %swap3A_363 = arith.constant 0 : i32
        %swap3A_364 = arith.index_cast %swap3A_363 : i32 to index
        %swap3A_365 = arith.index_cast %scan3A_296 : i32 to index
        %swap3A_366 = arith.constant 32 : index
        %swap3A_367 = tpu.vector_load %arg7[%swap3A_364, %swap3A_365, %swap3A_366] {strides = array<i32>} : memref<4x40x128xf32, #tpu.memory_space<vmem>>, vector<1x1x16xf32>,
        %swap3A_368 = vector.shape_cast %swap3A_367 : vector<1x1x16xf32> to vector<16xf32>
        %swap3A_369 = vector.shape_cast %get3A_362 : vector<16xf32> to vector<1x1x16xf32>
        tpu.vector_store %arg7[%swap3A_364, %swap3A_365, %swap3A_366], %swap3A_369 {add = true, strides = array<i32>} : memref<4x40x128xf32, #tpu.memory_space<vmem>>, vector<1x1x16xf32>,
        %swap3A_370 = arith.constant 1 : i32
        %swap3A_371 = arith.index_cast %swap3A_370 : i32 to index
        %swap3A_372 = arith.index_cast %scan3A_296 : i32 to index
        %swap3A_373 = arith.constant 32 : index
        %swap3A_374 = tpu.vector_load %arg7[%swap3A_371, %swap3A_372, %swap3A_373] {strides = array<i32>} : memref<4x40x128xf32, #tpu.memory_space<vmem>>, vector<1x1x16xf32>,
        %swap3A_375 = vector.shape_cast %swap3A_374 : vector<1x1x16xf32> to vector<16xf32>
        %swap3A_376 = vector.shape_cast %get3A_362 : vector<16xf32> to vector<1x1x16xf32>
        tpu.vector_store %arg7[%swap3A_371, %swap3A_372, %swap3A_373], %swap3A_376 {add = true, strides = array<i32>} : memref<4x40x128xf32, #tpu.memory_space<vmem>>, vector<1x1x16xf32>,
        %swap3A_377 = arith.constant 2 : i32
        %swap3A_378 = arith.index_cast %swap3A_377 : i32 to index
        %swap3A_379 = arith.index_cast %scan3A_296 : i32 to index
        %swap3A_380 = arith.constant 32 : index
        %swap3A_381 = tpu.vector_load %arg7[%swap3A_378, %swap3A_379, %swap3A_380] {strides = array<i32>} : memref<4x40x128xf32, #tpu.memory_space<vmem>>, vector<1x1x16xf32>,
        %swap3A_382 = vector.shape_cast %swap3A_381 : vector<1x1x16xf32> to vector<16xf32>
        %swap3A_383 = vector.shape_cast %get3A_362 : vector<16xf32> to vector<1x1x16xf32>
        tpu.vector_store %arg7[%swap3A_378, %swap3A_379, %swap3A_380], %swap3A_383 {add = true, strides = array<i32>} : memref<4x40x128xf32, #tpu.memory_space<vmem>>, vector<1x1x16xf32>,
        %swap3A_384 = arith.constant 3 : i32
        %swap3A_385 = arith.index_cast %swap3A_384 : i32 to index
        %swap3A_386 = arith.index_cast %scan3A_296 : i32 to index
        %swap3A_387 = arith.constant 32 : index
        %swap3A_388 = tpu.vector_load %arg7[%swap3A_385, %swap3A_386, %swap3A_387] {strides = array<i32>} : memref<4x40x128xf32, #tpu.memory_space<vmem>>, vector<1x1x16xf32>,
        %swap3A_389 = vector.shape_cast %swap3A_388 : vector<1x1x16xf32> to vector<16xf32>
        %swap3A_390 = vector.shape_cast %get3A_362 : vector<16xf32> to vector<1x1x16xf32>
        tpu.vector_store %arg7[%swap3A_385, %swap3A_386, %swap3A_387], %swap3A_390 {add = true, strides = array<i32>} : memref<4x40x128xf32, #tpu.memory_space<vmem>>, vector<1x1x16xf32>,
        %get3A_391 = arith.index_cast %scan3A_296 : i32 to index
        %get3A_392 = arith.constant 48 : index
        %get3A_393 = tpu.vector_load %arg5[%get3A_391, %get3A_392] {strides = array<i32>} : memref<40x128xf32, #tpu.memory_space<vmem>>, vector<1x16xf32>,
        %get3A_394 = vector.shape_cast %get3A_393 : vector<1x16xf32> to vector<16xf32>
        %swap3A_395 = arith.constant 0 : i32
        %swap3A_396 = arith.index_cast %swap3A_395 : i32 to index
        %swap3A_397 = arith.index_cast %scan3A_296 : i32 to index
        %swap3A_398 = arith.constant 48 : index
        %swap3A_399 = tpu.vector_load %arg7[%swap3A_396, %swap3A_397, %swap3A_398] {strides = array<i32>} : memref<4x40x128xf32, #tpu.memory_space<vmem>>, vector<1x1x16xf32>,
        %swap3A_400 = vector.shape_cast %swap3A_399 : vector<1x1x16xf32> to vector<16xf32>
        %swap3A_401 = vector.shape_cast %get3A_394 : vector<16xf32> to vector<1x1x16xf32>
        tpu.vector_store %arg7[%swap3A_396, %swap3A_397, %swap3A_398], %swap3A_401 {add = true, strides = array<i32>} : memref<4x40x128xf32, #tpu.memory_space<vmem>>, vector<1x1x16xf32>,
        %swap3A_402 = arith.constant 1 : i32
        %swap3A_403 = arith.index_cast %swap3A_402 : i32 to index
        %swap3A_404 = arith.index_cast %scan3A_296 : i32 to index
        %swap3A_405 = arith.constant 48 : index
        %swap3A_406 = tpu.vector_load %arg7[%swap3A_403, %swap3A_404, %swap3A_405] {strides = array<i32>} : memref<4x40x128xf32, #tpu.memory_space<vmem>>, vector<1x1x16xf32>,
        %swap3A_407 = vector.shape_cast %swap3A_406 : vector<1x1x16xf32> to vector<16xf32>
        %swap3A_408 = vector.shape_cast %get3A_394 : vector<16xf32> to vector<1x1x16xf32>
        tpu.vector_store %arg7[%swap3A_403, %swap3A_404, %swap3A_405], %swap3A_408 {add = true, strides = array<i32>} : memref<4x40x128xf32, #tpu.memory_space<vmem>>, vector<1x1x16xf32>,
        %swap3A_409 = arith.constant 2 : i32
        %swap3A_410 = arith.index_cast %swap3A_409 : i32 to index
        %swap3A_411 = arith.index_cast %scan3A_296 : i32 to index
        %swap3A_412 = arith.constant 48 : index
        %swap3A_413 = tpu.vector_load %arg7[%swap3A_410, %swap3A_411, %swap3A_412] {strides = array<i32>} : memref<4x40x128xf32, #tpu.memory_space<vmem>>, vector<1x1x16xf32>,
        %swap3A_414 = vector.shape_cast %swap3A_413 : vector<1x1x16xf32> to vector<16xf32>
        %swap3A_415 = vector.shape_cast %get3A_394 : vector<16xf32> to vector<1x1x16xf32>
        tpu.vector_store %arg7[%swap3A_410, %swap3A_411, %swap3A_412], %swap3A_415 {add = true, strides = array<i32>} : memref<4x40x128xf32, #tpu.memory_space<vmem>>, vector<1x1x16xf32>,
        %swap3A_416 = arith.constant 3 : i32
        %swap3A_417 = arith.index_cast %swap3A_416 : i32 to index
        %swap3A_418 = arith.index_cast %scan3A_296 : i32 to index
        %swap3A_419 = arith.constant 48 : index
        %swap3A_420 = tpu.vector_load %arg7[%swap3A_417, %swap3A_418, %swap3A_419] {strides = array<i32>} : memref<4x40x128xf32, #tpu.memory_space<vmem>>, vector<1x1x16xf32>,
        %swap3A_421 = vector.shape_cast %swap3A_420 : vector<1x1x16xf32> to vector<16xf32>
        %swap3A_422 = vector.shape_cast %get3A_394 : vector<16xf32> to vector<1x1x16xf32>
        tpu.vector_store %arg7[%swap3A_417, %swap3A_418, %swap3A_419], %swap3A_422 {add = true, strides = array<i32>} : memref<4x40x128xf32, #tpu.memory_space<vmem>>, vector<1x1x16xf32>,
        %get3A_423 = arith.index_cast %scan3A_296 : i32 to index
        %get3A_424 = arith.constant 64 : index
        %get3A_425 = tpu.vector_load %arg5[%get3A_423, %get3A_424] {strides = array<i32>} : memref<40x128xf32, #tpu.memory_space<vmem>>, vector<1x16xf32>,
        %get3A_426 = vector.shape_cast %get3A_425 : vector<1x16xf32> to vector<16xf32>
        %swap3A_427 = arith.constant 0 : i32
        %swap3A_428 = arith.index_cast %swap3A_427 : i32 to index
        %swap3A_429 = arith.index_cast %scan3A_296 : i32 to index
        %swap3A_430 = arith.constant 64 : index
        %swap3A_431 = tpu.vector_load %arg7[%swap3A_428, %swap3A_429, %swap3A_430] {strides = array<i32>} : memref<4x40x128xf32, #tpu.memory_space<vmem>>, vector<1x1x16xf32>,
        %swap3A_432 = vector.shape_cast %swap3A_431 : vector<1x1x16xf32> to vector<16xf32>
        %swap3A_433 = vector.shape_cast %get3A_426 : vector<16xf32> to vector<1x1x16xf32>
        tpu.vector_store %arg7[%swap3A_428, %swap3A_429, %swap3A_430], %swap3A_433 {add = true, strides = array<i32>} : memref<4x40x128xf32, #tpu.memory_space<vmem>>, vector<1x1x16xf32>,
        %swap3A_434 = arith.constant 1 : i32
        %swap3A_435 = arith.index_cast %swap3A_434 : i32 to index
        %swap3A_436 = arith.index_cast %scan3A_296 : i32 to index
        %swap3A_437 = arith.constant 64 : index
        %swap3A_438 = tpu.vector_load %arg7[%swap3A_435, %swap3A_436, %swap3A_437] {strides = array<i32>} : memref<4x40x128xf32, #tpu.memory_space<vmem>>, vector<1x1x16xf32>,
        %swap3A_439 = vector.shape_cast %swap3A_438 : vector<1x1x16xf32> to vector<16xf32>
        %swap3A_440 = vector.shape_cast %get3A_426 : vector<16xf32> to vector<1x1x16xf32>
        tpu.vector_store %arg7[%swap3A_435, %swap3A_436, %swap3A_437], %swap3A_440 {add = true, strides = array<i32>} : memref<4x40x128xf32, #tpu.memory_space<vmem>>, vector<1x1x16xf32>,
        %swap3A_441 = arith.constant 2 : i32
        %swap3A_442 = arith.index_cast %swap3A_441 : i32 to index
        %swap3A_443 = arith.index_cast %scan3A_296 : i32 to index
        %swap3A_444 = arith.constant 64 : index
        %swap3A_445 = tpu.vector_load %arg7[%swap3A_442, %swap3A_443, %swap3A_444] {strides = array<i32>} : memref<4x40x128xf32, #tpu.memory_space<vmem>>, vector<1x1x16xf32>,
        %swap3A_446 = vector.shape_cast %swap3A_445 : vector<1x1x16xf32> to vector<16xf32>
        %swap3A_447 = vector.shape_cast %get3A_426 : vector<16xf32> to vector<1x1x16xf32>
        tpu.vector_store %arg7[%swap3A_442, %swap3A_443, %swap3A_444], %swap3A_447 {add = true, strides = array<i32>} : memref<4x40x128xf32, #tpu.memory_space<vmem>>, vector<1x1x16xf32>,
        %swap3A_448 = arith.constant 3 : i32
        %swap3A_449 = arith.index_cast %swap3A_448 : i32 to index
        %swap3A_450 = arith.index_cast %scan3A_296 : i32 to index
        %swap3A_451 = arith.constant 64 : index
        %swap3A_452 = tpu.vector_load %arg7[%swap3A_449, %swap3A_450, %swap3A_451] {strides = array<i32>} : memref<4x40x128xf32, #tpu.memory_space<vmem>>, vector<1x1x16xf32>,
        %swap3A_453 = vector.shape_cast %swap3A_452 : vector<1x1x16xf32> to vector<16xf32>
        %swap3A_454 = vector.shape_cast %get3A_426 : vector<16xf32> to vector<1x1x16xf32>
        tpu.vector_store %arg7[%swap3A_449, %swap3A_450, %swap3A_451], %swap3A_454 {add = true, strides = array<i32>} : memref<4x40x128xf32, #tpu.memory_space<vmem>>, vector<1x1x16xf32>,
        %get3A_455 = arith.index_cast %scan3A_296 : i32 to index
        %get3A_456 = arith.constant 80 : index
        %get3A_457 = tpu.vector_load %arg5[%get3A_455, %get3A_456] {strides = array<i32>} : memref<40x128xf32, #tpu.memory_space<vmem>>, vector<1x16xf32>,
        %get3A_458 = vector.shape_cast %get3A_457 : vector<1x16xf32> to vector<16xf32>
        %swap3A_459 = arith.constant 0 : i32
        %swap3A_460 = arith.index_cast %swap3A_459 : i32 to index
        %swap3A_461 = arith.index_cast %scan3A_296 : i32 to index
        %swap3A_462 = arith.constant 80 : index
        %swap3A_463 = tpu.vector_load %arg7[%swap3A_460, %swap3A_461, %swap3A_462] {strides = array<i32>} : memref<4x40x128xf32, #tpu.memory_space<vmem>>, vector<1x1x16xf32>,
        %swap3A_464 = vector.shape_cast %swap3A_463 : vector<1x1x16xf32> to vector<16xf32>
        %swap3A_465 = vector.shape_cast %get3A_458 : vector<16xf32> to vector<1x1x16xf32>
        tpu.vector_store %arg7[%swap3A_460, %swap3A_461, %swap3A_462], %swap3A_465 {add = true, strides = array<i32>} : memref<4x40x128xf32, #tpu.memory_space<vmem>>, vector<1x1x16xf32>,
        %swap3A_466 = arith.constant 1 : i32
        %swap3A_467 = arith.index_cast %swap3A_466 : i32 to index
        %swap3A_468 = arith.index_cast %scan3A_296 : i32 to index
        %swap3A_469 = arith.constant 80 : index
        %swap3A_470 = tpu.vector_load %arg7[%swap3A_467, %swap3A_468, %swap3A_469] {strides = array<i32>} : memref<4x40x128xf32, #tpu.memory_space<vmem>>, vector<1x1x16xf32>,
        %swap3A_471 = vector.shape_cast %swap3A_470 : vector<1x1x16xf32> to vector<16xf32>
        %swap3A_472 = vector.shape_cast %get3A_458 : vector<16xf32> to vector<1x1x16xf32>
        tpu.vector_store %arg7[%swap3A_467, %swap3A_468, %swap3A_469], %swap3A_472 {add = true, strides = array<i32>} : memref<4x40x128xf32, #tpu.memory_space<vmem>>, vector<1x1x16xf32>,
        %swap3A_473 = arith.constant 2 : i32
        %swap3A_474 = arith.index_cast %swap3A_473 : i32 to index
        %swap3A_475 = arith.index_cast %scan3A_296 : i32 to index
        %swap3A_476 = arith.constant 80 : index
        %swap3A_477 = tpu.vector_load %arg7[%swap3A_474, %swap3A_475, %swap3A_476] {strides = array<i32>} : memref<4x40x128xf32, #tpu.memory_space<vmem>>, vector<1x1x16xf32>,
        %swap3A_478 = vector.shape_cast %swap3A_477 : vector<1x1x16xf32> to vector<16xf32>
        %swap3A_479 = vector.shape_cast %get3A_458 : vector<16xf32> to vector<1x1x16xf32>
        tpu.vector_store %arg7[%swap3A_474, %swap3A_475, %swap3A_476], %swap3A_479 {add = true, strides = array<i32>} : memref<4x40x128xf32, #tpu.memory_space<vmem>>, vector<1x1x16xf32>,
        %swap3A_480 = arith.constant 3 : i32
        %swap3A_481 = arith.index_cast %swap3A_480 : i32 to index
        %swap3A_482 = arith.index_cast %scan3A_296 : i32 to index
        %swap3A_483 = arith.constant 80 : index
        %swap3A_484 = tpu.vector_load %arg7[%swap3A_481, %swap3A_482, %swap3A_483] {strides = array<i32>} : memref<4x40x128xf32, #tpu.memory_space<vmem>>, vector<1x1x16xf32>,
        %swap3A_485 = vector.shape_cast %swap3A_484 : vector<1x1x16xf32> to vector<16xf32>
        %swap3A_486 = vector.shape_cast %get3A_458 : vector<16xf32> to vector<1x1x16xf32>
        tpu.vector_store %arg7[%swap3A_481, %swap3A_482, %swap3A_483], %swap3A_486 {add = true, strides = array<i32>} : memref<4x40x128xf32, #tpu.memory_space<vmem>>, vector<1x1x16xf32>,
        %get3A_487 = arith.index_cast %scan3A_296 : i32 to index
        %get3A_488 = arith.constant 96 : index
        %get3A_489 = tpu.vector_load %arg5[%get3A_487, %get3A_488] {strides = array<i32>} : memref<40x128xf32, #tpu.memory_space<vmem>>, vector<1x16xf32>,
        %get3A_490 = vector.shape_cast %get3A_489 : vector<1x16xf32> to vector<16xf32>
        %swap3A_491 = arith.constant 0 : i32
        %swap3A_492 = arith.index_cast %swap3A_491 : i32 to index
        %swap3A_493 = arith.index_cast %scan3A_296 : i32 to index
        %swap3A_494 = arith.constant 96 : index
        %swap3A_495 = tpu.vector_load %arg7[%swap3A_492, %swap3A_493, %swap3A_494] {strides = array<i32>} : memref<4x40x128xf32, #tpu.memory_space<vmem>>, vector<1x1x16xf32>,
        %swap3A_496 = vector.shape_cast %swap3A_495 : vector<1x1x16xf32> to vector<16xf32>
        %swap3A_497 = vector.shape_cast %get3A_490 : vector<16xf32> to vector<1x1x16xf32>
        tpu.vector_store %arg7[%swap3A_492, %swap3A_493, %swap3A_494], %swap3A_497 {add = true, strides = array<i32>} : memref<4x40x128xf32, #tpu.memory_space<vmem>>, vector<1x1x16xf32>,
        %swap3A_498 = arith.constant 1 : i32
        %swap3A_499 = arith.index_cast %swap3A_498 : i32 to index
        %swap3A_500 = arith.index_cast %scan3A_296 : i32 to index
        %swap3A_501 = arith.constant 96 : index
        %swap3A_502 = tpu.vector_load %arg7[%swap3A_499, %swap3A_500, %swap3A_501] {strides = array<i32>} : memref<4x40x128xf32, #tpu.memory_space<vmem>>, vector<1x1x16xf32>,
        %swap3A_503 = vector.shape_cast %swap3A_502 : vector<1x1x16xf32> to vector<16xf32>
        %swap3A_504 = vector.shape_cast %get3A_490 : vector<16xf32> to vector<1x1x16xf32>
        tpu.vector_store %arg7[%swap3A_499, %swap3A_500, %swap3A_501], %swap3A_504 {add = true, strides = array<i32>} : memref<4x40x128xf32, #tpu.memory_space<vmem>>, vector<1x1x16xf32>,
        %swap3A_505 = arith.constant 2 : i32
        %swap3A_506 = arith.index_cast %swap3A_505 : i32 to index
        %swap3A_507 = arith.index_cast %scan3A_296 : i32 to index
        %swap3A_508 = arith.constant 96 : index
        %swap3A_509 = tpu.vector_load %arg7[%swap3A_506, %swap3A_507, %swap3A_508] {strides = array<i32>} : memref<4x40x128xf32, #tpu.memory_space<vmem>>, vector<1x1x16xf32>,
        %swap3A_510 = vector.shape_cast %swap3A_509 : vector<1x1x16xf32> to vector<16xf32>
        %swap3A_511 = vector.shape_cast %get3A_490 : vector<16xf32> to vector<1x1x16xf32>
        tpu.vector_store %arg7[%swap3A_506, %swap3A_507, %swap3A_508], %swap3A_511 {add = true, strides = array<i32>} : memref<4x40x128xf32, #tpu.memory_space<vmem>>, vector<1x1x16xf32>,
        %swap3A_512 = arith.constant 3 : i32
        %swap3A_513 = arith.index_cast %swap3A_512 : i32 to index
        %swap3A_514 = arith.index_cast %scan3A_296 : i32 to index
        %swap3A_515 = arith.constant 96 : index
        %swap3A_516 = tpu.vector_load %arg7[%swap3A_513, %swap3A_514, %swap3A_515] {strides = array<i32>} : memref<4x40x128xf32, #tpu.memory_space<vmem>>, vector<1x1x16xf32>,
        %swap3A_517 = vector.shape_cast %swap3A_516 : vector<1x1x16xf32> to vector<16xf32>
        %swap3A_518 = vector.shape_cast %get3A_490 : vector<16xf32> to vector<1x1x16xf32>
        tpu.vector_store %arg7[%swap3A_513, %swap3A_514, %swap3A_515], %swap3A_518 {add = true, strides = array<i32>} : memref<4x40x128xf32, #tpu.memory_space<vmem>>, vector<1x1x16xf32>,
        %get3A_519 = arith.index_cast %scan3A_296 : i32 to index
        %get3A_520 = arith.constant 112 : index
        %get3A_521 = tpu.vector_load %arg5[%get3A_519, %get3A_520] {strides = array<i32>} : memref<40x128xf32, #tpu.memory_space<vmem>>, vector<1x16xf32>,
        %get3A_522 = vector.shape_cast %get3A_521 : vector<1x16xf32> to vector<16xf32>
        %swap3A_523 = arith.constant 0 : i32
        %swap3A_524 = arith.index_cast %swap3A_523 : i32 to index
        %swap3A_525 = arith.index_cast %scan3A_296 : i32 to index
        %swap3A_526 = arith.constant 112 : index
        %swap3A_527 = tpu.vector_load %arg7[%swap3A_524, %swap3A_525, %swap3A_526] {strides = array<i32>} : memref<4x40x128xf32, #tpu.memory_space<vmem>>, vector<1x1x16xf32>,
        %swap3A_528 = vector.shape_cast %swap3A_527 : vector<1x1x16xf32> to vector<16xf32>
        %swap3A_529 = vector.shape_cast %get3A_522 : vector<16xf32> to vector<1x1x16xf32>
        tpu.vector_store %arg7[%swap3A_524, %swap3A_525, %swap3A_526], %swap3A_529 {add = true, strides = array<i32>} : memref<4x40x128xf32, #tpu.memory_space<vmem>>, vector<1x1x16xf32>,
        %swap3A_530 = arith.constant 1 : i32
        %swap3A_531 = arith.index_cast %swap3A_530 : i32 to index
        %swap3A_532 = arith.index_cast %scan3A_296 : i32 to index
        %swap3A_533 = arith.constant 112 : index
        %swap3A_534 = tpu.vector_load %arg7[%swap3A_531, %swap3A_532, %swap3A_533] {strides = array<i32>} : memref<4x40x128xf32, #tpu.memory_space<vmem>>, vector<1x1x16xf32>,
        %swap3A_535 = vector.shape_cast %swap3A_534 : vector<1x1x16xf32> to vector<16xf32>
        %swap3A_536 = vector.shape_cast %get3A_522 : vector<16xf32> to vector<1x1x16xf32>
        tpu.vector_store %arg7[%swap3A_531, %swap3A_532, %swap3A_533], %swap3A_536 {add = true, strides = array<i32>} : memref<4x40x128xf32, #tpu.memory_space<vmem>>, vector<1x1x16xf32>,
        %swap3A_537 = arith.constant 2 : i32
        %swap3A_538 = arith.index_cast %swap3A_537 : i32 to index
        %swap3A_539 = arith.index_cast %scan3A_296 : i32 to index
        %swap3A_540 = arith.constant 112 : index
        %swap3A_541 = tpu.vector_load %arg7[%swap3A_538, %swap3A_539, %swap3A_540] {strides = array<i32>} : memref<4x40x128xf32, #tpu.memory_space<vmem>>, vector<1x1x16xf32>,
        %swap3A_542 = vector.shape_cast %swap3A_541 : vector<1x1x16xf32> to vector<16xf32>
        %swap3A_543 = vector.shape_cast %get3A_522 : vector<16xf32> to vector<1x1x16xf32>
        tpu.vector_store %arg7[%swap3A_538, %swap3A_539, %swap3A_540], %swap3A_543 {add = true, strides = array<i32>} : memref<4x40x128xf32, #tpu.memory_space<vmem>>, vector<1x1x16xf32>,
        %swap3A_544 = arith.constant 3 : i32
        %swap3A_545 = arith.index_cast %swap3A_544 : i32 to index
        %swap3A_546 = arith.index_cast %scan3A_296 : i32 to index
        %swap3A_547 = arith.constant 112 : index
        %swap3A_548 = tpu.vector_load %arg7[%swap3A_545, %swap3A_546, %swap3A_547] {strides = array<i32>} : memref<4x40x128xf32, #tpu.memory_space<vmem>>, vector<1x1x16xf32>,
        %swap3A_549 = vector.shape_cast %swap3A_548 : vector<1x1x16xf32> to vector<16xf32>
        %swap3A_550 = vector.shape_cast %get3A_522 : vector<16xf32> to vector<1x1x16xf32>
        tpu.vector_store %arg7[%swap3A_545, %swap3A_546, %swap3A_547], %swap3A_550 {add = true, strides = array<i32>} : memref<4x40x128xf32, #tpu.memory_space<vmem>>, vector<1x1x16xf32>,
      }
      %scan3A_151 = arith.constant 40 : i32
      %mul3A_152 = arith.constant 4 : i32
      %mul3A_153 = arith.muli %add3A_139, %mul3A_152 : i32
      %add3A_154 = arith.addi %mul3A_2, %mul3A_153 : i32
      %dma_start3A_155 = arith.constant 0 : i32
      %dma_start3A_156 = arith.constant 0 : i32
      %dma_start3A_157 = tpu.memref_slice %arg4[%add3A_154, %dma_start3A_155, %dma_start3A_156] : memref<16384x40x128xf32, #tpu.memory_space<hbm>> -> memref<4x40x128xf32, #tpu.memory_space<hbm>>
      %dma_start3A_158 = arith.constant 0 : i32
      %dma_start3A_159 = arith.constant 0 : i32
      %dma_start3A_160 = tpu.memref_slice %arg4[%add3A_154, %dma_start3A_158, %dma_start3A_159] : memref<16384x40x128xf32, #tpu.memory_space<hbm>> -> memref<4x40x128xf32, #tpu.memory_space<hbm>>
      tpu.enqueue_dma source(%arg7 : memref<4x40x128xf32, #tpu.memory_space<vmem>>) target(%dma_start3A_160 : memref<4x40x128xf32, #tpu.memory_space<hbm>>) target_semaphore(%arg19 : memref<!tpu.dma_semaphore, #tpu.memory_space<semaphore_mem>>)
      %add3A_161 = arith.constant 3 : i32
      %add3A_162 = arith.addi %add3A_139, %add3A_161 : i32
      %lt3A_163 = arith.constant 128 : i32
      %lt3A_164 = arith.cmpi slt, %add3A_162, %lt3A_163 : i32
      %convert_element_type3A_165 = arith.extui %lt3A_164 : i1 to i32
      %cond3A_166 = arith.constant 0 : i32
      %cond3A_167 = arith.cmpi ne, %convert_element_type3A_165, %cond3A_166 : i32
      scf.if %cond3A_167 {
        %ge3A = arith.constant 3 : i32
        %ge3A_296 = arith.cmpi sge, %add3A_139, %ge3A : i32
        %convert_element_type3A_297 = arith.extui %ge3A_296 : i1 to i32
        %cond3A_298 = arith.constant 0 : i32
        %cond3A_299 = arith.cmpi ne, %convert_element_type3A_297, %cond3A_298 : i32
        scf.if %cond3A_299 {
          %dma_wait3A_311 = arith.constant 0 : i32
          %dma_wait3A_312 = arith.constant 0 : i32
          %dma_wait3A_313 = tpu.memref_slice %arg4[%mul3A_2, %dma_wait3A_311, %dma_wait3A_312] : memref<16384x40x128xf32, #tpu.memory_space<hbm>> -> memref<4x40x128xf32, #tpu.memory_space<hbm>>
          %dma_wait3A_314 = arith.constant 0 : i32
          %dma_wait3A_315 = arith.constant 0 : i32
          %dma_wait3A_316 = tpu.memref_slice %arg4[%mul3A_2, %dma_wait3A_314, %dma_wait3A_315] : memref<16384x40x128xf32, #tpu.memory_space<hbm>> -> memref<4x40x128xf32, #tpu.memory_space<hbm>>
          tpu.wait_dma2 semaphore(%arg22 : memref<!tpu.dma_semaphore, #tpu.memory_space<semaphore_mem>>) src(%arg10 : memref<4x40x128xf32, #tpu.memory_space<vmem>>) dst(%dma_wait3A_316 : memref<4x40x128xf32, #tpu.memory_space<hbm>>)
        } else {
        }
        %add3A_300 = arith.constant 3 : i32
        %add3A_301 = arith.addi %add3A_139, %add3A_300 : i32
        %mul3A_302 = arith.constant 4 : i32
        %mul3A_303 = arith.muli %add3A_301, %mul3A_302 : i32
        %add3A_304 = arith.addi %mul3A_2, %mul3A_303 : i32
        %dma_start3A_305 = arith.constant 0 : i32
        %dma_start3A_306 = arith.constant 0 : i32
        %dma_start3A_307 = tpu.memref_slice %arg2[%add3A_304, %dma_start3A_305, %dma_start3A_306] : memref<16384x40x128xf32, #tpu.memory_space<hbm>> -> memref<4x40x128xf32, #tpu.memory_space<hbm>>
        %dma_start3A_308 = arith.constant 0 : i32
        %dma_start3A_309 = arith.constant 0 : i32
        %dma_start3A_310 = tpu.memref_slice %arg2[%add3A_304, %dma_start3A_308, %dma_start3A_309] : memref<16384x40x128xf32, #tpu.memory_space<hbm>> -> memref<4x40x128xf32, #tpu.memory_space<hbm>>
        tpu.enqueue_dma source(%dma_start3A_310 : memref<4x40x128xf32, #tpu.memory_space<hbm>>) target(%arg10 : memref<4x40x128xf32, #tpu.memory_space<vmem>>) target_semaphore(%arg16 : memref<!tpu.dma_semaphore, #tpu.memory_space<semaphore_mem>>)
      } else {
      }
      %mul3A_168 = arith.constant 6 : i32
      %mul3A_169 = arith.muli %scan3A_106, %mul3A_168 : i32
      %add3A_170 = arith.constant 2 : i32
      %add3A_171 = arith.addi %mul3A_169, %add3A_170 : i32
      %dma_wait3A_172 = arith.constant 0 : i32
      %dma_wait3A_173 = arith.constant 0 : i32
      %dma_wait3A_174 = tpu.memref_slice %arg2[%mul3A_2, %dma_wait3A_172, %dma_wait3A_173] : memref<16384x40x128xf32, #tpu.memory_space<hbm>> -> memref<4x40x128xf32, #tpu.memory_space<hbm>>
      %dma_wait3A_175 = arith.constant 0 : i32
      %dma_wait3A_176 = arith.constant 0 : i32
      %dma_wait3A_177 = tpu.memref_slice %arg2[%mul3A_2, %dma_wait3A_175, %dma_wait3A_176] : memref<16384x40x128xf32, #tpu.memory_space<hbm>> -> memref<4x40x128xf32, #tpu.memory_space<hbm>>
      tpu.wait_dma2 semaphore(%arg14 : memref<!tpu.dma_semaphore, #tpu.memory_space<semaphore_mem>>) src(%dma_wait3A_177 : memref<4x40x128xf32, #tpu.memory_space<hbm>>) dst(%arg8 : memref<4x40x128xf32, #tpu.memory_space<vmem>>)
      %scan3A_178 = arith.constant 0 : i32
      %scan3A_179 = arith.constant 0 : i32
      %scan3A_180 = arith.constant 40 : i32
      %scan3A_181 = arith.addi %scan3A_179, %scan3A_180 : i32
      %scan3A_182 = arith.constant 1 : i32
      scf.for %scan3A_296 = %scan3A_179 to %scan3A_181 step %scan3A_182  : i32 {
        %get3A = arith.index_cast %scan3A_296 : i32 to index
        %get3A_297 = arith.constant 0 : index
        %get3A_298 = tpu.vector_load %arg5[%get3A, %get3A_297] {strides = array<i32>} : memref<40x128xf32, #tpu.memory_space<vmem>>, vector<1x16xf32>,
        %get3A_299 = vector.shape_cast %get3A_298 : vector<1x16xf32> to vector<16xf32>
        %swap3A = arith.constant 0 : i32
        %swap3A_300 = arith.index_cast %swap3A : i32 to index
        %swap3A_301 = arith.index_cast %scan3A_296 : i32 to index
        %swap3A_302 = arith.constant 0 : index
        %swap3A_303 = tpu.vector_load %arg8[%swap3A_300, %swap3A_301, %swap3A_302] {strides = array<i32>} : memref<4x40x128xf32, #tpu.memory_space<vmem>>, vector<1x1x16xf32>,
        %swap3A_304 = vector.shape_cast %swap3A_303 : vector<1x1x16xf32> to vector<16xf32>
        %swap3A_305 = vector.shape_cast %get3A_299 : vector<16xf32> to vector<1x1x16xf32>
        tpu.vector_store %arg8[%swap3A_300, %swap3A_301, %swap3A_302], %swap3A_305 {add = true, strides = array<i32>} : memref<4x40x128xf32, #tpu.memory_space<vmem>>, vector<1x1x16xf32>,
        %swap3A_306 = arith.constant 1 : i32
        %swap3A_307 = arith.index_cast %swap3A_306 : i32 to index
        %swap3A_308 = arith.index_cast %scan3A_296 : i32 to index
        %swap3A_309 = arith.constant 0 : index
        %swap3A_310 = tpu.vector_load %arg8[%swap3A_307, %swap3A_308, %swap3A_309] {strides = array<i32>} : memref<4x40x128xf32, #tpu.memory_space<vmem>>, vector<1x1x16xf32>,
        %swap3A_311 = vector.shape_cast %swap3A_310 : vector<1x1x16xf32> to vector<16xf32>
        %swap3A_312 = vector.shape_cast %get3A_299 : vector<16xf32> to vector<1x1x16xf32>
        tpu.vector_store %arg8[%swap3A_307, %swap3A_308, %swap3A_309], %swap3A_312 {add = true, strides = array<i32>} : memref<4x40x128xf32, #tpu.memory_space<vmem>>, vector<1x1x16xf32>,
        %swap3A_313 = arith.constant 2 : i32
        %swap3A_314 = arith.index_cast %swap3A_313 : i32 to index
        %swap3A_315 = arith.index_cast %scan3A_296 : i32 to index
        %swap3A_316 = arith.constant 0 : index
        %swap3A_317 = tpu.vector_load %arg8[%swap3A_314, %swap3A_315, %swap3A_316] {strides = array<i32>} : memref<4x40x128xf32, #tpu.memory_space<vmem>>, vector<1x1x16xf32>,
        %swap3A_318 = vector.shape_cast %swap3A_317 : vector<1x1x16xf32> to vector<16xf32>
        %swap3A_319 = vector.shape_cast %get3A_299 : vector<16xf32> to vector<1x1x16xf32>
        tpu.vector_store %arg8[%swap3A_314, %swap3A_315, %swap3A_316], %swap3A_319 {add = true, strides = array<i32>} : memref<4x40x128xf32, #tpu.memory_space<vmem>>, vector<1x1x16xf32>,
        %swap3A_320 = arith.constant 3 : i32
        %swap3A_321 = arith.index_cast %swap3A_320 : i32 to index
        %swap3A_322 = arith.index_cast %scan3A_296 : i32 to index
        %swap3A_323 = arith.constant 0 : index
        %swap3A_324 = tpu.vector_load %arg8[%swap3A_321, %swap3A_322, %swap3A_323] {strides = array<i32>} : memref<4x40x128xf32, #tpu.memory_space<vmem>>, vector<1x1x16xf32>,
        %swap3A_325 = vector.shape_cast %swap3A_324 : vector<1x1x16xf32> to vector<16xf32>
        %swap3A_326 = vector.shape_cast %get3A_299 : vector<16xf32> to vector<1x1x16xf32>
        tpu.vector_store %arg8[%swap3A_321, %swap3A_322, %swap3A_323], %swap3A_326 {add = true, strides = array<i32>} : memref<4x40x128xf32, #tpu.memory_space<vmem>>, vector<1x1x16xf32>,
        %get3A_327 = arith.index_cast %scan3A_296 : i32 to index
        %get3A_328 = arith.constant 16 : index
        %get3A_329 = tpu.vector_load %arg5[%get3A_327, %get3A_328] {strides = array<i32>} : memref<40x128xf32, #tpu.memory_space<vmem>>, vector<1x16xf32>,
        %get3A_330 = vector.shape_cast %get3A_329 : vector<1x16xf32> to vector<16xf32>
        %swap3A_331 = arith.constant 0 : i32
        %swap3A_332 = arith.index_cast %swap3A_331 : i32 to index
        %swap3A_333 = arith.index_cast %scan3A_296 : i32 to index
        %swap3A_334 = arith.constant 16 : index
        %swap3A_335 = tpu.vector_load %arg8[%swap3A_332, %swap3A_333, %swap3A_334] {strides = array<i32>} : memref<4x40x128xf32, #tpu.memory_space<vmem>>, vector<1x1x16xf32>,
        %swap3A_336 = vector.shape_cast %swap3A_335 : vector<1x1x16xf32> to vector<16xf32>
        %swap3A_337 = vector.shape_cast %get3A_330 : vector<16xf32> to vector<1x1x16xf32>
        tpu.vector_store %arg8[%swap3A_332, %swap3A_333, %swap3A_334], %swap3A_337 {add = true, strides = array<i32>} : memref<4x40x128xf32, #tpu.memory_space<vmem>>, vector<1x1x16xf32>,
        %swap3A_338 = arith.constant 1 : i32
        %swap3A_339 = arith.index_cast %swap3A_338 : i32 to index
        %swap3A_340 = arith.index_cast %scan3A_296 : i32 to index
        %swap3A_341 = arith.constant 16 : index
        %swap3A_342 = tpu.vector_load %arg8[%swap3A_339, %swap3A_340, %swap3A_341] {strides = array<i32>} : memref<4x40x128xf32, #tpu.memory_space<vmem>>, vector<1x1x16xf32>,
        %swap3A_343 = vector.shape_cast %swap3A_342 : vector<1x1x16xf32> to vector<16xf32>
        %swap3A_344 = vector.shape_cast %get3A_330 : vector<16xf32> to vector<1x1x16xf32>
        tpu.vector_store %arg8[%swap3A_339, %swap3A_340, %swap3A_341], %swap3A_344 {add = true, strides = array<i32>} : memref<4x40x128xf32, #tpu.memory_space<vmem>>, vector<1x1x16xf32>,
        %swap3A_345 = arith.constant 2 : i32
        %swap3A_346 = arith.index_cast %swap3A_345 : i32 to index
        %swap3A_347 = arith.index_cast %scan3A_296 : i32 to index
        %swap3A_348 = arith.constant 16 : index
        %swap3A_349 = tpu.vector_load %arg8[%swap3A_346, %swap3A_347, %swap3A_348] {strides = array<i32>} : memref<4x40x128xf32, #tpu.memory_space<vmem>>, vector<1x1x16xf32>,
        %swap3A_350 = vector.shape_cast %swap3A_349 : vector<1x1x16xf32> to vector<16xf32>
        %swap3A_351 = vector.shape_cast %get3A_330 : vector<16xf32> to vector<1x1x16xf32>
        tpu.vector_store %arg8[%swap3A_346, %swap3A_347, %swap3A_348], %swap3A_351 {add = true, strides = array<i32>} : memref<4x40x128xf32, #tpu.memory_space<vmem>>, vector<1x1x16xf32>,
        %swap3A_352 = arith.constant 3 : i32
        %swap3A_353 = arith.index_cast %swap3A_352 : i32 to index
        %swap3A_354 = arith.index_cast %scan3A_296 : i32 to index
        %swap3A_355 = arith.constant 16 : index
        %swap3A_356 = tpu.vector_load %arg8[%swap3A_353, %swap3A_354, %swap3A_355] {strides = array<i32>} : memref<4x40x128xf32, #tpu.memory_space<vmem>>, vector<1x1x16xf32>,
        %swap3A_357 = vector.shape_cast %swap3A_356 : vector<1x1x16xf32> to vector<16xf32>
        %swap3A_358 = vector.shape_cast %get3A_330 : vector<16xf32> to vector<1x1x16xf32>
        tpu.vector_store %arg8[%swap3A_353, %swap3A_354, %swap3A_355], %swap3A_358 {add = true, strides = array<i32>} : memref<4x40x128xf32, #tpu.memory_space<vmem>>, vector<1x1x16xf32>,
        %get3A_359 = arith.index_cast %scan3A_296 : i32 to index
        %get3A_360 = arith.constant 32 : index
        %get3A_361 = tpu.vector_load %arg5[%get3A_359, %get3A_360] {strides = array<i32>} : memref<40x128xf32, #tpu.memory_space<vmem>>, vector<1x16xf32>,
        %get3A_362 = vector.shape_cast %get3A_361 : vector<1x16xf32> to vector<16xf32>
        %swap3A_363 = arith.constant 0 : i32
        %swap3A_364 = arith.index_cast %swap3A_363 : i32 to index
        %swap3A_365 = arith.index_cast %scan3A_296 : i32 to index
        %swap3A_366 = arith.constant 32 : index
        %swap3A_367 = tpu.vector_load %arg8[%swap3A_364, %swap3A_365, %swap3A_366] {strides = array<i32>} : memref<4x40x128xf32, #tpu.memory_space<vmem>>, vector<1x1x16xf32>,
        %swap3A_368 = vector.shape_cast %swap3A_367 : vector<1x1x16xf32> to vector<16xf32>
        %swap3A_369 = vector.shape_cast %get3A_362 : vector<16xf32> to vector<1x1x16xf32>
        tpu.vector_store %arg8[%swap3A_364, %swap3A_365, %swap3A_366], %swap3A_369 {add = true, strides = array<i32>} : memref<4x40x128xf32, #tpu.memory_space<vmem>>, vector<1x1x16xf32>,
        %swap3A_370 = arith.constant 1 : i32
        %swap3A_371 = arith.index_cast %swap3A_370 : i32 to index
        %swap3A_372 = arith.index_cast %scan3A_296 : i32 to index
        %swap3A_373 = arith.constant 32 : index
        %swap3A_374 = tpu.vector_load %arg8[%swap3A_371, %swap3A_372, %swap3A_373] {strides = array<i32>} : memref<4x40x128xf32, #tpu.memory_space<vmem>>, vector<1x1x16xf32>,
        %swap3A_375 = vector.shape_cast %swap3A_374 : vector<1x1x16xf32> to vector<16xf32>
        %swap3A_376 = vector.shape_cast %get3A_362 : vector<16xf32> to vector<1x1x16xf32>
        tpu.vector_store %arg8[%swap3A_371, %swap3A_372, %swap3A_373], %swap3A_376 {add = true, strides = array<i32>} : memref<4x40x128xf32, #tpu.memory_space<vmem>>, vector<1x1x16xf32>,
        %swap3A_377 = arith.constant 2 : i32
        %swap3A_378 = arith.index_cast %swap3A_377 : i32 to index
        %swap3A_379 = arith.index_cast %scan3A_296 : i32 to index
        %swap3A_380 = arith.constant 32 : index
        %swap3A_381 = tpu.vector_load %arg8[%swap3A_378, %swap3A_379, %swap3A_380] {strides = array<i32>} : memref<4x40x128xf32, #tpu.memory_space<vmem>>, vector<1x1x16xf32>,
        %swap3A_382 = vector.shape_cast %swap3A_381 : vector<1x1x16xf32> to vector<16xf32>
        %swap3A_383 = vector.shape_cast %get3A_362 : vector<16xf32> to vector<1x1x16xf32>
        tpu.vector_store %arg8[%swap3A_378, %swap3A_379, %swap3A_380], %swap3A_383 {add = true, strides = array<i32>} : memref<4x40x128xf32, #tpu.memory_space<vmem>>, vector<1x1x16xf32>,
        %swap3A_384 = arith.constant 3 : i32
        %swap3A_385 = arith.index_cast %swap3A_384 : i32 to index
        %swap3A_386 = arith.index_cast %scan3A_296 : i32 to index
        %swap3A_387 = arith.constant 32 : index
        %swap3A_388 = tpu.vector_load %arg8[%swap3A_385, %swap3A_386, %swap3A_387] {strides = array<i32>} : memref<4x40x128xf32, #tpu.memory_space<vmem>>, vector<1x1x16xf32>,
        %swap3A_389 = vector.shape_cast %swap3A_388 : vector<1x1x16xf32> to vector<16xf32>
        %swap3A_390 = vector.shape_cast %get3A_362 : vector<16xf32> to vector<1x1x16xf32>
        tpu.vector_store %arg8[%swap3A_385, %swap3A_386, %swap3A_387], %swap3A_390 {add = true, strides = array<i32>} : memref<4x40x128xf32, #tpu.memory_space<vmem>>, vector<1x1x16xf32>,
        %get3A_391 = arith.index_cast %scan3A_296 : i32 to index
        %get3A_392 = arith.constant 48 : index
        %get3A_393 = tpu.vector_load %arg5[%get3A_391, %get3A_392] {strides = array<i32>} : memref<40x128xf32, #tpu.memory_space<vmem>>, vector<1x16xf32>,
        %get3A_394 = vector.shape_cast %get3A_393 : vector<1x16xf32> to vector<16xf32>
        %swap3A_395 = arith.constant 0 : i32
        %swap3A_396 = arith.index_cast %swap3A_395 : i32 to index
        %swap3A_397 = arith.index_cast %scan3A_296 : i32 to index
        %swap3A_398 = arith.constant 48 : index
        %swap3A_399 = tpu.vector_load %arg8[%swap3A_396, %swap3A_397, %swap3A_398] {strides = array<i32>} : memref<4x40x128xf32, #tpu.memory_space<vmem>>, vector<1x1x16xf32>,
        %swap3A_400 = vector.shape_cast %swap3A_399 : vector<1x1x16xf32> to vector<16xf32>
        %swap3A_401 = vector.shape_cast %get3A_394 : vector<16xf32> to vector<1x1x16xf32>
        tpu.vector_store %arg8[%swap3A_396, %swap3A_397, %swap3A_398], %swap3A_401 {add = true, strides = array<i32>} : memref<4x40x128xf32, #tpu.memory_space<vmem>>, vector<1x1x16xf32>,
        %swap3A_402 = arith.constant 1 : i32
        %swap3A_403 = arith.index_cast %swap3A_402 : i32 to index
        %swap3A_404 = arith.index_cast %scan3A_296 : i32 to index
        %swap3A_405 = arith.constant 48 : index
        %swap3A_406 = tpu.vector_load %arg8[%swap3A_403, %swap3A_404, %swap3A_405] {strides = array<i32>} : memref<4x40x128xf32, #tpu.memory_space<vmem>>, vector<1x1x16xf32>,
        %swap3A_407 = vector.shape_cast %swap3A_406 : vector<1x1x16xf32> to vector<16xf32>
        %swap3A_408 = vector.shape_cast %get3A_394 : vector<16xf32> to vector<1x1x16xf32>
        tpu.vector_store %arg8[%swap3A_403, %swap3A_404, %swap3A_405], %swap3A_408 {add = true, strides = array<i32>} : memref<4x40x128xf32, #tpu.memory_space<vmem>>, vector<1x1x16xf32>,
        %swap3A_409 = arith.constant 2 : i32
        %swap3A_410 = arith.index_cast %swap3A_409 : i32 to index
        %swap3A_411 = arith.index_cast %scan3A_296 : i32 to index
        %swap3A_412 = arith.constant 48 : index
        %swap3A_413 = tpu.vector_load %arg8[%swap3A_410, %swap3A_411, %swap3A_412] {strides = array<i32>} : memref<4x40x128xf32, #tpu.memory_space<vmem>>, vector<1x1x16xf32>,
        %swap3A_414 = vector.shape_cast %swap3A_413 : vector<1x1x16xf32> to vector<16xf32>
        %swap3A_415 = vector.shape_cast %get3A_394 : vector<16xf32> to vector<1x1x16xf32>
        tpu.vector_store %arg8[%swap3A_410, %swap3A_411, %swap3A_412], %swap3A_415 {add = true, strides = array<i32>} : memref<4x40x128xf32, #tpu.memory_space<vmem>>, vector<1x1x16xf32>,
        %swap3A_416 = arith.constant 3 : i32
        %swap3A_417 = arith.index_cast %swap3A_416 : i32 to index
        %swap3A_418 = arith.index_cast %scan3A_296 : i32 to index
        %swap3A_419 = arith.constant 48 : index
        %swap3A_420 = tpu.vector_load %arg8[%swap3A_417, %swap3A_418, %swap3A_419] {strides = array<i32>} : memref<4x40x128xf32, #tpu.memory_space<vmem>>, vector<1x1x16xf32>,
        %swap3A_421 = vector.shape_cast %swap3A_420 : vector<1x1x16xf32> to vector<16xf32>
        %swap3A_422 = vector.shape_cast %get3A_394 : vector<16xf32> to vector<1x1x16xf32>
        tpu.vector_store %arg8[%swap3A_417, %swap3A_418, %swap3A_419], %swap3A_422 {add = true, strides = array<i32>} : memref<4x40x128xf32, #tpu.memory_space<vmem>>, vector<1x1x16xf32>,
        %get3A_423 = arith.index_cast %scan3A_296 : i32 to index
        %get3A_424 = arith.constant 64 : index
        %get3A_425 = tpu.vector_load %arg5[%get3A_423, %get3A_424] {strides = array<i32>} : memref<40x128xf32, #tpu.memory_space<vmem>>, vector<1x16xf32>,
        %get3A_426 = vector.shape_cast %get3A_425 : vector<1x16xf32> to vector<16xf32>
        %swap3A_427 = arith.constant 0 : i32
        %swap3A_428 = arith.index_cast %swap3A_427 : i32 to index
        %swap3A_429 = arith.index_cast %scan3A_296 : i32 to index
        %swap3A_430 = arith.constant 64 : index
        %swap3A_431 = tpu.vector_load %arg8[%swap3A_428, %swap3A_429, %swap3A_430] {strides = array<i32>} : memref<4x40x128xf32, #tpu.memory_space<vmem>>, vector<1x1x16xf32>,
        %swap3A_432 = vector.shape_cast %swap3A_431 : vector<1x1x16xf32> to vector<16xf32>
        %swap3A_433 = vector.shape_cast %get3A_426 : vector<16xf32> to vector<1x1x16xf32>
        tpu.vector_store %arg8[%swap3A_428, %swap3A_429, %swap3A_430], %swap3A_433 {add = true, strides = array<i32>} : memref<4x40x128xf32, #tpu.memory_space<vmem>>, vector<1x1x16xf32>,
        %swap3A_434 = arith.constant 1 : i32
        %swap3A_435 = arith.index_cast %swap3A_434 : i32 to index
        %swap3A_436 = arith.index_cast %scan3A_296 : i32 to index
        %swap3A_437 = arith.constant 64 : index
        %swap3A_438 = tpu.vector_load %arg8[%swap3A_435, %swap3A_436, %swap3A_437] {strides = array<i32>} : memref<4x40x128xf32, #tpu.memory_space<vmem>>, vector<1x1x16xf32>,
        %swap3A_439 = vector.shape_cast %swap3A_438 : vector<1x1x16xf32> to vector<16xf32>
        %swap3A_440 = vector.shape_cast %get3A_426 : vector<16xf32> to vector<1x1x16xf32>
        tpu.vector_store %arg8[%swap3A_435, %swap3A_436, %swap3A_437], %swap3A_440 {add = true, strides = array<i32>} : memref<4x40x128xf32, #tpu.memory_space<vmem>>, vector<1x1x16xf32>,
        %swap3A_441 = arith.constant 2 : i32
        %swap3A_442 = arith.index_cast %swap3A_441 : i32 to index
        %swap3A_443 = arith.index_cast %scan3A_296 : i32 to index
        %swap3A_444 = arith.constant 64 : index
        %swap3A_445 = tpu.vector_load %arg8[%swap3A_442, %swap3A_443, %swap3A_444] {strides = array<i32>} : memref<4x40x128xf32, #tpu.memory_space<vmem>>, vector<1x1x16xf32>,
        %swap3A_446 = vector.shape_cast %swap3A_445 : vector<1x1x16xf32> to vector<16xf32>
        %swap3A_447 = vector.shape_cast %get3A_426 : vector<16xf32> to vector<1x1x16xf32>
        tpu.vector_store %arg8[%swap3A_442, %swap3A_443, %swap3A_444], %swap3A_447 {add = true, strides = array<i32>} : memref<4x40x128xf32, #tpu.memory_space<vmem>>, vector<1x1x16xf32>,
        %swap3A_448 = arith.constant 3 : i32
        %swap3A_449 = arith.index_cast %swap3A_448 : i32 to index
        %swap3A_450 = arith.index_cast %scan3A_296 : i32 to index
        %swap3A_451 = arith.constant 64 : index
        %swap3A_452 = tpu.vector_load %arg8[%swap3A_449, %swap3A_450, %swap3A_451] {strides = array<i32>} : memref<4x40x128xf32, #tpu.memory_space<vmem>>, vector<1x1x16xf32>,
        %swap3A_453 = vector.shape_cast %swap3A_452 : vector<1x1x16xf32> to vector<16xf32>
        %swap3A_454 = vector.shape_cast %get3A_426 : vector<16xf32> to vector<1x1x16xf32>
        tpu.vector_store %arg8[%swap3A_449, %swap3A_450, %swap3A_451], %swap3A_454 {add = true, strides = array<i32>} : memref<4x40x128xf32, #tpu.memory_space<vmem>>, vector<1x1x16xf32>,
        %get3A_455 = arith.index_cast %scan3A_296 : i32 to index
        %get3A_456 = arith.constant 80 : index
        %get3A_457 = tpu.vector_load %arg5[%get3A_455, %get3A_456] {strides = array<i32>} : memref<40x128xf32, #tpu.memory_space<vmem>>, vector<1x16xf32>,
        %get3A_458 = vector.shape_cast %get3A_457 : vector<1x16xf32> to vector<16xf32>
        %swap3A_459 = arith.constant 0 : i32
        %swap3A_460 = arith.index_cast %swap3A_459 : i32 to index
        %swap3A_461 = arith.index_cast %scan3A_296 : i32 to index
        %swap3A_462 = arith.constant 80 : index
        %swap3A_463 = tpu.vector_load %arg8[%swap3A_460, %swap3A_461, %swap3A_462] {strides = array<i32>} : memref<4x40x128xf32, #tpu.memory_space<vmem>>, vector<1x1x16xf32>,
        %swap3A_464 = vector.shape_cast %swap3A_463 : vector<1x1x16xf32> to vector<16xf32>
        %swap3A_465 = vector.shape_cast %get3A_458 : vector<16xf32> to vector<1x1x16xf32>
        tpu.vector_store %arg8[%swap3A_460, %swap3A_461, %swap3A_462], %swap3A_465 {add = true, strides = array<i32>} : memref<4x40x128xf32, #tpu.memory_space<vmem>>, vector<1x1x16xf32>,
        %swap3A_466 = arith.constant 1 : i32
        %swap3A_467 = arith.index_cast %swap3A_466 : i32 to index
        %swap3A_468 = arith.index_cast %scan3A_296 : i32 to index
        %swap3A_469 = arith.constant 80 : index
        %swap3A_470 = tpu.vector_load %arg8[%swap3A_467, %swap3A_468, %swap3A_469] {strides = array<i32>} : memref<4x40x128xf32, #tpu.memory_space<vmem>>, vector<1x1x16xf32>,
        %swap3A_471 = vector.shape_cast %swap3A_470 : vector<1x1x16xf32> to vector<16xf32>
        %swap3A_472 = vector.shape_cast %get3A_458 : vector<16xf32> to vector<1x1x16xf32>
        tpu.vector_store %arg8[%swap3A_467, %swap3A_468, %swap3A_469], %swap3A_472 {add = true, strides = array<i32>} : memref<4x40x128xf32, #tpu.memory_space<vmem>>, vector<1x1x16xf32>,
        %swap3A_473 = arith.constant 2 : i32
        %swap3A_474 = arith.index_cast %swap3A_473 : i32 to index
        %swap3A_475 = arith.index_cast %scan3A_296 : i32 to index
        %swap3A_476 = arith.constant 80 : index
        %swap3A_477 = tpu.vector_load %arg8[%swap3A_474, %swap3A_475, %swap3A_476] {strides = array<i32>} : memref<4x40x128xf32, #tpu.memory_space<vmem>>, vector<1x1x16xf32>,
        %swap3A_478 = vector.shape_cast %swap3A_477 : vector<1x1x16xf32> to vector<16xf32>
        %swap3A_479 = vector.shape_cast %get3A_458 : vector<16xf32> to vector<1x1x16xf32>
        tpu.vector_store %arg8[%swap3A_474, %swap3A_475, %swap3A_476], %swap3A_479 {add = true, strides = array<i32>} : memref<4x40x128xf32, #tpu.memory_space<vmem>>, vector<1x1x16xf32>,
        %swap3A_480 = arith.constant 3 : i32
        %swap3A_481 = arith.index_cast %swap3A_480 : i32 to index
        %swap3A_482 = arith.index_cast %scan3A_296 : i32 to index
        %swap3A_483 = arith.constant 80 : index
        %swap3A_484 = tpu.vector_load %arg8[%swap3A_481, %swap3A_482, %swap3A_483] {strides = array<i32>} : memref<4x40x128xf32, #tpu.memory_space<vmem>>, vector<1x1x16xf32>,
        %swap3A_485 = vector.shape_cast %swap3A_484 : vector<1x1x16xf32> to vector<16xf32>
        %swap3A_486 = vector.shape_cast %get3A_458 : vector<16xf32> to vector<1x1x16xf32>
        tpu.vector_store %arg8[%swap3A_481, %swap3A_482, %swap3A_483], %swap3A_486 {add = true, strides = array<i32>} : memref<4x40x128xf32, #tpu.memory_space<vmem>>, vector<1x1x16xf32>,
        %get3A_487 = arith.index_cast %scan3A_296 : i32 to index
        %get3A_488 = arith.constant 96 : index
        %get3A_489 = tpu.vector_load %arg5[%get3A_487, %get3A_488] {strides = array<i32>} : memref<40x128xf32, #tpu.memory_space<vmem>>, vector<1x16xf32>,
        %get3A_490 = vector.shape_cast %get3A_489 : vector<1x16xf32> to vector<16xf32>
        %swap3A_491 = arith.constant 0 : i32
        %swap3A_492 = arith.index_cast %swap3A_491 : i32 to index
        %swap3A_493 = arith.index_cast %scan3A_296 : i32 to index
        %swap3A_494 = arith.constant 96 : index
        %swap3A_495 = tpu.vector_load %arg8[%swap3A_492, %swap3A_493, %swap3A_494] {strides = array<i32>} : memref<4x40x128xf32, #tpu.memory_space<vmem>>, vector<1x1x16xf32>,
        %swap3A_496 = vector.shape_cast %swap3A_495 : vector<1x1x16xf32> to vector<16xf32>
        %swap3A_497 = vector.shape_cast %get3A_490 : vector<16xf32> to vector<1x1x16xf32>
        tpu.vector_store %arg8[%swap3A_492, %swap3A_493, %swap3A_494], %swap3A_497 {add = true, strides = array<i32>} : memref<4x40x128xf32, #tpu.memory_space<vmem>>, vector<1x1x16xf32>,
        %swap3A_498 = arith.constant 1 : i32
        %swap3A_499 = arith.index_cast %swap3A_498 : i32 to index
        %swap3A_500 = arith.index_cast %scan3A_296 : i32 to index
        %swap3A_501 = arith.constant 96 : index
        %swap3A_502 = tpu.vector_load %arg8[%swap3A_499, %swap3A_500, %swap3A_501] {strides = array<i32>} : memref<4x40x128xf32, #tpu.memory_space<vmem>>, vector<1x1x16xf32>,
        %swap3A_503 = vector.shape_cast %swap3A_502 : vector<1x1x16xf32> to vector<16xf32>
        %swap3A_504 = vector.shape_cast %get3A_490 : vector<16xf32> to vector<1x1x16xf32>
        tpu.vector_store %arg8[%swap3A_499, %swap3A_500, %swap3A_501], %swap3A_504 {add = true, strides = array<i32>} : memref<4x40x128xf32, #tpu.memory_space<vmem>>, vector<1x1x16xf32>,
        %swap3A_505 = arith.constant 2 : i32
        %swap3A_506 = arith.index_cast %swap3A_505 : i32 to index
        %swap3A_507 = arith.index_cast %scan3A_296 : i32 to index
        %swap3A_508 = arith.constant 96 : index
        %swap3A_509 = tpu.vector_load %arg8[%swap3A_506, %swap3A_507, %swap3A_508] {strides = array<i32>} : memref<4x40x128xf32, #tpu.memory_space<vmem>>, vector<1x1x16xf32>,
        %swap3A_510 = vector.shape_cast %swap3A_509 : vector<1x1x16xf32> to vector<16xf32>
        %swap3A_511 = vector.shape_cast %get3A_490 : vector<16xf32> to vector<1x1x16xf32>
        tpu.vector_store %arg8[%swap3A_506, %swap3A_507, %swap3A_508], %swap3A_511 {add = true, strides = array<i32>} : memref<4x40x128xf32, #tpu.memory_space<vmem>>, vector<1x1x16xf32>,
        %swap3A_512 = arith.constant 3 : i32
        %swap3A_513 = arith.index_cast %swap3A_512 : i32 to index
        %swap3A_514 = arith.index_cast %scan3A_296 : i32 to index
        %swap3A_515 = arith.constant 96 : index
        %swap3A_516 = tpu.vector_load %arg8[%swap3A_513, %swap3A_514, %swap3A_515] {strides = array<i32>} : memref<4x40x128xf32, #tpu.memory_space<vmem>>, vector<1x1x16xf32>,
        %swap3A_517 = vector.shape_cast %swap3A_516 : vector<1x1x16xf32> to vector<16xf32>
        %swap3A_518 = vector.shape_cast %get3A_490 : vector<16xf32> to vector<1x1x16xf32>
        tpu.vector_store %arg8[%swap3A_513, %swap3A_514, %swap3A_515], %swap3A_518 {add = true, strides = array<i32>} : memref<4x40x128xf32, #tpu.memory_space<vmem>>, vector<1x1x16xf32>,
        %get3A_519 = arith.index_cast %scan3A_296 : i32 to index
        %get3A_520 = arith.constant 112 : index
        %get3A_521 = tpu.vector_load %arg5[%get3A_519, %get3A_520] {strides = array<i32>} : memref<40x128xf32, #tpu.memory_space<vmem>>, vector<1x16xf32>,
        %get3A_522 = vector.shape_cast %get3A_521 : vector<1x16xf32> to vector<16xf32>
        %swap3A_523 = arith.constant 0 : i32
        %swap3A_524 = arith.index_cast %swap3A_523 : i32 to index
        %swap3A_525 = arith.index_cast %scan3A_296 : i32 to index
        %swap3A_526 = arith.constant 112 : index
        %swap3A_527 = tpu.vector_load %arg8[%swap3A_524, %swap3A_525, %swap3A_526] {strides = array<i32>} : memref<4x40x128xf32, #tpu.memory_space<vmem>>, vector<1x1x16xf32>,
        %swap3A_528 = vector.shape_cast %swap3A_527 : vector<1x1x16xf32> to vector<16xf32>
        %swap3A_529 = vector.shape_cast %get3A_522 : vector<16xf32> to vector<1x1x16xf32>
        tpu.vector_store %arg8[%swap3A_524, %swap3A_525, %swap3A_526], %swap3A_529 {add = true, strides = array<i32>} : memref<4x40x128xf32, #tpu.memory_space<vmem>>, vector<1x1x16xf32>,
        %swap3A_530 = arith.constant 1 : i32
        %swap3A_531 = arith.index_cast %swap3A_530 : i32 to index
        %swap3A_532 = arith.index_cast %scan3A_296 : i32 to index
        %swap3A_533 = arith.constant 112 : index
        %swap3A_534 = tpu.vector_load %arg8[%swap3A_531, %swap3A_532, %swap3A_533] {strides = array<i32>} : memref<4x40x128xf32, #tpu.memory_space<vmem>>, vector<1x1x16xf32>,
        %swap3A_535 = vector.shape_cast %swap3A_534 : vector<1x1x16xf32> to vector<16xf32>
        %swap3A_536 = vector.shape_cast %get3A_522 : vector<16xf32> to vector<1x1x16xf32>
        tpu.vector_store %arg8[%swap3A_531, %swap3A_532, %swap3A_533], %swap3A_536 {add = true, strides = array<i32>} : memref<4x40x128xf32, #tpu.memory_space<vmem>>, vector<1x1x16xf32>,
        %swap3A_537 = arith.constant 2 : i32
        %swap3A_538 = arith.index_cast %swap3A_537 : i32 to index
        %swap3A_539 = arith.index_cast %scan3A_296 : i32 to index
        %swap3A_540 = arith.constant 112 : index
        %swap3A_541 = tpu.vector_load %arg8[%swap3A_538, %swap3A_539, %swap3A_540] {strides = array<i32>} : memref<4x40x128xf32, #tpu.memory_space<vmem>>, vector<1x1x16xf32>,
        %swap3A_542 = vector.shape_cast %swap3A_541 : vector<1x1x16xf32> to vector<16xf32>
        %swap3A_543 = vector.shape_cast %get3A_522 : vector<16xf32> to vector<1x1x16xf32>
        tpu.vector_store %arg8[%swap3A_538, %swap3A_539, %swap3A_540], %swap3A_543 {add = true, strides = array<i32>} : memref<4x40x128xf32, #tpu.memory_space<vmem>>, vector<1x1x16xf32>,
        %swap3A_544 = arith.constant 3 : i32
        %swap3A_545 = arith.index_cast %swap3A_544 : i32 to index
        %swap3A_546 = arith.index_cast %scan3A_296 : i32 to index
        %swap3A_547 = arith.constant 112 : index
        %swap3A_548 = tpu.vector_load %arg8[%swap3A_545, %swap3A_546, %swap3A_547] {strides = array<i32>} : memref<4x40x128xf32, #tpu.memory_space<vmem>>, vector<1x1x16xf32>,
        %swap3A_549 = vector.shape_cast %swap3A_548 : vector<1x1x16xf32> to vector<16xf32>
        %swap3A_550 = vector.shape_cast %get3A_522 : vector<16xf32> to vector<1x1x16xf32>
        tpu.vector_store %arg8[%swap3A_545, %swap3A_546, %swap3A_547], %swap3A_550 {add = true, strides = array<i32>} : memref<4x40x128xf32, #tpu.memory_space<vmem>>, vector<1x1x16xf32>,
      }
      %scan3A_183 = arith.constant 40 : i32
      %mul3A_184 = arith.constant 4 : i32
      %mul3A_185 = arith.muli %add3A_171, %mul3A_184 : i32
      %add3A_186 = arith.addi %mul3A_2, %mul3A_185 : i32
      %dma_start3A_187 = arith.constant 0 : i32
      %dma_start3A_188 = arith.constant 0 : i32
      %dma_start3A_189 = tpu.memref_slice %arg4[%add3A_186, %dma_start3A_187, %dma_start3A_188] : memref<16384x40x128xf32, #tpu.memory_space<hbm>> -> memref<4x40x128xf32, #tpu.memory_space<hbm>>
      %dma_start3A_190 = arith.constant 0 : i32
      %dma_start3A_191 = arith.constant 0 : i32
      %dma_start3A_192 = tpu.memref_slice %arg4[%add3A_186, %dma_start3A_190, %dma_start3A_191] : memref<16384x40x128xf32, #tpu.memory_space<hbm>> -> memref<4x40x128xf32, #tpu.memory_space<hbm>>
      tpu.enqueue_dma source(%arg8 : memref<4x40x128xf32, #tpu.memory_space<vmem>>) target(%dma_start3A_192 : memref<4x40x128xf32, #tpu.memory_space<hbm>>) target_semaphore(%arg20 : memref<!tpu.dma_semaphore, #tpu.memory_space<semaphore_mem>>)
      %add3A_193 = arith.constant 3 : i32
      %add3A_194 = arith.addi %add3A_171, %add3A_193 : i32
      %lt3A_195 = arith.constant 128 : i32
      %lt3A_196 = arith.cmpi slt, %add3A_194, %lt3A_195 : i32
      %convert_element_type3A_197 = arith.extui %lt3A_196 : i1 to i32
      %cond3A_198 = arith.constant 0 : i32
      %cond3A_199 = arith.cmpi ne, %convert_element_type3A_197, %cond3A_198 : i32
      scf.if %cond3A_199 {
        %ge3A = arith.constant 3 : i32
        %ge3A_296 = arith.cmpi sge, %add3A_171, %ge3A : i32
        %convert_element_type3A_297 = arith.extui %ge3A_296 : i1 to i32
        %cond3A_298 = arith.constant 0 : i32
        %cond3A_299 = arith.cmpi ne, %convert_element_type3A_297, %cond3A_298 : i32
        scf.if %cond3A_299 {
          %dma_wait3A_311 = arith.constant 0 : i32
          %dma_wait3A_312 = arith.constant 0 : i32
          %dma_wait3A_313 = tpu.memref_slice %arg4[%mul3A_2, %dma_wait3A_311, %dma_wait3A_312] : memref<16384x40x128xf32, #tpu.memory_space<hbm>> -> memref<4x40x128xf32, #tpu.memory_space<hbm>>
          %dma_wait3A_314 = arith.constant 0 : i32
          %dma_wait3A_315 = arith.constant 0 : i32
          %dma_wait3A_316 = tpu.memref_slice %arg4[%mul3A_2, %dma_wait3A_314, %dma_wait3A_315] : memref<16384x40x128xf32, #tpu.memory_space<hbm>> -> memref<4x40x128xf32, #tpu.memory_space<hbm>>
          tpu.wait_dma2 semaphore(%arg23 : memref<!tpu.dma_semaphore, #tpu.memory_space<semaphore_mem>>) src(%arg11 : memref<4x40x128xf32, #tpu.memory_space<vmem>>) dst(%dma_wait3A_316 : memref<4x40x128xf32, #tpu.memory_space<hbm>>)
        } else {
        }
        %add3A_300 = arith.constant 3 : i32
        %add3A_301 = arith.addi %add3A_171, %add3A_300 : i32
        %mul3A_302 = arith.constant 4 : i32
        %mul3A_303 = arith.muli %add3A_301, %mul3A_302 : i32
        %add3A_304 = arith.addi %mul3A_2, %mul3A_303 : i32
        %dma_start3A_305 = arith.constant 0 : i32
        %dma_start3A_306 = arith.constant 0 : i32
        %dma_start3A_307 = tpu.memref_slice %arg2[%add3A_304, %dma_start3A_305, %dma_start3A_306] : memref<16384x40x128xf32, #tpu.memory_space<hbm>> -> memref<4x40x128xf32, #tpu.memory_space<hbm>>
        %dma_start3A_308 = arith.constant 0 : i32
        %dma_start3A_309 = arith.constant 0 : i32
        %dma_start3A_310 = tpu.memref_slice %arg2[%add3A_304, %dma_start3A_308, %dma_start3A_309] : memref<16384x40x128xf32, #tpu.memory_space<hbm>> -> memref<4x40x128xf32, #tpu.memory_space<hbm>>
        tpu.enqueue_dma source(%dma_start3A_310 : memref<4x40x128xf32, #tpu.memory_space<hbm>>) target(%arg11 : memref<4x40x128xf32, #tpu.memory_space<vmem>>) target_semaphore(%arg17 : memref<!tpu.dma_semaphore, #tpu.memory_space<semaphore_mem>>)
      } else {
      }
      %mul3A_200 = arith.constant 6 : i32
      %mul3A_201 = arith.muli %scan3A_106, %mul3A_200 : i32
      %add3A_202 = arith.constant 3 : i32
      %add3A_203 = arith.addi %mul3A_201, %add3A_202 : i32
      %dma_wait3A_204 = arith.constant 0 : i32
      %dma_wait3A_205 = arith.constant 0 : i32
      %dma_wait3A_206 = tpu.memref_slice %arg2[%mul3A_2, %dma_wait3A_204, %dma_wait3A_205] : memref<16384x40x128xf32, #tpu.memory_space<hbm>> -> memref<4x40x128xf32, #tpu.memory_space<hbm>>
      %dma_wait3A_207 = arith.constant 0 : i32
      %dma_wait3A_208 = arith.constant 0 : i32
      %dma_wait3A_209 = tpu.memref_slice %arg2[%mul3A_2, %dma_wait3A_207, %dma_wait3A_208] : memref<16384x40x128xf32, #tpu.memory_space<hbm>> -> memref<4x40x128xf32, #tpu.memory_space<hbm>>
      tpu.wait_dma2 semaphore(%arg15 : memref<!tpu.dma_semaphore, #tpu.memory_space<semaphore_mem>>) src(%dma_wait3A_209 : memref<4x40x128xf32, #tpu.memory_space<hbm>>) dst(%arg9 : memref<4x40x128xf32, #tpu.memory_space<vmem>>)
      %scan3A_210 = arith.constant 0 : i32
      %scan3A_211 = arith.constant 0 : i32
      %scan3A_212 = arith.constant 40 : i32
      %scan3A_213 = arith.addi %scan3A_211, %scan3A_212 : i32
      %scan3A_214 = arith.constant 1 : i32
      scf.for %scan3A_296 = %scan3A_211 to %scan3A_213 step %scan3A_214  : i32 {
        %get3A = arith.index_cast %scan3A_296 : i32 to index
        %get3A_297 = arith.constant 0 : index
        %get3A_298 = tpu.vector_load %arg5[%get3A, %get3A_297] {strides = array<i32>} : memref<40x128xf32, #tpu.memory_space<vmem>>, vector<1x16xf32>,
        %get3A_299 = vector.shape_cast %get3A_298 : vector<1x16xf32> to vector<16xf32>
        %swap3A = arith.constant 0 : i32
        %swap3A_300 = arith.index_cast %swap3A : i32 to index
        %swap3A_301 = arith.index_cast %scan3A_296 : i32 to index
        %swap3A_302 = arith.constant 0 : index
        %swap3A_303 = tpu.vector_load %arg9[%swap3A_300, %swap3A_301, %swap3A_302] {strides = array<i32>} : memref<4x40x128xf32, #tpu.memory_space<vmem>>, vector<1x1x16xf32>,
        %swap3A_304 = vector.shape_cast %swap3A_303 : vector<1x1x16xf32> to vector<16xf32>
        %swap3A_305 = vector.shape_cast %get3A_299 : vector<16xf32> to vector<1x1x16xf32>
        tpu.vector_store %arg9[%swap3A_300, %swap3A_301, %swap3A_302], %swap3A_305 {add = true, strides = array<i32>} : memref<4x40x128xf32, #tpu.memory_space<vmem>>, vector<1x1x16xf32>,
        %swap3A_306 = arith.constant 1 : i32
        %swap3A_307 = arith.index_cast %swap3A_306 : i32 to index
        %swap3A_308 = arith.index_cast %scan3A_296 : i32 to index
        %swap3A_309 = arith.constant 0 : index
        %swap3A_310 = tpu.vector_load %arg9[%swap3A_307, %swap3A_308, %swap3A_309] {strides = array<i32>} : memref<4x40x128xf32, #tpu.memory_space<vmem>>, vector<1x1x16xf32>,
        %swap3A_311 = vector.shape_cast %swap3A_310 : vector<1x1x16xf32> to vector<16xf32>
        %swap3A_312 = vector.shape_cast %get3A_299 : vector<16xf32> to vector<1x1x16xf32>
        tpu.vector_store %arg9[%swap3A_307, %swap3A_308, %swap3A_309], %swap3A_312 {add = true, strides = array<i32>} : memref<4x40x128xf32, #tpu.memory_space<vmem>>, vector<1x1x16xf32>,
        %swap3A_313 = arith.constant 2 : i32
        %swap3A_314 = arith.index_cast %swap3A_313 : i32 to index
        %swap3A_315 = arith.index_cast %scan3A_296 : i32 to index
        %swap3A_316 = arith.constant 0 : index
        %swap3A_317 = tpu.vector_load %arg9[%swap3A_314, %swap3A_315, %swap3A_316] {strides = array<i32>} : memref<4x40x128xf32, #tpu.memory_space<vmem>>, vector<1x1x16xf32>,
        %swap3A_318 = vector.shape_cast %swap3A_317 : vector<1x1x16xf32> to vector<16xf32>
        %swap3A_319 = vector.shape_cast %get3A_299 : vector<16xf32> to vector<1x1x16xf32>
        tpu.vector_store %arg9[%swap3A_314, %swap3A_315, %swap3A_316], %swap3A_319 {add = true, strides = array<i32>} : memref<4x40x128xf32, #tpu.memory_space<vmem>>, vector<1x1x16xf32>,
        %swap3A_320 = arith.constant 3 : i32
        %swap3A_321 = arith.index_cast %swap3A_320 : i32 to index
        %swap3A_322 = arith.index_cast %scan3A_296 : i32 to index
        %swap3A_323 = arith.constant 0 : index
        %swap3A_324 = tpu.vector_load %arg9[%swap3A_321, %swap3A_322, %swap3A_323] {strides = array<i32>} : memref<4x40x128xf32, #tpu.memory_space<vmem>>, vector<1x1x16xf32>,
        %swap3A_325 = vector.shape_cast %swap3A_324 : vector<1x1x16xf32> to vector<16xf32>
        %swap3A_326 = vector.shape_cast %get3A_299 : vector<16xf32> to vector<1x1x16xf32>
        tpu.vector_store %arg9[%swap3A_321, %swap3A_322, %swap3A_323], %swap3A_326 {add = true, strides = array<i32>} : memref<4x40x128xf32, #tpu.memory_space<vmem>>, vector<1x1x16xf32>,
        %get3A_327 = arith.index_cast %scan3A_296 : i32 to index
        %get3A_328 = arith.constant 16 : index
        %get3A_329 = tpu.vector_load %arg5[%get3A_327, %get3A_328] {strides = array<i32>} : memref<40x128xf32, #tpu.memory_space<vmem>>, vector<1x16xf32>,
        %get3A_330 = vector.shape_cast %get3A_329 : vector<1x16xf32> to vector<16xf32>
        %swap3A_331 = arith.constant 0 : i32
        %swap3A_332 = arith.index_cast %swap3A_331 : i32 to index
        %swap3A_333 = arith.index_cast %scan3A_296 : i32 to index
        %swap3A_334 = arith.constant 16 : index
        %swap3A_335 = tpu.vector_load %arg9[%swap3A_332, %swap3A_333, %swap3A_334] {strides = array<i32>} : memref<4x40x128xf32, #tpu.memory_space<vmem>>, vector<1x1x16xf32>,
        %swap3A_336 = vector.shape_cast %swap3A_335 : vector<1x1x16xf32> to vector<16xf32>
        %swap3A_337 = vector.shape_cast %get3A_330 : vector<16xf32> to vector<1x1x16xf32>
        tpu.vector_store %arg9[%swap3A_332, %swap3A_333, %swap3A_334], %swap3A_337 {add = true, strides = array<i32>} : memref<4x40x128xf32, #tpu.memory_space<vmem>>, vector<1x1x16xf32>,
        %swap3A_338 = arith.constant 1 : i32
        %swap3A_339 = arith.index_cast %swap3A_338 : i32 to index
        %swap3A_340 = arith.index_cast %scan3A_296 : i32 to index
        %swap3A_341 = arith.constant 16 : index
        %swap3A_342 = tpu.vector_load %arg9[%swap3A_339, %swap3A_340, %swap3A_341] {strides = array<i32>} : memref<4x40x128xf32, #tpu.memory_space<vmem>>, vector<1x1x16xf32>,
        %swap3A_343 = vector.shape_cast %swap3A_342 : vector<1x1x16xf32> to vector<16xf32>
        %swap3A_344 = vector.shape_cast %get3A_330 : vector<16xf32> to vector<1x1x16xf32>
        tpu.vector_store %arg9[%swap3A_339, %swap3A_340, %swap3A_341], %swap3A_344 {add = true, strides = array<i32>} : memref<4x40x128xf32, #tpu.memory_space<vmem>>, vector<1x1x16xf32>,
        %swap3A_345 = arith.constant 2 : i32
        %swap3A_346 = arith.index_cast %swap3A_345 : i32 to index
        %swap3A_347 = arith.index_cast %scan3A_296 : i32 to index
        %swap3A_348 = arith.constant 16 : index
        %swap3A_349 = tpu.vector_load %arg9[%swap3A_346, %swap3A_347, %swap3A_348] {strides = array<i32>} : memref<4x40x128xf32, #tpu.memory_space<vmem>>, vector<1x1x16xf32>,
        %swap3A_350 = vector.shape_cast %swap3A_349 : vector<1x1x16xf32> to vector<16xf32>
        %swap3A_351 = vector.shape_cast %get3A_330 : vector<16xf32> to vector<1x1x16xf32>
        tpu.vector_store %arg9[%swap3A_346, %swap3A_347, %swap3A_348], %swap3A_351 {add = true, strides = array<i32>} : memref<4x40x128xf32, #tpu.memory_space<vmem>>, vector<1x1x16xf32>,
        %swap3A_352 = arith.constant 3 : i32
        %swap3A_353 = arith.index_cast %swap3A_352 : i32 to index
        %swap3A_354 = arith.index_cast %scan3A_296 : i32 to index
        %swap3A_355 = arith.constant 16 : index
        %swap3A_356 = tpu.vector_load %arg9[%swap3A_353, %swap3A_354, %swap3A_355] {strides = array<i32>} : memref<4x40x128xf32, #tpu.memory_space<vmem>>, vector<1x1x16xf32>,
        %swap3A_357 = vector.shape_cast %swap3A_356 : vector<1x1x16xf32> to vector<16xf32>
        %swap3A_358 = vector.shape_cast %get3A_330 : vector<16xf32> to vector<1x1x16xf32>
        tpu.vector_store %arg9[%swap3A_353, %swap3A_354, %swap3A_355], %swap3A_358 {add = true, strides = array<i32>} : memref<4x40x128xf32, #tpu.memory_space<vmem>>, vector<1x1x16xf32>,
        %get3A_359 = arith.index_cast %scan3A_296 : i32 to index
        %get3A_360 = arith.constant 32 : index
        %get3A_361 = tpu.vector_load %arg5[%get3A_359, %get3A_360] {strides = array<i32>} : memref<40x128xf32, #tpu.memory_space<vmem>>, vector<1x16xf32>,
        %get3A_362 = vector.shape_cast %get3A_361 : vector<1x16xf32> to vector<16xf32>
        %swap3A_363 = arith.constant 0 : i32
        %swap3A_364 = arith.index_cast %swap3A_363 : i32 to index
        %swap3A_365 = arith.index_cast %scan3A_296 : i32 to index
        %swap3A_366 = arith.constant 32 : index
        %swap3A_367 = tpu.vector_load %arg9[%swap3A_364, %swap3A_365, %swap3A_366] {strides = array<i32>} : memref<4x40x128xf32, #tpu.memory_space<vmem>>, vector<1x1x16xf32>,
        %swap3A_368 = vector.shape_cast %swap3A_367 : vector<1x1x16xf32> to vector<16xf32>
        %swap3A_369 = vector.shape_cast %get3A_362 : vector<16xf32> to vector<1x1x16xf32>
        tpu.vector_store %arg9[%swap3A_364, %swap3A_365, %swap3A_366], %swap3A_369 {add = true, strides = array<i32>} : memref<4x40x128xf32, #tpu.memory_space<vmem>>, vector<1x1x16xf32>,
        %swap3A_370 = arith.constant 1 : i32
        %swap3A_371 = arith.index_cast %swap3A_370 : i32 to index
        %swap3A_372 = arith.index_cast %scan3A_296 : i32 to index
        %swap3A_373 = arith.constant 32 : index
        %swap3A_374 = tpu.vector_load %arg9[%swap3A_371, %swap3A_372, %swap3A_373] {strides = array<i32>} : memref<4x40x128xf32, #tpu.memory_space<vmem>>, vector<1x1x16xf32>,
        %swap3A_375 = vector.shape_cast %swap3A_374 : vector<1x1x16xf32> to vector<16xf32>
        %swap3A_376 = vector.shape_cast %get3A_362 : vector<16xf32> to vector<1x1x16xf32>
        tpu.vector_store %arg9[%swap3A_371, %swap3A_372, %swap3A_373], %swap3A_376 {add = true, strides = array<i32>} : memref<4x40x128xf32, #tpu.memory_space<vmem>>, vector<1x1x16xf32>,
        %swap3A_377 = arith.constant 2 : i32
        %swap3A_378 = arith.index_cast %swap3A_377 : i32 to index
        %swap3A_379 = arith.index_cast %scan3A_296 : i32 to index
        %swap3A_380 = arith.constant 32 : index
        %swap3A_381 = tpu.vector_load %arg9[%swap3A_378, %swap3A_379, %swap3A_380] {strides = array<i32>} : memref<4x40x128xf32, #tpu.memory_space<vmem>>, vector<1x1x16xf32>,
        %swap3A_382 = vector.shape_cast %swap3A_381 : vector<1x1x16xf32> to vector<16xf32>
        %swap3A_383 = vector.shape_cast %get3A_362 : vector<16xf32> to vector<1x1x16xf32>
        tpu.vector_store %arg9[%swap3A_378, %swap3A_379, %swap3A_380], %swap3A_383 {add = true, strides = array<i32>} : memref<4x40x128xf32, #tpu.memory_space<vmem>>, vector<1x1x16xf32>,
        %swap3A_384 = arith.constant 3 : i32
        %swap3A_385 = arith.index_cast %swap3A_384 : i32 to index
        %swap3A_386 = arith.index_cast %scan3A_296 : i32 to index
        %swap3A_387 = arith.constant 32 : index
        %swap3A_388 = tpu.vector_load %arg9[%swap3A_385, %swap3A_386, %swap3A_387] {strides = array<i32>} : memref<4x40x128xf32, #tpu.memory_space<vmem>>, vector<1x1x16xf32>,
        %swap3A_389 = vector.shape_cast %swap3A_388 : vector<1x1x16xf32> to vector<16xf32>
        %swap3A_390 = vector.shape_cast %get3A_362 : vector<16xf32> to vector<1x1x16xf32>
        tpu.vector_store %arg9[%swap3A_385, %swap3A_386, %swap3A_387], %swap3A_390 {add = true, strides = array<i32>} : memref<4x40x128xf32, #tpu.memory_space<vmem>>, vector<1x1x16xf32>,
        %get3A_391 = arith.index_cast %scan3A_296 : i32 to index
        %get3A_392 = arith.constant 48 : index
        %get3A_393 = tpu.vector_load %arg5[%get3A_391, %get3A_392] {strides = array<i32>} : memref<40x128xf32, #tpu.memory_space<vmem>>, vector<1x16xf32>,
        %get3A_394 = vector.shape_cast %get3A_393 : vector<1x16xf32> to vector<16xf32>
        %swap3A_395 = arith.constant 0 : i32
        %swap3A_396 = arith.index_cast %swap3A_395 : i32 to index
        %swap3A_397 = arith.index_cast %scan3A_296 : i32 to index
        %swap3A_398 = arith.constant 48 : index
        %swap3A_399 = tpu.vector_load %arg9[%swap3A_396, %swap3A_397, %swap3A_398] {strides = array<i32>} : memref<4x40x128xf32, #tpu.memory_space<vmem>>, vector<1x1x16xf32>,
        %swap3A_400 = vector.shape_cast %swap3A_399 : vector<1x1x16xf32> to vector<16xf32>
        %swap3A_401 = vector.shape_cast %get3A_394 : vector<16xf32> to vector<1x1x16xf32>
        tpu.vector_store %arg9[%swap3A_396, %swap3A_397, %swap3A_398], %swap3A_401 {add = true, strides = array<i32>} : memref<4x40x128xf32, #tpu.memory_space<vmem>>, vector<1x1x16xf32>,
        %swap3A_402 = arith.constant 1 : i32
        %swap3A_403 = arith.index_cast %swap3A_402 : i32 to index
        %swap3A_404 = arith.index_cast %scan3A_296 : i32 to index
        %swap3A_405 = arith.constant 48 : index
        %swap3A_406 = tpu.vector_load %arg9[%swap3A_403, %swap3A_404, %swap3A_405] {strides = array<i32>} : memref<4x40x128xf32, #tpu.memory_space<vmem>>, vector<1x1x16xf32>,
        %swap3A_407 = vector.shape_cast %swap3A_406 : vector<1x1x16xf32> to vector<16xf32>
        %swap3A_408 = vector.shape_cast %get3A_394 : vector<16xf32> to vector<1x1x16xf32>
        tpu.vector_store %arg9[%swap3A_403, %swap3A_404, %swap3A_405], %swap3A_408 {add = true, strides = array<i32>} : memref<4x40x128xf32, #tpu.memory_space<vmem>>, vector<1x1x16xf32>,
        %swap3A_409 = arith.constant 2 : i32
        %swap3A_410 = arith.index_cast %swap3A_409 : i32 to index
        %swap3A_411 = arith.index_cast %scan3A_296 : i32 to index
        %swap3A_412 = arith.constant 48 : index
        %swap3A_413 = tpu.vector_load %arg9[%swap3A_410, %swap3A_411, %swap3A_412] {strides = array<i32>} : memref<4x40x128xf32, #tpu.memory_space<vmem>>, vector<1x1x16xf32>,
        %swap3A_414 = vector.shape_cast %swap3A_413 : vector<1x1x16xf32> to vector<16xf32>
        %swap3A_415 = vector.shape_cast %get3A_394 : vector<16xf32> to vector<1x1x16xf32>
        tpu.vector_store %arg9[%swap3A_410, %swap3A_411, %swap3A_412], %swap3A_415 {add = true, strides = array<i32>} : memref<4x40x128xf32, #tpu.memory_space<vmem>>, vector<1x1x16xf32>,
        %swap3A_416 = arith.constant 3 : i32
        %swap3A_417 = arith.index_cast %swap3A_416 : i32 to index
        %swap3A_418 = arith.index_cast %scan3A_296 : i32 to index
        %swap3A_419 = arith.constant 48 : index
        %swap3A_420 = tpu.vector_load %arg9[%swap3A_417, %swap3A_418, %swap3A_419] {strides = array<i32>} : memref<4x40x128xf32, #tpu.memory_space<vmem>>, vector<1x1x16xf32>,
        %swap3A_421 = vector.shape_cast %swap3A_420 : vector<1x1x16xf32> to vector<16xf32>
        %swap3A_422 = vector.shape_cast %get3A_394 : vector<16xf32> to vector<1x1x16xf32>
        tpu.vector_store %arg9[%swap3A_417, %swap3A_418, %swap3A_419], %swap3A_422 {add = true, strides = array<i32>} : memref<4x40x128xf32, #tpu.memory_space<vmem>>, vector<1x1x16xf32>,
        %get3A_423 = arith.index_cast %scan3A_296 : i32 to index
        %get3A_424 = arith.constant 64 : index
        %get3A_425 = tpu.vector_load %arg5[%get3A_423, %get3A_424] {strides = array<i32>} : memref<40x128xf32, #tpu.memory_space<vmem>>, vector<1x16xf32>,
        %get3A_426 = vector.shape_cast %get3A_425 : vector<1x16xf32> to vector<16xf32>
        %swap3A_427 = arith.constant 0 : i32
        %swap3A_428 = arith.index_cast %swap3A_427 : i32 to index
        %swap3A_429 = arith.index_cast %scan3A_296 : i32 to index
        %swap3A_430 = arith.constant 64 : index
        %swap3A_431 = tpu.vector_load %arg9[%swap3A_428, %swap3A_429, %swap3A_430] {strides = array<i32>} : memref<4x40x128xf32, #tpu.memory_space<vmem>>, vector<1x1x16xf32>,
        %swap3A_432 = vector.shape_cast %swap3A_431 : vector<1x1x16xf32> to vector<16xf32>
        %swap3A_433 = vector.shape_cast %get3A_426 : vector<16xf32> to vector<1x1x16xf32>
        tpu.vector_store %arg9[%swap3A_428, %swap3A_429, %swap3A_430], %swap3A_433 {add = true, strides = array<i32>} : memref<4x40x128xf32, #tpu.memory_space<vmem>>, vector<1x1x16xf32>,
        %swap3A_434 = arith.constant 1 : i32
        %swap3A_435 = arith.index_cast %swap3A_434 : i32 to index
        %swap3A_436 = arith.index_cast %scan3A_296 : i32 to index
        %swap3A_437 = arith.constant 64 : index
        %swap3A_438 = tpu.vector_load %arg9[%swap3A_435, %swap3A_436, %swap3A_437] {strides = array<i32>} : memref<4x40x128xf32, #tpu.memory_space<vmem>>, vector<1x1x16xf32>,
        %swap3A_439 = vector.shape_cast %swap3A_438 : vector<1x1x16xf32> to vector<16xf32>
        %swap3A_440 = vector.shape_cast %get3A_426 : vector<16xf32> to vector<1x1x16xf32>
        tpu.vector_store %arg9[%swap3A_435, %swap3A_436, %swap3A_437], %swap3A_440 {add = true, strides = array<i32>} : memref<4x40x128xf32, #tpu.memory_space<vmem>>, vector<1x1x16xf32>,
        %swap3A_441 = arith.constant 2 : i32
        %swap3A_442 = arith.index_cast %swap3A_441 : i32 to index
        %swap3A_443 = arith.index_cast %scan3A_296 : i32 to index
        %swap3A_444 = arith.constant 64 : index
        %swap3A_445 = tpu.vector_load %arg9[%swap3A_442, %swap3A_443, %swap3A_444] {strides = array<i32>} : memref<4x40x128xf32, #tpu.memory_space<vmem>>, vector<1x1x16xf32>,
        %swap3A_446 = vector.shape_cast %swap3A_445 : vector<1x1x16xf32> to vector<16xf32>
        %swap3A_447 = vector.shape_cast %get3A_426 : vector<16xf32> to vector<1x1x16xf32>
        tpu.vector_store %arg9[%swap3A_442, %swap3A_443, %swap3A_444], %swap3A_447 {add = true, strides = array<i32>} : memref<4x40x128xf32, #tpu.memory_space<vmem>>, vector<1x1x16xf32>,
        %swap3A_448 = arith.constant 3 : i32
        %swap3A_449 = arith.index_cast %swap3A_448 : i32 to index
        %swap3A_450 = arith.index_cast %scan3A_296 : i32 to index
        %swap3A_451 = arith.constant 64 : index
        %swap3A_452 = tpu.vector_load %arg9[%swap3A_449, %swap3A_450, %swap3A_451] {strides = array<i32>} : memref<4x40x128xf32, #tpu.memory_space<vmem>>, vector<1x1x16xf32>,
        %swap3A_453 = vector.shape_cast %swap3A_452 : vector<1x1x16xf32> to vector<16xf32>
        %swap3A_454 = vector.shape_cast %get3A_426 : vector<16xf32> to vector<1x1x16xf32>
        tpu.vector_store %arg9[%swap3A_449, %swap3A_450, %swap3A_451], %swap3A_454 {add = true, strides = array<i32>} : memref<4x40x128xf32, #tpu.memory_space<vmem>>, vector<1x1x16xf32>,
        %get3A_455 = arith.index_cast %scan3A_296 : i32 to index
        %get3A_456 = arith.constant 80 : index
        %get3A_457 = tpu.vector_load %arg5[%get3A_455, %get3A_456] {strides = array<i32>} : memref<40x128xf32, #tpu.memory_space<vmem>>, vector<1x16xf32>,
        %get3A_458 = vector.shape_cast %get3A_457 : vector<1x16xf32> to vector<16xf32>
        %swap3A_459 = arith.constant 0 : i32
        %swap3A_460 = arith.index_cast %swap3A_459 : i32 to index
        %swap3A_461 = arith.index_cast %scan3A_296 : i32 to index
        %swap3A_462 = arith.constant 80 : index
        %swap3A_463 = tpu.vector_load %arg9[%swap3A_460, %swap3A_461, %swap3A_462] {strides = array<i32>} : memref<4x40x128xf32, #tpu.memory_space<vmem>>, vector<1x1x16xf32>,
        %swap3A_464 = vector.shape_cast %swap3A_463 : vector<1x1x16xf32> to vector<16xf32>
        %swap3A_465 = vector.shape_cast %get3A_458 : vector<16xf32> to vector<1x1x16xf32>
        tpu.vector_store %arg9[%swap3A_460, %swap3A_461, %swap3A_462], %swap3A_465 {add = true, strides = array<i32>} : memref<4x40x128xf32, #tpu.memory_space<vmem>>, vector<1x1x16xf32>,
        %swap3A_466 = arith.constant 1 : i32
        %swap3A_467 = arith.index_cast %swap3A_466 : i32 to index
        %swap3A_468 = arith.index_cast %scan3A_296 : i32 to index
        %swap3A_469 = arith.constant 80 : index
        %swap3A_470 = tpu.vector_load %arg9[%swap3A_467, %swap3A_468, %swap3A_469] {strides = array<i32>} : memref<4x40x128xf32, #tpu.memory_space<vmem>>, vector<1x1x16xf32>,
        %swap3A_471 = vector.shape_cast %swap3A_470 : vector<1x1x16xf32> to vector<16xf32>
        %swap3A_472 = vector.shape_cast %get3A_458 : vector<16xf32> to vector<1x1x16xf32>
        tpu.vector_store %arg9[%swap3A_467, %swap3A_468, %swap3A_469], %swap3A_472 {add = true, strides = array<i32>} : memref<4x40x128xf32, #tpu.memory_space<vmem>>, vector<1x1x16xf32>,
        %swap3A_473 = arith.constant 2 : i32
        %swap3A_474 = arith.index_cast %swap3A_473 : i32 to index
        %swap3A_475 = arith.index_cast %scan3A_296 : i32 to index
        %swap3A_476 = arith.constant 80 : index
        %swap3A_477 = tpu.vector_load %arg9[%swap3A_474, %swap3A_475, %swap3A_476] {strides = array<i32>} : memref<4x40x128xf32, #tpu.memory_space<vmem>>, vector<1x1x16xf32>,
        %swap3A_478 = vector.shape_cast %swap3A_477 : vector<1x1x16xf32> to vector<16xf32>
        %swap3A_479 = vector.shape_cast %get3A_458 : vector<16xf32> to vector<1x1x16xf32>
        tpu.vector_store %arg9[%swap3A_474, %swap3A_475, %swap3A_476], %swap3A_479 {add = true, strides = array<i32>} : memref<4x40x128xf32, #tpu.memory_space<vmem>>, vector<1x1x16xf32>,
        %swap3A_480 = arith.constant 3 : i32
        %swap3A_481 = arith.index_cast %swap3A_480 : i32 to index
        %swap3A_482 = arith.index_cast %scan3A_296 : i32 to index
        %swap3A_483 = arith.constant 80 : index
        %swap3A_484 = tpu.vector_load %arg9[%swap3A_481, %swap3A_482, %swap3A_483] {strides = array<i32>} : memref<4x40x128xf32, #tpu.memory_space<vmem>>, vector<1x1x16xf32>,
        %swap3A_485 = vector.shape_cast %swap3A_484 : vector<1x1x16xf32> to vector<16xf32>
        %swap3A_486 = vector.shape_cast %get3A_458 : vector<16xf32> to vector<1x1x16xf32>
        tpu.vector_store %arg9[%swap3A_481, %swap3A_482, %swap3A_483], %swap3A_486 {add = true, strides = array<i32>} : memref<4x40x128xf32, #tpu.memory_space<vmem>>, vector<1x1x16xf32>,
        %get3A_487 = arith.index_cast %scan3A_296 : i32 to index
        %get3A_488 = arith.constant 96 : index
        %get3A_489 = tpu.vector_load %arg5[%get3A_487, %get3A_488] {strides = array<i32>} : memref<40x128xf32, #tpu.memory_space<vmem>>, vector<1x16xf32>,
        %get3A_490 = vector.shape_cast %get3A_489 : vector<1x16xf32> to vector<16xf32>
        %swap3A_491 = arith.constant 0 : i32
        %swap3A_492 = arith.index_cast %swap3A_491 : i32 to index
        %swap3A_493 = arith.index_cast %scan3A_296 : i32 to index
        %swap3A_494 = arith.constant 96 : index
        %swap3A_495 = tpu.vector_load %arg9[%swap3A_492, %swap3A_493, %swap3A_494] {strides = array<i32>} : memref<4x40x128xf32, #tpu.memory_space<vmem>>, vector<1x1x16xf32>,
        %swap3A_496 = vector.shape_cast %swap3A_495 : vector<1x1x16xf32> to vector<16xf32>
        %swap3A_497 = vector.shape_cast %get3A_490 : vector<16xf32> to vector<1x1x16xf32>
        tpu.vector_store %arg9[%swap3A_492, %swap3A_493, %swap3A_494], %swap3A_497 {add = true, strides = array<i32>} : memref<4x40x128xf32, #tpu.memory_space<vmem>>, vector<1x1x16xf32>,
        %swap3A_498 = arith.constant 1 : i32
        %swap3A_499 = arith.index_cast %swap3A_498 : i32 to index
        %swap3A_500 = arith.index_cast %scan3A_296 : i32 to index
        %swap3A_501 = arith.constant 96 : index
        %swap3A_502 = tpu.vector_load %arg9[%swap3A_499, %swap3A_500, %swap3A_501] {strides = array<i32>} : memref<4x40x128xf32, #tpu.memory_space<vmem>>, vector<1x1x16xf32>,
        %swap3A_503 = vector.shape_cast %swap3A_502 : vector<1x1x16xf32> to vector<16xf32>
        %swap3A_504 = vector.shape_cast %get3A_490 : vector<16xf32> to vector<1x1x16xf32>
        tpu.vector_store %arg9[%swap3A_499, %swap3A_500, %swap3A_501], %swap3A_504 {add = true, strides = array<i32>} : memref<4x40x128xf32, #tpu.memory_space<vmem>>, vector<1x1x16xf32>,
        %swap3A_505 = arith.constant 2 : i32
        %swap3A_506 = arith.index_cast %swap3A_505 : i32 to index
        %swap3A_507 = arith.index_cast %scan3A_296 : i32 to index
        %swap3A_508 = arith.constant 96 : index
        %swap3A_509 = tpu.vector_load %arg9[%swap3A_506, %swap3A_507, %swap3A_508] {strides = array<i32>} : memref<4x40x128xf32, #tpu.memory_space<vmem>>, vector<1x1x16xf32>,
        %swap3A_510 = vector.shape_cast %swap3A_509 : vector<1x1x16xf32> to vector<16xf32>
        %swap3A_511 = vector.shape_cast %get3A_490 : vector<16xf32> to vector<1x1x16xf32>
        tpu.vector_store %arg9[%swap3A_506, %swap3A_507, %swap3A_508], %swap3A_511 {add = true, strides = array<i32>} : memref<4x40x128xf32, #tpu.memory_space<vmem>>, vector<1x1x16xf32>,
        %swap3A_512 = arith.constant 3 : i32
        %swap3A_513 = arith.index_cast %swap3A_512 : i32 to index
        %swap3A_514 = arith.index_cast %scan3A_296 : i32 to index
        %swap3A_515 = arith.constant 96 : index
        %swap3A_516 = tpu.vector_load %arg9[%swap3A_513, %swap3A_514, %swap3A_515] {strides = array<i32>} : memref<4x40x128xf32, #tpu.memory_space<vmem>>, vector<1x1x16xf32>,
        %swap3A_517 = vector.shape_cast %swap3A_516 : vector<1x1x16xf32> to vector<16xf32>
        %swap3A_518 = vector.shape_cast %get3A_490 : vector<16xf32> to vector<1x1x16xf32>
        tpu.vector_store %arg9[%swap3A_513, %swap3A_514, %swap3A_515], %swap3A_518 {add = true, strides = array<i32>} : memref<4x40x128xf32, #tpu.memory_space<vmem>>, vector<1x1x16xf32>,
        %get3A_519 = arith.index_cast %scan3A_296 : i32 to index
        %get3A_520 = arith.constant 112 : index
        %get3A_521 = tpu.vector_load %arg5[%get3A_519, %get3A_520] {strides = array<i32>} : memref<40x128xf32, #tpu.memory_space<vmem>>, vector<1x16xf32>,
        %get3A_522 = vector.shape_cast %get3A_521 : vector<1x16xf32> to vector<16xf32>
        %swap3A_523 = arith.constant 0 : i32
        %swap3A_524 = arith.index_cast %swap3A_523 : i32 to index
        %swap3A_525 = arith.index_cast %scan3A_296 : i32 to index
        %swap3A_526 = arith.constant 112 : index
        %swap3A_527 = tpu.vector_load %arg9[%swap3A_524, %swap3A_525, %swap3A_526] {strides = array<i32>} : memref<4x40x128xf32, #tpu.memory_space<vmem>>, vector<1x1x16xf32>,
        %swap3A_528 = vector.shape_cast %swap3A_527 : vector<1x1x16xf32> to vector<16xf32>
        %swap3A_529 = vector.shape_cast %get3A_522 : vector<16xf32> to vector<1x1x16xf32>
        tpu.vector_store %arg9[%swap3A_524, %swap3A_525, %swap3A_526], %swap3A_529 {add = true, strides = array<i32>} : memref<4x40x128xf32, #tpu.memory_space<vmem>>, vector<1x1x16xf32>,
        %swap3A_530 = arith.constant 1 : i32
        %swap3A_531 = arith.index_cast %swap3A_530 : i32 to index
        %swap3A_532 = arith.index_cast %scan3A_296 : i32 to index
        %swap3A_533 = arith.constant 112 : index
        %swap3A_534 = tpu.vector_load %arg9[%swap3A_531, %swap3A_532, %swap3A_533] {strides = array<i32>} : memref<4x40x128xf32, #tpu.memory_space<vmem>>, vector<1x1x16xf32>,
        %swap3A_535 = vector.shape_cast %swap3A_534 : vector<1x1x16xf32> to vector<16xf32>
        %swap3A_536 = vector.shape_cast %get3A_522 : vector<16xf32> to vector<1x1x16xf32>
        tpu.vector_store %arg9[%swap3A_531, %swap3A_532, %swap3A_533], %swap3A_536 {add = true, strides = array<i32>} : memref<4x40x128xf32, #tpu.memory_space<vmem>>, vector<1x1x16xf32>,
        %swap3A_537 = arith.constant 2 : i32
        %swap3A_538 = arith.index_cast %swap3A_537 : i32 to index
        %swap3A_539 = arith.index_cast %scan3A_296 : i32 to index
        %swap3A_540 = arith.constant 112 : index
        %swap3A_541 = tpu.vector_load %arg9[%swap3A_538, %swap3A_539, %swap3A_540] {strides = array<i32>} : memref<4x40x128xf32, #tpu.memory_space<vmem>>, vector<1x1x16xf32>,
        %swap3A_542 = vector.shape_cast %swap3A_541 : vector<1x1x16xf32> to vector<16xf32>
        %swap3A_543 = vector.shape_cast %get3A_522 : vector<16xf32> to vector<1x1x16xf32>
        tpu.vector_store %arg9[%swap3A_538, %swap3A_539, %swap3A_540], %swap3A_543 {add = true, strides = array<i32>} : memref<4x40x128xf32, #tpu.memory_space<vmem>>, vector<1x1x16xf32>,
        %swap3A_544 = arith.constant 3 : i32
        %swap3A_545 = arith.index_cast %swap3A_544 : i32 to index
        %swap3A_546 = arith.index_cast %scan3A_296 : i32 to index
        %swap3A_547 = arith.constant 112 : index
        %swap3A_548 = tpu.vector_load %arg9[%swap3A_545, %swap3A_546, %swap3A_547] {strides = array<i32>} : memref<4x40x128xf32, #tpu.memory_space<vmem>>, vector<1x1x16xf32>,
        %swap3A_549 = vector.shape_cast %swap3A_548 : vector<1x1x16xf32> to vector<16xf32>
        %swap3A_550 = vector.shape_cast %get3A_522 : vector<16xf32> to vector<1x1x16xf32>
        tpu.vector_store %arg9[%swap3A_545, %swap3A_546, %swap3A_547], %swap3A_550 {add = true, strides = array<i32>} : memref<4x40x128xf32, #tpu.memory_space<vmem>>, vector<1x1x16xf32>,
      }
      %scan3A_215 = arith.constant 40 : i32
      %mul3A_216 = arith.constant 4 : i32
      %mul3A_217 = arith.muli %add3A_203, %mul3A_216 : i32
      %add3A_218 = arith.addi %mul3A_2, %mul3A_217 : i32
      %dma_start3A_219 = arith.constant 0 : i32
      %dma_start3A_220 = arith.constant 0 : i32
      %dma_start3A_221 = tpu.memref_slice %arg4[%add3A_218, %dma_start3A_219, %dma_start3A_220] : memref<16384x40x128xf32, #tpu.memory_space<hbm>> -> memref<4x40x128xf32, #tpu.memory_space<hbm>>
      %dma_start3A_222 = arith.constant 0 : i32
      %dma_start3A_223 = arith.constant 0 : i32
      %dma_start3A_224 = tpu.memref_slice %arg4[%add3A_218, %dma_start3A_222, %dma_start3A_223] : memref<16384x40x128xf32, #tpu.memory_space<hbm>> -> memref<4x40x128xf32, #tpu.memory_space<hbm>>
      tpu.enqueue_dma source(%arg9 : memref<4x40x128xf32, #tpu.memory_space<vmem>>) target(%dma_start3A_224 : memref<4x40x128xf32, #tpu.memory_space<hbm>>) target_semaphore(%arg21 : memref<!tpu.dma_semaphore, #tpu.memory_space<semaphore_mem>>)
      %add3A_225 = arith.constant 3 : i32
      %add3A_226 = arith.addi %add3A_203, %add3A_225 : i32
      %lt3A_227 = arith.constant 128 : i32
      %lt3A_228 = arith.cmpi slt, %add3A_226, %lt3A_227 : i32
      %convert_element_type3A_229 = arith.extui %lt3A_228 : i1 to i32
      %cond3A_230 = arith.constant 0 : i32
      %cond3A_231 = arith.cmpi ne, %convert_element_type3A_229, %cond3A_230 : i32
      scf.if %cond3A_231 {
        %ge3A = arith.constant 3 : i32
        %ge3A_296 = arith.cmpi sge, %add3A_203, %ge3A : i32
        %convert_element_type3A_297 = arith.extui %ge3A_296 : i1 to i32
        %cond3A_298 = arith.constant 0 : i32
        %cond3A_299 = arith.cmpi ne, %convert_element_type3A_297, %cond3A_298 : i32
        scf.if %cond3A_299 {
          %dma_wait3A_311 = arith.constant 0 : i32
          %dma_wait3A_312 = arith.constant 0 : i32
          %dma_wait3A_313 = tpu.memref_slice %arg4[%mul3A_2, %dma_wait3A_311, %dma_wait3A_312] : memref<16384x40x128xf32, #tpu.memory_space<hbm>> -> memref<4x40x128xf32, #tpu.memory_space<hbm>>
          %dma_wait3A_314 = arith.constant 0 : i32
          %dma_wait3A_315 = arith.constant 0 : i32
          %dma_wait3A_316 = tpu.memref_slice %arg4[%mul3A_2, %dma_wait3A_314, %dma_wait3A_315] : memref<16384x40x128xf32, #tpu.memory_space<hbm>> -> memref<4x40x128xf32, #tpu.memory_space<hbm>>
          tpu.wait_dma2 semaphore(%arg18 : memref<!tpu.dma_semaphore, #tpu.memory_space<semaphore_mem>>) src(%arg6 : memref<4x40x128xf32, #tpu.memory_space<vmem>>) dst(%dma_wait3A_316 : memref<4x40x128xf32, #tpu.memory_space<hbm>>)
        } else {
        }
        %add3A_300 = arith.constant 3 : i32
        %add3A_301 = arith.addi %add3A_203, %add3A_300 : i32
        %mul3A_302 = arith.constant 4 : i32
        %mul3A_303 = arith.muli %add3A_301, %mul3A_302 : i32
        %add3A_304 = arith.addi %mul3A_2, %mul3A_303 : i32
        %dma_start3A_305 = arith.constant 0 : i32
        %dma_start3A_306 = arith.constant 0 : i32
        %dma_start3A_307 = tpu.memref_slice %arg2[%add3A_304, %dma_start3A_305, %dma_start3A_306] : memref<16384x40x128xf32, #tpu.memory_space<hbm>> -> memref<4x40x128xf32, #tpu.memory_space<hbm>>
        %dma_start3A_308 = arith.constant 0 : i32
        %dma_start3A_309 = arith.constant 0 : i32
        %dma_start3A_310 = tpu.memref_slice %arg2[%add3A_304, %dma_start3A_308, %dma_start3A_309] : memref<16384x40x128xf32, #tpu.memory_space<hbm>> -> memref<4x40x128xf32, #tpu.memory_space<hbm>>
        tpu.enqueue_dma source(%dma_start3A_310 : memref<4x40x128xf32, #tpu.memory_space<hbm>>) target(%arg6 : memref<4x40x128xf32, #tpu.memory_space<vmem>>) target_semaphore(%arg12 : memref<!tpu.dma_semaphore, #tpu.memory_space<semaphore_mem>>)
      } else {
      }
      %mul3A_232 = arith.constant 6 : i32
      %mul3A_233 = arith.muli %scan3A_106, %mul3A_232 : i32
      %add3A_234 = arith.constant 4 : i32
      %add3A_235 = arith.addi %mul3A_233, %add3A_234 : i32
      %dma_wait3A_236 = arith.constant 0 : i32
      %dma_wait3A_237 = arith.constant 0 : i32
      %dma_wait3A_238 = tpu.memref_slice %arg2[%mul3A_2, %dma_wait3A_236, %dma_wait3A_237] : memref<16384x40x128xf32, #tpu.memory_space<hbm>> -> memref<4x40x128xf32, #tpu.memory_space<hbm>>
      %dma_wait3A_239 = arith.constant 0 : i32
      %dma_wait3A_240 = arith.constant 0 : i32
      %dma_wait3A_241 = tpu.memref_slice %arg2[%mul3A_2, %dma_wait3A_239, %dma_wait3A_240] : memref<16384x40x128xf32, #tpu.memory_space<hbm>> -> memref<4x40x128xf32, #tpu.memory_space<hbm>>
      tpu.wait_dma2 semaphore(%arg16 : memref<!tpu.dma_semaphore, #tpu.memory_space<semaphore_mem>>) src(%dma_wait3A_241 : memref<4x40x128xf32, #tpu.memory_space<hbm>>) dst(%arg10 : memref<4x40x128xf32, #tpu.memory_space<vmem>>)
      %scan3A_242 = arith.constant 0 : i32
      %scan3A_243 = arith.constant 0 : i32
      %scan3A_244 = arith.constant 40 : i32
      %scan3A_245 = arith.addi %scan3A_243, %scan3A_244 : i32
      %scan3A_246 = arith.constant 1 : i32
      scf.for %scan3A_296 = %scan3A_243 to %scan3A_245 step %scan3A_246  : i32 {
        %get3A = arith.index_cast %scan3A_296 : i32 to index
        %get3A_297 = arith.constant 0 : index
        %get3A_298 = tpu.vector_load %arg5[%get3A, %get3A_297] {strides = array<i32>} : memref<40x128xf32, #tpu.memory_space<vmem>>, vector<1x16xf32>,
        %get3A_299 = vector.shape_cast %get3A_298 : vector<1x16xf32> to vector<16xf32>
        %swap3A = arith.constant 0 : i32
        %swap3A_300 = arith.index_cast %swap3A : i32 to index
        %swap3A_301 = arith.index_cast %scan3A_296 : i32 to index
        %swap3A_302 = arith.constant 0 : index
        %swap3A_303 = tpu.vector_load %arg10[%swap3A_300, %swap3A_301, %swap3A_302] {strides = array<i32>} : memref<4x40x128xf32, #tpu.memory_space<vmem>>, vector<1x1x16xf32>,
        %swap3A_304 = vector.shape_cast %swap3A_303 : vector<1x1x16xf32> to vector<16xf32>
        %swap3A_305 = vector.shape_cast %get3A_299 : vector<16xf32> to vector<1x1x16xf32>
        tpu.vector_store %arg10[%swap3A_300, %swap3A_301, %swap3A_302], %swap3A_305 {add = true, strides = array<i32>} : memref<4x40x128xf32, #tpu.memory_space<vmem>>, vector<1x1x16xf32>,
        %swap3A_306 = arith.constant 1 : i32
        %swap3A_307 = arith.index_cast %swap3A_306 : i32 to index
        %swap3A_308 = arith.index_cast %scan3A_296 : i32 to index
        %swap3A_309 = arith.constant 0 : index
        %swap3A_310 = tpu.vector_load %arg10[%swap3A_307, %swap3A_308, %swap3A_309] {strides = array<i32>} : memref<4x40x128xf32, #tpu.memory_space<vmem>>, vector<1x1x16xf32>,
        %swap3A_311 = vector.shape_cast %swap3A_310 : vector<1x1x16xf32> to vector<16xf32>
        %swap3A_312 = vector.shape_cast %get3A_299 : vector<16xf32> to vector<1x1x16xf32>
        tpu.vector_store %arg10[%swap3A_307, %swap3A_308, %swap3A_309], %swap3A_312 {add = true, strides = array<i32>} : memref<4x40x128xf32, #tpu.memory_space<vmem>>, vector<1x1x16xf32>,
        %swap3A_313 = arith.constant 2 : i32
        %swap3A_314 = arith.index_cast %swap3A_313 : i32 to index
        %swap3A_315 = arith.index_cast %scan3A_296 : i32 to index
        %swap3A_316 = arith.constant 0 : index
        %swap3A_317 = tpu.vector_load %arg10[%swap3A_314, %swap3A_315, %swap3A_316] {strides = array<i32>} : memref<4x40x128xf32, #tpu.memory_space<vmem>>, vector<1x1x16xf32>,
        %swap3A_318 = vector.shape_cast %swap3A_317 : vector<1x1x16xf32> to vector<16xf32>
        %swap3A_319 = vector.shape_cast %get3A_299 : vector<16xf32> to vector<1x1x16xf32>
        tpu.vector_store %arg10[%swap3A_314, %swap3A_315, %swap3A_316], %swap3A_319 {add = true, strides = array<i32>} : memref<4x40x128xf32, #tpu.memory_space<vmem>>, vector<1x1x16xf32>,
        %swap3A_320 = arith.constant 3 : i32
        %swap3A_321 = arith.index_cast %swap3A_320 : i32 to index
        %swap3A_322 = arith.index_cast %scan3A_296 : i32 to index
        %swap3A_323 = arith.constant 0 : index
        %swap3A_324 = tpu.vector_load %arg10[%swap3A_321, %swap3A_322, %swap3A_323] {strides = array<i32>} : memref<4x40x128xf32, #tpu.memory_space<vmem>>, vector<1x1x16xf32>,
        %swap3A_325 = vector.shape_cast %swap3A_324 : vector<1x1x16xf32> to vector<16xf32>
        %swap3A_326 = vector.shape_cast %get3A_299 : vector<16xf32> to vector<1x1x16xf32>
        tpu.vector_store %arg10[%swap3A_321, %swap3A_322, %swap3A_323], %swap3A_326 {add = true, strides = array<i32>} : memref<4x40x128xf32, #tpu.memory_space<vmem>>, vector<1x1x16xf32>,
        %get3A_327 = arith.index_cast %scan3A_296 : i32 to index
        %get3A_328 = arith.constant 16 : index
        %get3A_329 = tpu.vector_load %arg5[%get3A_327, %get3A_328] {strides = array<i32>} : memref<40x128xf32, #tpu.memory_space<vmem>>, vector<1x16xf32>,
        %get3A_330 = vector.shape_cast %get3A_329 : vector<1x16xf32> to vector<16xf32>
        %swap3A_331 = arith.constant 0 : i32
        %swap3A_332 = arith.index_cast %swap3A_331 : i32 to index
        %swap3A_333 = arith.index_cast %scan3A_296 : i32 to index
        %swap3A_334 = arith.constant 16 : index
        %swap3A_335 = tpu.vector_load %arg10[%swap3A_332, %swap3A_333, %swap3A_334] {strides = array<i32>} : memref<4x40x128xf32, #tpu.memory_space<vmem>>, vector<1x1x16xf32>,
        %swap3A_336 = vector.shape_cast %swap3A_335 : vector<1x1x16xf32> to vector<16xf32>
        %swap3A_337 = vector.shape_cast %get3A_330 : vector<16xf32> to vector<1x1x16xf32>
        tpu.vector_store %arg10[%swap3A_332, %swap3A_333, %swap3A_334], %swap3A_337 {add = true, strides = array<i32>} : memref<4x40x128xf32, #tpu.memory_space<vmem>>, vector<1x1x16xf32>,
        %swap3A_338 = arith.constant 1 : i32
        %swap3A_339 = arith.index_cast %swap3A_338 : i32 to index
        %swap3A_340 = arith.index_cast %scan3A_296 : i32 to index
        %swap3A_341 = arith.constant 16 : index
        %swap3A_342 = tpu.vector_load %arg10[%swap3A_339, %swap3A_340, %swap3A_341] {strides = array<i32>} : memref<4x40x128xf32, #tpu.memory_space<vmem>>, vector<1x1x16xf32>,
        %swap3A_343 = vector.shape_cast %swap3A_342 : vector<1x1x16xf32> to vector<16xf32>
        %swap3A_344 = vector.shape_cast %get3A_330 : vector<16xf32> to vector<1x1x16xf32>
        tpu.vector_store %arg10[%swap3A_339, %swap3A_340, %swap3A_341], %swap3A_344 {add = true, strides = array<i32>} : memref<4x40x128xf32, #tpu.memory_space<vmem>>, vector<1x1x16xf32>,
        %swap3A_345 = arith.constant 2 : i32
        %swap3A_346 = arith.index_cast %swap3A_345 : i32 to index
        %swap3A_347 = arith.index_cast %scan3A_296 : i32 to index
        %swap3A_348 = arith.constant 16 : index
        %swap3A_349 = tpu.vector_load %arg10[%swap3A_346, %swap3A_347, %swap3A_348] {strides = array<i32>} : memref<4x40x128xf32, #tpu.memory_space<vmem>>, vector<1x1x16xf32>,
        %swap3A_350 = vector.shape_cast %swap3A_349 : vector<1x1x16xf32> to vector<16xf32>
        %swap3A_351 = vector.shape_cast %get3A_330 : vector<16xf32> to vector<1x1x16xf32>
        tpu.vector_store %arg10[%swap3A_346, %swap3A_347, %swap3A_348], %swap3A_351 {add = true, strides = array<i32>} : memref<4x40x128xf32, #tpu.memory_space<vmem>>, vector<1x1x16xf32>,
        %swap3A_352 = arith.constant 3 : i32
        %swap3A_353 = arith.index_cast %swap3A_352 : i32 to index
        %swap3A_354 = arith.index_cast %scan3A_296 : i32 to index
        %swap3A_355 = arith.constant 16 : index
        %swap3A_356 = tpu.vector_load %arg10[%swap3A_353, %swap3A_354, %swap3A_355] {strides = array<i32>} : memref<4x40x128xf32, #tpu.memory_space<vmem>>, vector<1x1x16xf32>,
        %swap3A_357 = vector.shape_cast %swap3A_356 : vector<1x1x16xf32> to vector<16xf32>
        %swap3A_358 = vector.shape_cast %get3A_330 : vector<16xf32> to vector<1x1x16xf32>
        tpu.vector_store %arg10[%swap3A_353, %swap3A_354, %swap3A_355], %swap3A_358 {add = true, strides = array<i32>} : memref<4x40x128xf32, #tpu.memory_space<vmem>>, vector<1x1x16xf32>,
        %get3A_359 = arith.index_cast %scan3A_296 : i32 to index
        %get3A_360 = arith.constant 32 : index
        %get3A_361 = tpu.vector_load %arg5[%get3A_359, %get3A_360] {strides = array<i32>} : memref<40x128xf32, #tpu.memory_space<vmem>>, vector<1x16xf32>,
        %get3A_362 = vector.shape_cast %get3A_361 : vector<1x16xf32> to vector<16xf32>
        %swap3A_363 = arith.constant 0 : i32
        %swap3A_364 = arith.index_cast %swap3A_363 : i32 to index
        %swap3A_365 = arith.index_cast %scan3A_296 : i32 to index
        %swap3A_366 = arith.constant 32 : index
        %swap3A_367 = tpu.vector_load %arg10[%swap3A_364, %swap3A_365, %swap3A_366] {strides = array<i32>} : memref<4x40x128xf32, #tpu.memory_space<vmem>>, vector<1x1x16xf32>,
        %swap3A_368 = vector.shape_cast %swap3A_367 : vector<1x1x16xf32> to vector<16xf32>
        %swap3A_369 = vector.shape_cast %get3A_362 : vector<16xf32> to vector<1x1x16xf32>
        tpu.vector_store %arg10[%swap3A_364, %swap3A_365, %swap3A_366], %swap3A_369 {add = true, strides = array<i32>} : memref<4x40x128xf32, #tpu.memory_space<vmem>>, vector<1x1x16xf32>,
        %swap3A_370 = arith.constant 1 : i32
        %swap3A_371 = arith.index_cast %swap3A_370 : i32 to index
        %swap3A_372 = arith.index_cast %scan3A_296 : i32 to index
        %swap3A_373 = arith.constant 32 : index
        %swap3A_374 = tpu.vector_load %arg10[%swap3A_371, %swap3A_372, %swap3A_373] {strides = array<i32>} : memref<4x40x128xf32, #tpu.memory_space<vmem>>, vector<1x1x16xf32>,
        %swap3A_375 = vector.shape_cast %swap3A_374 : vector<1x1x16xf32> to vector<16xf32>
        %swap3A_376 = vector.shape_cast %get3A_362 : vector<16xf32> to vector<1x1x16xf32>
        tpu.vector_store %arg10[%swap3A_371, %swap3A_372, %swap3A_373], %swap3A_376 {add = true, strides = array<i32>} : memref<4x40x128xf32, #tpu.memory_space<vmem>>, vector<1x1x16xf32>,
        %swap3A_377 = arith.constant 2 : i32
        %swap3A_378 = arith.index_cast %swap3A_377 : i32 to index
        %swap3A_379 = arith.index_cast %scan3A_296 : i32 to index
        %swap3A_380 = arith.constant 32 : index
        %swap3A_381 = tpu.vector_load %arg10[%swap3A_378, %swap3A_379, %swap3A_380] {strides = array<i32>} : memref<4x40x128xf32, #tpu.memory_space<vmem>>, vector<1x1x16xf32>,
        %swap3A_382 = vector.shape_cast %swap3A_381 : vector<1x1x16xf32> to vector<16xf32>
        %swap3A_383 = vector.shape_cast %get3A_362 : vector<16xf32> to vector<1x1x16xf32>
        tpu.vector_store %arg10[%swap3A_378, %swap3A_379, %swap3A_380], %swap3A_383 {add = true, strides = array<i32>} : memref<4x40x128xf32, #tpu.memory_space<vmem>>, vector<1x1x16xf32>,
        %swap3A_384 = arith.constant 3 : i32
        %swap3A_385 = arith.index_cast %swap3A_384 : i32 to index
        %swap3A_386 = arith.index_cast %scan3A_296 : i32 to index
        %swap3A_387 = arith.constant 32 : index
        %swap3A_388 = tpu.vector_load %arg10[%swap3A_385, %swap3A_386, %swap3A_387] {strides = array<i32>} : memref<4x40x128xf32, #tpu.memory_space<vmem>>, vector<1x1x16xf32>,
        %swap3A_389 = vector.shape_cast %swap3A_388 : vector<1x1x16xf32> to vector<16xf32>
        %swap3A_390 = vector.shape_cast %get3A_362 : vector<16xf32> to vector<1x1x16xf32>
        tpu.vector_store %arg10[%swap3A_385, %swap3A_386, %swap3A_387], %swap3A_390 {add = true, strides = array<i32>} : memref<4x40x128xf32, #tpu.memory_space<vmem>>, vector<1x1x16xf32>,
        %get3A_391 = arith.index_cast %scan3A_296 : i32 to index
        %get3A_392 = arith.constant 48 : index
        %get3A_393 = tpu.vector_load %arg5[%get3A_391, %get3A_392] {strides = array<i32>} : memref<40x128xf32, #tpu.memory_space<vmem>>, vector<1x16xf32>,
        %get3A_394 = vector.shape_cast %get3A_393 : vector<1x16xf32> to vector<16xf32>
        %swap3A_395 = arith.constant 0 : i32
        %swap3A_396 = arith.index_cast %swap3A_395 : i32 to index
        %swap3A_397 = arith.index_cast %scan3A_296 : i32 to index
        %swap3A_398 = arith.constant 48 : index
        %swap3A_399 = tpu.vector_load %arg10[%swap3A_396, %swap3A_397, %swap3A_398] {strides = array<i32>} : memref<4x40x128xf32, #tpu.memory_space<vmem>>, vector<1x1x16xf32>,
        %swap3A_400 = vector.shape_cast %swap3A_399 : vector<1x1x16xf32> to vector<16xf32>
        %swap3A_401 = vector.shape_cast %get3A_394 : vector<16xf32> to vector<1x1x16xf32>
        tpu.vector_store %arg10[%swap3A_396, %swap3A_397, %swap3A_398], %swap3A_401 {add = true, strides = array<i32>} : memref<4x40x128xf32, #tpu.memory_space<vmem>>, vector<1x1x16xf32>,
        %swap3A_402 = arith.constant 1 : i32
        %swap3A_403 = arith.index_cast %swap3A_402 : i32 to index
        %swap3A_404 = arith.index_cast %scan3A_296 : i32 to index
        %swap3A_405 = arith.constant 48 : index
        %swap3A_406 = tpu.vector_load %arg10[%swap3A_403, %swap3A_404, %swap3A_405] {strides = array<i32>} : memref<4x40x128xf32, #tpu.memory_space<vmem>>, vector<1x1x16xf32>,
        %swap3A_407 = vector.shape_cast %swap3A_406 : vector<1x1x16xf32> to vector<16xf32>
        %swap3A_408 = vector.shape_cast %get3A_394 : vector<16xf32> to vector<1x1x16xf32>
        tpu.vector_store %arg10[%swap3A_403, %swap3A_404, %swap3A_405], %swap3A_408 {add = true, strides = array<i32>} : memref<4x40x128xf32, #tpu.memory_space<vmem>>, vector<1x1x16xf32>,
        %swap3A_409 = arith.constant 2 : i32
        %swap3A_410 = arith.index_cast %swap3A_409 : i32 to index
        %swap3A_411 = arith.index_cast %scan3A_296 : i32 to index
        %swap3A_412 = arith.constant 48 : index
        %swap3A_413 = tpu.vector_load %arg10[%swap3A_410, %swap3A_411, %swap3A_412] {strides = array<i32>} : memref<4x40x128xf32, #tpu.memory_space<vmem>>, vector<1x1x16xf32>,
        %swap3A_414 = vector.shape_cast %swap3A_413 : vector<1x1x16xf32> to vector<16xf32>
        %swap3A_415 = vector.shape_cast %get3A_394 : vector<16xf32> to vector<1x1x16xf32>
        tpu.vector_store %arg10[%swap3A_410, %swap3A_411, %swap3A_412], %swap3A_415 {add = true, strides = array<i32>} : memref<4x40x128xf32, #tpu.memory_space<vmem>>, vector<1x1x16xf32>,
        %swap3A_416 = arith.constant 3 : i32
        %swap3A_417 = arith.index_cast %swap3A_416 : i32 to index
        %swap3A_418 = arith.index_cast %scan3A_296 : i32 to index
        %swap3A_419 = arith.constant 48 : index
        %swap3A_420 = tpu.vector_load %arg10[%swap3A_417, %swap3A_418, %swap3A_419] {strides = array<i32>} : memref<4x40x128xf32, #tpu.memory_space<vmem>>, vector<1x1x16xf32>,
        %swap3A_421 = vector.shape_cast %swap3A_420 : vector<1x1x16xf32> to vector<16xf32>
        %swap3A_422 = vector.shape_cast %get3A_394 : vector<16xf32> to vector<1x1x16xf32>
        tpu.vector_store %arg10[%swap3A_417, %swap3A_418, %swap3A_419], %swap3A_422 {add = true, strides = array<i32>} : memref<4x40x128xf32, #tpu.memory_space<vmem>>, vector<1x1x16xf32>,
        %get3A_423 = arith.index_cast %scan3A_296 : i32 to index
        %get3A_424 = arith.constant 64 : index
        %get3A_425 = tpu.vector_load %arg5[%get3A_423, %get3A_424] {strides = array<i32>} : memref<40x128xf32, #tpu.memory_space<vmem>>, vector<1x16xf32>,
        %get3A_426 = vector.shape_cast %get3A_425 : vector<1x16xf32> to vector<16xf32>
        %swap3A_427 = arith.constant 0 : i32
        %swap3A_428 = arith.index_cast %swap3A_427 : i32 to index
        %swap3A_429 = arith.index_cast %scan3A_296 : i32 to index
        %swap3A_430 = arith.constant 64 : index
        %swap3A_431 = tpu.vector_load %arg10[%swap3A_428, %swap3A_429, %swap3A_430] {strides = array<i32>} : memref<4x40x128xf32, #tpu.memory_space<vmem>>, vector<1x1x16xf32>,
        %swap3A_432 = vector.shape_cast %swap3A_431 : vector<1x1x16xf32> to vector<16xf32>
        %swap3A_433 = vector.shape_cast %get3A_426 : vector<16xf32> to vector<1x1x16xf32>
        tpu.vector_store %arg10[%swap3A_428, %swap3A_429, %swap3A_430], %swap3A_433 {add = true, strides = array<i32>} : memref<4x40x128xf32, #tpu.memory_space<vmem>>, vector<1x1x16xf32>,
        %swap3A_434 = arith.constant 1 : i32
        %swap3A_435 = arith.index_cast %swap3A_434 : i32 to index
        %swap3A_436 = arith.index_cast %scan3A_296 : i32 to index
        %swap3A_437 = arith.constant 64 : index
        %swap3A_438 = tpu.vector_load %arg10[%swap3A_435, %swap3A_436, %swap3A_437] {strides = array<i32>} : memref<4x40x128xf32, #tpu.memory_space<vmem>>, vector<1x1x16xf32>,
        %swap3A_439 = vector.shape_cast %swap3A_438 : vector<1x1x16xf32> to vector<16xf32>
        %swap3A_440 = vector.shape_cast %get3A_426 : vector<16xf32> to vector<1x1x16xf32>
        tpu.vector_store %arg10[%swap3A_435, %swap3A_436, %swap3A_437], %swap3A_440 {add = true, strides = array<i32>} : memref<4x40x128xf32, #tpu.memory_space<vmem>>, vector<1x1x16xf32>,
        %swap3A_441 = arith.constant 2 : i32
        %swap3A_442 = arith.index_cast %swap3A_441 : i32 to index
        %swap3A_443 = arith.index_cast %scan3A_296 : i32 to index
        %swap3A_444 = arith.constant 64 : index
        %swap3A_445 = tpu.vector_load %arg10[%swap3A_442, %swap3A_443, %swap3A_444] {strides = array<i32>} : memref<4x40x128xf32, #tpu.memory_space<vmem>>, vector<1x1x16xf32>,
        %swap3A_446 = vector.shape_cast %swap3A_445 : vector<1x1x16xf32> to vector<16xf32>
        %swap3A_447 = vector.shape_cast %get3A_426 : vector<16xf32> to vector<1x1x16xf32>
        tpu.vector_store %arg10[%swap3A_442, %swap3A_443, %swap3A_444], %swap3A_447 {add = true, strides = array<i32>} : memref<4x40x128xf32, #tpu.memory_space<vmem>>, vector<1x1x16xf32>,
        %swap3A_448 = arith.constant 3 : i32
        %swap3A_449 = arith.index_cast %swap3A_448 : i32 to index
        %swap3A_450 = arith.index_cast %scan3A_296 : i32 to index
        %swap3A_451 = arith.constant 64 : index
        %swap3A_452 = tpu.vector_load %arg10[%swap3A_449, %swap3A_450, %swap3A_451] {strides = array<i32>} : memref<4x40x128xf32, #tpu.memory_space<vmem>>, vector<1x1x16xf32>,
        %swap3A_453 = vector.shape_cast %swap3A_452 : vector<1x1x16xf32> to vector<16xf32>
        %swap3A_454 = vector.shape_cast %get3A_426 : vector<16xf32> to vector<1x1x16xf32>
        tpu.vector_store %arg10[%swap3A_449, %swap3A_450, %swap3A_451], %swap3A_454 {add = true, strides = array<i32>} : memref<4x40x128xf32, #tpu.memory_space<vmem>>, vector<1x1x16xf32>,
        %get3A_455 = arith.index_cast %scan3A_296 : i32 to index
        %get3A_456 = arith.constant 80 : index
        %get3A_457 = tpu.vector_load %arg5[%get3A_455, %get3A_456] {strides = array<i32>} : memref<40x128xf32, #tpu.memory_space<vmem>>, vector<1x16xf32>,
        %get3A_458 = vector.shape_cast %get3A_457 : vector<1x16xf32> to vector<16xf32>
        %swap3A_459 = arith.constant 0 : i32
        %swap3A_460 = arith.index_cast %swap3A_459 : i32 to index
        %swap3A_461 = arith.index_cast %scan3A_296 : i32 to index
        %swap3A_462 = arith.constant 80 : index
        %swap3A_463 = tpu.vector_load %arg10[%swap3A_460, %swap3A_461, %swap3A_462] {strides = array<i32>} : memref<4x40x128xf32, #tpu.memory_space<vmem>>, vector<1x1x16xf32>,
        %swap3A_464 = vector.shape_cast %swap3A_463 : vector<1x1x16xf32> to vector<16xf32>
        %swap3A_465 = vector.shape_cast %get3A_458 : vector<16xf32> to vector<1x1x16xf32>
        tpu.vector_store %arg10[%swap3A_460, %swap3A_461, %swap3A_462], %swap3A_465 {add = true, strides = array<i32>} : memref<4x40x128xf32, #tpu.memory_space<vmem>>, vector<1x1x16xf32>,
        %swap3A_466 = arith.constant 1 : i32
        %swap3A_467 = arith.index_cast %swap3A_466 : i32 to index
        %swap3A_468 = arith.index_cast %scan3A_296 : i32 to index
        %swap3A_469 = arith.constant 80 : index
        %swap3A_470 = tpu.vector_load %arg10[%swap3A_467, %swap3A_468, %swap3A_469] {strides = array<i32>} : memref<4x40x128xf32, #tpu.memory_space<vmem>>, vector<1x1x16xf32>,
        %swap3A_471 = vector.shape_cast %swap3A_470 : vector<1x1x16xf32> to vector<16xf32>
        %swap3A_472 = vector.shape_cast %get3A_458 : vector<16xf32> to vector<1x1x16xf32>
        tpu.vector_store %arg10[%swap3A_467, %swap3A_468, %swap3A_469], %swap3A_472 {add = true, strides = array<i32>} : memref<4x40x128xf32, #tpu.memory_space<vmem>>, vector<1x1x16xf32>,
        %swap3A_473 = arith.constant 2 : i32
        %swap3A_474 = arith.index_cast %swap3A_473 : i32 to index
        %swap3A_475 = arith.index_cast %scan3A_296 : i32 to index
        %swap3A_476 = arith.constant 80 : index
        %swap3A_477 = tpu.vector_load %arg10[%swap3A_474, %swap3A_475, %swap3A_476] {strides = array<i32>} : memref<4x40x128xf32, #tpu.memory_space<vmem>>, vector<1x1x16xf32>,
        %swap3A_478 = vector.shape_cast %swap3A_477 : vector<1x1x16xf32> to vector<16xf32>
        %swap3A_479 = vector.shape_cast %get3A_458 : vector<16xf32> to vector<1x1x16xf32>
        tpu.vector_store %arg10[%swap3A_474, %swap3A_475, %swap3A_476], %swap3A_479 {add = true, strides = array<i32>} : memref<4x40x128xf32, #tpu.memory_space<vmem>>, vector<1x1x16xf32>,
        %swap3A_480 = arith.constant 3 : i32
        %swap3A_481 = arith.index_cast %swap3A_480 : i32 to index
        %swap3A_482 = arith.index_cast %scan3A_296 : i32 to index
        %swap3A_483 = arith.constant 80 : index
        %swap3A_484 = tpu.vector_load %arg10[%swap3A_481, %swap3A_482, %swap3A_483] {strides = array<i32>} : memref<4x40x128xf32, #tpu.memory_space<vmem>>, vector<1x1x16xf32>,
        %swap3A_485 = vector.shape_cast %swap3A_484 : vector<1x1x16xf32> to vector<16xf32>
        %swap3A_486 = vector.shape_cast %get3A_458 : vector<16xf32> to vector<1x1x16xf32>
        tpu.vector_store %arg10[%swap3A_481, %swap3A_482, %swap3A_483], %swap3A_486 {add = true, strides = array<i32>} : memref<4x40x128xf32, #tpu.memory_space<vmem>>, vector<1x1x16xf32>,
        %get3A_487 = arith.index_cast %scan3A_296 : i32 to index
        %get3A_488 = arith.constant 96 : index
        %get3A_489 = tpu.vector_load %arg5[%get3A_487, %get3A_488] {strides = array<i32>} : memref<40x128xf32, #tpu.memory_space<vmem>>, vector<1x16xf32>,
        %get3A_490 = vector.shape_cast %get3A_489 : vector<1x16xf32> to vector<16xf32>
        %swap3A_491 = arith.constant 0 : i32
        %swap3A_492 = arith.index_cast %swap3A_491 : i32 to index
        %swap3A_493 = arith.index_cast %scan3A_296 : i32 to index
        %swap3A_494 = arith.constant 96 : index
        %swap3A_495 = tpu.vector_load %arg10[%swap3A_492, %swap3A_493, %swap3A_494] {strides = array<i32>} : memref<4x40x128xf32, #tpu.memory_space<vmem>>, vector<1x1x16xf32>,
        %swap3A_496 = vector.shape_cast %swap3A_495 : vector<1x1x16xf32> to vector<16xf32>
        %swap3A_497 = vector.shape_cast %get3A_490 : vector<16xf32> to vector<1x1x16xf32>
        tpu.vector_store %arg10[%swap3A_492, %swap3A_493, %swap3A_494], %swap3A_497 {add = true, strides = array<i32>} : memref<4x40x128xf32, #tpu.memory_space<vmem>>, vector<1x1x16xf32>,
        %swap3A_498 = arith.constant 1 : i32
        %swap3A_499 = arith.index_cast %swap3A_498 : i32 to index
        %swap3A_500 = arith.index_cast %scan3A_296 : i32 to index
        %swap3A_501 = arith.constant 96 : index
        %swap3A_502 = tpu.vector_load %arg10[%swap3A_499, %swap3A_500, %swap3A_501] {strides = array<i32>} : memref<4x40x128xf32, #tpu.memory_space<vmem>>, vector<1x1x16xf32>,
        %swap3A_503 = vector.shape_cast %swap3A_502 : vector<1x1x16xf32> to vector<16xf32>
        %swap3A_504 = vector.shape_cast %get3A_490 : vector<16xf32> to vector<1x1x16xf32>
        tpu.vector_store %arg10[%swap3A_499, %swap3A_500, %swap3A_501], %swap3A_504 {add = true, strides = array<i32>} : memref<4x40x128xf32, #tpu.memory_space<vmem>>, vector<1x1x16xf32>,
        %swap3A_505 = arith.constant 2 : i32
        %swap3A_506 = arith.index_cast %swap3A_505 : i32 to index
        %swap3A_507 = arith.index_cast %scan3A_296 : i32 to index
        %swap3A_508 = arith.constant 96 : index
        %swap3A_509 = tpu.vector_load %arg10[%swap3A_506, %swap3A_507, %swap3A_508] {strides = array<i32>} : memref<4x40x128xf32, #tpu.memory_space<vmem>>, vector<1x1x16xf32>,
        %swap3A_510 = vector.shape_cast %swap3A_509 : vector<1x1x16xf32> to vector<16xf32>
        %swap3A_511 = vector.shape_cast %get3A_490 : vector<16xf32> to vector<1x1x16xf32>
        tpu.vector_store %arg10[%swap3A_506, %swap3A_507, %swap3A_508], %swap3A_511 {add = true, strides = array<i32>} : memref<4x40x128xf32, #tpu.memory_space<vmem>>, vector<1x1x16xf32>,
        %swap3A_512 = arith.constant 3 : i32
        %swap3A_513 = arith.index_cast %swap3A_512 : i32 to index
        %swap3A_514 = arith.index_cast %scan3A_296 : i32 to index
        %swap3A_515 = arith.constant 96 : index
        %swap3A_516 = tpu.vector_load %arg10[%swap3A_513, %swap3A_514, %swap3A_515] {strides = array<i32>} : memref<4x40x128xf32, #tpu.memory_space<vmem>>, vector<1x1x16xf32>,
        %swap3A_517 = vector.shape_cast %swap3A_516 : vector<1x1x16xf32> to vector<16xf32>
        %swap3A_518 = vector.shape_cast %get3A_490 : vector<16xf32> to vector<1x1x16xf32>
        tpu.vector_store %arg10[%swap3A_513, %swap3A_514, %swap3A_515], %swap3A_518 {add = true, strides = array<i32>} : memref<4x40x128xf32, #tpu.memory_space<vmem>>, vector<1x1x16xf32>,
        %get3A_519 = arith.index_cast %scan3A_296 : i32 to index
        %get3A_520 = arith.constant 112 : index
        %get3A_521 = tpu.vector_load %arg5[%get3A_519, %get3A_520] {strides = array<i32>} : memref<40x128xf32, #tpu.memory_space<vmem>>, vector<1x16xf32>,
        %get3A_522 = vector.shape_cast %get3A_521 : vector<1x16xf32> to vector<16xf32>
        %swap3A_523 = arith.constant 0 : i32
        %swap3A_524 = arith.index_cast %swap3A_523 : i32 to index
        %swap3A_525 = arith.index_cast %scan3A_296 : i32 to index
        %swap3A_526 = arith.constant 112 : index
        %swap3A_527 = tpu.vector_load %arg10[%swap3A_524, %swap3A_525, %swap3A_526] {strides = array<i32>} : memref<4x40x128xf32, #tpu.memory_space<vmem>>, vector<1x1x16xf32>,
        %swap3A_528 = vector.shape_cast %swap3A_527 : vector<1x1x16xf32> to vector<16xf32>
        %swap3A_529 = vector.shape_cast %get3A_522 : vector<16xf32> to vector<1x1x16xf32>
        tpu.vector_store %arg10[%swap3A_524, %swap3A_525, %swap3A_526], %swap3A_529 {add = true, strides = array<i32>} : memref<4x40x128xf32, #tpu.memory_space<vmem>>, vector<1x1x16xf32>,
        %swap3A_530 = arith.constant 1 : i32
        %swap3A_531 = arith.index_cast %swap3A_530 : i32 to index
        %swap3A_532 = arith.index_cast %scan3A_296 : i32 to index
        %swap3A_533 = arith.constant 112 : index
        %swap3A_534 = tpu.vector_load %arg10[%swap3A_531, %swap3A_532, %swap3A_533] {strides = array<i32>} : memref<4x40x128xf32, #tpu.memory_space<vmem>>, vector<1x1x16xf32>,
        %swap3A_535 = vector.shape_cast %swap3A_534 : vector<1x1x16xf32> to vector<16xf32>
        %swap3A_536 = vector.shape_cast %get3A_522 : vector<16xf32> to vector<1x1x16xf32>
        tpu.vector_store %arg10[%swap3A_531, %swap3A_532, %swap3A_533], %swap3A_536 {add = true, strides = array<i32>} : memref<4x40x128xf32, #tpu.memory_space<vmem>>, vector<1x1x16xf32>,
        %swap3A_537 = arith.constant 2 : i32
        %swap3A_538 = arith.index_cast %swap3A_537 : i32 to index
        %swap3A_539 = arith.index_cast %scan3A_296 : i32 to index
        %swap3A_540 = arith.constant 112 : index
        %swap3A_541 = tpu.vector_load %arg10[%swap3A_538, %swap3A_539, %swap3A_540] {strides = array<i32>} : memref<4x40x128xf32, #tpu.memory_space<vmem>>, vector<1x1x16xf32>,
        %swap3A_542 = vector.shape_cast %swap3A_541 : vector<1x1x16xf32> to vector<16xf32>
        %swap3A_543 = vector.shape_cast %get3A_522 : vector<16xf32> to vector<1x1x16xf32>
        tpu.vector_store %arg10[%swap3A_538, %swap3A_539, %swap3A_540], %swap3A_543 {add = true, strides = array<i32>} : memref<4x40x128xf32, #tpu.memory_space<vmem>>, vector<1x1x16xf32>,
        %swap3A_544 = arith.constant 3 : i32
        %swap3A_545 = arith.index_cast %swap3A_544 : i32 to index
        %swap3A_546 = arith.index_cast %scan3A_296 : i32 to index
        %swap3A_547 = arith.constant 112 : index
        %swap3A_548 = tpu.vector_load %arg10[%swap3A_545, %swap3A_546, %swap3A_547] {strides = array<i32>} : memref<4x40x128xf32, #tpu.memory_space<vmem>>, vector<1x1x16xf32>,
        %swap3A_549 = vector.shape_cast %swap3A_548 : vector<1x1x16xf32> to vector<16xf32>
        %swap3A_550 = vector.shape_cast %get3A_522 : vector<16xf32> to vector<1x1x16xf32>
        tpu.vector_store %arg10[%swap3A_545, %swap3A_546, %swap3A_547], %swap3A_550 {add = true, strides = array<i32>} : memref<4x40x128xf32, #tpu.memory_space<vmem>>, vector<1x1x16xf32>,
      }
      %scan3A_247 = arith.constant 40 : i32
      %mul3A_248 = arith.constant 4 : i32
      %mul3A_249 = arith.muli %add3A_235, %mul3A_248 : i32
      %add3A_250 = arith.addi %mul3A_2, %mul3A_249 : i32
      %dma_start3A_251 = arith.constant 0 : i32
      %dma_start3A_252 = arith.constant 0 : i32
      %dma_start3A_253 = tpu.memref_slice %arg4[%add3A_250, %dma_start3A_251, %dma_start3A_252] : memref<16384x40x128xf32, #tpu.memory_space<hbm>> -> memref<4x40x128xf32, #tpu.memory_space<hbm>>
      %dma_start3A_254 = arith.constant 0 : i32
      %dma_start3A_255 = arith.constant 0 : i32
      %dma_start3A_256 = tpu.memref_slice %arg4[%add3A_250, %dma_start3A_254, %dma_start3A_255] : memref<16384x40x128xf32, #tpu.memory_space<hbm>> -> memref<4x40x128xf32, #tpu.memory_space<hbm>>
      tpu.enqueue_dma source(%arg10 : memref<4x40x128xf32, #tpu.memory_space<vmem>>) target(%dma_start3A_256 : memref<4x40x128xf32, #tpu.memory_space<hbm>>) target_semaphore(%arg22 : memref<!tpu.dma_semaphore, #tpu.memory_space<semaphore_mem>>)
      %add3A_257 = arith.constant 3 : i32
      %add3A_258 = arith.addi %add3A_235, %add3A_257 : i32
      %lt3A_259 = arith.constant 128 : i32
      %lt3A_260 = arith.cmpi slt, %add3A_258, %lt3A_259 : i32
      %convert_element_type3A_261 = arith.extui %lt3A_260 : i1 to i32
      %cond3A_262 = arith.constant 0 : i32
      %cond3A_263 = arith.cmpi ne, %convert_element_type3A_261, %cond3A_262 : i32
      scf.if %cond3A_263 {
        %ge3A = arith.constant 3 : i32
        %ge3A_296 = arith.cmpi sge, %add3A_235, %ge3A : i32
        %convert_element_type3A_297 = arith.extui %ge3A_296 : i1 to i32
        %cond3A_298 = arith.constant 0 : i32
        %cond3A_299 = arith.cmpi ne, %convert_element_type3A_297, %cond3A_298 : i32
        scf.if %cond3A_299 {
          %dma_wait3A_311 = arith.constant 0 : i32
          %dma_wait3A_312 = arith.constant 0 : i32
          %dma_wait3A_313 = tpu.memref_slice %arg4[%mul3A_2, %dma_wait3A_311, %dma_wait3A_312] : memref<16384x40x128xf32, #tpu.memory_space<hbm>> -> memref<4x40x128xf32, #tpu.memory_space<hbm>>
          %dma_wait3A_314 = arith.constant 0 : i32
          %dma_wait3A_315 = arith.constant 0 : i32
          %dma_wait3A_316 = tpu.memref_slice %arg4[%mul3A_2, %dma_wait3A_314, %dma_wait3A_315] : memref<16384x40x128xf32, #tpu.memory_space<hbm>> -> memref<4x40x128xf32, #tpu.memory_space<hbm>>
          tpu.wait_dma2 semaphore(%arg19 : memref<!tpu.dma_semaphore, #tpu.memory_space<semaphore_mem>>) src(%arg7 : memref<4x40x128xf32, #tpu.memory_space<vmem>>) dst(%dma_wait3A_316 : memref<4x40x128xf32, #tpu.memory_space<hbm>>)
        } else {
        }
        %add3A_300 = arith.constant 3 : i32
        %add3A_301 = arith.addi %add3A_235, %add3A_300 : i32
        %mul3A_302 = arith.constant 4 : i32
        %mul3A_303 = arith.muli %add3A_301, %mul3A_302 : i32
        %add3A_304 = arith.addi %mul3A_2, %mul3A_303 : i32
        %dma_start3A_305 = arith.constant 0 : i32
        %dma_start3A_306 = arith.constant 0 : i32
        %dma_start3A_307 = tpu.memref_slice %arg2[%add3A_304, %dma_start3A_305, %dma_start3A_306] : memref<16384x40x128xf32, #tpu.memory_space<hbm>> -> memref<4x40x128xf32, #tpu.memory_space<hbm>>
        %dma_start3A_308 = arith.constant 0 : i32
        %dma_start3A_309 = arith.constant 0 : i32
        %dma_start3A_310 = tpu.memref_slice %arg2[%add3A_304, %dma_start3A_308, %dma_start3A_309] : memref<16384x40x128xf32, #tpu.memory_space<hbm>> -> memref<4x40x128xf32, #tpu.memory_space<hbm>>
        tpu.enqueue_dma source(%dma_start3A_310 : memref<4x40x128xf32, #tpu.memory_space<hbm>>) target(%arg7 : memref<4x40x128xf32, #tpu.memory_space<vmem>>) target_semaphore(%arg13 : memref<!tpu.dma_semaphore, #tpu.memory_space<semaphore_mem>>)
      } else {
      }
      %mul3A_264 = arith.constant 6 : i32
      %mul3A_265 = arith.muli %scan3A_106, %mul3A_264 : i32
      %add3A_266 = arith.constant 5 : i32
      %add3A_267 = arith.addi %mul3A_265, %add3A_266 : i32
      %dma_wait3A_268 = arith.constant 0 : i32
      %dma_wait3A_269 = arith.constant 0 : i32
      %dma_wait3A_270 = tpu.memref_slice %arg2[%mul3A_2, %dma_wait3A_268, %dma_wait3A_269] : memref<16384x40x128xf32, #tpu.memory_space<hbm>> -> memref<4x40x128xf32, #tpu.memory_space<hbm>>
      %dma_wait3A_271 = arith.constant 0 : i32
      %dma_wait3A_272 = arith.constant 0 : i32
      %dma_wait3A_273 = tpu.memref_slice %arg2[%mul3A_2, %dma_wait3A_271, %dma_wait3A_272] : memref<16384x40x128xf32, #tpu.memory_space<hbm>> -> memref<4x40x128xf32, #tpu.memory_space<hbm>>
      tpu.wait_dma2 semaphore(%arg17 : memref<!tpu.dma_semaphore, #tpu.memory_space<semaphore_mem>>) src(%dma_wait3A_273 : memref<4x40x128xf32, #tpu.memory_space<hbm>>) dst(%arg11 : memref<4x40x128xf32, #tpu.memory_space<vmem>>)
      %scan3A_274 = arith.constant 0 : i32
      %scan3A_275 = arith.constant 0 : i32
      %scan3A_276 = arith.constant 40 : i32
      %scan3A_277 = arith.addi %scan3A_275, %scan3A_276 : i32
      %scan3A_278 = arith.constant 1 : i32
      scf.for %scan3A_296 = %scan3A_275 to %scan3A_277 step %scan3A_278  : i32 {
        %get3A = arith.index_cast %scan3A_296 : i32 to index
        %get3A_297 = arith.constant 0 : index
        %get3A_298 = tpu.vector_load %arg5[%get3A, %get3A_297] {strides = array<i32>} : memref<40x128xf32, #tpu.memory_space<vmem>>, vector<1x16xf32>,
        %get3A_299 = vector.shape_cast %get3A_298 : vector<1x16xf32> to vector<16xf32>
        %swap3A = arith.constant 0 : i32
        %swap3A_300 = arith.index_cast %swap3A : i32 to index
        %swap3A_301 = arith.index_cast %scan3A_296 : i32 to index
        %swap3A_302 = arith.constant 0 : index
        %swap3A_303 = tpu.vector_load %arg11[%swap3A_300, %swap3A_301, %swap3A_302] {strides = array<i32>} : memref<4x40x128xf32, #tpu.memory_space<vmem>>, vector<1x1x16xf32>,
        %swap3A_304 = vector.shape_cast %swap3A_303 : vector<1x1x16xf32> to vector<16xf32>
        %swap3A_305 = vector.shape_cast %get3A_299 : vector<16xf32> to vector<1x1x16xf32>
        tpu.vector_store %arg11[%swap3A_300, %swap3A_301, %swap3A_302], %swap3A_305 {add = true, strides = array<i32>} : memref<4x40x128xf32, #tpu.memory_space<vmem>>, vector<1x1x16xf32>,
        %swap3A_306 = arith.constant 1 : i32
        %swap3A_307 = arith.index_cast %swap3A_306 : i32 to index
        %swap3A_308 = arith.index_cast %scan3A_296 : i32 to index
        %swap3A_309 = arith.constant 0 : index
        %swap3A_310 = tpu.vector_load %arg11[%swap3A_307, %swap3A_308, %swap3A_309] {strides = array<i32>} : memref<4x40x128xf32, #tpu.memory_space<vmem>>, vector<1x1x16xf32>,
        %swap3A_311 = vector.shape_cast %swap3A_310 : vector<1x1x16xf32> to vector<16xf32>
        %swap3A_312 = vector.shape_cast %get3A_299 : vector<16xf32> to vector<1x1x16xf32>
        tpu.vector_store %arg11[%swap3A_307, %swap3A_308, %swap3A_309], %swap3A_312 {add = true, strides = array<i32>} : memref<4x40x128xf32, #tpu.memory_space<vmem>>, vector<1x1x16xf32>,
        %swap3A_313 = arith.constant 2 : i32
        %swap3A_314 = arith.index_cast %swap3A_313 : i32 to index
        %swap3A_315 = arith.index_cast %scan3A_296 : i32 to index
        %swap3A_316 = arith.constant 0 : index
        %swap3A_317 = tpu.vector_load %arg11[%swap3A_314, %swap3A_315, %swap3A_316] {strides = array<i32>} : memref<4x40x128xf32, #tpu.memory_space<vmem>>, vector<1x1x16xf32>,
        %swap3A_318 = vector.shape_cast %swap3A_317 : vector<1x1x16xf32> to vector<16xf32>
        %swap3A_319 = vector.shape_cast %get3A_299 : vector<16xf32> to vector<1x1x16xf32>
        tpu.vector_store %arg11[%swap3A_314, %swap3A_315, %swap3A_316], %swap3A_319 {add = true, strides = array<i32>} : memref<4x40x128xf32, #tpu.memory_space<vmem>>, vector<1x1x16xf32>,
        %swap3A_320 = arith.constant 3 : i32
        %swap3A_321 = arith.index_cast %swap3A_320 : i32 to index
        %swap3A_322 = arith.index_cast %scan3A_296 : i32 to index
        %swap3A_323 = arith.constant 0 : index
        %swap3A_324 = tpu.vector_load %arg11[%swap3A_321, %swap3A_322, %swap3A_323] {strides = array<i32>} : memref<4x40x128xf32, #tpu.memory_space<vmem>>, vector<1x1x16xf32>,
        %swap3A_325 = vector.shape_cast %swap3A_324 : vector<1x1x16xf32> to vector<16xf32>
        %swap3A_326 = vector.shape_cast %get3A_299 : vector<16xf32> to vector<1x1x16xf32>
        tpu.vector_store %arg11[%swap3A_321, %swap3A_322, %swap3A_323], %swap3A_326 {add = true, strides = array<i32>} : memref<4x40x128xf32, #tpu.memory_space<vmem>>, vector<1x1x16xf32>,
        %get3A_327 = arith.index_cast %scan3A_296 : i32 to index
        %get3A_328 = arith.constant 16 : index
        %get3A_329 = tpu.vector_load %arg5[%get3A_327, %get3A_328] {strides = array<i32>} : memref<40x128xf32, #tpu.memory_space<vmem>>, vector<1x16xf32>,
        %get3A_330 = vector.shape_cast %get3A_329 : vector<1x16xf32> to vector<16xf32>
        %swap3A_331 = arith.constant 0 : i32
        %swap3A_332 = arith.index_cast %swap3A_331 : i32 to index
        %swap3A_333 = arith.index_cast %scan3A_296 : i32 to index
        %swap3A_334 = arith.constant 16 : index
        %swap3A_335 = tpu.vector_load %arg11[%swap3A_332, %swap3A_333, %swap3A_334] {strides = array<i32>} : memref<4x40x128xf32, #tpu.memory_space<vmem>>, vector<1x1x16xf32>,
        %swap3A_336 = vector.shape_cast %swap3A_335 : vector<1x1x16xf32> to vector<16xf32>
        %swap3A_337 = vector.shape_cast %get3A_330 : vector<16xf32> to vector<1x1x16xf32>
        tpu.vector_store %arg11[%swap3A_332, %swap3A_333, %swap3A_334], %swap3A_337 {add = true, strides = array<i32>} : memref<4x40x128xf32, #tpu.memory_space<vmem>>, vector<1x1x16xf32>,
        %swap3A_338 = arith.constant 1 : i32
        %swap3A_339 = arith.index_cast %swap3A_338 : i32 to index
        %swap3A_340 = arith.index_cast %scan3A_296 : i32 to index
        %swap3A_341 = arith.constant 16 : index
        %swap3A_342 = tpu.vector_load %arg11[%swap3A_339, %swap3A_340, %swap3A_341] {strides = array<i32>} : memref<4x40x128xf32, #tpu.memory_space<vmem>>, vector<1x1x16xf32>,
        %swap3A_343 = vector.shape_cast %swap3A_342 : vector<1x1x16xf32> to vector<16xf32>
        %swap3A_344 = vector.shape_cast %get3A_330 : vector<16xf32> to vector<1x1x16xf32>
        tpu.vector_store %arg11[%swap3A_339, %swap3A_340, %swap3A_341], %swap3A_344 {add = true, strides = array<i32>} : memref<4x40x128xf32, #tpu.memory_space<vmem>>, vector<1x1x16xf32>,
        %swap3A_345 = arith.constant 2 : i32
        %swap3A_346 = arith.index_cast %swap3A_345 : i32 to index
        %swap3A_347 = arith.index_cast %scan3A_296 : i32 to index
        %swap3A_348 = arith.constant 16 : index
        %swap3A_349 = tpu.vector_load %arg11[%swap3A_346, %swap3A_347, %swap3A_348] {strides = array<i32>} : memref<4x40x128xf32, #tpu.memory_space<vmem>>, vector<1x1x16xf32>,
        %swap3A_350 = vector.shape_cast %swap3A_349 : vector<1x1x16xf32> to vector<16xf32>
        %swap3A_351 = vector.shape_cast %get3A_330 : vector<16xf32> to vector<1x1x16xf32>
        tpu.vector_store %arg11[%swap3A_346, %swap3A_347, %swap3A_348], %swap3A_351 {add = true, strides = array<i32>} : memref<4x40x128xf32, #tpu.memory_space<vmem>>, vector<1x1x16xf32>,
        %swap3A_352 = arith.constant 3 : i32
        %swap3A_353 = arith.index_cast %swap3A_352 : i32 to index
        %swap3A_354 = arith.index_cast %scan3A_296 : i32 to index
        %swap3A_355 = arith.constant 16 : index
        %swap3A_356 = tpu.vector_load %arg11[%swap3A_353, %swap3A_354, %swap3A_355] {strides = array<i32>} : memref<4x40x128xf32, #tpu.memory_space<vmem>>, vector<1x1x16xf32>,
        %swap3A_357 = vector.shape_cast %swap3A_356 : vector<1x1x16xf32> to vector<16xf32>
        %swap3A_358 = vector.shape_cast %get3A_330 : vector<16xf32> to vector<1x1x16xf32>
        tpu.vector_store %arg11[%swap3A_353, %swap3A_354, %swap3A_355], %swap3A_358 {add = true, strides = array<i32>} : memref<4x40x128xf32, #tpu.memory_space<vmem>>, vector<1x1x16xf32>,
        %get3A_359 = arith.index_cast %scan3A_296 : i32 to index
        %get3A_360 = arith.constant 32 : index
        %get3A_361 = tpu.vector_load %arg5[%get3A_359, %get3A_360] {strides = array<i32>} : memref<40x128xf32, #tpu.memory_space<vmem>>, vector<1x16xf32>,
        %get3A_362 = vector.shape_cast %get3A_361 : vector<1x16xf32> to vector<16xf32>
        %swap3A_363 = arith.constant 0 : i32
        %swap3A_364 = arith.index_cast %swap3A_363 : i32 to index
        %swap3A_365 = arith.index_cast %scan3A_296 : i32 to index
        %swap3A_366 = arith.constant 32 : index
        %swap3A_367 = tpu.vector_load %arg11[%swap3A_364, %swap3A_365, %swap3A_366] {strides = array<i32>} : memref<4x40x128xf32, #tpu.memory_space<vmem>>, vector<1x1x16xf32>,
        %swap3A_368 = vector.shape_cast %swap3A_367 : vector<1x1x16xf32> to vector<16xf32>
        %swap3A_369 = vector.shape_cast %get3A_362 : vector<16xf32> to vector<1x1x16xf32>
        tpu.vector_store %arg11[%swap3A_364, %swap3A_365, %swap3A_366], %swap3A_369 {add = true, strides = array<i32>} : memref<4x40x128xf32, #tpu.memory_space<vmem>>, vector<1x1x16xf32>,
        %swap3A_370 = arith.constant 1 : i32
        %swap3A_371 = arith.index_cast %swap3A_370 : i32 to index
        %swap3A_372 = arith.index_cast %scan3A_296 : i32 to index
        %swap3A_373 = arith.constant 32 : index
        %swap3A_374 = tpu.vector_load %arg11[%swap3A_371, %swap3A_372, %swap3A_373] {strides = array<i32>} : memref<4x40x128xf32, #tpu.memory_space<vmem>>, vector<1x1x16xf32>,
        %swap3A_375 = vector.shape_cast %swap3A_374 : vector<1x1x16xf32> to vector<16xf32>
        %swap3A_376 = vector.shape_cast %get3A_362 : vector<16xf32> to vector<1x1x16xf32>
        tpu.vector_store %arg11[%swap3A_371, %swap3A_372, %swap3A_373], %swap3A_376 {add = true, strides = array<i32>} : memref<4x40x128xf32, #tpu.memory_space<vmem>>, vector<1x1x16xf32>,
        %swap3A_377 = arith.constant 2 : i32
        %swap3A_378 = arith.index_cast %swap3A_377 : i32 to index
        %swap3A_379 = arith.index_cast %scan3A_296 : i32 to index
        %swap3A_380 = arith.constant 32 : index
        %swap3A_381 = tpu.vector_load %arg11[%swap3A_378, %swap3A_379, %swap3A_380] {strides = array<i32>} : memref<4x40x128xf32, #tpu.memory_space<vmem>>, vector<1x1x16xf32>,
        %swap3A_382 = vector.shape_cast %swap3A_381 : vector<1x1x16xf32> to vector<16xf32>
        %swap3A_383 = vector.shape_cast %get3A_362 : vector<16xf32> to vector<1x1x16xf32>
        tpu.vector_store %arg11[%swap3A_378, %swap3A_379, %swap3A_380], %swap3A_383 {add = true, strides = array<i32>} : memref<4x40x128xf32, #tpu.memory_space<vmem>>, vector<1x1x16xf32>,
        %swap3A_384 = arith.constant 3 : i32
        %swap3A_385 = arith.index_cast %swap3A_384 : i32 to index
        %swap3A_386 = arith.index_cast %scan3A_296 : i32 to index
        %swap3A_387 = arith.constant 32 : index
        %swap3A_388 = tpu.vector_load %arg11[%swap3A_385, %swap3A_386, %swap3A_387] {strides = array<i32>} : memref<4x40x128xf32, #tpu.memory_space<vmem>>, vector<1x1x16xf32>,
        %swap3A_389 = vector.shape_cast %swap3A_388 : vector<1x1x16xf32> to vector<16xf32>
        %swap3A_390 = vector.shape_cast %get3A_362 : vector<16xf32> to vector<1x1x16xf32>
        tpu.vector_store %arg11[%swap3A_385, %swap3A_386, %swap3A_387], %swap3A_390 {add = true, strides = array<i32>} : memref<4x40x128xf32, #tpu.memory_space<vmem>>, vector<1x1x16xf32>,
        %get3A_391 = arith.index_cast %scan3A_296 : i32 to index
        %get3A_392 = arith.constant 48 : index
        %get3A_393 = tpu.vector_load %arg5[%get3A_391, %get3A_392] {strides = array<i32>} : memref<40x128xf32, #tpu.memory_space<vmem>>, vector<1x16xf32>,
        %get3A_394 = vector.shape_cast %get3A_393 : vector<1x16xf32> to vector<16xf32>
        %swap3A_395 = arith.constant 0 : i32
        %swap3A_396 = arith.index_cast %swap3A_395 : i32 to index
        %swap3A_397 = arith.index_cast %scan3A_296 : i32 to index
        %swap3A_398 = arith.constant 48 : index
        %swap3A_399 = tpu.vector_load %arg11[%swap3A_396, %swap3A_397, %swap3A_398] {strides = array<i32>} : memref<4x40x128xf32, #tpu.memory_space<vmem>>, vector<1x1x16xf32>,
        %swap3A_400 = vector.shape_cast %swap3A_399 : vector<1x1x16xf32> to vector<16xf32>
        %swap3A_401 = vector.shape_cast %get3A_394 : vector<16xf32> to vector<1x1x16xf32>
        tpu.vector_store %arg11[%swap3A_396, %swap3A_397, %swap3A_398], %swap3A_401 {add = true, strides = array<i32>} : memref<4x40x128xf32, #tpu.memory_space<vmem>>, vector<1x1x16xf32>,
        %swap3A_402 = arith.constant 1 : i32
        %swap3A_403 = arith.index_cast %swap3A_402 : i32 to index
        %swap3A_404 = arith.index_cast %scan3A_296 : i32 to index
        %swap3A_405 = arith.constant 48 : index
        %swap3A_406 = tpu.vector_load %arg11[%swap3A_403, %swap3A_404, %swap3A_405] {strides = array<i32>} : memref<4x40x128xf32, #tpu.memory_space<vmem>>, vector<1x1x16xf32>,
        %swap3A_407 = vector.shape_cast %swap3A_406 : vector<1x1x16xf32> to vector<16xf32>
        %swap3A_408 = vector.shape_cast %get3A_394 : vector<16xf32> to vector<1x1x16xf32>
        tpu.vector_store %arg11[%swap3A_403, %swap3A_404, %swap3A_405], %swap3A_408 {add = true, strides = array<i32>} : memref<4x40x128xf32, #tpu.memory_space<vmem>>, vector<1x1x16xf32>,
        %swap3A_409 = arith.constant 2 : i32
        %swap3A_410 = arith.index_cast %swap3A_409 : i32 to index
        %swap3A_411 = arith.index_cast %scan3A_296 : i32 to index
        %swap3A_412 = arith.constant 48 : index
        %swap3A_413 = tpu.vector_load %arg11[%swap3A_410, %swap3A_411, %swap3A_412] {strides = array<i32>} : memref<4x40x128xf32, #tpu.memory_space<vmem>>, vector<1x1x16xf32>,
        %swap3A_414 = vector.shape_cast %swap3A_413 : vector<1x1x16xf32> to vector<16xf32>
        %swap3A_415 = vector.shape_cast %get3A_394 : vector<16xf32> to vector<1x1x16xf32>
        tpu.vector_store %arg11[%swap3A_410, %swap3A_411, %swap3A_412], %swap3A_415 {add = true, strides = array<i32>} : memref<4x40x128xf32, #tpu.memory_space<vmem>>, vector<1x1x16xf32>,
        %swap3A_416 = arith.constant 3 : i32
        %swap3A_417 = arith.index_cast %swap3A_416 : i32 to index
        %swap3A_418 = arith.index_cast %scan3A_296 : i32 to index
        %swap3A_419 = arith.constant 48 : index
        %swap3A_420 = tpu.vector_load %arg11[%swap3A_417, %swap3A_418, %swap3A_419] {strides = array<i32>} : memref<4x40x128xf32, #tpu.memory_space<vmem>>, vector<1x1x16xf32>,
        %swap3A_421 = vector.shape_cast %swap3A_420 : vector<1x1x16xf32> to vector<16xf32>
        %swap3A_422 = vector.shape_cast %get3A_394 : vector<16xf32> to vector<1x1x16xf32>
        tpu.vector_store %arg11[%swap3A_417, %swap3A_418, %swap3A_419], %swap3A_422 {add = true, strides = array<i32>} : memref<4x40x128xf32, #tpu.memory_space<vmem>>, vector<1x1x16xf32>,
        %get3A_423 = arith.index_cast %scan3A_296 : i32 to index
        %get3A_424 = arith.constant 64 : index
        %get3A_425 = tpu.vector_load %arg5[%get3A_423, %get3A_424] {strides = array<i32>} : memref<40x128xf32, #tpu.memory_space<vmem>>, vector<1x16xf32>,
        %get3A_426 = vector.shape_cast %get3A_425 : vector<1x16xf32> to vector<16xf32>
        %swap3A_427 = arith.constant 0 : i32
        %swap3A_428 = arith.index_cast %swap3A_427 : i32 to index
        %swap3A_429 = arith.index_cast %scan3A_296 : i32 to index
        %swap3A_430 = arith.constant 64 : index
        %swap3A_431 = tpu.vector_load %arg11[%swap3A_428, %swap3A_429, %swap3A_430] {strides = array<i32>} : memref<4x40x128xf32, #tpu.memory_space<vmem>>, vector<1x1x16xf32>,
        %swap3A_432 = vector.shape_cast %swap3A_431 : vector<1x1x16xf32> to vector<16xf32>
        %swap3A_433 = vector.shape_cast %get3A_426 : vector<16xf32> to vector<1x1x16xf32>
        tpu.vector_store %arg11[%swap3A_428, %swap3A_429, %swap3A_430], %swap3A_433 {add = true, strides = array<i32>} : memref<4x40x128xf32, #tpu.memory_space<vmem>>, vector<1x1x16xf32>,
        %swap3A_434 = arith.constant 1 : i32
        %swap3A_435 = arith.index_cast %swap3A_434 : i32 to index
        %swap3A_436 = arith.index_cast %scan3A_296 : i32 to index
        %swap3A_437 = arith.constant 64 : index
        %swap3A_438 = tpu.vector_load %arg11[%swap3A_435, %swap3A_436, %swap3A_437] {strides = array<i32>} : memref<4x40x128xf32, #tpu.memory_space<vmem>>, vector<1x1x16xf32>,
        %swap3A_439 = vector.shape_cast %swap3A_438 : vector<1x1x16xf32> to vector<16xf32>
        %swap3A_440 = vector.shape_cast %get3A_426 : vector<16xf32> to vector<1x1x16xf32>
        tpu.vector_store %arg11[%swap3A_435, %swap3A_436, %swap3A_437], %swap3A_440 {add = true, strides = array<i32>} : memref<4x40x128xf32, #tpu.memory_space<vmem>>, vector<1x1x16xf32>,
        %swap3A_441 = arith.constant 2 : i32
        %swap3A_442 = arith.index_cast %swap3A_441 : i32 to index
        %swap3A_443 = arith.index_cast %scan3A_296 : i32 to index
        %swap3A_444 = arith.constant 64 : index
        %swap3A_445 = tpu.vector_load %arg11[%swap3A_442, %swap3A_443, %swap3A_444] {strides = array<i32>} : memref<4x40x128xf32, #tpu.memory_space<vmem>>, vector<1x1x16xf32>,
        %swap3A_446 = vector.shape_cast %swap3A_445 : vector<1x1x16xf32> to vector<16xf32>
        %swap3A_447 = vector.shape_cast %get3A_426 : vector<16xf32> to vector<1x1x16xf32>
        tpu.vector_store %arg11[%swap3A_442, %swap3A_443, %swap3A_444], %swap3A_447 {add = true, strides = array<i32>} : memref<4x40x128xf32, #tpu.memory_space<vmem>>, vector<1x1x16xf32>,
        %swap3A_448 = arith.constant 3 : i32
        %swap3A_449 = arith.index_cast %swap3A_448 : i32 to index
        %swap3A_450 = arith.index_cast %scan3A_296 : i32 to index
        %swap3A_451 = arith.constant 64 : index
        %swap3A_452 = tpu.vector_load %arg11[%swap3A_449, %swap3A_450, %swap3A_451] {strides = array<i32>} : memref<4x40x128xf32, #tpu.memory_space<vmem>>, vector<1x1x16xf32>,
        %swap3A_453 = vector.shape_cast %swap3A_452 : vector<1x1x16xf32> to vector<16xf32>
        %swap3A_454 = vector.shape_cast %get3A_426 : vector<16xf32> to vector<1x1x16xf32>
        tpu.vector_store %arg11[%swap3A_449, %swap3A_450, %swap3A_451], %swap3A_454 {add = true, strides = array<i32>} : memref<4x40x128xf32, #tpu.memory_space<vmem>>, vector<1x1x16xf32>,
        %get3A_455 = arith.index_cast %scan3A_296 : i32 to index
        %get3A_456 = arith.constant 80 : index
        %get3A_457 = tpu.vector_load %arg5[%get3A_455, %get3A_456] {strides = array<i32>} : memref<40x128xf32, #tpu.memory_space<vmem>>, vector<1x16xf32>,
        %get3A_458 = vector.shape_cast %get3A_457 : vector<1x16xf32> to vector<16xf32>
        %swap3A_459 = arith.constant 0 : i32
        %swap3A_460 = arith.index_cast %swap3A_459 : i32 to index
        %swap3A_461 = arith.index_cast %scan3A_296 : i32 to index
        %swap3A_462 = arith.constant 80 : index
        %swap3A_463 = tpu.vector_load %arg11[%swap3A_460, %swap3A_461, %swap3A_462] {strides = array<i32>} : memref<4x40x128xf32, #tpu.memory_space<vmem>>, vector<1x1x16xf32>,
        %swap3A_464 = vector.shape_cast %swap3A_463 : vector<1x1x16xf32> to vector<16xf32>
        %swap3A_465 = vector.shape_cast %get3A_458 : vector<16xf32> to vector<1x1x16xf32>
        tpu.vector_store %arg11[%swap3A_460, %swap3A_461, %swap3A_462], %swap3A_465 {add = true, strides = array<i32>} : memref<4x40x128xf32, #tpu.memory_space<vmem>>, vector<1x1x16xf32>,
        %swap3A_466 = arith.constant 1 : i32
        %swap3A_467 = arith.index_cast %swap3A_466 : i32 to index
        %swap3A_468 = arith.index_cast %scan3A_296 : i32 to index
        %swap3A_469 = arith.constant 80 : index
        %swap3A_470 = tpu.vector_load %arg11[%swap3A_467, %swap3A_468, %swap3A_469] {strides = array<i32>} : memref<4x40x128xf32, #tpu.memory_space<vmem>>, vector<1x1x16xf32>,
        %swap3A_471 = vector.shape_cast %swap3A_470 : vector<1x1x16xf32> to vector<16xf32>
        %swap3A_472 = vector.shape_cast %get3A_458 : vector<16xf32> to vector<1x1x16xf32>
        tpu.vector_store %arg11[%swap3A_467, %swap3A_468, %swap3A_469], %swap3A_472 {add = true, strides = array<i32>} : memref<4x40x128xf32, #tpu.memory_space<vmem>>, vector<1x1x16xf32>,
        %swap3A_473 = arith.constant 2 : i32
        %swap3A_474 = arith.index_cast %swap3A_473 : i32 to index
        %swap3A_475 = arith.index_cast %scan3A_296 : i32 to index
        %swap3A_476 = arith.constant 80 : index
        %swap3A_477 = tpu.vector_load %arg11[%swap3A_474, %swap3A_475, %swap3A_476] {strides = array<i32>} : memref<4x40x128xf32, #tpu.memory_space<vmem>>, vector<1x1x16xf32>,
        %swap3A_478 = vector.shape_cast %swap3A_477 : vector<1x1x16xf32> to vector<16xf32>
        %swap3A_479 = vector.shape_cast %get3A_458 : vector<16xf32> to vector<1x1x16xf32>
        tpu.vector_store %arg11[%swap3A_474, %swap3A_475, %swap3A_476], %swap3A_479 {add = true, strides = array<i32>} : memref<4x40x128xf32, #tpu.memory_space<vmem>>, vector<1x1x16xf32>,
        %swap3A_480 = arith.constant 3 : i32
        %swap3A_481 = arith.index_cast %swap3A_480 : i32 to index
        %swap3A_482 = arith.index_cast %scan3A_296 : i32 to index
        %swap3A_483 = arith.constant 80 : index
        %swap3A_484 = tpu.vector_load %arg11[%swap3A_481, %swap3A_482, %swap3A_483] {strides = array<i32>} : memref<4x40x128xf32, #tpu.memory_space<vmem>>, vector<1x1x16xf32>,
        %swap3A_485 = vector.shape_cast %swap3A_484 : vector<1x1x16xf32> to vector<16xf32>
        %swap3A_486 = vector.shape_cast %get3A_458 : vector<16xf32> to vector<1x1x16xf32>
        tpu.vector_store %arg11[%swap3A_481, %swap3A_482, %swap3A_483], %swap3A_486 {add = true, strides = array<i32>} : memref<4x40x128xf32, #tpu.memory_space<vmem>>, vector<1x1x16xf32>,
        %get3A_487 = arith.index_cast %scan3A_296 : i32 to index
        %get3A_488 = arith.constant 96 : index
        %get3A_489 = tpu.vector_load %arg5[%get3A_487, %get3A_488] {strides = array<i32>} : memref<40x128xf32, #tpu.memory_space<vmem>>, vector<1x16xf32>,
        %get3A_490 = vector.shape_cast %get3A_489 : vector<1x16xf32> to vector<16xf32>
        %swap3A_491 = arith.constant 0 : i32
        %swap3A_492 = arith.index_cast %swap3A_491 : i32 to index
        %swap3A_493 = arith.index_cast %scan3A_296 : i32 to index
        %swap3A_494 = arith.constant 96 : index
        %swap3A_495 = tpu.vector_load %arg11[%swap3A_492, %swap3A_493, %swap3A_494] {strides = array<i32>} : memref<4x40x128xf32, #tpu.memory_space<vmem>>, vector<1x1x16xf32>,
        %swap3A_496 = vector.shape_cast %swap3A_495 : vector<1x1x16xf32> to vector<16xf32>
        %swap3A_497 = vector.shape_cast %get3A_490 : vector<16xf32> to vector<1x1x16xf32>
        tpu.vector_store %arg11[%swap3A_492, %swap3A_493, %swap3A_494], %swap3A_497 {add = true, strides = array<i32>} : memref<4x40x128xf32, #tpu.memory_space<vmem>>, vector<1x1x16xf32>,
        %swap3A_498 = arith.constant 1 : i32
        %swap3A_499 = arith.index_cast %swap3A_498 : i32 to index
        %swap3A_500 = arith.index_cast %scan3A_296 : i32 to index
        %swap3A_501 = arith.constant 96 : index
        %swap3A_502 = tpu.vector_load %arg11[%swap3A_499, %swap3A_500, %swap3A_501] {strides = array<i32>} : memref<4x40x128xf32, #tpu.memory_space<vmem>>, vector<1x1x16xf32>,
        %swap3A_503 = vector.shape_cast %swap3A_502 : vector<1x1x16xf32> to vector<16xf32>
        %swap3A_504 = vector.shape_cast %get3A_490 : vector<16xf32> to vector<1x1x16xf32>
        tpu.vector_store %arg11[%swap3A_499, %swap3A_500, %swap3A_501], %swap3A_504 {add = true, strides = array<i32>} : memref<4x40x128xf32, #tpu.memory_space<vmem>>, vector<1x1x16xf32>,
        %swap3A_505 = arith.constant 2 : i32
        %swap3A_506 = arith.index_cast %swap3A_505 : i32 to index
        %swap3A_507 = arith.index_cast %scan3A_296 : i32 to index
        %swap3A_508 = arith.constant 96 : index
        %swap3A_509 = tpu.vector_load %arg11[%swap3A_506, %swap3A_507, %swap3A_508] {strides = array<i32>} : memref<4x40x128xf32, #tpu.memory_space<vmem>>, vector<1x1x16xf32>,
        %swap3A_510 = vector.shape_cast %swap3A_509 : vector<1x1x16xf32> to vector<16xf32>
        %swap3A_511 = vector.shape_cast %get3A_490 : vector<16xf32> to vector<1x1x16xf32>
        tpu.vector_store %arg11[%swap3A_506, %swap3A_507, %swap3A_508], %swap3A_511 {add = true, strides = array<i32>} : memref<4x40x128xf32, #tpu.memory_space<vmem>>, vector<1x1x16xf32>,
        %swap3A_512 = arith.constant 3 : i32
        %swap3A_513 = arith.index_cast %swap3A_512 : i32 to index
        %swap3A_514 = arith.index_cast %scan3A_296 : i32 to index
        %swap3A_515 = arith.constant 96 : index
        %swap3A_516 = tpu.vector_load %arg11[%swap3A_513, %swap3A_514, %swap3A_515] {strides = array<i32>} : memref<4x40x128xf32, #tpu.memory_space<vmem>>, vector<1x1x16xf32>,
        %swap3A_517 = vector.shape_cast %swap3A_516 : vector<1x1x16xf32> to vector<16xf32>
        %swap3A_518 = vector.shape_cast %get3A_490 : vector<16xf32> to vector<1x1x16xf32>
        tpu.vector_store %arg11[%swap3A_513, %swap3A_514, %swap3A_515], %swap3A_518 {add = true, strides = array<i32>} : memref<4x40x128xf32, #tpu.memory_space<vmem>>, vector<1x1x16xf32>,
        %get3A_519 = arith.index_cast %scan3A_296 : i32 to index
        %get3A_520 = arith.constant 112 : index
        %get3A_521 = tpu.vector_load %arg5[%get3A_519, %get3A_520] {strides = array<i32>} : memref<40x128xf32, #tpu.memory_space<vmem>>, vector<1x16xf32>,
        %get3A_522 = vector.shape_cast %get3A_521 : vector<1x16xf32> to vector<16xf32>
        %swap3A_523 = arith.constant 0 : i32
        %swap3A_524 = arith.index_cast %swap3A_523 : i32 to index
        %swap3A_525 = arith.index_cast %scan3A_296 : i32 to index
        %swap3A_526 = arith.constant 112 : index
        %swap3A_527 = tpu.vector_load %arg11[%swap3A_524, %swap3A_525, %swap3A_526] {strides = array<i32>} : memref<4x40x128xf32, #tpu.memory_space<vmem>>, vector<1x1x16xf32>,
        %swap3A_528 = vector.shape_cast %swap3A_527 : vector<1x1x16xf32> to vector<16xf32>
        %swap3A_529 = vector.shape_cast %get3A_522 : vector<16xf32> to vector<1x1x16xf32>
        tpu.vector_store %arg11[%swap3A_524, %swap3A_525, %swap3A_526], %swap3A_529 {add = true, strides = array<i32>} : memref<4x40x128xf32, #tpu.memory_space<vmem>>, vector<1x1x16xf32>,
        %swap3A_530 = arith.constant 1 : i32
        %swap3A_531 = arith.index_cast %swap3A_530 : i32 to index
        %swap3A_532 = arith.index_cast %scan3A_296 : i32 to index
        %swap3A_533 = arith.constant 112 : index
        %swap3A_534 = tpu.vector_load %arg11[%swap3A_531, %swap3A_532, %swap3A_533] {strides = array<i32>} : memref<4x40x128xf32, #tpu.memory_space<vmem>>, vector<1x1x16xf32>,
        %swap3A_535 = vector.shape_cast %swap3A_534 : vector<1x1x16xf32> to vector<16xf32>
        %swap3A_536 = vector.shape_cast %get3A_522 : vector<16xf32> to vector<1x1x16xf32>
        tpu.vector_store %arg11[%swap3A_531, %swap3A_532, %swap3A_533], %swap3A_536 {add = true, strides = array<i32>} : memref<4x40x128xf32, #tpu.memory_space<vmem>>, vector<1x1x16xf32>,
        %swap3A_537 = arith.constant 2 : i32
        %swap3A_538 = arith.index_cast %swap3A_537 : i32 to index
        %swap3A_539 = arith.index_cast %scan3A_296 : i32 to index
        %swap3A_540 = arith.constant 112 : index
        %swap3A_541 = tpu.vector_load %arg11[%swap3A_538, %swap3A_539, %swap3A_540] {strides = array<i32>} : memref<4x40x128xf32, #tpu.memory_space<vmem>>, vector<1x1x16xf32>,
        %swap3A_542 = vector.shape_cast %swap3A_541 : vector<1x1x16xf32> to vector<16xf32>
        %swap3A_543 = vector.shape_cast %get3A_522 : vector<16xf32> to vector<1x1x16xf32>
        tpu.vector_store %arg11[%swap3A_538, %swap3A_539, %swap3A_540], %swap3A_543 {add = true, strides = array<i32>} : memref<4x40x128xf32, #tpu.memory_space<vmem>>, vector<1x1x16xf32>,
        %swap3A_544 = arith.constant 3 : i32
        %swap3A_545 = arith.index_cast %swap3A_544 : i32 to index
        %swap3A_546 = arith.index_cast %scan3A_296 : i32 to index
        %swap3A_547 = arith.constant 112 : index
        %swap3A_548 = tpu.vector_load %arg11[%swap3A_545, %swap3A_546, %swap3A_547] {strides = array<i32>} : memref<4x40x128xf32, #tpu.memory_space<vmem>>, vector<1x1x16xf32>,
        %swap3A_549 = vector.shape_cast %swap3A_548 : vector<1x1x16xf32> to vector<16xf32>
        %swap3A_550 = vector.shape_cast %get3A_522 : vector<16xf32> to vector<1x1x16xf32>
        tpu.vector_store %arg11[%swap3A_545, %swap3A_546, %swap3A_547], %swap3A_550 {add = true, strides = array<i32>} : memref<4x40x128xf32, #tpu.memory_space<vmem>>, vector<1x1x16xf32>,
      }
      %scan3A_279 = arith.constant 40 : i32
      %mul3A_280 = arith.constant 4 : i32
      %mul3A_281 = arith.muli %add3A_267, %mul3A_280 : i32
      %add3A_282 = arith.addi %mul3A_2, %mul3A_281 : i32
      %dma_start3A_283 = arith.constant 0 : i32
      %dma_start3A_284 = arith.constant 0 : i32
      %dma_start3A_285 = tpu.memref_slice %arg4[%add3A_282, %dma_start3A_283, %dma_start3A_284] : memref<16384x40x128xf32, #tpu.memory_space<hbm>> -> memref<4x40x128xf32, #tpu.memory_space<hbm>>
      %dma_start3A_286 = arith.constant 0 : i32
      %dma_start3A_287 = arith.constant 0 : i32
      %dma_start3A_288 = tpu.memref_slice %arg4[%add3A_282, %dma_start3A_286, %dma_start3A_287] : memref<16384x40x128xf32, #tpu.memory_space<hbm>> -> memref<4x40x128xf32, #tpu.memory_space<hbm>>
      tpu.enqueue_dma source(%arg11 : memref<4x40x128xf32, #tpu.memory_space<vmem>>) target(%dma_start3A_288 : memref<4x40x128xf32, #tpu.memory_space<hbm>>) target_semaphore(%arg23 : memref<!tpu.dma_semaphore, #tpu.memory_space<semaphore_mem>>)
      %add3A_289 = arith.constant 3 : i32
      %add3A_290 = arith.addi %add3A_267, %add3A_289 : i32
      %lt3A_291 = arith.constant 128 : i32
      %lt3A_292 = arith.cmpi slt, %add3A_290, %lt3A_291 : i32
      %convert_element_type3A_293 = arith.extui %lt3A_292 : i1 to i32
      %cond3A_294 = arith.constant 0 : i32
      %cond3A_295 = arith.cmpi ne, %convert_element_type3A_293, %cond3A_294 : i32
      scf.if %cond3A_295 {
        %ge3A = arith.constant 3 : i32
        %ge3A_296 = arith.cmpi sge, %add3A_267, %ge3A : i32
        %convert_element_type3A_297 = arith.extui %ge3A_296 : i1 to i32
        %cond3A_298 = arith.constant 0 : i32
        %cond3A_299 = arith.cmpi ne, %convert_element_type3A_297, %cond3A_298 : i32
        scf.if %cond3A_299 {
          %dma_wait3A_311 = arith.constant 0 : i32
          %dma_wait3A_312 = arith.constant 0 : i32
          %dma_wait3A_313 = tpu.memref_slice %arg4[%mul3A_2, %dma_wait3A_311, %dma_wait3A_312] : memref<16384x40x128xf32, #tpu.memory_space<hbm>> -> memref<4x40x128xf32, #tpu.memory_space<hbm>>
          %dma_wait3A_314 = arith.constant 0 : i32
          %dma_wait3A_315 = arith.constant 0 : i32
          %dma_wait3A_316 = tpu.memref_slice %arg4[%mul3A_2, %dma_wait3A_314, %dma_wait3A_315] : memref<16384x40x128xf32, #tpu.memory_space<hbm>> -> memref<4x40x128xf32, #tpu.memory_space<hbm>>
          tpu.wait_dma2 semaphore(%arg20 : memref<!tpu.dma_semaphore, #tpu.memory_space<semaphore_mem>>) src(%arg8 : memref<4x40x128xf32, #tpu.memory_space<vmem>>) dst(%dma_wait3A_316 : memref<4x40x128xf32, #tpu.memory_space<hbm>>)
        } else {
        }
        %add3A_300 = arith.constant 3 : i32
        %add3A_301 = arith.addi %add3A_267, %add3A_300 : i32
        %mul3A_302 = arith.constant 4 : i32
        %mul3A_303 = arith.muli %add3A_301, %mul3A_302 : i32
        %add3A_304 = arith.addi %mul3A_2, %mul3A_303 : i32
        %dma_start3A_305 = arith.constant 0 : i32
        %dma_start3A_306 = arith.constant 0 : i32
        %dma_start3A_307 = tpu.memref_slice %arg2[%add3A_304, %dma_start3A_305, %dma_start3A_306] : memref<16384x40x128xf32, #tpu.memory_space<hbm>> -> memref<4x40x128xf32, #tpu.memory_space<hbm>>
        %dma_start3A_308 = arith.constant 0 : i32
        %dma_start3A_309 = arith.constant 0 : i32
        %dma_start3A_310 = tpu.memref_slice %arg2[%add3A_304, %dma_start3A_308, %dma_start3A_309] : memref<16384x40x128xf32, #tpu.memory_space<hbm>> -> memref<4x40x128xf32, #tpu.memory_space<hbm>>
        tpu.enqueue_dma source(%dma_start3A_310 : memref<4x40x128xf32, #tpu.memory_space<hbm>>) target(%arg8 : memref<4x40x128xf32, #tpu.memory_space<vmem>>) target_semaphore(%arg14 : memref<!tpu.dma_semaphore, #tpu.memory_space<semaphore_mem>>)
      } else {
      }
    }
    %scan3A_30 = arith.constant 21 : i32
    %dma_wait3A = arith.constant 0 : i32
    %dma_wait3A_31 = arith.constant 0 : i32
    %dma_wait3A_32 = tpu.memref_slice %arg2[%mul3A_2, %dma_wait3A, %dma_wait3A_31] : memref<16384x40x128xf32, #tpu.memory_space<hbm>> -> memref<4x40x128xf32, #tpu.memory_space<hbm>>
    %dma_wait3A_33 = arith.constant 0 : i32
    %dma_wait3A_34 = arith.constant 0 : i32
    %dma_wait3A_35 = tpu.memref_slice %arg2[%mul3A_2, %dma_wait3A_33, %dma_wait3A_34] : memref<16384x40x128xf32, #tpu.memory_space<hbm>> -> memref<4x40x128xf32, #tpu.memory_space<hbm>>
    tpu.wait_dma2 semaphore(%arg12 : memref<!tpu.dma_semaphore, #tpu.memory_space<semaphore_mem>>) src(%dma_wait3A_35 : memref<4x40x128xf32, #tpu.memory_space<hbm>>) dst(%arg6 : memref<4x40x128xf32, #tpu.memory_space<vmem>>)
    %scan3A_36 = arith.constant 0 : i32
    %scan3A_37 = arith.constant 0 : i32
    %scan3A_38 = arith.constant 40 : i32
    %scan3A_39 = arith.addi %scan3A_37, %scan3A_38 : i32
    %scan3A_40 = arith.constant 1 : i32
    scf.for %scan3A_106 = %scan3A_37 to %scan3A_39 step %scan3A_40  : i32 {
      %get3A = arith.index_cast %scan3A_106 : i32 to index
      %get3A_107 = arith.constant 0 : index
      %get3A_108 = tpu.vector_load %arg5[%get3A, %get3A_107] {strides = array<i32>} : memref<40x128xf32, #tpu.memory_space<vmem>>, vector<1x16xf32>,
      %get3A_109 = vector.shape_cast %get3A_108 : vector<1x16xf32> to vector<16xf32>
      %swap3A = arith.constant 0 : i32
      %swap3A_110 = arith.index_cast %swap3A : i32 to index
      %swap3A_111 = arith.index_cast %scan3A_106 : i32 to index
      %swap3A_112 = arith.constant 0 : index
      %swap3A_113 = tpu.vector_load %arg6[%swap3A_110, %swap3A_111, %swap3A_112] {strides = array<i32>} : memref<4x40x128xf32, #tpu.memory_space<vmem>>, vector<1x1x16xf32>,
      %swap3A_114 = vector.shape_cast %swap3A_113 : vector<1x1x16xf32> to vector<16xf32>
      %swap3A_115 = vector.shape_cast %get3A_109 : vector<16xf32> to vector<1x1x16xf32>
      tpu.vector_store %arg6[%swap3A_110, %swap3A_111, %swap3A_112], %swap3A_115 {add = true, strides = array<i32>} : memref<4x40x128xf32, #tpu.memory_space<vmem>>, vector<1x1x16xf32>,
      %swap3A_116 = arith.constant 1 : i32
      %swap3A_117 = arith.index_cast %swap3A_116 : i32 to index
      %swap3A_118 = arith.index_cast %scan3A_106 : i32 to index
      %swap3A_119 = arith.constant 0 : index
      %swap3A_120 = tpu.vector_load %arg6[%swap3A_117, %swap3A_118, %swap3A_119] {strides = array<i32>} : memref<4x40x128xf32, #tpu.memory_space<vmem>>, vector<1x1x16xf32>,
      %swap3A_121 = vector.shape_cast %swap3A_120 : vector<1x1x16xf32> to vector<16xf32>
      %swap3A_122 = vector.shape_cast %get3A_109 : vector<16xf32> to vector<1x1x16xf32>
      tpu.vector_store %arg6[%swap3A_117, %swap3A_118, %swap3A_119], %swap3A_122 {add = true, strides = array<i32>} : memref<4x40x128xf32, #tpu.memory_space<vmem>>, vector<1x1x16xf32>,
      %swap3A_123 = arith.constant 2 : i32
      %swap3A_124 = arith.index_cast %swap3A_123 : i32 to index
      %swap3A_125 = arith.index_cast %scan3A_106 : i32 to index
      %swap3A_126 = arith.constant 0 : index
      %swap3A_127 = tpu.vector_load %arg6[%swap3A_124, %swap3A_125, %swap3A_126] {strides = array<i32>} : memref<4x40x128xf32, #tpu.memory_space<vmem>>, vector<1x1x16xf32>,
      %swap3A_128 = vector.shape_cast %swap3A_127 : vector<1x1x16xf32> to vector<16xf32>
      %swap3A_129 = vector.shape_cast %get3A_109 : vector<16xf32> to vector<1x1x16xf32>
      tpu.vector_store %arg6[%swap3A_124, %swap3A_125, %swap3A_126], %swap3A_129 {add = true, strides = array<i32>} : memref<4x40x128xf32, #tpu.memory_space<vmem>>, vector<1x1x16xf32>,
      %swap3A_130 = arith.constant 3 : i32
      %swap3A_131 = arith.index_cast %swap3A_130 : i32 to index
      %swap3A_132 = arith.index_cast %scan3A_106 : i32 to index
      %swap3A_133 = arith.constant 0 : index
      %swap3A_134 = tpu.vector_load %arg6[%swap3A_131, %swap3A_132, %swap3A_133] {strides = array<i32>} : memref<4x40x128xf32, #tpu.memory_space<vmem>>, vector<1x1x16xf32>,
      %swap3A_135 = vector.shape_cast %swap3A_134 : vector<1x1x16xf32> to vector<16xf32>
      %swap3A_136 = vector.shape_cast %get3A_109 : vector<16xf32> to vector<1x1x16xf32>
      tpu.vector_store %arg6[%swap3A_131, %swap3A_132, %swap3A_133], %swap3A_136 {add = true, strides = array<i32>} : memref<4x40x128xf32, #tpu.memory_space<vmem>>, vector<1x1x16xf32>,
      %get3A_137 = arith.index_cast %scan3A_106 : i32 to index
      %get3A_138 = arith.constant 16 : index
      %get3A_139 = tpu.vector_load %arg5[%get3A_137, %get3A_138] {strides = array<i32>} : memref<40x128xf32, #tpu.memory_space<vmem>>, vector<1x16xf32>,
      %get3A_140 = vector.shape_cast %get3A_139 : vector<1x16xf32> to vector<16xf32>
      %swap3A_141 = arith.constant 0 : i32
      %swap3A_142 = arith.index_cast %swap3A_141 : i32 to index
      %swap3A_143 = arith.index_cast %scan3A_106 : i32 to index
      %swap3A_144 = arith.constant 16 : index
      %swap3A_145 = tpu.vector_load %arg6[%swap3A_142, %swap3A_143, %swap3A_144] {strides = array<i32>} : memref<4x40x128xf32, #tpu.memory_space<vmem>>, vector<1x1x16xf32>,
      %swap3A_146 = vector.shape_cast %swap3A_145 : vector<1x1x16xf32> to vector<16xf32>
      %swap3A_147 = vector.shape_cast %get3A_140 : vector<16xf32> to vector<1x1x16xf32>
      tpu.vector_store %arg6[%swap3A_142, %swap3A_143, %swap3A_144], %swap3A_147 {add = true, strides = array<i32>} : memref<4x40x128xf32, #tpu.memory_space<vmem>>, vector<1x1x16xf32>,
      %swap3A_148 = arith.constant 1 : i32
      %swap3A_149 = arith.index_cast %swap3A_148 : i32 to index
      %swap3A_150 = arith.index_cast %scan3A_106 : i32 to index
      %swap3A_151 = arith.constant 16 : index
      %swap3A_152 = tpu.vector_load %arg6[%swap3A_149, %swap3A_150, %swap3A_151] {strides = array<i32>} : memref<4x40x128xf32, #tpu.memory_space<vmem>>, vector<1x1x16xf32>,
      %swap3A_153 = vector.shape_cast %swap3A_152 : vector<1x1x16xf32> to vector<16xf32>
      %swap3A_154 = vector.shape_cast %get3A_140 : vector<16xf32> to vector<1x1x16xf32>
      tpu.vector_store %arg6[%swap3A_149, %swap3A_150, %swap3A_151], %swap3A_154 {add = true, strides = array<i32>} : memref<4x40x128xf32, #tpu.memory_space<vmem>>, vector<1x1x16xf32>,
      %swap3A_155 = arith.constant 2 : i32
      %swap3A_156 = arith.index_cast %swap3A_155 : i32 to index
      %swap3A_157 = arith.index_cast %scan3A_106 : i32 to index
      %swap3A_158 = arith.constant 16 : index
      %swap3A_159 = tpu.vector_load %arg6[%swap3A_156, %swap3A_157, %swap3A_158] {strides = array<i32>} : memref<4x40x128xf32, #tpu.memory_space<vmem>>, vector<1x1x16xf32>,
      %swap3A_160 = vector.shape_cast %swap3A_159 : vector<1x1x16xf32> to vector<16xf32>
      %swap3A_161 = vector.shape_cast %get3A_140 : vector<16xf32> to vector<1x1x16xf32>
      tpu.vector_store %arg6[%swap3A_156, %swap3A_157, %swap3A_158], %swap3A_161 {add = true, strides = array<i32>} : memref<4x40x128xf32, #tpu.memory_space<vmem>>, vector<1x1x16xf32>,
      %swap3A_162 = arith.constant 3 : i32
      %swap3A_163 = arith.index_cast %swap3A_162 : i32 to index
      %swap3A_164 = arith.index_cast %scan3A_106 : i32 to index
      %swap3A_165 = arith.constant 16 : index
      %swap3A_166 = tpu.vector_load %arg6[%swap3A_163, %swap3A_164, %swap3A_165] {strides = array<i32>} : memref<4x40x128xf32, #tpu.memory_space<vmem>>, vector<1x1x16xf32>,
      %swap3A_167 = vector.shape_cast %swap3A_166 : vector<1x1x16xf32> to vector<16xf32>
      %swap3A_168 = vector.shape_cast %get3A_140 : vector<16xf32> to vector<1x1x16xf32>
      tpu.vector_store %arg6[%swap3A_163, %swap3A_164, %swap3A_165], %swap3A_168 {add = true, strides = array<i32>} : memref<4x40x128xf32, #tpu.memory_space<vmem>>, vector<1x1x16xf32>,
      %get3A_169 = arith.index_cast %scan3A_106 : i32 to index
      %get3A_170 = arith.constant 32 : index
      %get3A_171 = tpu.vector_load %arg5[%get3A_169, %get3A_170] {strides = array<i32>} : memref<40x128xf32, #tpu.memory_space<vmem>>, vector<1x16xf32>,
      %get3A_172 = vector.shape_cast %get3A_171 : vector<1x16xf32> to vector<16xf32>
      %swap3A_173 = arith.constant 0 : i32
      %swap3A_174 = arith.index_cast %swap3A_173 : i32 to index
      %swap3A_175 = arith.index_cast %scan3A_106 : i32 to index
      %swap3A_176 = arith.constant 32 : index
      %swap3A_177 = tpu.vector_load %arg6[%swap3A_174, %swap3A_175, %swap3A_176] {strides = array<i32>} : memref<4x40x128xf32, #tpu.memory_space<vmem>>, vector<1x1x16xf32>,
      %swap3A_178 = vector.shape_cast %swap3A_177 : vector<1x1x16xf32> to vector<16xf32>
      %swap3A_179 = vector.shape_cast %get3A_172 : vector<16xf32> to vector<1x1x16xf32>
      tpu.vector_store %arg6[%swap3A_174, %swap3A_175, %swap3A_176], %swap3A_179 {add = true, strides = array<i32>} : memref<4x40x128xf32, #tpu.memory_space<vmem>>, vector<1x1x16xf32>,
      %swap3A_180 = arith.constant 1 : i32
      %swap3A_181 = arith.index_cast %swap3A_180 : i32 to index
      %swap3A_182 = arith.index_cast %scan3A_106 : i32 to index
      %swap3A_183 = arith.constant 32 : index
      %swap3A_184 = tpu.vector_load %arg6[%swap3A_181, %swap3A_182, %swap3A_183] {strides = array<i32>} : memref<4x40x128xf32, #tpu.memory_space<vmem>>, vector<1x1x16xf32>,
      %swap3A_185 = vector.shape_cast %swap3A_184 : vector<1x1x16xf32> to vector<16xf32>
      %swap3A_186 = vector.shape_cast %get3A_172 : vector<16xf32> to vector<1x1x16xf32>
      tpu.vector_store %arg6[%swap3A_181, %swap3A_182, %swap3A_183], %swap3A_186 {add = true, strides = array<i32>} : memref<4x40x128xf32, #tpu.memory_space<vmem>>, vector<1x1x16xf32>,
      %swap3A_187 = arith.constant 2 : i32
      %swap3A_188 = arith.index_cast %swap3A_187 : i32 to index
      %swap3A_189 = arith.index_cast %scan3A_106 : i32 to index
      %swap3A_190 = arith.constant 32 : index
      %swap3A_191 = tpu.vector_load %arg6[%swap3A_188, %swap3A_189, %swap3A_190] {strides = array<i32>} : memref<4x40x128xf32, #tpu.memory_space<vmem>>, vector<1x1x16xf32>,
      %swap3A_192 = vector.shape_cast %swap3A_191 : vector<1x1x16xf32> to vector<16xf32>
      %swap3A_193 = vector.shape_cast %get3A_172 : vector<16xf32> to vector<1x1x16xf32>
      tpu.vector_store %arg6[%swap3A_188, %swap3A_189, %swap3A_190], %swap3A_193 {add = true, strides = array<i32>} : memref<4x40x128xf32, #tpu.memory_space<vmem>>, vector<1x1x16xf32>,
      %swap3A_194 = arith.constant 3 : i32
      %swap3A_195 = arith.index_cast %swap3A_194 : i32 to index
      %swap3A_196 = arith.index_cast %scan3A_106 : i32 to index
      %swap3A_197 = arith.constant 32 : index
      %swap3A_198 = tpu.vector_load %arg6[%swap3A_195, %swap3A_196, %swap3A_197] {strides = array<i32>} : memref<4x40x128xf32, #tpu.memory_space<vmem>>, vector<1x1x16xf32>,
      %swap3A_199 = vector.shape_cast %swap3A_198 : vector<1x1x16xf32> to vector<16xf32>
      %swap3A_200 = vector.shape_cast %get3A_172 : vector<16xf32> to vector<1x1x16xf32>
      tpu.vector_store %arg6[%swap3A_195, %swap3A_196, %swap3A_197], %swap3A_200 {add = true, strides = array<i32>} : memref<4x40x128xf32, #tpu.memory_space<vmem>>, vector<1x1x16xf32>,
      %get3A_201 = arith.index_cast %scan3A_106 : i32 to index
      %get3A_202 = arith.constant 48 : index
      %get3A_203 = tpu.vector_load %arg5[%get3A_201, %get3A_202] {strides = array<i32>} : memref<40x128xf32, #tpu.memory_space<vmem>>, vector<1x16xf32>,
      %get3A_204 = vector.shape_cast %get3A_203 : vector<1x16xf32> to vector<16xf32>
      %swap3A_205 = arith.constant 0 : i32
      %swap3A_206 = arith.index_cast %swap3A_205 : i32 to index
      %swap3A_207 = arith.index_cast %scan3A_106 : i32 to index
      %swap3A_208 = arith.constant 48 : index
      %swap3A_209 = tpu.vector_load %arg6[%swap3A_206, %swap3A_207, %swap3A_208] {strides = array<i32>} : memref<4x40x128xf32, #tpu.memory_space<vmem>>, vector<1x1x16xf32>,
      %swap3A_210 = vector.shape_cast %swap3A_209 : vector<1x1x16xf32> to vector<16xf32>
      %swap3A_211 = vector.shape_cast %get3A_204 : vector<16xf32> to vector<1x1x16xf32>
      tpu.vector_store %arg6[%swap3A_206, %swap3A_207, %swap3A_208], %swap3A_211 {add = true, strides = array<i32>} : memref<4x40x128xf32, #tpu.memory_space<vmem>>, vector<1x1x16xf32>,
      %swap3A_212 = arith.constant 1 : i32
      %swap3A_213 = arith.index_cast %swap3A_212 : i32 to index
      %swap3A_214 = arith.index_cast %scan3A_106 : i32 to index
      %swap3A_215 = arith.constant 48 : index
      %swap3A_216 = tpu.vector_load %arg6[%swap3A_213, %swap3A_214, %swap3A_215] {strides = array<i32>} : memref<4x40x128xf32, #tpu.memory_space<vmem>>, vector<1x1x16xf32>,
      %swap3A_217 = vector.shape_cast %swap3A_216 : vector<1x1x16xf32> to vector<16xf32>
      %swap3A_218 = vector.shape_cast %get3A_204 : vector<16xf32> to vector<1x1x16xf32>
      tpu.vector_store %arg6[%swap3A_213, %swap3A_214, %swap3A_215], %swap3A_218 {add = true, strides = array<i32>} : memref<4x40x128xf32, #tpu.memory_space<vmem>>, vector<1x1x16xf32>,
      %swap3A_219 = arith.constant 2 : i32
      %swap3A_220 = arith.index_cast %swap3A_219 : i32 to index
      %swap3A_221 = arith.index_cast %scan3A_106 : i32 to index
      %swap3A_222 = arith.constant 48 : index
      %swap3A_223 = tpu.vector_load %arg6[%swap3A_220, %swap3A_221, %swap3A_222] {strides = array<i32>} : memref<4x40x128xf32, #tpu.memory_space<vmem>>, vector<1x1x16xf32>,
      %swap3A_224 = vector.shape_cast %swap3A_223 : vector<1x1x16xf32> to vector<16xf32>
      %swap3A_225 = vector.shape_cast %get3A_204 : vector<16xf32> to vector<1x1x16xf32>
      tpu.vector_store %arg6[%swap3A_220, %swap3A_221, %swap3A_222], %swap3A_225 {add = true, strides = array<i32>} : memref<4x40x128xf32, #tpu.memory_space<vmem>>, vector<1x1x16xf32>,
      %swap3A_226 = arith.constant 3 : i32
      %swap3A_227 = arith.index_cast %swap3A_226 : i32 to index
      %swap3A_228 = arith.index_cast %scan3A_106 : i32 to index
      %swap3A_229 = arith.constant 48 : index
      %swap3A_230 = tpu.vector_load %arg6[%swap3A_227, %swap3A_228, %swap3A_229] {strides = array<i32>} : memref<4x40x128xf32, #tpu.memory_space<vmem>>, vector<1x1x16xf32>,
      %swap3A_231 = vector.shape_cast %swap3A_230 : vector<1x1x16xf32> to vector<16xf32>
      %swap3A_232 = vector.shape_cast %get3A_204 : vector<16xf32> to vector<1x1x16xf32>
      tpu.vector_store %arg6[%swap3A_227, %swap3A_228, %swap3A_229], %swap3A_232 {add = true, strides = array<i32>} : memref<4x40x128xf32, #tpu.memory_space<vmem>>, vector<1x1x16xf32>,
      %get3A_233 = arith.index_cast %scan3A_106 : i32 to index
      %get3A_234 = arith.constant 64 : index
      %get3A_235 = tpu.vector_load %arg5[%get3A_233, %get3A_234] {strides = array<i32>} : memref<40x128xf32, #tpu.memory_space<vmem>>, vector<1x16xf32>,
      %get3A_236 = vector.shape_cast %get3A_235 : vector<1x16xf32> to vector<16xf32>
      %swap3A_237 = arith.constant 0 : i32
      %swap3A_238 = arith.index_cast %swap3A_237 : i32 to index
      %swap3A_239 = arith.index_cast %scan3A_106 : i32 to index
      %swap3A_240 = arith.constant 64 : index
      %swap3A_241 = tpu.vector_load %arg6[%swap3A_238, %swap3A_239, %swap3A_240] {strides = array<i32>} : memref<4x40x128xf32, #tpu.memory_space<vmem>>, vector<1x1x16xf32>,
      %swap3A_242 = vector.shape_cast %swap3A_241 : vector<1x1x16xf32> to vector<16xf32>
      %swap3A_243 = vector.shape_cast %get3A_236 : vector<16xf32> to vector<1x1x16xf32>
      tpu.vector_store %arg6[%swap3A_238, %swap3A_239, %swap3A_240], %swap3A_243 {add = true, strides = array<i32>} : memref<4x40x128xf32, #tpu.memory_space<vmem>>, vector<1x1x16xf32>,
      %swap3A_244 = arith.constant 1 : i32
      %swap3A_245 = arith.index_cast %swap3A_244 : i32 to index
      %swap3A_246 = arith.index_cast %scan3A_106 : i32 to index
      %swap3A_247 = arith.constant 64 : index
      %swap3A_248 = tpu.vector_load %arg6[%swap3A_245, %swap3A_246, %swap3A_247] {strides = array<i32>} : memref<4x40x128xf32, #tpu.memory_space<vmem>>, vector<1x1x16xf32>,
      %swap3A_249 = vector.shape_cast %swap3A_248 : vector<1x1x16xf32> to vector<16xf32>
      %swap3A_250 = vector.shape_cast %get3A_236 : vector<16xf32> to vector<1x1x16xf32>
      tpu.vector_store %arg6[%swap3A_245, %swap3A_246, %swap3A_247], %swap3A_250 {add = true, strides = array<i32>} : memref<4x40x128xf32, #tpu.memory_space<vmem>>, vector<1x1x16xf32>,
      %swap3A_251 = arith.constant 2 : i32
      %swap3A_252 = arith.index_cast %swap3A_251 : i32 to index
      %swap3A_253 = arith.index_cast %scan3A_106 : i32 to index
      %swap3A_254 = arith.constant 64 : index
      %swap3A_255 = tpu.vector_load %arg6[%swap3A_252, %swap3A_253, %swap3A_254] {strides = array<i32>} : memref<4x40x128xf32, #tpu.memory_space<vmem>>, vector<1x1x16xf32>,
      %swap3A_256 = vector.shape_cast %swap3A_255 : vector<1x1x16xf32> to vector<16xf32>
      %swap3A_257 = vector.shape_cast %get3A_236 : vector<16xf32> to vector<1x1x16xf32>
      tpu.vector_store %arg6[%swap3A_252, %swap3A_253, %swap3A_254], %swap3A_257 {add = true, strides = array<i32>} : memref<4x40x128xf32, #tpu.memory_space<vmem>>, vector<1x1x16xf32>,
      %swap3A_258 = arith.constant 3 : i32
      %swap3A_259 = arith.index_cast %swap3A_258 : i32 to index
      %swap3A_260 = arith.index_cast %scan3A_106 : i32 to index
      %swap3A_261 = arith.constant 64 : index
      %swap3A_262 = tpu.vector_load %arg6[%swap3A_259, %swap3A_260, %swap3A_261] {strides = array<i32>} : memref<4x40x128xf32, #tpu.memory_space<vmem>>, vector<1x1x16xf32>,
      %swap3A_263 = vector.shape_cast %swap3A_262 : vector<1x1x16xf32> to vector<16xf32>
      %swap3A_264 = vector.shape_cast %get3A_236 : vector<16xf32> to vector<1x1x16xf32>
      tpu.vector_store %arg6[%swap3A_259, %swap3A_260, %swap3A_261], %swap3A_264 {add = true, strides = array<i32>} : memref<4x40x128xf32, #tpu.memory_space<vmem>>, vector<1x1x16xf32>,
      %get3A_265 = arith.index_cast %scan3A_106 : i32 to index
      %get3A_266 = arith.constant 80 : index
      %get3A_267 = tpu.vector_load %arg5[%get3A_265, %get3A_266] {strides = array<i32>} : memref<40x128xf32, #tpu.memory_space<vmem>>, vector<1x16xf32>,
      %get3A_268 = vector.shape_cast %get3A_267 : vector<1x16xf32> to vector<16xf32>
      %swap3A_269 = arith.constant 0 : i32
      %swap3A_270 = arith.index_cast %swap3A_269 : i32 to index
      %swap3A_271 = arith.index_cast %scan3A_106 : i32 to index
      %swap3A_272 = arith.constant 80 : index
      %swap3A_273 = tpu.vector_load %arg6[%swap3A_270, %swap3A_271, %swap3A_272] {strides = array<i32>} : memref<4x40x128xf32, #tpu.memory_space<vmem>>, vector<1x1x16xf32>,
      %swap3A_274 = vector.shape_cast %swap3A_273 : vector<1x1x16xf32> to vector<16xf32>
      %swap3A_275 = vector.shape_cast %get3A_268 : vector<16xf32> to vector<1x1x16xf32>
      tpu.vector_store %arg6[%swap3A_270, %swap3A_271, %swap3A_272], %swap3A_275 {add = true, strides = array<i32>} : memref<4x40x128xf32, #tpu.memory_space<vmem>>, vector<1x1x16xf32>,
      %swap3A_276 = arith.constant 1 : i32
      %swap3A_277 = arith.index_cast %swap3A_276 : i32 to index
      %swap3A_278 = arith.index_cast %scan3A_106 : i32 to index
      %swap3A_279 = arith.constant 80 : index
      %swap3A_280 = tpu.vector_load %arg6[%swap3A_277, %swap3A_278, %swap3A_279] {strides = array<i32>} : memref<4x40x128xf32, #tpu.memory_space<vmem>>, vector<1x1x16xf32>,
      %swap3A_281 = vector.shape_cast %swap3A_280 : vector<1x1x16xf32> to vector<16xf32>
      %swap3A_282 = vector.shape_cast %get3A_268 : vector<16xf32> to vector<1x1x16xf32>
      tpu.vector_store %arg6[%swap3A_277, %swap3A_278, %swap3A_279], %swap3A_282 {add = true, strides = array<i32>} : memref<4x40x128xf32, #tpu.memory_space<vmem>>, vector<1x1x16xf32>,
      %swap3A_283 = arith.constant 2 : i32
      %swap3A_284 = arith.index_cast %swap3A_283 : i32 to index
      %swap3A_285 = arith.index_cast %scan3A_106 : i32 to index
      %swap3A_286 = arith.constant 80 : index
      %swap3A_287 = tpu.vector_load %arg6[%swap3A_284, %swap3A_285, %swap3A_286] {strides = array<i32>} : memref<4x40x128xf32, #tpu.memory_space<vmem>>, vector<1x1x16xf32>,
      %swap3A_288 = vector.shape_cast %swap3A_287 : vector<1x1x16xf32> to vector<16xf32>
      %swap3A_289 = vector.shape_cast %get3A_268 : vector<16xf32> to vector<1x1x16xf32>
      tpu.vector_store %arg6[%swap3A_284, %swap3A_285, %swap3A_286], %swap3A_289 {add = true, strides = array<i32>} : memref<4x40x128xf32, #tpu.memory_space<vmem>>, vector<1x1x16xf32>,
      %swap3A_290 = arith.constant 3 : i32
      %swap3A_291 = arith.index_cast %swap3A_290 : i32 to index
      %swap3A_292 = arith.index_cast %scan3A_106 : i32 to index
      %swap3A_293 = arith.constant 80 : index
      %swap3A_294 = tpu.vector_load %arg6[%swap3A_291, %swap3A_292, %swap3A_293] {strides = array<i32>} : memref<4x40x128xf32, #tpu.memory_space<vmem>>, vector<1x1x16xf32>,
      %swap3A_295 = vector.shape_cast %swap3A_294 : vector<1x1x16xf32> to vector<16xf32>
      %swap3A_296 = vector.shape_cast %get3A_268 : vector<16xf32> to vector<1x1x16xf32>
      tpu.vector_store %arg6[%swap3A_291, %swap3A_292, %swap3A_293], %swap3A_296 {add = true, strides = array<i32>} : memref<4x40x128xf32, #tpu.memory_space<vmem>>, vector<1x1x16xf32>,
      %get3A_297 = arith.index_cast %scan3A_106 : i32 to index
      %get3A_298 = arith.constant 96 : index
      %get3A_299 = tpu.vector_load %arg5[%get3A_297, %get3A_298] {strides = array<i32>} : memref<40x128xf32, #tpu.memory_space<vmem>>, vector<1x16xf32>,
      %get3A_300 = vector.shape_cast %get3A_299 : vector<1x16xf32> to vector<16xf32>
      %swap3A_301 = arith.constant 0 : i32
      %swap3A_302 = arith.index_cast %swap3A_301 : i32 to index
      %swap3A_303 = arith.index_cast %scan3A_106 : i32 to index
      %swap3A_304 = arith.constant 96 : index
      %swap3A_305 = tpu.vector_load %arg6[%swap3A_302, %swap3A_303, %swap3A_304] {strides = array<i32>} : memref<4x40x128xf32, #tpu.memory_space<vmem>>, vector<1x1x16xf32>,
      %swap3A_306 = vector.shape_cast %swap3A_305 : vector<1x1x16xf32> to vector<16xf32>
      %swap3A_307 = vector.shape_cast %get3A_300 : vector<16xf32> to vector<1x1x16xf32>
      tpu.vector_store %arg6[%swap3A_302, %swap3A_303, %swap3A_304], %swap3A_307 {add = true, strides = array<i32>} : memref<4x40x128xf32, #tpu.memory_space<vmem>>, vector<1x1x16xf32>,
      %swap3A_308 = arith.constant 1 : i32
      %swap3A_309 = arith.index_cast %swap3A_308 : i32 to index
      %swap3A_310 = arith.index_cast %scan3A_106 : i32 to index
      %swap3A_311 = arith.constant 96 : index
      %swap3A_312 = tpu.vector_load %arg6[%swap3A_309, %swap3A_310, %swap3A_311] {strides = array<i32>} : memref<4x40x128xf32, #tpu.memory_space<vmem>>, vector<1x1x16xf32>,
      %swap3A_313 = vector.shape_cast %swap3A_312 : vector<1x1x16xf32> to vector<16xf32>
      %swap3A_314 = vector.shape_cast %get3A_300 : vector<16xf32> to vector<1x1x16xf32>
      tpu.vector_store %arg6[%swap3A_309, %swap3A_310, %swap3A_311], %swap3A_314 {add = true, strides = array<i32>} : memref<4x40x128xf32, #tpu.memory_space<vmem>>, vector<1x1x16xf32>,
      %swap3A_315 = arith.constant 2 : i32
      %swap3A_316 = arith.index_cast %swap3A_315 : i32 to index
      %swap3A_317 = arith.index_cast %scan3A_106 : i32 to index
      %swap3A_318 = arith.constant 96 : index
      %swap3A_319 = tpu.vector_load %arg6[%swap3A_316, %swap3A_317, %swap3A_318] {strides = array<i32>} : memref<4x40x128xf32, #tpu.memory_space<vmem>>, vector<1x1x16xf32>,
      %swap3A_320 = vector.shape_cast %swap3A_319 : vector<1x1x16xf32> to vector<16xf32>
      %swap3A_321 = vector.shape_cast %get3A_300 : vector<16xf32> to vector<1x1x16xf32>
      tpu.vector_store %arg6[%swap3A_316, %swap3A_317, %swap3A_318], %swap3A_321 {add = true, strides = array<i32>} : memref<4x40x128xf32, #tpu.memory_space<vmem>>, vector<1x1x16xf32>,
      %swap3A_322 = arith.constant 3 : i32
      %swap3A_323 = arith.index_cast %swap3A_322 : i32 to index
      %swap3A_324 = arith.index_cast %scan3A_106 : i32 to index
      %swap3A_325 = arith.constant 96 : index
      %swap3A_326 = tpu.vector_load %arg6[%swap3A_323, %swap3A_324, %swap3A_325] {strides = array<i32>} : memref<4x40x128xf32, #tpu.memory_space<vmem>>, vector<1x1x16xf32>,
      %swap3A_327 = vector.shape_cast %swap3A_326 : vector<1x1x16xf32> to vector<16xf32>
      %swap3A_328 = vector.shape_cast %get3A_300 : vector<16xf32> to vector<1x1x16xf32>
      tpu.vector_store %arg6[%swap3A_323, %swap3A_324, %swap3A_325], %swap3A_328 {add = true, strides = array<i32>} : memref<4x40x128xf32, #tpu.memory_space<vmem>>, vector<1x1x16xf32>,
      %get3A_329 = arith.index_cast %scan3A_106 : i32 to index
      %get3A_330 = arith.constant 112 : index
      %get3A_331 = tpu.vector_load %arg5[%get3A_329, %get3A_330] {strides = array<i32>} : memref<40x128xf32, #tpu.memory_space<vmem>>, vector<1x16xf32>,
      %get3A_332 = vector.shape_cast %get3A_331 : vector<1x16xf32> to vector<16xf32>
      %swap3A_333 = arith.constant 0 : i32
      %swap3A_334 = arith.index_cast %swap3A_333 : i32 to index
      %swap3A_335 = arith.index_cast %scan3A_106 : i32 to index
      %swap3A_336 = arith.constant 112 : index
      %swap3A_337 = tpu.vector_load %arg6[%swap3A_334, %swap3A_335, %swap3A_336] {strides = array<i32>} : memref<4x40x128xf32, #tpu.memory_space<vmem>>, vector<1x1x16xf32>,
      %swap3A_338 = vector.shape_cast %swap3A_337 : vector<1x1x16xf32> to vector<16xf32>
      %swap3A_339 = vector.shape_cast %get3A_332 : vector<16xf32> to vector<1x1x16xf32>
      tpu.vector_store %arg6[%swap3A_334, %swap3A_335, %swap3A_336], %swap3A_339 {add = true, strides = array<i32>} : memref<4x40x128xf32, #tpu.memory_space<vmem>>, vector<1x1x16xf32>,
      %swap3A_340 = arith.constant 1 : i32
      %swap3A_341 = arith.index_cast %swap3A_340 : i32 to index
      %swap3A_342 = arith.index_cast %scan3A_106 : i32 to index
      %swap3A_343 = arith.constant 112 : index
      %swap3A_344 = tpu.vector_load %arg6[%swap3A_341, %swap3A_342, %swap3A_343] {strides = array<i32>} : memref<4x40x128xf32, #tpu.memory_space<vmem>>, vector<1x1x16xf32>,
      %swap3A_345 = vector.shape_cast %swap3A_344 : vector<1x1x16xf32> to vector<16xf32>
      %swap3A_346 = vector.shape_cast %get3A_332 : vector<16xf32> to vector<1x1x16xf32>
      tpu.vector_store %arg6[%swap3A_341, %swap3A_342, %swap3A_343], %swap3A_346 {add = true, strides = array<i32>} : memref<4x40x128xf32, #tpu.memory_space<vmem>>, vector<1x1x16xf32>,
      %swap3A_347 = arith.constant 2 : i32
      %swap3A_348 = arith.index_cast %swap3A_347 : i32 to index
      %swap3A_349 = arith.index_cast %scan3A_106 : i32 to index
      %swap3A_350 = arith.constant 112 : index
      %swap3A_351 = tpu.vector_load %arg6[%swap3A_348, %swap3A_349, %swap3A_350] {strides = array<i32>} : memref<4x40x128xf32, #tpu.memory_space<vmem>>, vector<1x1x16xf32>,
      %swap3A_352 = vector.shape_cast %swap3A_351 : vector<1x1x16xf32> to vector<16xf32>
      %swap3A_353 = vector.shape_cast %get3A_332 : vector<16xf32> to vector<1x1x16xf32>
      tpu.vector_store %arg6[%swap3A_348, %swap3A_349, %swap3A_350], %swap3A_353 {add = true, strides = array<i32>} : memref<4x40x128xf32, #tpu.memory_space<vmem>>, vector<1x1x16xf32>,
      %swap3A_354 = arith.constant 3 : i32
      %swap3A_355 = arith.index_cast %swap3A_354 : i32 to index
      %swap3A_356 = arith.index_cast %scan3A_106 : i32 to index
      %swap3A_357 = arith.constant 112 : index
      %swap3A_358 = tpu.vector_load %arg6[%swap3A_355, %swap3A_356, %swap3A_357] {strides = array<i32>} : memref<4x40x128xf32, #tpu.memory_space<vmem>>, vector<1x1x16xf32>,
      %swap3A_359 = vector.shape_cast %swap3A_358 : vector<1x1x16xf32> to vector<16xf32>
      %swap3A_360 = vector.shape_cast %get3A_332 : vector<16xf32> to vector<1x1x16xf32>
      tpu.vector_store %arg6[%swap3A_355, %swap3A_356, %swap3A_357], %swap3A_360 {add = true, strides = array<i32>} : memref<4x40x128xf32, #tpu.memory_space<vmem>>, vector<1x1x16xf32>,
    }
    %scan3A_41 = arith.constant 40 : i32
    %add3A_42 = arith.constant 504 : i32
    %add3A_43 = arith.addi %mul3A_2, %add3A_42 : i32
    %dma_start3A_44 = arith.constant 0 : i32
    %dma_start3A_45 = arith.constant 0 : i32
    %dma_start3A_46 = tpu.memref_slice %arg4[%add3A_43, %dma_start3A_44, %dma_start3A_45] : memref<16384x40x128xf32, #tpu.memory_space<hbm>> -> memref<4x40x128xf32, #tpu.memory_space<hbm>>
    %dma_start3A_47 = arith.constant 0 : i32
    %dma_start3A_48 = arith.constant 0 : i32
    %dma_start3A_49 = tpu.memref_slice %arg4[%add3A_43, %dma_start3A_47, %dma_start3A_48] : memref<16384x40x128xf32, #tpu.memory_space<hbm>> -> memref<4x40x128xf32, #tpu.memory_space<hbm>>
    tpu.enqueue_dma source(%arg6 : memref<4x40x128xf32, #tpu.memory_space<vmem>>) target(%dma_start3A_49 : memref<4x40x128xf32, #tpu.memory_space<hbm>>) target_semaphore(%arg18 : memref<!tpu.dma_semaphore, #tpu.memory_space<semaphore_mem>>)
    %dma_wait3A_50 = arith.constant 0 : i32
    %dma_wait3A_51 = arith.constant 0 : i32
    %dma_wait3A_52 = tpu.memref_slice %arg2[%mul3A_2, %dma_wait3A_50, %dma_wait3A_51] : memref<16384x40x128xf32, #tpu.memory_space<hbm>> -> memref<4x40x128xf32, #tpu.memory_space<hbm>>
    %dma_wait3A_53 = arith.constant 0 : i32
    %dma_wait3A_54 = arith.constant 0 : i32
    %dma_wait3A_55 = tpu.memref_slice %arg2[%mul3A_2, %dma_wait3A_53, %dma_wait3A_54] : memref<16384x40x128xf32, #tpu.memory_space<hbm>> -> memref<4x40x128xf32, #tpu.memory_space<hbm>>
    tpu.wait_dma2 semaphore(%arg13 : memref<!tpu.dma_semaphore, #tpu.memory_space<semaphore_mem>>) src(%dma_wait3A_55 : memref<4x40x128xf32, #tpu.memory_space<hbm>>) dst(%arg7 : memref<4x40x128xf32, #tpu.memory_space<vmem>>)
    %scan3A_56 = arith.constant 0 : i32
    %scan3A_57 = arith.constant 0 : i32
    %scan3A_58 = arith.constant 40 : i32
    %scan3A_59 = arith.addi %scan3A_57, %scan3A_58 : i32
    %scan3A_60 = arith.constant 1 : i32
    scf.for %scan3A_106 = %scan3A_57 to %scan3A_59 step %scan3A_60  : i32 {
      %get3A = arith.index_cast %scan3A_106 : i32 to index
      %get3A_107 = arith.constant 0 : index
      %get3A_108 = tpu.vector_load %arg5[%get3A, %get3A_107] {strides = array<i32>} : memref<40x128xf32, #tpu.memory_space<vmem>>, vector<1x16xf32>,
      %get3A_109 = vector.shape_cast %get3A_108 : vector<1x16xf32> to vector<16xf32>
      %swap3A = arith.constant 0 : i32
      %swap3A_110 = arith.index_cast %swap3A : i32 to index
      %swap3A_111 = arith.index_cast %scan3A_106 : i32 to index
      %swap3A_112 = arith.constant 0 : index
      %swap3A_113 = tpu.vector_load %arg7[%swap3A_110, %swap3A_111, %swap3A_112] {strides = array<i32>} : memref<4x40x128xf32, #tpu.memory_space<vmem>>, vector<1x1x16xf32>,
      %swap3A_114 = vector.shape_cast %swap3A_113 : vector<1x1x16xf32> to vector<16xf32>
      %swap3A_115 = vector.shape_cast %get3A_109 : vector<16xf32> to vector<1x1x16xf32>
      tpu.vector_store %arg7[%swap3A_110, %swap3A_111, %swap3A_112], %swap3A_115 {add = true, strides = array<i32>} : memref<4x40x128xf32, #tpu.memory_space<vmem>>, vector<1x1x16xf32>,
      %swap3A_116 = arith.constant 1 : i32
      %swap3A_117 = arith.index_cast %swap3A_116 : i32 to index
      %swap3A_118 = arith.index_cast %scan3A_106 : i32 to index
      %swap3A_119 = arith.constant 0 : index
      %swap3A_120 = tpu.vector_load %arg7[%swap3A_117, %swap3A_118, %swap3A_119] {strides = array<i32>} : memref<4x40x128xf32, #tpu.memory_space<vmem>>, vector<1x1x16xf32>,
      %swap3A_121 = vector.shape_cast %swap3A_120 : vector<1x1x16xf32> to vector<16xf32>
      %swap3A_122 = vector.shape_cast %get3A_109 : vector<16xf32> to vector<1x1x16xf32>
      tpu.vector_store %arg7[%swap3A_117, %swap3A_118, %swap3A_119], %swap3A_122 {add = true, strides = array<i32>} : memref<4x40x128xf32, #tpu.memory_space<vmem>>, vector<1x1x16xf32>,
      %swap3A_123 = arith.constant 2 : i32
      %swap3A_124 = arith.index_cast %swap3A_123 : i32 to index
      %swap3A_125 = arith.index_cast %scan3A_106 : i32 to index
      %swap3A_126 = arith.constant 0 : index
      %swap3A_127 = tpu.vector_load %arg7[%swap3A_124, %swap3A_125, %swap3A_126] {strides = array<i32>} : memref<4x40x128xf32, #tpu.memory_space<vmem>>, vector<1x1x16xf32>,
      %swap3A_128 = vector.shape_cast %swap3A_127 : vector<1x1x16xf32> to vector<16xf32>
      %swap3A_129 = vector.shape_cast %get3A_109 : vector<16xf32> to vector<1x1x16xf32>
      tpu.vector_store %arg7[%swap3A_124, %swap3A_125, %swap3A_126], %swap3A_129 {add = true, strides = array<i32>} : memref<4x40x128xf32, #tpu.memory_space<vmem>>, vector<1x1x16xf32>,
      %swap3A_130 = arith.constant 3 : i32
      %swap3A_131 = arith.index_cast %swap3A_130 : i32 to index
      %swap3A_132 = arith.index_cast %scan3A_106 : i32 to index
      %swap3A_133 = arith.constant 0 : index
      %swap3A_134 = tpu.vector_load %arg7[%swap3A_131, %swap3A_132, %swap3A_133] {strides = array<i32>} : memref<4x40x128xf32, #tpu.memory_space<vmem>>, vector<1x1x16xf32>,
      %swap3A_135 = vector.shape_cast %swap3A_134 : vector<1x1x16xf32> to vector<16xf32>
      %swap3A_136 = vector.shape_cast %get3A_109 : vector<16xf32> to vector<1x1x16xf32>
      tpu.vector_store %arg7[%swap3A_131, %swap3A_132, %swap3A_133], %swap3A_136 {add = true, strides = array<i32>} : memref<4x40x128xf32, #tpu.memory_space<vmem>>, vector<1x1x16xf32>,
      %get3A_137 = arith.index_cast %scan3A_106 : i32 to index
      %get3A_138 = arith.constant 16 : index
      %get3A_139 = tpu.vector_load %arg5[%get3A_137, %get3A_138] {strides = array<i32>} : memref<40x128xf32, #tpu.memory_space<vmem>>, vector<1x16xf32>,
      %get3A_140 = vector.shape_cast %get3A_139 : vector<1x16xf32> to vector<16xf32>
      %swap3A_141 = arith.constant 0 : i32
      %swap3A_142 = arith.index_cast %swap3A_141 : i32 to index
      %swap3A_143 = arith.index_cast %scan3A_106 : i32 to index
      %swap3A_144 = arith.constant 16 : index
      %swap3A_145 = tpu.vector_load %arg7[%swap3A_142, %swap3A_143, %swap3A_144] {strides = array<i32>} : memref<4x40x128xf32, #tpu.memory_space<vmem>>, vector<1x1x16xf32>,
      %swap3A_146 = vector.shape_cast %swap3A_145 : vector<1x1x16xf32> to vector<16xf32>
      %swap3A_147 = vector.shape_cast %get3A_140 : vector<16xf32> to vector<1x1x16xf32>
      tpu.vector_store %arg7[%swap3A_142, %swap3A_143, %swap3A_144], %swap3A_147 {add = true, strides = array<i32>} : memref<4x40x128xf32, #tpu.memory_space<vmem>>, vector<1x1x16xf32>,
      %swap3A_148 = arith.constant 1 : i32
      %swap3A_149 = arith.index_cast %swap3A_148 : i32 to index
      %swap3A_150 = arith.index_cast %scan3A_106 : i32 to index
      %swap3A_151 = arith.constant 16 : index
      %swap3A_152 = tpu.vector_load %arg7[%swap3A_149, %swap3A_150, %swap3A_151] {strides = array<i32>} : memref<4x40x128xf32, #tpu.memory_space<vmem>>, vector<1x1x16xf32>,
      %swap3A_153 = vector.shape_cast %swap3A_152 : vector<1x1x16xf32> to vector<16xf32>
      %swap3A_154 = vector.shape_cast %get3A_140 : vector<16xf32> to vector<1x1x16xf32>
      tpu.vector_store %arg7[%swap3A_149, %swap3A_150, %swap3A_151], %swap3A_154 {add = true, strides = array<i32>} : memref<4x40x128xf32, #tpu.memory_space<vmem>>, vector<1x1x16xf32>,
      %swap3A_155 = arith.constant 2 : i32
      %swap3A_156 = arith.index_cast %swap3A_155 : i32 to index
      %swap3A_157 = arith.index_cast %scan3A_106 : i32 to index
      %swap3A_158 = arith.constant 16 : index
      %swap3A_159 = tpu.vector_load %arg7[%swap3A_156, %swap3A_157, %swap3A_158] {strides = array<i32>} : memref<4x40x128xf32, #tpu.memory_space<vmem>>, vector<1x1x16xf32>,
      %swap3A_160 = vector.shape_cast %swap3A_159 : vector<1x1x16xf32> to vector<16xf32>
      %swap3A_161 = vector.shape_cast %get3A_140 : vector<16xf32> to vector<1x1x16xf32>
      tpu.vector_store %arg7[%swap3A_156, %swap3A_157, %swap3A_158], %swap3A_161 {add = true, strides = array<i32>} : memref<4x40x128xf32, #tpu.memory_space<vmem>>, vector<1x1x16xf32>,
      %swap3A_162 = arith.constant 3 : i32
      %swap3A_163 = arith.index_cast %swap3A_162 : i32 to index
      %swap3A_164 = arith.index_cast %scan3A_106 : i32 to index
      %swap3A_165 = arith.constant 16 : index
      %swap3A_166 = tpu.vector_load %arg7[%swap3A_163, %swap3A_164, %swap3A_165] {strides = array<i32>} : memref<4x40x128xf32, #tpu.memory_space<vmem>>, vector<1x1x16xf32>,
      %swap3A_167 = vector.shape_cast %swap3A_166 : vector<1x1x16xf32> to vector<16xf32>
      %swap3A_168 = vector.shape_cast %get3A_140 : vector<16xf32> to vector<1x1x16xf32>
      tpu.vector_store %arg7[%swap3A_163, %swap3A_164, %swap3A_165], %swap3A_168 {add = true, strides = array<i32>} : memref<4x40x128xf32, #tpu.memory_space<vmem>>, vector<1x1x16xf32>,
      %get3A_169 = arith.index_cast %scan3A_106 : i32 to index
      %get3A_170 = arith.constant 32 : index
      %get3A_171 = tpu.vector_load %arg5[%get3A_169, %get3A_170] {strides = array<i32>} : memref<40x128xf32, #tpu.memory_space<vmem>>, vector<1x16xf32>,
      %get3A_172 = vector.shape_cast %get3A_171 : vector<1x16xf32> to vector<16xf32>
      %swap3A_173 = arith.constant 0 : i32
      %swap3A_174 = arith.index_cast %swap3A_173 : i32 to index
      %swap3A_175 = arith.index_cast %scan3A_106 : i32 to index
      %swap3A_176 = arith.constant 32 : index
      %swap3A_177 = tpu.vector_load %arg7[%swap3A_174, %swap3A_175, %swap3A_176] {strides = array<i32>} : memref<4x40x128xf32, #tpu.memory_space<vmem>>, vector<1x1x16xf32>,
      %swap3A_178 = vector.shape_cast %swap3A_177 : vector<1x1x16xf32> to vector<16xf32>
      %swap3A_179 = vector.shape_cast %get3A_172 : vector<16xf32> to vector<1x1x16xf32>
      tpu.vector_store %arg7[%swap3A_174, %swap3A_175, %swap3A_176], %swap3A_179 {add = true, strides = array<i32>} : memref<4x40x128xf32, #tpu.memory_space<vmem>>, vector<1x1x16xf32>,
      %swap3A_180 = arith.constant 1 : i32
      %swap3A_181 = arith.index_cast %swap3A_180 : i32 to index
      %swap3A_182 = arith.index_cast %scan3A_106 : i32 to index
      %swap3A_183 = arith.constant 32 : index
      %swap3A_184 = tpu.vector_load %arg7[%swap3A_181, %swap3A_182, %swap3A_183] {strides = array<i32>} : memref<4x40x128xf32, #tpu.memory_space<vmem>>, vector<1x1x16xf32>,
      %swap3A_185 = vector.shape_cast %swap3A_184 : vector<1x1x16xf32> to vector<16xf32>
      %swap3A_186 = vector.shape_cast %get3A_172 : vector<16xf32> to vector<1x1x16xf32>
      tpu.vector_store %arg7[%swap3A_181, %swap3A_182, %swap3A_183], %swap3A_186 {add = true, strides = array<i32>} : memref<4x40x128xf32, #tpu.memory_space<vmem>>, vector<1x1x16xf32>,
      %swap3A_187 = arith.constant 2 : i32
      %swap3A_188 = arith.index_cast %swap3A_187 : i32 to index
      %swap3A_189 = arith.index_cast %scan3A_106 : i32 to index
      %swap3A_190 = arith.constant 32 : index
      %swap3A_191 = tpu.vector_load %arg7[%swap3A_188, %swap3A_189, %swap3A_190] {strides = array<i32>} : memref<4x40x128xf32, #tpu.memory_space<vmem>>, vector<1x1x16xf32>,
      %swap3A_192 = vector.shape_cast %swap3A_191 : vector<1x1x16xf32> to vector<16xf32>
      %swap3A_193 = vector.shape_cast %get3A_172 : vector<16xf32> to vector<1x1x16xf32>
      tpu.vector_store %arg7[%swap3A_188, %swap3A_189, %swap3A_190], %swap3A_193 {add = true, strides = array<i32>} : memref<4x40x128xf32, #tpu.memory_space<vmem>>, vector<1x1x16xf32>,
      %swap3A_194 = arith.constant 3 : i32
      %swap3A_195 = arith.index_cast %swap3A_194 : i32 to index
      %swap3A_196 = arith.index_cast %scan3A_106 : i32 to index
      %swap3A_197 = arith.constant 32 : index
      %swap3A_198 = tpu.vector_load %arg7[%swap3A_195, %swap3A_196, %swap3A_197] {strides = array<i32>} : memref<4x40x128xf32, #tpu.memory_space<vmem>>, vector<1x1x16xf32>,
      %swap3A_199 = vector.shape_cast %swap3A_198 : vector<1x1x16xf32> to vector<16xf32>
      %swap3A_200 = vector.shape_cast %get3A_172 : vector<16xf32> to vector<1x1x16xf32>
      tpu.vector_store %arg7[%swap3A_195, %swap3A_196, %swap3A_197], %swap3A_200 {add = true, strides = array<i32>} : memref<4x40x128xf32, #tpu.memory_space<vmem>>, vector<1x1x16xf32>,
      %get3A_201 = arith.index_cast %scan3A_106 : i32 to index
      %get3A_202 = arith.constant 48 : index
      %get3A_203 = tpu.vector_load %arg5[%get3A_201, %get3A_202] {strides = array<i32>} : memref<40x128xf32, #tpu.memory_space<vmem>>, vector<1x16xf32>,
      %get3A_204 = vector.shape_cast %get3A_203 : vector<1x16xf32> to vector<16xf32>
      %swap3A_205 = arith.constant 0 : i32
      %swap3A_206 = arith.index_cast %swap3A_205 : i32 to index
      %swap3A_207 = arith.index_cast %scan3A_106 : i32 to index
      %swap3A_208 = arith.constant 48 : index
      %swap3A_209 = tpu.vector_load %arg7[%swap3A_206, %swap3A_207, %swap3A_208] {strides = array<i32>} : memref<4x40x128xf32, #tpu.memory_space<vmem>>, vector<1x1x16xf32>,
      %swap3A_210 = vector.shape_cast %swap3A_209 : vector<1x1x16xf32> to vector<16xf32>
      %swap3A_211 = vector.shape_cast %get3A_204 : vector<16xf32> to vector<1x1x16xf32>
      tpu.vector_store %arg7[%swap3A_206, %swap3A_207, %swap3A_208], %swap3A_211 {add = true, strides = array<i32>} : memref<4x40x128xf32, #tpu.memory_space<vmem>>, vector<1x1x16xf32>,
      %swap3A_212 = arith.constant 1 : i32
      %swap3A_213 = arith.index_cast %swap3A_212 : i32 to index
      %swap3A_214 = arith.index_cast %scan3A_106 : i32 to index
      %swap3A_215 = arith.constant 48 : index
      %swap3A_216 = tpu.vector_load %arg7[%swap3A_213, %swap3A_214, %swap3A_215] {strides = array<i32>} : memref<4x40x128xf32, #tpu.memory_space<vmem>>, vector<1x1x16xf32>,
      %swap3A_217 = vector.shape_cast %swap3A_216 : vector<1x1x16xf32> to vector<16xf32>
      %swap3A_218 = vector.shape_cast %get3A_204 : vector<16xf32> to vector<1x1x16xf32>
      tpu.vector_store %arg7[%swap3A_213, %swap3A_214, %swap3A_215], %swap3A_218 {add = true, strides = array<i32>} : memref<4x40x128xf32, #tpu.memory_space<vmem>>, vector<1x1x16xf32>,
      %swap3A_219 = arith.constant 2 : i32
      %swap3A_220 = arith.index_cast %swap3A_219 : i32 to index
      %swap3A_221 = arith.index_cast %scan3A_106 : i32 to index
      %swap3A_222 = arith.constant 48 : index
      %swap3A_223 = tpu.vector_load %arg7[%swap3A_220, %swap3A_221, %swap3A_222] {strides = array<i32>} : memref<4x40x128xf32, #tpu.memory_space<vmem>>, vector<1x1x16xf32>,
      %swap3A_224 = vector.shape_cast %swap3A_223 : vector<1x1x16xf32> to vector<16xf32>
      %swap3A_225 = vector.shape_cast %get3A_204 : vector<16xf32> to vector<1x1x16xf32>
      tpu.vector_store %arg7[%swap3A_220, %swap3A_221, %swap3A_222], %swap3A_225 {add = true, strides = array<i32>} : memref<4x40x128xf32, #tpu.memory_space<vmem>>, vector<1x1x16xf32>,
      %swap3A_226 = arith.constant 3 : i32
      %swap3A_227 = arith.index_cast %swap3A_226 : i32 to index
      %swap3A_228 = arith.index_cast %scan3A_106 : i32 to index
      %swap3A_229 = arith.constant 48 : index
      %swap3A_230 = tpu.vector_load %arg7[%swap3A_227, %swap3A_228, %swap3A_229] {strides = array<i32>} : memref<4x40x128xf32, #tpu.memory_space<vmem>>, vector<1x1x16xf32>,
      %swap3A_231 = vector.shape_cast %swap3A_230 : vector<1x1x16xf32> to vector<16xf32>
      %swap3A_232 = vector.shape_cast %get3A_204 : vector<16xf32> to vector<1x1x16xf32>
      tpu.vector_store %arg7[%swap3A_227, %swap3A_228, %swap3A_229], %swap3A_232 {add = true, strides = array<i32>} : memref<4x40x128xf32, #tpu.memory_space<vmem>>, vector<1x1x16xf32>,
      %get3A_233 = arith.index_cast %scan3A_106 : i32 to index
      %get3A_234 = arith.constant 64 : index
      %get3A_235 = tpu.vector_load %arg5[%get3A_233, %get3A_234] {strides = array<i32>} : memref<40x128xf32, #tpu.memory_space<vmem>>, vector<1x16xf32>,
      %get3A_236 = vector.shape_cast %get3A_235 : vector<1x16xf32> to vector<16xf32>
      %swap3A_237 = arith.constant 0 : i32
      %swap3A_238 = arith.index_cast %swap3A_237 : i32 to index
      %swap3A_239 = arith.index_cast %scan3A_106 : i32 to index
      %swap3A_240 = arith.constant 64 : index
      %swap3A_241 = tpu.vector_load %arg7[%swap3A_238, %swap3A_239, %swap3A_240] {strides = array<i32>} : memref<4x40x128xf32, #tpu.memory_space<vmem>>, vector<1x1x16xf32>,
      %swap3A_242 = vector.shape_cast %swap3A_241 : vector<1x1x16xf32> to vector<16xf32>
      %swap3A_243 = vector.shape_cast %get3A_236 : vector<16xf32> to vector<1x1x16xf32>
      tpu.vector_store %arg7[%swap3A_238, %swap3A_239, %swap3A_240], %swap3A_243 {add = true, strides = array<i32>} : memref<4x40x128xf32, #tpu.memory_space<vmem>>, vector<1x1x16xf32>,
      %swap3A_244 = arith.constant 1 : i32
      %swap3A_245 = arith.index_cast %swap3A_244 : i32 to index
      %swap3A_246 = arith.index_cast %scan3A_106 : i32 to index
      %swap3A_247 = arith.constant 64 : index
      %swap3A_248 = tpu.vector_load %arg7[%swap3A_245, %swap3A_246, %swap3A_247] {strides = array<i32>} : memref<4x40x128xf32, #tpu.memory_space<vmem>>, vector<1x1x16xf32>,
      %swap3A_249 = vector.shape_cast %swap3A_248 : vector<1x1x16xf32> to vector<16xf32>
      %swap3A_250 = vector.shape_cast %get3A_236 : vector<16xf32> to vector<1x1x16xf32>
      tpu.vector_store %arg7[%swap3A_245, %swap3A_246, %swap3A_247], %swap3A_250 {add = true, strides = array<i32>} : memref<4x40x128xf32, #tpu.memory_space<vmem>>, vector<1x1x16xf32>,
      %swap3A_251 = arith.constant 2 : i32
      %swap3A_252 = arith.index_cast %swap3A_251 : i32 to index
      %swap3A_253 = arith.index_cast %scan3A_106 : i32 to index
      %swap3A_254 = arith.constant 64 : index
      %swap3A_255 = tpu.vector_load %arg7[%swap3A_252, %swap3A_253, %swap3A_254] {strides = array<i32>} : memref<4x40x128xf32, #tpu.memory_space<vmem>>, vector<1x1x16xf32>,
      %swap3A_256 = vector.shape_cast %swap3A_255 : vector<1x1x16xf32> to vector<16xf32>
      %swap3A_257 = vector.shape_cast %get3A_236 : vector<16xf32> to vector<1x1x16xf32>
      tpu.vector_store %arg7[%swap3A_252, %swap3A_253, %swap3A_254], %swap3A_257 {add = true, strides = array<i32>} : memref<4x40x128xf32, #tpu.memory_space<vmem>>, vector<1x1x16xf32>,
      %swap3A_258 = arith.constant 3 : i32
      %swap3A_259 = arith.index_cast %swap3A_258 : i32 to index
      %swap3A_260 = arith.index_cast %scan3A_106 : i32 to index
      %swap3A_261 = arith.constant 64 : index
      %swap3A_262 = tpu.vector_load %arg7[%swap3A_259, %swap3A_260, %swap3A_261] {strides = array<i32>} : memref<4x40x128xf32, #tpu.memory_space<vmem>>, vector<1x1x16xf32>,
      %swap3A_263 = vector.shape_cast %swap3A_262 : vector<1x1x16xf32> to vector<16xf32>
      %swap3A_264 = vector.shape_cast %get3A_236 : vector<16xf32> to vector<1x1x16xf32>
      tpu.vector_store %arg7[%swap3A_259, %swap3A_260, %swap3A_261], %swap3A_264 {add = true, strides = array<i32>} : memref<4x40x128xf32, #tpu.memory_space<vmem>>, vector<1x1x16xf32>,
      %get3A_265 = arith.index_cast %scan3A_106 : i32 to index
      %get3A_266 = arith.constant 80 : index
      %get3A_267 = tpu.vector_load %arg5[%get3A_265, %get3A_266] {strides = array<i32>} : memref<40x128xf32, #tpu.memory_space<vmem>>, vector<1x16xf32>,
      %get3A_268 = vector.shape_cast %get3A_267 : vector<1x16xf32> to vector<16xf32>
      %swap3A_269 = arith.constant 0 : i32
      %swap3A_270 = arith.index_cast %swap3A_269 : i32 to index
      %swap3A_271 = arith.index_cast %scan3A_106 : i32 to index
      %swap3A_272 = arith.constant 80 : index
      %swap3A_273 = tpu.vector_load %arg7[%swap3A_270, %swap3A_271, %swap3A_272] {strides = array<i32>} : memref<4x40x128xf32, #tpu.memory_space<vmem>>, vector<1x1x16xf32>,
      %swap3A_274 = vector.shape_cast %swap3A_273 : vector<1x1x16xf32> to vector<16xf32>
      %swap3A_275 = vector.shape_cast %get3A_268 : vector<16xf32> to vector<1x1x16xf32>
      tpu.vector_store %arg7[%swap3A_270, %swap3A_271, %swap3A_272], %swap3A_275 {add = true, strides = array<i32>} : memref<4x40x128xf32, #tpu.memory_space<vmem>>, vector<1x1x16xf32>,
      %swap3A_276 = arith.constant 1 : i32
      %swap3A_277 = arith.index_cast %swap3A_276 : i32 to index
      %swap3A_278 = arith.index_cast %scan3A_106 : i32 to index
      %swap3A_279 = arith.constant 80 : index
      %swap3A_280 = tpu.vector_load %arg7[%swap3A_277, %swap3A_278, %swap3A_279] {strides = array<i32>} : memref<4x40x128xf32, #tpu.memory_space<vmem>>, vector<1x1x16xf32>,
      %swap3A_281 = vector.shape_cast %swap3A_280 : vector<1x1x16xf32> to vector<16xf32>
      %swap3A_282 = vector.shape_cast %get3A_268 : vector<16xf32> to vector<1x1x16xf32>
      tpu.vector_store %arg7[%swap3A_277, %swap3A_278, %swap3A_279], %swap3A_282 {add = true, strides = array<i32>} : memref<4x40x128xf32, #tpu.memory_space<vmem>>, vector<1x1x16xf32>,
      %swap3A_283 = arith.constant 2 : i32
      %swap3A_284 = arith.index_cast %swap3A_283 : i32 to index
      %swap3A_285 = arith.index_cast %scan3A_106 : i32 to index
      %swap3A_286 = arith.constant 80 : index
      %swap3A_287 = tpu.vector_load %arg7[%swap3A_284, %swap3A_285, %swap3A_286] {strides = array<i32>} : memref<4x40x128xf32, #tpu.memory_space<vmem>>, vector<1x1x16xf32>,
      %swap3A_288 = vector.shape_cast %swap3A_287 : vector<1x1x16xf32> to vector<16xf32>
      %swap3A_289 = vector.shape_cast %get3A_268 : vector<16xf32> to vector<1x1x16xf32>
      tpu.vector_store %arg7[%swap3A_284, %swap3A_285, %swap3A_286], %swap3A_289 {add = true, strides = array<i32>} : memref<4x40x128xf32, #tpu.memory_space<vmem>>, vector<1x1x16xf32>,
      %swap3A_290 = arith.constant 3 : i32
      %swap3A_291 = arith.index_cast %swap3A_290 : i32 to index
      %swap3A_292 = arith.index_cast %scan3A_106 : i32 to index
      %swap3A_293 = arith.constant 80 : index
      %swap3A_294 = tpu.vector_load %arg7[%swap3A_291, %swap3A_292, %swap3A_293] {strides = array<i32>} : memref<4x40x128xf32, #tpu.memory_space<vmem>>, vector<1x1x16xf32>,
      %swap3A_295 = vector.shape_cast %swap3A_294 : vector<1x1x16xf32> to vector<16xf32>
      %swap3A_296 = vector.shape_cast %get3A_268 : vector<16xf32> to vector<1x1x16xf32>
      tpu.vector_store %arg7[%swap3A_291, %swap3A_292, %swap3A_293], %swap3A_296 {add = true, strides = array<i32>} : memref<4x40x128xf32, #tpu.memory_space<vmem>>, vector<1x1x16xf32>,
      %get3A_297 = arith.index_cast %scan3A_106 : i32 to index
      %get3A_298 = arith.constant 96 : index
      %get3A_299 = tpu.vector_load %arg5[%get3A_297, %get3A_298] {strides = array<i32>} : memref<40x128xf32, #tpu.memory_space<vmem>>, vector<1x16xf32>,
      %get3A_300 = vector.shape_cast %get3A_299 : vector<1x16xf32> to vector<16xf32>
      %swap3A_301 = arith.constant 0 : i32
      %swap3A_302 = arith.index_cast %swap3A_301 : i32 to index
      %swap3A_303 = arith.index_cast %scan3A_106 : i32 to index
      %swap3A_304 = arith.constant 96 : index
      %swap3A_305 = tpu.vector_load %arg7[%swap3A_302, %swap3A_303, %swap3A_304] {strides = array<i32>} : memref<4x40x128xf32, #tpu.memory_space<vmem>>, vector<1x1x16xf32>,
      %swap3A_306 = vector.shape_cast %swap3A_305 : vector<1x1x16xf32> to vector<16xf32>
      %swap3A_307 = vector.shape_cast %get3A_300 : vector<16xf32> to vector<1x1x16xf32>
      tpu.vector_store %arg7[%swap3A_302, %swap3A_303, %swap3A_304], %swap3A_307 {add = true, strides = array<i32>} : memref<4x40x128xf32, #tpu.memory_space<vmem>>, vector<1x1x16xf32>,
      %swap3A_308 = arith.constant 1 : i32
      %swap3A_309 = arith.index_cast %swap3A_308 : i32 to index
      %swap3A_310 = arith.index_cast %scan3A_106 : i32 to index
      %swap3A_311 = arith.constant 96 : index
      %swap3A_312 = tpu.vector_load %arg7[%swap3A_309, %swap3A_310, %swap3A_311] {strides = array<i32>} : memref<4x40x128xf32, #tpu.memory_space<vmem>>, vector<1x1x16xf32>,
      %swap3A_313 = vector.shape_cast %swap3A_312 : vector<1x1x16xf32> to vector<16xf32>
      %swap3A_314 = vector.shape_cast %get3A_300 : vector<16xf32> to vector<1x1x16xf32>
      tpu.vector_store %arg7[%swap3A_309, %swap3A_310, %swap3A_311], %swap3A_314 {add = true, strides = array<i32>} : memref<4x40x128xf32, #tpu.memory_space<vmem>>, vector<1x1x16xf32>,
      %swap3A_315 = arith.constant 2 : i32
      %swap3A_316 = arith.index_cast %swap3A_315 : i32 to index
      %swap3A_317 = arith.index_cast %scan3A_106 : i32 to index
      %swap3A_318 = arith.constant 96 : index
      %swap3A_319 = tpu.vector_load %arg7[%swap3A_316, %swap3A_317, %swap3A_318] {strides = array<i32>} : memref<4x40x128xf32, #tpu.memory_space<vmem>>, vector<1x1x16xf32>,
      %swap3A_320 = vector.shape_cast %swap3A_319 : vector<1x1x16xf32> to vector<16xf32>
      %swap3A_321 = vector.shape_cast %get3A_300 : vector<16xf32> to vector<1x1x16xf32>
      tpu.vector_store %arg7[%swap3A_316, %swap3A_317, %swap3A_318], %swap3A_321 {add = true, strides = array<i32>} : memref<4x40x128xf32, #tpu.memory_space<vmem>>, vector<1x1x16xf32>,
      %swap3A_322 = arith.constant 3 : i32
      %swap3A_323 = arith.index_cast %swap3A_322 : i32 to index
      %swap3A_324 = arith.index_cast %scan3A_106 : i32 to index
      %swap3A_325 = arith.constant 96 : index
      %swap3A_326 = tpu.vector_load %arg7[%swap3A_323, %swap3A_324, %swap3A_325] {strides = array<i32>} : memref<4x40x128xf32, #tpu.memory_space<vmem>>, vector<1x1x16xf32>,
      %swap3A_327 = vector.shape_cast %swap3A_326 : vector<1x1x16xf32> to vector<16xf32>
      %swap3A_328 = vector.shape_cast %get3A_300 : vector<16xf32> to vector<1x1x16xf32>
      tpu.vector_store %arg7[%swap3A_323, %swap3A_324, %swap3A_325], %swap3A_328 {add = true, strides = array<i32>} : memref<4x40x128xf32, #tpu.memory_space<vmem>>, vector<1x1x16xf32>,
      %get3A_329 = arith.index_cast %scan3A_106 : i32 to index
      %get3A_330 = arith.constant 112 : index
      %get3A_331 = tpu.vector_load %arg5[%get3A_329, %get3A_330] {strides = array<i32>} : memref<40x128xf32, #tpu.memory_space<vmem>>, vector<1x16xf32>,
      %get3A_332 = vector.shape_cast %get3A_331 : vector<1x16xf32> to vector<16xf32>
      %swap3A_333 = arith.constant 0 : i32
      %swap3A_334 = arith.index_cast %swap3A_333 : i32 to index
      %swap3A_335 = arith.index_cast %scan3A_106 : i32 to index
      %swap3A_336 = arith.constant 112 : index
      %swap3A_337 = tpu.vector_load %arg7[%swap3A_334, %swap3A_335, %swap3A_336] {strides = array<i32>} : memref<4x40x128xf32, #tpu.memory_space<vmem>>, vector<1x1x16xf32>,
      %swap3A_338 = vector.shape_cast %swap3A_337 : vector<1x1x16xf32> to vector<16xf32>
      %swap3A_339 = vector.shape_cast %get3A_332 : vector<16xf32> to vector<1x1x16xf32>
      tpu.vector_store %arg7[%swap3A_334, %swap3A_335, %swap3A_336], %swap3A_339 {add = true, strides = array<i32>} : memref<4x40x128xf32, #tpu.memory_space<vmem>>, vector<1x1x16xf32>,
      %swap3A_340 = arith.constant 1 : i32
      %swap3A_341 = arith.index_cast %swap3A_340 : i32 to index
      %swap3A_342 = arith.index_cast %scan3A_106 : i32 to index
      %swap3A_343 = arith.constant 112 : index
      %swap3A_344 = tpu.vector_load %arg7[%swap3A_341, %swap3A_342, %swap3A_343] {strides = array<i32>} : memref<4x40x128xf32, #tpu.memory_space<vmem>>, vector<1x1x16xf32>,
      %swap3A_345 = vector.shape_cast %swap3A_344 : vector<1x1x16xf32> to vector<16xf32>
      %swap3A_346 = vector.shape_cast %get3A_332 : vector<16xf32> to vector<1x1x16xf32>
      tpu.vector_store %arg7[%swap3A_341, %swap3A_342, %swap3A_343], %swap3A_346 {add = true, strides = array<i32>} : memref<4x40x128xf32, #tpu.memory_space<vmem>>, vector<1x1x16xf32>,
      %swap3A_347 = arith.constant 2 : i32
      %swap3A_348 = arith.index_cast %swap3A_347 : i32 to index
      %swap3A_349 = arith.index_cast %scan3A_106 : i32 to index
      %swap3A_350 = arith.constant 112 : index
      %swap3A_351 = tpu.vector_load %arg7[%swap3A_348, %swap3A_349, %swap3A_350] {strides = array<i32>} : memref<4x40x128xf32, #tpu.memory_space<vmem>>, vector<1x1x16xf32>,
      %swap3A_352 = vector.shape_cast %swap3A_351 : vector<1x1x16xf32> to vector<16xf32>
      %swap3A_353 = vector.shape_cast %get3A_332 : vector<16xf32> to vector<1x1x16xf32>
      tpu.vector_store %arg7[%swap3A_348, %swap3A_349, %swap3A_350], %swap3A_353 {add = true, strides = array<i32>} : memref<4x40x128xf32, #tpu.memory_space<vmem>>, vector<1x1x16xf32>,
      %swap3A_354 = arith.constant 3 : i32
      %swap3A_355 = arith.index_cast %swap3A_354 : i32 to index
      %swap3A_356 = arith.index_cast %scan3A_106 : i32 to index
      %swap3A_357 = arith.constant 112 : index
      %swap3A_358 = tpu.vector_load %arg7[%swap3A_355, %swap3A_356, %swap3A_357] {strides = array<i32>} : memref<4x40x128xf32, #tpu.memory_space<vmem>>, vector<1x1x16xf32>,
      %swap3A_359 = vector.shape_cast %swap3A_358 : vector<1x1x16xf32> to vector<16xf32>
      %swap3A_360 = vector.shape_cast %get3A_332 : vector<16xf32> to vector<1x1x16xf32>
      tpu.vector_store %arg7[%swap3A_355, %swap3A_356, %swap3A_357], %swap3A_360 {add = true, strides = array<i32>} : memref<4x40x128xf32, #tpu.memory_space<vmem>>, vector<1x1x16xf32>,
    }
    %scan3A_61 = arith.constant 40 : i32
    %add3A_62 = arith.constant 508 : i32
    %add3A_63 = arith.addi %mul3A_2, %add3A_62 : i32
    %dma_start3A_64 = arith.constant 0 : i32
    %dma_start3A_65 = arith.constant 0 : i32
    %dma_start3A_66 = tpu.memref_slice %arg4[%add3A_63, %dma_start3A_64, %dma_start3A_65] : memref<16384x40x128xf32, #tpu.memory_space<hbm>> -> memref<4x40x128xf32, #tpu.memory_space<hbm>>
    %dma_start3A_67 = arith.constant 0 : i32
    %dma_start3A_68 = arith.constant 0 : i32
    %dma_start3A_69 = tpu.memref_slice %arg4[%add3A_63, %dma_start3A_67, %dma_start3A_68] : memref<16384x40x128xf32, #tpu.memory_space<hbm>> -> memref<4x40x128xf32, #tpu.memory_space<hbm>>
    tpu.enqueue_dma source(%arg7 : memref<4x40x128xf32, #tpu.memory_space<vmem>>) target(%dma_start3A_69 : memref<4x40x128xf32, #tpu.memory_space<hbm>>) target_semaphore(%arg19 : memref<!tpu.dma_semaphore, #tpu.memory_space<semaphore_mem>>)
    %dma_wait3A_70 = arith.constant 0 : i32
    %dma_wait3A_71 = arith.constant 0 : i32
    %dma_wait3A_72 = tpu.memref_slice %arg4[%mul3A_2, %dma_wait3A_70, %dma_wait3A_71] : memref<16384x40x128xf32, #tpu.memory_space<hbm>> -> memref<4x40x128xf32, #tpu.memory_space<hbm>>
    %dma_wait3A_73 = arith.constant 0 : i32
    %dma_wait3A_74 = arith.constant 0 : i32
    %dma_wait3A_75 = tpu.memref_slice %arg4[%mul3A_2, %dma_wait3A_73, %dma_wait3A_74] : memref<16384x40x128xf32, #tpu.memory_space<hbm>> -> memref<4x40x128xf32, #tpu.memory_space<hbm>>
    tpu.wait_dma2 semaphore(%arg18 : memref<!tpu.dma_semaphore, #tpu.memory_space<semaphore_mem>>) src(%arg6 : memref<4x40x128xf32, #tpu.memory_space<vmem>>) dst(%dma_wait3A_75 : memref<4x40x128xf32, #tpu.memory_space<hbm>>)
    %dma_wait3A_76 = arith.constant 0 : i32
    %dma_wait3A_77 = arith.constant 0 : i32
    %dma_wait3A_78 = tpu.memref_slice %arg4[%mul3A_2, %dma_wait3A_76, %dma_wait3A_77] : memref<16384x40x128xf32, #tpu.memory_space<hbm>> -> memref<4x40x128xf32, #tpu.memory_space<hbm>>
    %dma_wait3A_79 = arith.constant 0 : i32
    %dma_wait3A_80 = arith.constant 0 : i32
    %dma_wait3A_81 = tpu.memref_slice %arg4[%mul3A_2, %dma_wait3A_79, %dma_wait3A_80] : memref<16384x40x128xf32, #tpu.memory_space<hbm>> -> memref<4x40x128xf32, #tpu.memory_space<hbm>>
    tpu.wait_dma2 semaphore(%arg19 : memref<!tpu.dma_semaphore, #tpu.memory_space<semaphore_mem>>) src(%arg7 : memref<4x40x128xf32, #tpu.memory_space<vmem>>) dst(%dma_wait3A_81 : memref<4x40x128xf32, #tpu.memory_space<hbm>>)
    %dma_wait3A_82 = arith.constant 0 : i32
    %dma_wait3A_83 = arith.constant 0 : i32
    %dma_wait3A_84 = tpu.memref_slice %arg4[%mul3A_2, %dma_wait3A_82, %dma_wait3A_83] : memref<16384x40x128xf32, #tpu.memory_space<hbm>> -> memref<4x40x128xf32, #tpu.memory_space<hbm>>
    %dma_wait3A_85 = arith.constant 0 : i32
    %dma_wait3A_86 = arith.constant 0 : i32
    %dma_wait3A_87 = tpu.memref_slice %arg4[%mul3A_2, %dma_wait3A_85, %dma_wait3A_86] : memref<16384x40x128xf32, #tpu.memory_space<hbm>> -> memref<4x40x128xf32, #tpu.memory_space<hbm>>
    tpu.wait_dma2 semaphore(%arg20 : memref<!tpu.dma_semaphore, #tpu.memory_space<semaphore_mem>>) src(%arg8 : memref<4x40x128xf32, #tpu.memory_space<vmem>>) dst(%dma_wait3A_87 : memref<4x40x128xf32, #tpu.memory_space<hbm>>)
    %dma_wait3A_88 = arith.constant 0 : i32
    %dma_wait3A_89 = arith.constant 0 : i32
    %dma_wait3A_90 = tpu.memref_slice %arg4[%mul3A_2, %dma_wait3A_88, %dma_wait3A_89] : memref<16384x40x128xf32, #tpu.memory_space<hbm>> -> memref<4x40x128xf32, #tpu.memory_space<hbm>>
    %dma_wait3A_91 = arith.constant 0 : i32
    %dma_wait3A_92 = arith.constant 0 : i32
    %dma_wait3A_93 = tpu.memref_slice %arg4[%mul3A_2, %dma_wait3A_91, %dma_wait3A_92] : memref<16384x40x128xf32, #tpu.memory_space<hbm>> -> memref<4x40x128xf32, #tpu.memory_space<hbm>>
    tpu.wait_dma2 semaphore(%arg21 : memref<!tpu.dma_semaphore, #tpu.memory_space<semaphore_mem>>) src(%arg9 : memref<4x40x128xf32, #tpu.memory_space<vmem>>) dst(%dma_wait3A_93 : memref<4x40x128xf32, #tpu.memory_space<hbm>>)
    %dma_wait3A_94 = arith.constant 0 : i32
    %dma_wait3A_95 = arith.constant 0 : i32
    %dma_wait3A_96 = tpu.memref_slice %arg4[%mul3A_2, %dma_wait3A_94, %dma_wait3A_95] : memref<16384x40x128xf32, #tpu.memory_space<hbm>> -> memref<4x40x128xf32, #tpu.memory_space<hbm>>
    %dma_wait3A_97 = arith.constant 0 : i32
    %dma_wait3A_98 = arith.constant 0 : i32
    %dma_wait3A_99 = tpu.memref_slice %arg4[%mul3A_2, %dma_wait3A_97, %dma_wait3A_98] : memref<16384x40x128xf32, #tpu.memory_space<hbm>> -> memref<4x40x128xf32, #tpu.memory_space<hbm>>
    tpu.wait_dma2 semaphore(%arg22 : memref<!tpu.dma_semaphore, #tpu.memory_space<semaphore_mem>>) src(%arg10 : memref<4x40x128xf32, #tpu.memory_space<vmem>>) dst(%dma_wait3A_99 : memref<4x40x128xf32, #tpu.memory_space<hbm>>)
    %dma_wait3A_100 = arith.constant 0 : i32
    %dma_wait3A_101 = arith.constant 0 : i32
    %dma_wait3A_102 = tpu.memref_slice %arg4[%mul3A_2, %dma_wait3A_100, %dma_wait3A_101] : memref<16384x40x128xf32, #tpu.memory_space<hbm>> -> memref<4x40x128xf32, #tpu.memory_space<hbm>>
    %dma_wait3A_103 = arith.constant 0 : i32
    %dma_wait3A_104 = arith.constant 0 : i32
    %dma_wait3A_105 = tpu.memref_slice %arg4[%mul3A_2, %dma_wait3A_103, %dma_wait3A_104] : memref<16384x40x128xf32, #tpu.memory_space<hbm>> -> memref<4x40x128xf32, #tpu.memory_space<hbm>>
    tpu.wait_dma2 semaphore(%arg23 : memref<!tpu.dma_semaphore, #tpu.memory_space<semaphore_mem>>) src(%arg11 : memref<4x40x128xf32, #tpu.memory_space<vmem>>) dst(%dma_wait3A_105 : memref<4x40x128xf32, #tpu.memory_space<hbm>>)
    return
  }
}

</mosaic_0001>

<sc_bundles>
// kernel: kernel.3.cloned.1.call-start
scs
__scs_entry_jumppad:
0x0: {  	(pc) =	sbr.rel $0x88, $3  }
0x1: {  	(tag) =	ssettag $0x0;
	lr =	simm.s32 $0x1  }
0x2: {  	[smem:$0x3F9F] =	sst lr;
	_ =	strace $0xD0000000  }
0x3: {  	_ = 	snop  }
0x4: {  	_ = 	snop  }
0x5: {  	_ = 	snop  }
0x6: {  	_ = 	snop  }
0x7: {  	_ = 	snop  }
__scs_overlays_trampoline_lowered:
0x8: {  	[smem:$0x3FAE] =	sst s0  }
0x9: {  	[smem:$0x3FAF] =	sst s1  }
0xa: {  	[smem:$0x3FB0] =	sst s2  }
0xb: {  	[smem:$0x3FB1] =	sst s3  }
0xc: {  	[smem:$0x3FB2] =	sst s4  }
0xd: {  	[smem:$0x3FB3] =	sst s5  }
0xe: {  	[smem:$0x3FB4] =	sst s6  }
0xf: {  	[smem:$0x3FB5] =	sst s7  }
0x10: {  	[smem:$0x3FB6] =	sst s8  }
0x11: {  	[smem:$0x3FB7] =	sst s9;
	s0 =	simm.s32 @!p0 $0x0  }
0x12: {  	s1 =	sld [smem:$0x3F9D];
	s0 =	simm.s32 @p0 $0x1  }
0x13: {  	[smem:$0x3FB8] =	sst s0;
	s0 =	simm.s32 @!p1 $0x0  }
0x14: {  	s2 =	sld [smem:$0x3F9C];
	s0 =	simm.s32 @p1 $0x1  }
0x15: {  	[smem:$0x3FB9] =	sst s0;
	s0 =	simm.s32 @!p2 $0x0  }
0x16: {  	s3 =	sld [smem:$0x3FDB];
	s0 =	simm.s32 @p2 $0x1  }
0x17: {  	s4 =	simm.s32 $0x1BF5;
	[smem:$0x3FBB] =	sst s0  }
0x18: {  	s0 =	sld [smem:$0x3F9E];
	_ =	swait.ge [sflag:s4], $0x0  }
0x19: {  	s7 =	sld [smem:$0x3F9F]  }
0x1a: {  	s8 =	sadd.s32 $0xFFFFE003, lr  }
0x1b: {  	s9 =	sadd.s32 $0xFFFFFEF7, lr;
	s5 =	simm.s32 $0xFFFFFFFF;
	p2 =	slt.u32 s8, $0xFFFFF086  }
0x1c: {  	p1 =	slt.u32 s9, $0xF7A;
	s5 =	simm.s32 @!p2 $0x0  }
0x1d: {  	s5 =	simm.s32 @p1 $0x1;
	p0 =	seq.s32 s7, s2  }
0x1e: {  	s7 =	smul.u32 @!p0 $0xF7A, s2;
	p2 =	seq.s32 @!p0 s5, $0x0  }
0x1f: {  	s9 =	smul.u32 $0xF7A, s1;
	s8 =	simm.s32 @!p0 $0x1BF5;
	p2 =	por !p2, p0  }
0x20: {  	[sflag:s8] =	ssyncset.s32 @!p0 $0xFFFFF086;
	s6 =	sadd.s32 @!p0 s3, s7;
	s7 =	simm.s32 @!p0 $0x108  }
0x21: {  	s3 =	sadd.s32 s3, s9;
	s6 =	sadd.s32 @!p0 $0x88, s6;
	s7 =	simm.s32 @p2 $0x1082  }
0x22: {  	[simem:s7], [sflag:s8] =	dma.local @!p0 [hbm:s6], $0xF7A  }
0x23: {  	s9 =	sor.u32 $0xD0000000, s2;
	s6 =	simm.s32 $0x108;
	_ =	swait.ge @!p0 [sflag:s8], $0x0  }
0x24: {  	s3 =	sadd.s32 $0x88, s3;
	s6 =	simm.s32 @!p1 $0x1082;
	[sflag:s4] =	ssyncset.s32 $0xFFFFF086  }
0x25: {  	[simem:s6], [sflag:s4] =	dma.local [hbm:s3], $0xF7A  }
0x26: {  	[smem:$0x3F9F] =	sst s1;
	(tag) =	ssettag s2;
	_ =	strace s9  }
0x27: {  	s1 =	sld [smem:$0x3FAF]  }
0x28: {  	s2 =	sld [smem:$0x3FB0]  }
0x29: {  	s4 =	sld [smem:$0x3FB2]  }
0x2a: {  	p0 =	seq.s32 s5, $0x0;
	s5 =	sld [smem:$0x3FB3]  }
0x2b: {  	s6 =	sld [smem:$0x3FB4]  }
0x2c: {  	s7 =	sld [smem:$0x3FB5]  }
0x2d: {  	s3 =	simm.s32 $0x108;
	s8 =	sld [smem:$0x3FB6]  }
0x2e: {  	s3 =	simm.s32 @!p0 $0x1082;
	s9 =	sld [smem:$0x3FB7]  }
0x2f: {  	lr =	sadd.s32 s0, s3;
	s0 =	sld [smem:$0x3FAE]  }
0x30: {  	s3 =	sld [smem:$0x3FB1]  }
0x31: {  	[smem:$0x3FBA] =	sst s10  }
0x32: {  	s10 =	sld [smem:$0x3FB8];
	_ =	sdelay $0x3  }
0x33: {  	p0 =	seq.s32 s10, $0x1;
	s10 =	sld [smem:$0x3FBA];
	_ =	sdelay $0x3  }
0x34: {  	[smem:$0x3FBA] =	sst s10  }
0x35: {  	s10 =	sld [smem:$0x3FB9];
	_ =	sdelay $0x3  }
0x36: {  	p1 =	seq.s32 s10, $0x1;
	s10 =	sld [smem:$0x3FBA];
	_ =	sdelay $0x3  }
0x37: {  	[smem:$0x3FBA] =	sst s10  }
0x38: {  	s10 =	sld [smem:$0x3FBB]  }
0x39: {  	_ = 	snop;
	(pc) =	sbr.ind lr, $3  }
0x3a: {  	_ = 	snop  }
0x3b: {  	_ = 	snop  }
0x3c: {  	p2 =	seq.s32 s10, $0x1;
	s10 =	sld [smem:$0x3FBA]  }
0x3d: {  	_ =	shalt  }
0x3e: {  	_ =	shalt  }
0x3f: {  	_ =	shalt  }
0x40: {  	_ =	shalt  }
0x41: {  	_ =	shalt  }
0x42: {  	_ =	shalt  }
0x43: {  	_ =	shalt  }
0x44: {  	_ =	shalt  }
0x45: {  	_ =	shalt  }
0x46: {  	_ =	shalt  }
0x47: {  	_ =	shalt  }
0x48: {  	_ =	shalt  }
0x49: {  	_ =	shalt  }
0x4a: {  	_ =	shalt  }
0x4b: {  	_ =	shalt  }
0x4c: {  	_ =	shalt  }
0x4d: {  	_ =	shalt  }
0x4e: {  	_ =	shalt  }
0x4f: {  	_ =	shalt  }
0x50: {  	_ =	shalt  }
0x51: {  	_ =	shalt  }
0x52: {  	_ =	shalt  }
0x53: {  	_ =	shalt  }
0x54: {  	_ =	shalt  }
0x55: {  	_ =	shalt  }
0x56: {  	_ =	shalt  }
0x57: {  	_ =	shalt  }
0x58: {  	_ =	shalt  }
0x59: {  	_ =	shalt  }
0x5a: {  	_ =	shalt  }
0x5b: {  	_ =	shalt  }
0x5c: {  	_ =	shalt  }
0x5d: {  	_ =	shalt  }
0x5e: {  	_ =	shalt  }
0x5f: {  	_ =	shalt  }
0x60: {  	_ =	shalt  }
0x61: {  	_ =	shalt  }
0x62: {  	_ =	shalt  }
0x63: {  	_ =	shalt  }
0x64: {  	_ =	shalt  }
0x65: {  	_ =	shalt  }
0x66: {  	_ =	shalt  }
0x67: {  	_ =	shalt  }
0x68: {  	_ =	shalt  }
0x69: {  	_ =	shalt  }
0x6a: {  	_ =	shalt  }
0x6b: {  	_ =	shalt  }
0x6c: {  	_ =	shalt  }
0x6d: {  	_ =	shalt  }
0x6e: {  	_ =	shalt  }
0x6f: {  	_ =	shalt  }
0x70: {  	_ =	shalt  }
0x71: {  	_ =	shalt  }
0x72: {  	_ =	shalt  }
0x73: {  	_ =	shalt  }
0x74: {  	_ =	shalt  }
0x75: {  	_ =	shalt  }
0x76: {  	_ =	shalt  }
0x77: {  	_ =	shalt  }
0x78: {  	_ =	shalt  }
0x79: {  	_ =	shalt  }
0x7a: {  	_ =	shalt  }
0x7b: {  	_ =	shalt  }
0x7c: {  	_ =	shalt  }
0x7d: {  	_ =	shalt  }
0x7e: {  	_ =	shalt  }
0x7f: {  	_ =	shalt  }
0x80: {  	_ =	shalt  }
0x81: {  	_ =	shalt  }
0x82: {  	_ =	shalt  }
0x83: {  	_ =	shalt  }
0x84: {  	_ =	shalt  }
0x85: {  	_ =	shalt  }
0x86: {  	_ =	shalt  }
0x87: {  	_ =	shalt  }
.Lfunc_end0:
.L_simem_size_0:
called_computation_lowered:
.L_overlay_start_0:
0x88: {  	s2 =	sld [smem:$0x3FD9]  }
0x89: {  	s3 =	sld [smem:$0x3FFE];
	_ =	sdelay $0x1  }
0x8a: {  	s1 =	srdreg.scid  }
0x8b: {  	s0 =	sand.u32 $0x1, s1  }
0x8c: {  	s18 =	sshll.u32 s0, $0xA;
	s2 =	sadd.s32 s3, s2  }
0x8d: {  	s2 =	sadd.s32 s2, s18  }
0x8e: {  	[smem:$0x3FC6] =	sst s2  }
0x8f: {  	_ = 	snop  }
0x90: {  	s2 =	sld [smem:$0x3FC9]  }
0x91: {  	s19 =	sld [smem:$0x3FC8]  }
0x92: {  	s4 =	sld [smem:$0x3FD0];
	(tm) =	ssettm $0x1  }
0x93: {  	s5 =	sld [smem:$0x3FFB];
	_ =	sdelay $0x3  }
0x94: {  	_ =	strace s5  }
0x95: {  	s5 =	sld [smem:$0x3FFC];
	_ =	sdelay $0x3  }
0x96: {  	_ =	strace s5  }
0x97: {  	s5 =	sld [smem:$0x3FFD];
	_ =	sdelay $0x3  }
0x98: {  	_ =	strace s5  }
0x99: {  	_ =	strace $0x8FFFFFFF  }
0x9a: {  	s20 =	sld [smem:$0x3FDB];
	_ =	sdelay $0x1  }
0x9b: {  	s6 =	simm.s32 $_scs_section_size  }
0x9c: {  	s7 =	simm.s32 $_size__tile_overlayer_lowered;
	s8 =	simm.s32 $_tile_overlayer_lowered  }
0x9d: {  	s23 =	simm.s32 $0x1BFF;
	s22 =	sshll.u32 s8, $0x1;
	s5 =	sadd.s32 s6, s20  }
0x9e: {  	s9 =	simm.s32 $0x0;
	s21 =	sshll.u32 s7, $0x1;
	s7 =	sadd.s32 s22, s5  }
0x9f: {  	[timem:s9], [sflag:s23] =	dma.local [hbm:s7], s21  }
0xa0: {  	_ =	swait.ge [sflag:s23], s21  }
0xa1: {  	s6 =	ssub.s32 $0x0, s21;
	[sflag:s23] =	ssyncset.done $0x0  }
0xa2: {  	[sflag:s23] =	ssyncadd.s32 s6;
	_ =	sdelay $0x1  }
0xa3: {  	s24 =	simm.s32 $0x1B8B  }
0xa4: {  	_ =	swait.ge [sflag:s24], $0x1  }
0xa5: {  	[sflag:s24] =	ssyncset.done $0x0  }
0xa6: {  	s25 =	simm.s32 $0x1B8E;
	[sflag:s24] =	ssyncadd.s32 $0xFFFFFFFF  }
0xa7: {  	s26 =	simm.s32 $execute0_lowered;
	[smem:$0x3FD2] =	sst s25  }
0xa8: {  	s6 =	sshll.u32 s26, $0x1;
	_ =	strace $0x80000046;
	[dreg:$0x1] =	wrdreg $0xFFFFFFFF  }
0xa9: {  	s28 =	simm.s32 $_size_execute0_lowered;
	s5 =	sadd.s32 s5, s6;
	[dreg:$0x0] =	wrdreg $0x0  }
0xaa: {  	s6 =	sshll.u32 s28, $0x1;
	[dreg:$0x2] =	wrdreg s5  }
0xab: {  	[dreg:$0x3] =	wrdreg s6  }
0xac: {  	[dreg:$0x4] =	wrdreg $0xC0  }
0xad: {  	_ =	task [dreg:s9], $0x5FFFF  }
0xae: {  	[dreg:$0x1] =	wrdreg $0xFFFFFFFF  }
0xaf: {  	[dreg:$0x0] =	wrdreg $0x60  }
0xb0: {  	[dreg:$0x2] =	wrdreg s2  }
0xb1: {  	[dreg:$0x3] =	wrdreg s19  }
0xb2: {  	[dreg:$0x4] =	wrdreg s4  }
0xb3: {  	[dreg:$0x5] =	wrdreg $0x9  }
0xb4: {  	_ =	task.clear_ibuf [dreg:s9], $0x6FFFF;
	_ =	strace $0x90000046  }
0xb5: {  	s29 =	simm.s32 $0x9;
	_ =	strace $0x80000048  }
0xb6: {  	_ =	swait.ge [sflag:s29], $0x1  }
0xb7: {  	[sflag:s29] =	ssyncadd.s32 $0xFFFFFFFF  }
0xb8: {  	_ =	strace $0x90000048  }
0xb9: {  	_ =	sfence  }
0xba: {  	s30 =	sld [smem:$0x0];
	_ =	sdelay $0x2  }
0xbb: {  	s31 =	sshll.u32 s1, $0xD;
	s1 =	sshrl.u32 s1, $0x2  }
0xbc: {  	s3 =	sand.u32 $0x4000, s31;
	s1 =	sadd.s32 s1, s30  }
0xbd: {  	s0 =	sor.u32 s3, s0;
	s1 =	sshll.u32 s1, $0x11  }
0xbe: {  	s0 =	sor.u32 s1, s0  }
0xbf: {  	s0 =	sadd.s32 $0x8F2B, s0  }
0xc0: {  	[sflag:s0] =	ssyncadd.remote.s32 $0x1  }
0xc1: {  	_ =	sfence.sel $0xFFFF  }
0xc2: {  	[dreg:$0x0] =	wrdreg $0xFFFFFFFF;
	(pc) =	sbr.abs _section_cstart, $3  }
0xc3: {  	[dreg:$0x1] =	wrdreg $0xFFFFFFFF  }
0xc4: {  	_ =	task.clear_ibuf [dreg:s9], $0x2FFFF;
	_ =	strace $0x9FFFFFFF  }
0xc5: {  	(tm) =	ssettm $0x7FFFFFFF  }
tec
execute0_lowered:
.L_overlay_start_1:
0x0: {  	(tag) =	ssettag $0x1  }
0x1: {  	s1 =	rddreg [dreg:$0x0];
	s0 =	srdreg.scid  }
0x2: {  	s2 =	stileid.u32;
	s4 =	rddreg [dreg:$0x2]  }
0x3: {  	s6 =	simm.s32 $0x0;
	s28 =	simm.s32 $0x2;
	s29 =	simm.s32 $0x15400  }
0x4: {  	s30 =	simm.s32 $0x3;
	s31 =	simm.s32 $0x1A400;
	s8 =	simm.s32 $0x8  }
0x5: {  	s9 =	simm.s32 $0x6;
	s18 =	simm.s32 $0x9;
	s0 =	sand.u32 $0x1, s0  }
0x6: {  	s10 =	simm.s32 $0x0;
	s2 =	sshll.u32 s2, $0xA;
	s3 =	sshll.u32 s0, $0x9  }
0x7: {  	[smem:$0x7FF] =	sst s6;
	s0 =	ssub.s32 $0x2, s0;
	s5 =	sor.u32 s3, s2  }
0x8: {  	_ =	strace $0x80000047;
	s20 =	sshrl.u32 s0, $0x1;
	s2 =	smul.u32 $0x280, s5  }
0x9: {  	s3 =	simm.s32 $0x5;
	s0 =	ssub.s32 s0, s20;
	s22 =	smul.u32 $0x1400, s5  }
0xa: {  	s23 =	sor.u32 $0xC, s5;
	s24 =	sor.u32 $0x4, s5;
	s12 =	sor.u32 $0x10, s5  }
0xb: {  	s13 =	sor.u32 $0x8, s5;
	s14 =	sor.u32 $0x14, s5;
	[dreg:$0x7] =	wrdreg s23  }
0xc: {  	s15 =	sor.u32 $0x18, s5;
	s25 =	sor.u32 $0x20, s5;
	[dreg:$0x8] =	wrdreg s24  }
0xd: {  	s16 =	sor.u32 $0x1C, s5;
	s11 =	smov.u32 s5;
	[dreg:$0x9] =	wrdreg s25  }
0xe: {  	s0 =	smax.u32 s0, $0x1;
	s23 =	simm.s32 $0x6400;
	s2 =	sadd.s32 s1, s2  }
0xf: {  	s21 =	sadd.s32 $0xA00, s2;
	[dreg:$0x4] =	wrdreg s2;
	s2 =	sadd.s32 $0x1400, s2  }
0x10: {  	s24 =	simm.s32 $0xB400;
	[dreg:$0x6] =	wrdreg s2;
	s2 =	sshrl.u32 s22, $0x3  }
0x11: {  	s25 =	simm.s32 $0x1;
	[dreg:$0xc] =	wrdreg s0;
	s2 =	sadd.s32 s4, s2  }
0x12: {  	s0 =	simm.s32 $0x7;
	[dreg:$0x5] =	wrdreg s21;
	s26 =	sadd.s32 $0x4EC00, s2  }
0x13: {  	s22 =	simm.s32 $0x1400;
	s2 =	sadd.s32 $0x4F600, s2;
	[dreg:$0xa] =	wrdreg s26  }
0x14: {  	[dreg:$0xb] =	wrdreg s2;
	s26 =	simm.s32 $0x10400;
	s2 =	simm.s32 $0x4  }
.LBB2_1:
0x15: {  	[dreg:$0xd] =	wrdreg s10  }
0x16: {  	s5 =	rddreg [dreg:$0x1];
	s17 =	simm.s32 $0xD  }
0x17: {  	[tilespmem:s6], [sflag:$0xD] =	stream.linear.gather [hbm4b:s5+s6], $0x1400, $0x38;
	[tilespmem:$0x1F400] =	vst v63  }
0x18: {  	_ =	swait.ge [sflag:s17], $0x1400  }
0x19: {  	[sflag:s17] =	ssyncset.done $0x0  }
0x1a: {  	s19 =	rddreg [dreg:$0x4];
	[sflag:s17] =	ssyncadd.s32 $0xFFFFEC00  }
0x1b: {  	[tilespmem:s22], [sflag:$0x1] =	stream.linear.gather [hbm4b:s19+s6], $0x5000, $0x38;
	[tilespmem:$0x1F400] =	vst v63  }
0x1c: {  	s20 =	rddreg [dreg:$0x5]  }
0x1d: {  	[tilespmem:s23], [sflag:$0x2] =	stream.linear.gather [hbm4b:s20+s6], $0x5000, $0x38;
	[tilespmem:$0x1F400] =	vst v63  }
0x1e: {  	s21 =	rddreg [dreg:$0x6];
	s19 =	simm.s32 $0x0  }
0x1f: {  	[tilespmem:s24], [sflag:$0x3] =	stream.linear.gather [hbm4b:s21+s6], $0x5000, $0x38;
	[tilespmem:$0x1F400] =	vst v63  }
.LBB2_2:
0x20: {  	_ =	swait.ge [sflag:s25], $0x5000  }
0x21: {  	[sflag:s25] =	ssyncset.done $0x0  }
0x22: {  	s7 =	simm.s32 $0x0;
	s5 =	simm.s32 $0x200;
	[sflag:s25] =	ssyncadd.s32 $0xFFFFB000  }
.LBB2_3:
0x23: {  	p0 =	sne.s32 s5, $0x4E00;
	v0 =	vld [tilespmem:s7+$0x70]  }
0x24: {  	v1 =	vld [tilespmem:s7+$0x0]  }
0x25: {  	v2 =	vld [tilespmem:s7+$0x10]  }
0x26: {  	v3 =	vld [tilespmem:s7+$0x20]  }
0x27: {  	v4 =	vld [tilespmem:s7+$0x30]  }
0x28: {  	[tilespmem:s7+$0x5070] =	vst.add.f32.msk $0xffff, v0  }
0x29: {  	v5 =	vld [tilespmem:s7+$0x40]  }
0x2a: {  	v6 =	vld [tilespmem:s7+$0x50]  }
0x2b: {  	v7 =	vld [tilespmem:s7+$0x60]  }
0x2c: {  	[tilespmem:s7+$0x1400] =	vst.add.f32.msk $0xffff, v1  }
0x2d: {  	[tilespmem:s7+$0x2800] =	vst.add.f32.msk $0xffff, v1  }
0x2e: {  	[tilespmem:s7+$0x3C00] =	vst.add.f32.msk $0xffff, v1  }
0x2f: {  	[tilespmem:s7+$0x5000] =	vst.add.f32.msk $0xffff, v1  }
0x30: {  	[tilespmem:s7+$0x1410] =	vst.add.f32.msk $0xffff, v2  }
0x31: {  	[tilespmem:s7+$0x2810] =	vst.add.f32.msk $0xffff, v2  }
0x32: {  	[tilespmem:s7+$0x3C10] =	vst.add.f32.msk $0xffff, v2  }
0x33: {  	[tilespmem:s7+$0x5010] =	vst.add.f32.msk $0xffff, v2  }
0x34: {  	[tilespmem:s7+$0x1420] =	vst.add.f32.msk $0xffff, v3  }
0x35: {  	[tilespmem:s7+$0x2820] =	vst.add.f32.msk $0xffff, v3  }
0x36: {  	[tilespmem:s7+$0x3C20] =	vst.add.f32.msk $0xffff, v3  }
0x37: {  	[tilespmem:s7+$0x5020] =	vst.add.f32.msk $0xffff, v3  }
0x38: {  	[tilespmem:s7+$0x1430] =	vst.add.f32.msk $0xffff, v4  }
0x39: {  	[tilespmem:s7+$0x2830] =	vst.add.f32.msk $0xffff, v4  }
0x3a: {  	[tilespmem:s7+$0x3C30] =	vst.add.f32.msk $0xffff, v4  }
0x3b: {  	[tilespmem:s7+$0x5030] =	vst.add.f32.msk $0xffff, v4  }
0x3c: {  	[tilespmem:s7+$0x1440] =	vst.add.f32.msk $0xffff, v5  }
0x3d: {  	[tilespmem:s7+$0x2840] =	vst.add.f32.msk $0xffff, v5  }
0x3e: {  	[tilespmem:s7+$0x3C40] =	vst.add.f32.msk $0xffff, v5  }
0x3f: {  	[tilespmem:s7+$0x5040] =	vst.add.f32.msk $0xffff, v5  }
0x40: {  	[tilespmem:s7+$0x1450] =	vst.add.f32.msk $0xffff, v6  }
0x41: {  	[tilespmem:s7+$0x2850] =	vst.add.f32.msk $0xffff, v6  }
0x42: {  	[tilespmem:s7+$0x3C50] =	vst.add.f32.msk $0xffff, v6  }
0x43: {  	[tilespmem:s7+$0x5050] =	vst.add.f32.msk $0xffff, v6  }
0x44: {  	[tilespmem:s7+$0x1460] =	vst.add.f32.msk $0xffff, v7  }
0x45: {  	[tilespmem:s7+$0x2860] =	vst.add.f32.msk $0xffff, v7  }
.Ltmp0:
0x46: {  	[tilespmem:s7+$0x3C60] =	vst.add.f32.msk $0xffff, v7;
	(pc) =	sbr.rel @p0 .LBB2_3-.Ltmp0, $4  }
0x47: {  	[tilespmem:s7+$0x5060] =	vst.add.f32.msk $0xffff, v7  }
0x48: {  	[tilespmem:s7+$0x1470] =	vst.add.f32.msk $0xffff, v0  }
0x49: {  	[tilespmem:s7+$0x2870] =	vst.add.f32.msk $0xffff, v0  }
0x4a: {  	[tilespmem:s7+$0x3C70] =	vst.add.f32.msk $0xffff, v0;
	s7 =	sshra.s32 s5, $0x2;
	s5 =	sadd.s32 $0x200, s5  }
0x4b: {  	v0 =	vld [tilespmem:s7+$0x70]  }
0x4c: {  	v1 =	vld [tilespmem:s7+$0x0]  }
0x4d: {  	v2 =	vld [tilespmem:s7+$0x10]  }
0x4e: {  	v3 =	vld [tilespmem:s7+$0x20]  }
0x4f: {  	v4 =	vld [tilespmem:s7+$0x30]  }
0x50: {  	v5 =	vld [tilespmem:s7+$0x40]  }
0x51: {  	v6 =	vld [tilespmem:s7+$0x50]  }
0x52: {  	v7 =	vld [tilespmem:s7+$0x60]  }
0x53: {  	[tilespmem:s7+$0x5070] =	vst.add.f32.msk $0xffff, v0  }
0x54: {  	[tilespmem:s7+$0x1400] =	vst.add.f32.msk $0xffff, v1  }
0x55: {  	[tilespmem:s7+$0x2800] =	vst.add.f32.msk $0xffff, v1  }
0x56: {  	[tilespmem:s7+$0x3C00] =	vst.add.f32.msk $0xffff, v1  }
0x57: {  	[tilespmem:s7+$0x5000] =	vst.add.f32.msk $0xffff, v1  }
0x58: {  	[tilespmem:s7+$0x1410] =	vst.add.f32.msk $0xffff, v2  }
0x59: {  	[tilespmem:s7+$0x2810] =	vst.add.f32.msk $0xffff, v2  }
0x5a: {  	[tilespmem:s7+$0x3C10] =	vst.add.f32.msk $0xffff, v2  }
0x5b: {  	[tilespmem:s7+$0x5010] =	vst.add.f32.msk $0xffff, v2  }
0x5c: {  	[tilespmem:s7+$0x1420] =	vst.add.f32.msk $0xffff, v3  }
0x5d: {  	[tilespmem:s7+$0x2820] =	vst.add.f32.msk $0xffff, v3  }
0x5e: {  	[tilespmem:s7+$0x3C20] =	vst.add.f32.msk $0xffff, v3  }
0x5f: {  	[tilespmem:s7+$0x5020] =	vst.add.f32.msk $0xffff, v3  }
0x60: {  	[tilespmem:s7+$0x1430] =	vst.add.f32.msk $0xffff, v4  }
0x61: {  	[tilespmem:s7+$0x2830] =	vst.add.f32.msk $0xffff, v4  }
0x62: {  	[tilespmem:s7+$0x3C30] =	vst.add.f32.msk $0xffff, v4  }
0x63: {  	[tilespmem:s7+$0x5030] =	vst.add.f32.msk $0xffff, v4  }
0x64: {  	[tilespmem:s7+$0x1440] =	vst.add.f32.msk $0xffff, v5  }
0x65: {  	[tilespmem:s7+$0x2840] =	vst.add.f32.msk $0xffff, v5  }
0x66: {  	[tilespmem:s7+$0x3C40] =	vst.add.f32.msk $0xffff, v5  }
0x67: {  	[tilespmem:s7+$0x5040] =	vst.add.f32.msk $0xffff, v5  }
0x68: {  	[tilespmem:s7+$0x1450] =	vst.add.f32.msk $0xffff, v6  }
0x69: {  	[tilespmem:s7+$0x2850] =	vst.add.f32.msk $0xffff, v6  }
0x6a: {  	[tilespmem:s7+$0x3C50] =	vst.add.f32.msk $0xffff, v6  }
0x6b: {  	[tilespmem:s7+$0x5050] =	vst.add.f32.msk $0xffff, v6  }
0x6c: {  	[tilespmem:s7+$0x1460] =	vst.add.f32.msk $0xffff, v7  }
0x6d: {  	s20 =	smul.u32 $0x18, s19;
	[tilespmem:s7+$0x2860] =	vst.add.f32.msk $0xffff, v7  }
0x6e: {  	[tilespmem:s7+$0x3C60] =	vst.add.f32.msk $0xffff, v7  }
0x6f: {  	s5 =	sadd.s32 s11, s20;
	[tilespmem:s7+$0x5060] =	vst.add.f32.msk $0xffff, v7  }
0x70: {  	s5 =	smul.u32 $0x280, s5;
	[tilespmem:s7+$0x1470] =	vst.add.f32.msk $0xffff, v0  }
0x71: {  	[tilespmem:s7+$0x2870] =	vst.add.f32.msk $0xffff, v0  }
0x72: {  	p0 =	seq.s32 s19, $0x0;
	s17 =	rddreg [dreg:$0x7];
	[tilespmem:s7+$0x3C70] =	vst.add.f32.msk $0xffff, v0;
	s5 =	sadd.s32 s4, s5  }
0x73: {  	[hbm4b:s5+s6] =	stream.linear.scatter [tilespmem:s22], [sflag:$0x7], $0x5000, $0x38;
	[tilespmem:$0x1F400] =	vst v63  }
0x74: {  	s7 =	sadd.s32 s20, s17;
	s5 =	simm.s32 @!p0 $0xA  }
0x75: {  	s7 =	smul.u32 $0x280, s7;
	_ =	swait.ge @!p0 [sflag:s5], $0x5000  }
0x76: {  	[sflag:s5] =	ssyncset.done @!p0 $0x0  }
0x77: {  	s10 =	simm.s32 $0x0;
	s21 =	sadd.s32 s1, s7;
	[sflag:s5] =	ssyncadd.s32 @!p0 $0xFFFFB000  }
0x78: {  	[tilespmem:s26], [sflag:$0x4] =	stream.linear.gather [hbm4b:s21+s10], $0x5000, $0x38;
	[tilespmem:$0x1F400] =	vst v63  }
0x79: {  	_ =	swait.ge [sflag:s28], $0x5000  }
0x7a: {  	[sflag:s28] =	ssyncset.done $0x0  }
0x7b: {  	s17 =	simm.s32 $0x0;
	s5 =	simm.s32 $0x200;
	[sflag:s28] =	ssyncadd.s32 $0xFFFFB000  }
.LBB2_5:
0x7c: {  	p1 =	sne.s32 s5, $0x4E00;
	v0 =	vld [tilespmem:s17+$0x70]  }
0x7d: {  	v1 =	vld [tilespmem:s17+$0x0]  }
0x7e: {  	v2 =	vld [tilespmem:s17+$0x10]  }
0x7f: {  	v3 =	vld [tilespmem:s17+$0x20]  }
0x80: {  	v4 =	vld [tilespmem:s17+$0x30]  }
0x81: {  	[tilespmem:s17+$0xA070] =	vst.add.f32.msk $0xffff, v0  }
0x82: {  	v5 =	vld [tilespmem:s17+$0x40]  }
0x83: {  	v6 =	vld [tilespmem:s17+$0x50]  }
0x84: {  	v7 =	vld [tilespmem:s17+$0x60]  }
0x85: {  	[tilespmem:s17+$0x6400] =	vst.add.f32.msk $0xffff, v1  }
0x86: {  	[tilespmem:s17+$0x7800] =	vst.add.f32.msk $0xffff, v1  }
0x87: {  	[tilespmem:s17+$0x8C00] =	vst.add.f32.msk $0xffff, v1  }
0x88: {  	[tilespmem:s17+$0xA000] =	vst.add.f32.msk $0xffff, v1  }
0x89: {  	[tilespmem:s17+$0x6410] =	vst.add.f32.msk $0xffff, v2  }
0x8a: {  	[tilespmem:s17+$0x7810] =	vst.add.f32.msk $0xffff, v2  }
0x8b: {  	[tilespmem:s17+$0x8C10] =	vst.add.f32.msk $0xffff, v2  }
0x8c: {  	[tilespmem:s17+$0xA010] =	vst.add.f32.msk $0xffff, v2  }
0x8d: {  	[tilespmem:s17+$0x6420] =	vst.add.f32.msk $0xffff, v3  }
0x8e: {  	[tilespmem:s17+$0x7820] =	vst.add.f32.msk $0xffff, v3  }
0x8f: {  	[tilespmem:s17+$0x8C20] =	vst.add.f32.msk $0xffff, v3  }
0x90: {  	[tilespmem:s17+$0xA020] =	vst.add.f32.msk $0xffff, v3  }
0x91: {  	[tilespmem:s17+$0x6430] =	vst.add.f32.msk $0xffff, v4  }
0x92: {  	[tilespmem:s17+$0x7830] =	vst.add.f32.msk $0xffff, v4  }
0x93: {  	[tilespmem:s17+$0x8C30] =	vst.add.f32.msk $0xffff, v4  }
0x94: {  	[tilespmem:s17+$0xA030] =	vst.add.f32.msk $0xffff, v4  }
0x95: {  	[tilespmem:s17+$0x6440] =	vst.add.f32.msk $0xffff, v5  }
0x96: {  	[tilespmem:s17+$0x7840] =	vst.add.f32.msk $0xffff, v5  }
0x97: {  	[tilespmem:s17+$0x8C40] =	vst.add.f32.msk $0xffff, v5  }
0x98: {  	[tilespmem:s17+$0xA040] =	vst.add.f32.msk $0xffff, v5  }
0x99: {  	[tilespmem:s17+$0x6450] =	vst.add.f32.msk $0xffff, v6  }
0x9a: {  	[tilespmem:s17+$0x7850] =	vst.add.f32.msk $0xffff, v6  }
0x9b: {  	[tilespmem:s17+$0x8C50] =	vst.add.f32.msk $0xffff, v6  }
0x9c: {  	[tilespmem:s17+$0xA050] =	vst.add.f32.msk $0xffff, v6  }
0x9d: {  	[tilespmem:s17+$0x6460] =	vst.add.f32.msk $0xffff, v7  }
0x9e: {  	[tilespmem:s17+$0x7860] =	vst.add.f32.msk $0xffff, v7  }
.Ltmp1:
0x9f: {  	[tilespmem:s17+$0x8C60] =	vst.add.f32.msk $0xffff, v7;
	(pc) =	sbr.rel @p1 .LBB2_5-.Ltmp1, $4  }
0xa0: {  	[tilespmem:s17+$0xA060] =	vst.add.f32.msk $0xffff, v7  }
0xa1: {  	[tilespmem:s17+$0x6470] =	vst.add.f32.msk $0xffff, v0  }
0xa2: {  	[tilespmem:s17+$0x7870] =	vst.add.f32.msk $0xffff, v0  }
0xa3: {  	[tilespmem:s17+$0x8C70] =	vst.add.f32.msk $0xffff, v0;
	s17 =	sshra.s32 s5, $0x2;
	s5 =	sadd.s32 $0x200, s5  }
0xa4: {  	v0 =	vld [tilespmem:s17+$0x70]  }
0xa5: {  	v1 =	vld [tilespmem:s17+$0x0]  }
0xa6: {  	v2 =	vld [tilespmem:s17+$0x10]  }
0xa7: {  	v3 =	vld [tilespmem:s17+$0x20]  }
0xa8: {  	v4 =	vld [tilespmem:s17+$0x30]  }
0xa9: {  	v5 =	vld [tilespmem:s17+$0x40]  }
0xaa: {  	v6 =	vld [tilespmem:s17+$0x50]  }
0xab: {  	v7 =	vld [tilespmem:s17+$0x60]  }
0xac: {  	[tilespmem:s17+$0xA070] =	vst.add.f32.msk $0xffff, v0  }
0xad: {  	[tilespmem:s17+$0x6400] =	vst.add.f32.msk $0xffff, v1  }
0xae: {  	[tilespmem:s17+$0x7800] =	vst.add.f32.msk $0xffff, v1  }
0xaf: {  	[tilespmem:s17+$0x8C00] =	vst.add.f32.msk $0xffff, v1  }
0xb0: {  	[tilespmem:s17+$0xA000] =	vst.add.f32.msk $0xffff, v1  }
0xb1: {  	[tilespmem:s17+$0x6410] =	vst.add.f32.msk $0xffff, v2  }
0xb2: {  	[tilespmem:s17+$0x7810] =	vst.add.f32.msk $0xffff, v2  }
0xb3: {  	[tilespmem:s17+$0x8C10] =	vst.add.f32.msk $0xffff, v2  }
0xb4: {  	[tilespmem:s17+$0xA010] =	vst.add.f32.msk $0xffff, v2  }
0xb5: {  	[tilespmem:s17+$0x6420] =	vst.add.f32.msk $0xffff, v3  }
0xb6: {  	[tilespmem:s17+$0x7820] =	vst.add.f32.msk $0xffff, v3  }
0xb7: {  	[tilespmem:s17+$0x8C20] =	vst.add.f32.msk $0xffff, v3  }
0xb8: {  	[tilespmem:s17+$0xA020] =	vst.add.f32.msk $0xffff, v3  }
0xb9: {  	[tilespmem:s17+$0x6430] =	vst.add.f32.msk $0xffff, v4  }
0xba: {  	[tilespmem:s17+$0x7830] =	vst.add.f32.msk $0xffff, v4  }
0xbb: {  	[tilespmem:s17+$0x8C30] =	vst.add.f32.msk $0xffff, v4  }
0xbc: {  	[tilespmem:s17+$0xA030] =	vst.add.f32.msk $0xffff, v4  }
0xbd: {  	[tilespmem:s17+$0x6440] =	vst.add.f32.msk $0xffff, v5  }
0xbe: {  	[tilespmem:s17+$0x7840] =	vst.add.f32.msk $0xffff, v5  }
0xbf: {  	[tilespmem:s17+$0x8C40] =	vst.add.f32.msk $0xffff, v5  }
0xc0: {  	[tilespmem:s17+$0xA040] =	vst.add.f32.msk $0xffff, v5  }
0xc1: {  	[tilespmem:s17+$0x6450] =	vst.add.f32.msk $0xffff, v6  }
0xc2: {  	[tilespmem:s17+$0x7850] =	vst.add.f32.msk $0xffff, v6  }
0xc3: {  	[tilespmem:s17+$0x8C50] =	vst.add.f32.msk $0xffff, v6  }
0xc4: {  	[tilespmem:s17+$0xA050] =	vst.add.f32.msk $0xffff, v6  }
0xc5: {  	[tilespmem:s17+$0x6460] =	vst.add.f32.msk $0xffff, v7  }
0xc6: {  	[tilespmem:s17+$0x7860] =	vst.add.f32.msk $0xffff, v7  }
0xc7: {  	s5 =	rddreg [dreg:$0x8];
	[tilespmem:s17+$0x8C60] =	vst.add.f32.msk $0xffff, v7  }
0xc8: {  	s5 =	sadd.s32 s20, s5;
	[tilespmem:s17+$0xA060] =	vst.add.f32.msk $0xffff, v7  }
0xc9: {  	s5 =	smul.u32 $0x280, s5;
	[tilespmem:s17+$0x6470] =	vst.add.f32.msk $0xffff, v0  }
0xca: {  	[tilespmem:s17+$0x7870] =	vst.add.f32.msk $0xffff, v0  }
0xcb: {  	s5 =	sadd.s32 s4, s5;
	[tilespmem:s17+$0x8C70] =	vst.add.f32.msk $0xffff, v0  }
0xcc: {  	[hbm4b:s5+s6] =	stream.linear.scatter [tilespmem:s23], [sflag:$0x8], $0x5000, $0x38;
	[tilespmem:$0x1F400] =	vst v63  }
0xcd: {  	s10 =	sadd.s32 s20, s12;
	s5 =	simm.s32 @!p0 $0xB  }
0xce: {  	s21 =	smul.u32 $0x280, s10;
	_ =	swait.ge @!p0 [sflag:s5], $0x5000  }
0xcf: {  	[sflag:s5] =	ssyncset.done @!p0 $0x0  }
0xd0: {  	s10 =	sadd.s32 s1, s21;
	s17 =	simm.s32 $0x0;
	[sflag:s5] =	ssyncadd.s32 @!p0 $0xFFFFB000  }
0xd1: {  	[tilespmem:s29], [sflag:$0x5] =	stream.linear.gather [hbm4b:s10+s17], $0x5000, $0x38;
	[tilespmem:$0x1F400] =	vst v63  }
0xd2: {  	_ =	swait.ge [sflag:s30], $0x5000  }
0xd3: {  	[sflag:s30] =	ssyncset.done $0x0  }
0xd4: {  	s5 =	simm.s32 $0x200;
	s17 =	simm.s32 $0x0;
	[sflag:s30] =	ssyncadd.s32 $0xFFFFB000  }
.LBB2_7:
0xd5: {  	p1 =	sne.s32 s5, $0x4E00;
	v0 =	vld [tilespmem:s17+$0x70]  }
0xd6: {  	v1 =	vld [tilespmem:s17+$0x0]  }
0xd7: {  	v2 =	vld [tilespmem:s17+$0x10]  }
0xd8: {  	v3 =	vld [tilespmem:s17+$0x20]  }
0xd9: {  	v4 =	vld [tilespmem:s17+$0x30]  }
0xda: {  	[tilespmem:s17+$0xF070] =	vst.add.f32.msk $0xffff, v0  }
0xdb: {  	v5 =	vld [tilespmem:s17+$0x40]  }
0xdc: {  	v6 =	vld [tilespmem:s17+$0x50]  }
0xdd: {  	v7 =	vld [tilespmem:s17+$0x60]  }
0xde: {  	[tilespmem:s17+$0xB400] =	vst.add.f32.msk $0xffff, v1  }
0xdf: {  	[tilespmem:s17+$0xC800] =	vst.add.f32.msk $0xffff, v1  }
0xe0: {  	[tilespmem:s17+$0xDC00] =	vst.add.f32.msk $0xffff, v1  }
0xe1: {  	[tilespmem:s17+$0xF000] =	vst.add.f32.msk $0xffff, v1  }
0xe2: {  	[tilespmem:s17+$0xB410] =	vst.add.f32.msk $0xffff, v2  }
0xe3: {  	[tilespmem:s17+$0xC810] =	vst.add.f32.msk $0xffff, v2  }
0xe4: {  	[tilespmem:s17+$0xDC10] =	vst.add.f32.msk $0xffff, v2  }
0xe5: {  	[tilespmem:s17+$0xF010] =	vst.add.f32.msk $0xffff, v2  }
0xe6: {  	[tilespmem:s17+$0xB420] =	vst.add.f32.msk $0xffff, v3  }
0xe7: {  	[tilespmem:s17+$0xC820] =	vst.add.f32.msk $0xffff, v3  }
0xe8: {  	[tilespmem:s17+$0xDC20] =	vst.add.f32.msk $0xffff, v3  }
0xe9: {  	[tilespmem:s17+$0xF020] =	vst.add.f32.msk $0xffff, v3  }
0xea: {  	[tilespmem:s17+$0xB430] =	vst.add.f32.msk $0xffff, v4  }
0xeb: {  	[tilespmem:s17+$0xC830] =	vst.add.f32.msk $0xffff, v4  }
0xec: {  	[tilespmem:s17+$0xDC30] =	vst.add.f32.msk $0xffff, v4  }
0xed: {  	[tilespmem:s17+$0xF030] =	vst.add.f32.msk $0xffff, v4  }
0xee: {  	[tilespmem:s17+$0xB440] =	vst.add.f32.msk $0xffff, v5  }
0xef: {  	[tilespmem:s17+$0xC840] =	vst.add.f32.msk $0xffff, v5  }
0xf0: {  	[tilespmem:s17+$0xDC40] =	vst.add.f32.msk $0xffff, v5  }
0xf1: {  	[tilespmem:s17+$0xF040] =	vst.add.f32.msk $0xffff, v5  }
0xf2: {  	[tilespmem:s17+$0xB450] =	vst.add.f32.msk $0xffff, v6  }
0xf3: {  	[tilespmem:s17+$0xC850] =	vst.add.f32.msk $0xffff, v6  }
0xf4: {  	[tilespmem:s17+$0xDC50] =	vst.add.f32.msk $0xffff, v6  }
0xf5: {  	[tilespmem:s17+$0xF050] =	vst.add.f32.msk $0xffff, v6  }
0xf6: {  	[tilespmem:s17+$0xB460] =	vst.add.f32.msk $0xffff, v7  }
0xf7: {  	[tilespmem:s17+$0xC860] =	vst.add.f32.msk $0xffff, v7  }
.Ltmp2:
0xf8: {  	[tilespmem:s17+$0xDC60] =	vst.add.f32.msk $0xffff, v7;
	(pc) =	sbr.rel @p1 .LBB2_7-.Ltmp2, $4  }
0xf9: {  	[tilespmem:s17+$0xF060] =	vst.add.f32.msk $0xffff, v7  }
0xfa: {  	[tilespmem:s17+$0xB470] =	vst.add.f32.msk $0xffff, v0  }
0xfb: {  	[tilespmem:s17+$0xC870] =	vst.add.f32.msk $0xffff, v0  }
0xfc: {  	[tilespmem:s17+$0xDC70] =	vst.add.f32.msk $0xffff, v0;
	s17 =	sshra.s32 s5, $0x2;
	s5 =	sadd.s32 $0x200, s5  }
0xfd: {  	v0 =	vld [tilespmem:s17+$0x70]  }
0xfe: {  	v1 =	vld [tilespmem:s17+$0x0]  }
0xff: {  	v2 =	vld [tilespmem:s17+$0x10]  }
0x100: {  	v3 =	vld [tilespmem:s17+$0x20]  }
0x101: {  	v4 =	vld [tilespmem:s17+$0x30]  }
0x102: {  	v5 =	vld [tilespmem:s17+$0x40]  }
0x103: {  	v6 =	vld [tilespmem:s17+$0x50]  }
0x104: {  	v7 =	vld [tilespmem:s17+$0x60]  }
0x105: {  	[tilespmem:s17+$0xF070] =	vst.add.f32.msk $0xffff, v0  }
0x106: {  	[tilespmem:s17+$0xB400] =	vst.add.f32.msk $0xffff, v1  }
0x107: {  	[tilespmem:s17+$0xC800] =	vst.add.f32.msk $0xffff, v1  }
0x108: {  	[tilespmem:s17+$0xDC00] =	vst.add.f32.msk $0xffff, v1  }
0x109: {  	[tilespmem:s17+$0xF000] =	vst.add.f32.msk $0xffff, v1  }
0x10a: {  	[tilespmem:s17+$0xB410] =	vst.add.f32.msk $0xffff, v2  }
0x10b: {  	[tilespmem:s17+$0xC810] =	vst.add.f32.msk $0xffff, v2  }
0x10c: {  	[tilespmem:s17+$0xDC10] =	vst.add.f32.msk $0xffff, v2  }
0x10d: {  	[tilespmem:s17+$0xF010] =	vst.add.f32.msk $0xffff, v2  }
0x10e: {  	[tilespmem:s17+$0xB420] =	vst.add.f32.msk $0xffff, v3  }
0x10f: {  	[tilespmem:s17+$0xC820] =	vst.add.f32.msk $0xffff, v3  }
0x110: {  	[tilespmem:s17+$0xDC20] =	vst.add.f32.msk $0xffff, v3  }
0x111: {  	[tilespmem:s17+$0xF020] =	vst.add.f32.msk $0xffff, v3  }
0x112: {  	[tilespmem:s17+$0xB430] =	vst.add.f32.msk $0xffff, v4  }
0x113: {  	[tilespmem:s17+$0xC830] =	vst.add.f32.msk $0xffff, v4  }
0x114: {  	[tilespmem:s17+$0xDC30] =	vst.add.f32.msk $0xffff, v4  }
0x115: {  	[tilespmem:s17+$0xF030] =	vst.add.f32.msk $0xffff, v4  }
0x116: {  	[tilespmem:s17+$0xB440] =	vst.add.f32.msk $0xffff, v5  }
0x117: {  	[tilespmem:s17+$0xC840] =	vst.add.f32.msk $0xffff, v5  }
0x118: {  	[tilespmem:s17+$0xDC40] =	vst.add.f32.msk $0xffff, v5  }
0x119: {  	[tilespmem:s17+$0xF040] =	vst.add.f32.msk $0xffff, v5  }
0x11a: {  	[tilespmem:s17+$0xB450] =	vst.add.f32.msk $0xffff, v6  }
0x11b: {  	[tilespmem:s17+$0xC850] =	vst.add.f32.msk $0xffff, v6  }
0x11c: {  	[tilespmem:s17+$0xDC50] =	vst.add.f32.msk $0xffff, v6  }
0x11d: {  	[tilespmem:s17+$0xF050] =	vst.add.f32.msk $0xffff, v6  }
0x11e: {  	[tilespmem:s17+$0xB460] =	vst.add.f32.msk $0xffff, v7  }
0x11f: {  	[tilespmem:s17+$0xC860] =	vst.add.f32.msk $0xffff, v7  }
0x120: {  	[tilespmem:s17+$0xDC60] =	vst.add.f32.msk $0xffff, v7  }
0x121: {  	s5 =	sadd.s32 s20, s13;
	[tilespmem:s17+$0xF060] =	vst.add.f32.msk $0xffff, v7  }
0x122: {  	s5 =	smul.u32 $0x280, s5;
	[tilespmem:s17+$0xB470] =	vst.add.f32.msk $0xffff, v0  }
0x123: {  	[tilespmem:s17+$0xC870] =	vst.add.f32.msk $0xffff, v0  }
0x124: {  	s5 =	sadd.s32 s4, s5;
	[tilespmem:s17+$0xDC70] =	vst.add.f32.msk $0xffff, v0  }
0x125: {  	[hbm4b:s5+s6] =	stream.linear.scatter [tilespmem:s24], [sflag:$0x9], $0x5000, $0x38;
	[tilespmem:$0x1F400] =	vst v63  }
0x126: {  	s10 =	sadd.s32 s20, s14;
	s5 =	simm.s32 @!p0 $0xC  }
0x127: {  	s17 =	smul.u32 $0x280, s10;
	_ =	swait.ge @!p0 [sflag:s5], $0x5000  }
0x128: {  	[sflag:s5] =	ssyncset.done @!p0 $0x0  }
0x129: {  	s10 =	simm.s32 $0x0;
	[sflag:s5] =	ssyncadd.s32 @!p0 $0xFFFFB000;
	s5 =	sadd.s32 s1, s17  }
0x12a: {  	[tilespmem:s31], [sflag:$0x6] =	stream.linear.gather [hbm4b:s5+s10], $0x5000, $0x38;
	[tilespmem:$0x1F400] =	vst v63  }
0x12b: {  	_ =	swait.ge [sflag:s2], $0x5000  }
0x12c: {  	[sflag:s2] =	ssyncset.done $0x0  }
0x12d: {  	s5 =	simm.s32 $0x0;
	s10 =	simm.s32 $0x200;
	[sflag:s2] =	ssyncadd.s32 $0xFFFFB000  }
.LBB2_9:
0x12e: {  	p0 =	sne.s32 s10, $0x4E00;
	v0 =	vld [tilespmem:s5+$0x70]  }
0x12f: {  	v1 =	vld [tilespmem:s5+$0x0]  }
0x130: {  	v2 =	vld [tilespmem:s5+$0x10]  }
0x131: {  	v3 =	vld [tilespmem:s5+$0x20]  }
0x132: {  	v4 =	vld [tilespmem:s5+$0x30]  }
0x133: {  	[tilespmem:s5+$0x14070] =	vst.add.f32.msk $0xffff, v0  }
0x134: {  	v5 =	vld [tilespmem:s5+$0x40]  }
0x135: {  	v6 =	vld [tilespmem:s5+$0x50]  }
0x136: {  	v7 =	vld [tilespmem:s5+$0x60]  }
0x137: {  	[tilespmem:s5+$0x10400] =	vst.add.f32.msk $0xffff, v1  }
0x138: {  	[tilespmem:s5+$0x11800] =	vst.add.f32.msk $0xffff, v1  }
0x139: {  	[tilespmem:s5+$0x12C00] =	vst.add.f32.msk $0xffff, v1  }
0x13a: {  	[tilespmem:s5+$0x14000] =	vst.add.f32.msk $0xffff, v1  }
0x13b: {  	[tilespmem:s5+$0x10410] =	vst.add.f32.msk $0xffff, v2  }
0x13c: {  	[tilespmem:s5+$0x11810] =	vst.add.f32.msk $0xffff, v2  }
0x13d: {  	[tilespmem:s5+$0x12C10] =	vst.add.f32.msk $0xffff, v2  }
0x13e: {  	[tilespmem:s5+$0x14010] =	vst.add.f32.msk $0xffff, v2  }
0x13f: {  	[tilespmem:s5+$0x10420] =	vst.add.f32.msk $0xffff, v3  }
0x140: {  	[tilespmem:s5+$0x11820] =	vst.add.f32.msk $0xffff, v3  }
0x141: {  	[tilespmem:s5+$0x12C20] =	vst.add.f32.msk $0xffff, v3  }
0x142: {  	[tilespmem:s5+$0x14020] =	vst.add.f32.msk $0xffff, v3  }
0x143: {  	[tilespmem:s5+$0x10430] =	vst.add.f32.msk $0xffff, v4  }
0x144: {  	[tilespmem:s5+$0x11830] =	vst.add.f32.msk $0xffff, v4  }
0x145: {  	[tilespmem:s5+$0x12C30] =	vst.add.f32.msk $0xffff, v4  }
0x146: {  	[tilespmem:s5+$0x14030] =	vst.add.f32.msk $0xffff, v4  }
0x147: {  	[tilespmem:s5+$0x10440] =	vst.add.f32.msk $0xffff, v5  }
0x148: {  	[tilespmem:s5+$0x11840] =	vst.add.f32.msk $0xffff, v5  }
0x149: {  	[tilespmem:s5+$0x12C40] =	vst.add.f32.msk $0xffff, v5  }
0x14a: {  	[tilespmem:s5+$0x14040] =	vst.add.f32.msk $0xffff, v5  }
0x14b: {  	[tilespmem:s5+$0x10450] =	vst.add.f32.msk $0xffff, v6  }
0x14c: {  	[tilespmem:s5+$0x11850] =	vst.add.f32.msk $0xffff, v6  }
0x14d: {  	[tilespmem:s5+$0x12C50] =	vst.add.f32.msk $0xffff, v6  }
0x14e: {  	[tilespmem:s5+$0x14050] =	vst.add.f32.msk $0xffff, v6  }
0x14f: {  	[tilespmem:s5+$0x10460] =	vst.add.f32.msk $0xffff, v7  }
0x150: {  	[tilespmem:s5+$0x11860] =	vst.add.f32.msk $0xffff, v7  }
.Ltmp3:
0x151: {  	[tilespmem:s5+$0x12C60] =	vst.add.f32.msk $0xffff, v7;
	(pc) =	sbr.rel @p0 .LBB2_9-.Ltmp3, $4  }
0x152: {  	[tilespmem:s5+$0x14060] =	vst.add.f32.msk $0xffff, v7  }
0x153: {  	[tilespmem:s5+$0x10470] =	vst.add.f32.msk $0xffff, v0  }
0x154: {  	[tilespmem:s5+$0x11870] =	vst.add.f32.msk $0xffff, v0  }
0x155: {  	[tilespmem:s5+$0x12C70] =	vst.add.f32.msk $0xffff, v0;
	s5 =	sshra.s32 s10, $0x2;
	s10 =	sadd.s32 $0x200, s10  }
0x156: {  	v0 =	vld [tilespmem:s5+$0x70]  }
0x157: {  	v1 =	vld [tilespmem:s5+$0x0]  }
0x158: {  	v2 =	vld [tilespmem:s5+$0x10]  }
0x159: {  	v3 =	vld [tilespmem:s5+$0x20]  }
0x15a: {  	v4 =	vld [tilespmem:s5+$0x30]  }
0x15b: {  	v5 =	vld [tilespmem:s5+$0x40]  }
0x15c: {  	v6 =	vld [tilespmem:s5+$0x50]  }
0x15d: {  	v7 =	vld [tilespmem:s5+$0x60]  }
0x15e: {  	[tilespmem:s5+$0x14070] =	vst.add.f32.msk $0xffff, v0  }
0x15f: {  	[tilespmem:s5+$0x10400] =	vst.add.f32.msk $0xffff, v1  }
0x160: {  	[tilespmem:s5+$0x11800] =	vst.add.f32.msk $0xffff, v1  }
0x161: {  	[tilespmem:s5+$0x12C00] =	vst.add.f32.msk $0xffff, v1  }
0x162: {  	[tilespmem:s5+$0x14000] =	vst.add.f32.msk $0xffff, v1  }
0x163: {  	[tilespmem:s5+$0x10410] =	vst.add.f32.msk $0xffff, v2  }
0x164: {  	[tilespmem:s5+$0x11810] =	vst.add.f32.msk $0xffff, v2  }
0x165: {  	[tilespmem:s5+$0x12C10] =	vst.add.f32.msk $0xffff, v2  }
0x166: {  	[tilespmem:s5+$0x14010] =	vst.add.f32.msk $0xffff, v2  }
0x167: {  	[tilespmem:s5+$0x10420] =	vst.add.f32.msk $0xffff, v3  }
0x168: {  	[tilespmem:s5+$0x11820] =	vst.add.f32.msk $0xffff, v3  }
0x169: {  	[tilespmem:s5+$0x12C20] =	vst.add.f32.msk $0xffff, v3  }
0x16a: {  	[tilespmem:s5+$0x14020] =	vst.add.f32.msk $0xffff, v3  }
0x16b: {  	[tilespmem:s5+$0x10430] =	vst.add.f32.msk $0xffff, v4  }
0x16c: {  	[tilespmem:s5+$0x11830] =	vst.add.f32.msk $0xffff, v4  }
0x16d: {  	[tilespmem:s5+$0x12C30] =	vst.add.f32.msk $0xffff, v4  }
0x16e: {  	[tilespmem:s5+$0x14030] =	vst.add.f32.msk $0xffff, v4  }
0x16f: {  	[tilespmem:s5+$0x10440] =	vst.add.f32.msk $0xffff, v5  }
0x170: {  	[tilespmem:s5+$0x11840] =	vst.add.f32.msk $0xffff, v5  }
0x171: {  	[tilespmem:s5+$0x12C40] =	vst.add.f32.msk $0xffff, v5  }
0x172: {  	[tilespmem:s5+$0x14040] =	vst.add.f32.msk $0xffff, v5  }
0x173: {  	[tilespmem:s5+$0x10450] =	vst.add.f32.msk $0xffff, v6  }
0x174: {  	[tilespmem:s5+$0x11850] =	vst.add.f32.msk $0xffff, v6  }
0x175: {  	[tilespmem:s5+$0x12C50] =	vst.add.f32.msk $0xffff, v6  }
0x176: {  	[tilespmem:s5+$0x14050] =	vst.add.f32.msk $0xffff, v6  }
0x177: {  	[tilespmem:s5+$0x10460] =	vst.add.f32.msk $0xffff, v7  }
0x178: {  	[tilespmem:s5+$0x11860] =	vst.add.f32.msk $0xffff, v7  }
0x179: {  	[tilespmem:s5+$0x12C60] =	vst.add.f32.msk $0xffff, v7  }
0x17a: {  	[tilespmem:s5+$0x14060] =	vst.add.f32.msk $0xffff, v7  }
0x17b: {  	[tilespmem:s5+$0x10470] =	vst.add.f32.msk $0xffff, v0  }
0x17c: {  	[tilespmem:s5+$0x11870] =	vst.add.f32.msk $0xffff, v0  }
0x17d: {  	s10 =	sadd.s32 s4, s7;
	s7 =	simm.s32 $0x0;
	[tilespmem:s5+$0x12C70] =	vst.add.f32.msk $0xffff, v0  }
0x17e: {  	[hbm4b:s10+s7] =	stream.linear.scatter [tilespmem:s26], [sflag:$0xA], $0x5000, $0x38;
	[tilespmem:$0x1F400] =	vst v63  }
0x17f: {  	s10 =	sadd.s32 s20, s15  }
0x180: {  	_ =	swait.ge [sflag:s0], $0x5000;
	s5 =	smul.u32 $0x280, s10  }
0x181: {  	[sflag:s0] =	ssyncset.done $0x0  }
0x182: {  	[sflag:s0] =	ssyncadd.s32 $0xFFFFB000;
	s5 =	sadd.s32 s1, s5  }
0x183: {  	[tilespmem:s22], [sflag:$0x1] =	stream.linear.gather [hbm4b:s5+s7], $0x5000, $0x38;
	[tilespmem:$0x1F400] =	vst v63  }
0x184: {  	_ =	swait.ge [sflag:s3], $0x5000  }
0x185: {  	[sflag:s3] =	ssyncset.done $0x0  }
0x186: {  	s5 =	simm.s32 $0x0;
	s7 =	simm.s32 $0x200;
	[sflag:s3] =	ssyncadd.s32 $0xFFFFB000  }
.LBB2_11:
0x187: {  	p0 =	sne.s32 s7, $0x4E00;
	v0 =	vld [tilespmem:s5+$0x70]  }
0x188: {  	v1 =	vld [tilespmem:s5+$0x0]  }
0x189: {  	v2 =	vld [tilespmem:s5+$0x10]  }
0x18a: {  	v3 =	vld [tilespmem:s5+$0x20]  }
0x18b: {  	v4 =	vld [tilespmem:s5+$0x30]  }
0x18c: {  	[tilespmem:s5+$0x19070] =	vst.add.f32.msk $0xffff, v0  }
0x18d: {  	v5 =	vld [tilespmem:s5+$0x40]  }
0x18e: {  	v6 =	vld [tilespmem:s5+$0x50]  }
0x18f: {  	v7 =	vld [tilespmem:s5+$0x60]  }
0x190: {  	[tilespmem:s5+$0x15400] =	vst.add.f32.msk $0xffff, v1  }
0x191: {  	[tilespmem:s5+$0x16800] =	vst.add.f32.msk $0xffff, v1  }
0x192: {  	[tilespmem:s5+$0x17C00] =	vst.add.f32.msk $0xffff, v1  }
0x193: {  	[tilespmem:s5+$0x19000] =	vst.add.f32.msk $0xffff, v1  }
0x194: {  	[tilespmem:s5+$0x15410] =	vst.add.f32.msk $0xffff, v2  }
0x195: {  	[tilespmem:s5+$0x16810] =	vst.add.f32.msk $0xffff, v2  }
0x196: {  	[tilespmem:s5+$0x17C10] =	vst.add.f32.msk $0xffff, v2  }
0x197: {  	[tilespmem:s5+$0x19010] =	vst.add.f32.msk $0xffff, v2  }
0x198: {  	[tilespmem:s5+$0x15420] =	vst.add.f32.msk $0xffff, v3  }
0x199: {  	[tilespmem:s5+$0x16820] =	vst.add.f32.msk $0xffff, v3  }
0x19a: {  	[tilespmem:s5+$0x17C20] =	vst.add.f32.msk $0xffff, v3  }
0x19b: {  	[tilespmem:s5+$0x19020] =	vst.add.f32.msk $0xffff, v3  }
0x19c: {  	[tilespmem:s5+$0x15430] =	vst.add.f32.msk $0xffff, v4  }
0x19d: {  	[tilespmem:s5+$0x16830] =	vst.add.f32.msk $0xffff, v4  }
0x19e: {  	[tilespmem:s5+$0x17C30] =	vst.add.f32.msk $0xffff, v4  }
0x19f: {  	[tilespmem:s5+$0x19030] =	vst.add.f32.msk $0xffff, v4  }
0x1a0: {  	[tilespmem:s5+$0x15440] =	vst.add.f32.msk $0xffff, v5  }
0x1a1: {  	[tilespmem:s5+$0x16840] =	vst.add.f32.msk $0xffff, v5  }
0x1a2: {  	[tilespmem:s5+$0x17C40] =	vst.add.f32.msk $0xffff, v5  }
0x1a3: {  	[tilespmem:s5+$0x19040] =	vst.add.f32.msk $0xffff, v5  }
0x1a4: {  	[tilespmem:s5+$0x15450] =	vst.add.f32.msk $0xffff, v6  }
0x1a5: {  	[tilespmem:s5+$0x16850] =	vst.add.f32.msk $0xffff, v6  }
0x1a6: {  	[tilespmem:s5+$0x17C50] =	vst.add.f32.msk $0xffff, v6  }
0x1a7: {  	[tilespmem:s5+$0x19050] =	vst.add.f32.msk $0xffff, v6  }
0x1a8: {  	[tilespmem:s5+$0x15460] =	vst.add.f32.msk $0xffff, v7  }
0x1a9: {  	[tilespmem:s5+$0x16860] =	vst.add.f32.msk $0xffff, v7  }
.Ltmp4:
0x1aa: {  	[tilespmem:s5+$0x17C60] =	vst.add.f32.msk $0xffff, v7;
	(pc) =	sbr.rel @p0 .LBB2_11-.Ltmp4, $4  }
0x1ab: {  	[tilespmem:s5+$0x19060] =	vst.add.f32.msk $0xffff, v7  }
0x1ac: {  	[tilespmem:s5+$0x15470] =	vst.add.f32.msk $0xffff, v0  }
0x1ad: {  	[tilespmem:s5+$0x16870] =	vst.add.f32.msk $0xffff, v0  }
0x1ae: {  	[tilespmem:s5+$0x17C70] =	vst.add.f32.msk $0xffff, v0;
	s5 =	sshra.s32 s7, $0x2;
	s7 =	sadd.s32 $0x200, s7  }
0x1af: {  	v0 =	vld [tilespmem:s5+$0x70]  }
0x1b0: {  	v1 =	vld [tilespmem:s5+$0x0]  }
0x1b1: {  	v2 =	vld [tilespmem:s5+$0x10]  }
0x1b2: {  	v3 =	vld [tilespmem:s5+$0x20]  }
0x1b3: {  	v4 =	vld [tilespmem:s5+$0x30]  }
0x1b4: {  	v5 =	vld [tilespmem:s5+$0x40]  }
0x1b5: {  	v6 =	vld [tilespmem:s5+$0x50]  }
0x1b6: {  	v7 =	vld [tilespmem:s5+$0x60]  }
0x1b7: {  	[tilespmem:s5+$0x19070] =	vst.add.f32.msk $0xffff, v0  }
0x1b8: {  	[tilespmem:s5+$0x15400] =	vst.add.f32.msk $0xffff, v1  }
0x1b9: {  	[tilespmem:s5+$0x16800] =	vst.add.f32.msk $0xffff, v1  }
0x1ba: {  	[tilespmem:s5+$0x17C00] =	vst.add.f32.msk $0xffff, v1  }
0x1bb: {  	[tilespmem:s5+$0x19000] =	vst.add.f32.msk $0xffff, v1  }
0x1bc: {  	[tilespmem:s5+$0x15410] =	vst.add.f32.msk $0xffff, v2  }
0x1bd: {  	[tilespmem:s5+$0x16810] =	vst.add.f32.msk $0xffff, v2  }
0x1be: {  	[tilespmem:s5+$0x17C10] =	vst.add.f32.msk $0xffff, v2  }
0x1bf: {  	[tilespmem:s5+$0x19010] =	vst.add.f32.msk $0xffff, v2  }
0x1c0: {  	[tilespmem:s5+$0x15420] =	vst.add.f32.msk $0xffff, v3  }
0x1c1: {  	[tilespmem:s5+$0x16820] =	vst.add.f32.msk $0xffff, v3  }
0x1c2: {  	[tilespmem:s5+$0x17C20] =	vst.add.f32.msk $0xffff, v3  }
0x1c3: {  	[tilespmem:s5+$0x19020] =	vst.add.f32.msk $0xffff, v3  }
0x1c4: {  	[tilespmem:s5+$0x15430] =	vst.add.f32.msk $0xffff, v4  }
0x1c5: {  	[tilespmem:s5+$0x16830] =	vst.add.f32.msk $0xffff, v4  }
0x1c6: {  	[tilespmem:s5+$0x17C30] =	vst.add.f32.msk $0xffff, v4  }
0x1c7: {  	[tilespmem:s5+$0x19030] =	vst.add.f32.msk $0xffff, v4  }
0x1c8: {  	[tilespmem:s5+$0x15440] =	vst.add.f32.msk $0xffff, v5  }
0x1c9: {  	[tilespmem:s5+$0x16840] =	vst.add.f32.msk $0xffff, v5  }
0x1ca: {  	[tilespmem:s5+$0x17C40] =	vst.add.f32.msk $0xffff, v5  }
0x1cb: {  	[tilespmem:s5+$0x19040] =	vst.add.f32.msk $0xffff, v5  }
0x1cc: {  	[tilespmem:s5+$0x15450] =	vst.add.f32.msk $0xffff, v6  }
0x1cd: {  	[tilespmem:s5+$0x16850] =	vst.add.f32.msk $0xffff, v6  }
0x1ce: {  	[tilespmem:s5+$0x17C50] =	vst.add.f32.msk $0xffff, v6  }
0x1cf: {  	[tilespmem:s5+$0x19050] =	vst.add.f32.msk $0xffff, v6  }
0x1d0: {  	[tilespmem:s5+$0x15460] =	vst.add.f32.msk $0xffff, v7  }
0x1d1: {  	[tilespmem:s5+$0x16860] =	vst.add.f32.msk $0xffff, v7  }
0x1d2: {  	[tilespmem:s5+$0x17C60] =	vst.add.f32.msk $0xffff, v7  }
0x1d3: {  	[tilespmem:s5+$0x19060] =	vst.add.f32.msk $0xffff, v7  }
0x1d4: {  	[tilespmem:s5+$0x15470] =	vst.add.f32.msk $0xffff, v0  }
0x1d5: {  	[tilespmem:s5+$0x16870] =	vst.add.f32.msk $0xffff, v0  }
0x1d6: {  	s10 =	sadd.s32 s4, s21;
	s7 =	simm.s32 $0x0;
	s21 =	sadd.s32 s20, s16;
	[tilespmem:s5+$0x17C70] =	vst.add.f32.msk $0xffff, v0  }
0x1d7: {  	[hbm4b:s10+s7] =	stream.linear.scatter [tilespmem:s29], [sflag:$0xB], $0x5000, $0x38;
	[tilespmem:$0x1F400] =	vst v63  }
0x1d8: {  	s5 =	smul.u32 $0x280, s21;
	_ =	swait.ge [sflag:s8], $0x5000  }
0x1d9: {  	[sflag:s8] =	ssyncset.done $0x0  }
0x1da: {  	s5 =	sadd.s32 s1, s5;
	[sflag:s8] =	ssyncadd.s32 $0xFFFFB000  }
0x1db: {  	[tilespmem:s23], [sflag:$0x2] =	stream.linear.gather [hbm4b:s5+s7], $0x5000, $0x38;
	[tilespmem:$0x1F400] =	vst v63  }
0x1dc: {  	_ =	swait.ge [sflag:s9], $0x5000  }
0x1dd: {  	[sflag:s9] =	ssyncset.done $0x0  }
0x1de: {  	s5 =	simm.s32 $0x0;
	s7 =	simm.s32 $0x200;
	[sflag:s9] =	ssyncadd.s32 $0xFFFFB000  }
.LBB2_13:
0x1df: {  	p0 =	sne.s32 s7, $0x4E00;
	v0 =	vld [tilespmem:s5+$0x70]  }
0x1e0: {  	v1 =	vld [tilespmem:s5+$0x0]  }
0x1e1: {  	v2 =	vld [tilespmem:s5+$0x10]  }
0x1e2: {  	v3 =	vld [tilespmem:s5+$0x20]  }
0x1e3: {  	v4 =	vld [tilespmem:s5+$0x30]  }
0x1e4: {  	[tilespmem:s5+$0x1E070] =	vst.add.f32.msk $0xffff, v0  }
0x1e5: {  	v5 =	vld [tilespmem:s5+$0x40]  }
0x1e6: {  	v6 =	vld [tilespmem:s5+$0x50]  }
0x1e7: {  	v7 =	vld [tilespmem:s5+$0x60]  }
0x1e8: {  	[tilespmem:s5+$0x1A400] =	vst.add.f32.msk $0xffff, v1  }
0x1e9: {  	[tilespmem:s5+$0x1B800] =	vst.add.f32.msk $0xffff, v1  }
0x1ea: {  	[tilespmem:s5+$0x1CC00] =	vst.add.f32.msk $0xffff, v1  }
0x1eb: {  	[tilespmem:s5+$0x1E000] =	vst.add.f32.msk $0xffff, v1  }
0x1ec: {  	[tilespmem:s5+$0x1A410] =	vst.add.f32.msk $0xffff, v2  }
0x1ed: {  	[tilespmem:s5+$0x1B810] =	vst.add.f32.msk $0xffff, v2  }
0x1ee: {  	[tilespmem:s5+$0x1CC10] =	vst.add.f32.msk $0xffff, v2  }
0x1ef: {  	[tilespmem:s5+$0x1E010] =	vst.add.f32.msk $0xffff, v2  }
0x1f0: {  	[tilespmem:s5+$0x1A420] =	vst.add.f32.msk $0xffff, v3  }
0x1f1: {  	[tilespmem:s5+$0x1B820] =	vst.add.f32.msk $0xffff, v3  }
0x1f2: {  	[tilespmem:s5+$0x1CC20] =	vst.add.f32.msk $0xffff, v3  }
0x1f3: {  	[tilespmem:s5+$0x1E020] =	vst.add.f32.msk $0xffff, v3  }
0x1f4: {  	[tilespmem:s5+$0x1A430] =	vst.add.f32.msk $0xffff, v4  }
0x1f5: {  	[tilespmem:s5+$0x1B830] =	vst.add.f32.msk $0xffff, v4  }
0x1f6: {  	[tilespmem:s5+$0x1CC30] =	vst.add.f32.msk $0xffff, v4  }
0x1f7: {  	[tilespmem:s5+$0x1E030] =	vst.add.f32.msk $0xffff, v4  }
0x1f8: {  	[tilespmem:s5+$0x1A440] =	vst.add.f32.msk $0xffff, v5  }
0x1f9: {  	[tilespmem:s5+$0x1B840] =	vst.add.f32.msk $0xffff, v5  }
0x1fa: {  	[tilespmem:s5+$0x1CC40] =	vst.add.f32.msk $0xffff, v5  }
0x1fb: {  	[tilespmem:s5+$0x1E040] =	vst.add.f32.msk $0xffff, v5  }
0x1fc: {  	[tilespmem:s5+$0x1A450] =	vst.add.f32.msk $0xffff, v6  }
0x1fd: {  	[tilespmem:s5+$0x1B850] =	vst.add.f32.msk $0xffff, v6  }
0x1fe: {  	[tilespmem:s5+$0x1CC50] =	vst.add.f32.msk $0xffff, v6  }
0x1ff: {  	[tilespmem:s5+$0x1E050] =	vst.add.f32.msk $0xffff, v6  }
0x200: {  	[tilespmem:s5+$0x1A460] =	vst.add.f32.msk $0xffff, v7  }
0x201: {  	[tilespmem:s5+$0x1B860] =	vst.add.f32.msk $0xffff, v7  }
.Ltmp5:
0x202: {  	[tilespmem:s5+$0x1CC60] =	vst.add.f32.msk $0xffff, v7;
	(pc) =	sbr.rel @p0 .LBB2_13-.Ltmp5, $4  }
0x203: {  	[tilespmem:s5+$0x1E060] =	vst.add.f32.msk $0xffff, v7  }
0x204: {  	[tilespmem:s5+$0x1A470] =	vst.add.f32.msk $0xffff, v0  }
0x205: {  	[tilespmem:s5+$0x1B870] =	vst.add.f32.msk $0xffff, v0  }
0x206: {  	[tilespmem:s5+$0x1CC70] =	vst.add.f32.msk $0xffff, v0;
	s5 =	sshra.s32 s7, $0x2;
	s7 =	sadd.s32 $0x200, s7  }
0x207: {  	v0 =	vld [tilespmem:s5+$0x70]  }
0x208: {  	v1 =	vld [tilespmem:s5+$0x0]  }
0x209: {  	v2 =	vld [tilespmem:s5+$0x10]  }
0x20a: {  	v3 =	vld [tilespmem:s5+$0x20]  }
0x20b: {  	v4 =	vld [tilespmem:s5+$0x30]  }
0x20c: {  	v5 =	vld [tilespmem:s5+$0x40]  }
0x20d: {  	v6 =	vld [tilespmem:s5+$0x50]  }
0x20e: {  	v7 =	vld [tilespmem:s5+$0x60]  }
0x20f: {  	[tilespmem:s5+$0x1E070] =	vst.add.f32.msk $0xffff, v0  }
0x210: {  	[tilespmem:s5+$0x1A400] =	vst.add.f32.msk $0xffff, v1  }
0x211: {  	[tilespmem:s5+$0x1B800] =	vst.add.f32.msk $0xffff, v1  }
0x212: {  	[tilespmem:s5+$0x1CC00] =	vst.add.f32.msk $0xffff, v1  }
0x213: {  	[tilespmem:s5+$0x1E000] =	vst.add.f32.msk $0xffff, v1  }
0x214: {  	[tilespmem:s5+$0x1A410] =	vst.add.f32.msk $0xffff, v2  }
0x215: {  	[tilespmem:s5+$0x1B810] =	vst.add.f32.msk $0xffff, v2  }
0x216: {  	[tilespmem:s5+$0x1CC10] =	vst.add.f32.msk $0xffff, v2  }
0x217: {  	[tilespmem:s5+$0x1E010] =	vst.add.f32.msk $0xffff, v2  }
0x218: {  	[tilespmem:s5+$0x1A420] =	vst.add.f32.msk $0xffff, v3  }
0x219: {  	[tilespmem:s5+$0x1B820] =	vst.add.f32.msk $0xffff, v3  }
0x21a: {  	[tilespmem:s5+$0x1CC20] =	vst.add.f32.msk $0xffff, v3  }
0x21b: {  	[tilespmem:s5+$0x1E020] =	vst.add.f32.msk $0xffff, v3  }
0x21c: {  	[tilespmem:s5+$0x1A430] =	vst.add.f32.msk $0xffff, v4  }
0x21d: {  	[tilespmem:s5+$0x1B830] =	vst.add.f32.msk $0xffff, v4  }
0x21e: {  	[tilespmem:s5+$0x1CC30] =	vst.add.f32.msk $0xffff, v4  }
0x21f: {  	[tilespmem:s5+$0x1E030] =	vst.add.f32.msk $0xffff, v4  }
0x220: {  	[tilespmem:s5+$0x1A440] =	vst.add.f32.msk $0xffff, v5  }
0x221: {  	[tilespmem:s5+$0x1B840] =	vst.add.f32.msk $0xffff, v5  }
0x222: {  	[tilespmem:s5+$0x1CC40] =	vst.add.f32.msk $0xffff, v5  }
0x223: {  	[tilespmem:s5+$0x1E040] =	vst.add.f32.msk $0xffff, v5  }
0x224: {  	[tilespmem:s5+$0x1A450] =	vst.add.f32.msk $0xffff, v6  }
0x225: {  	[tilespmem:s5+$0x1B850] =	vst.add.f32.msk $0xffff, v6  }
0x226: {  	[tilespmem:s5+$0x1CC50] =	vst.add.f32.msk $0xffff, v6  }
0x227: {  	[tilespmem:s5+$0x1E050] =	vst.add.f32.msk $0xffff, v6  }
0x228: {  	[tilespmem:s5+$0x1A460] =	vst.add.f32.msk $0xffff, v7  }
0x229: {  	[tilespmem:s5+$0x1B860] =	vst.add.f32.msk $0xffff, v7  }
0x22a: {  	p0 =	seq.s32 s19, $0x14;
	[tilespmem:s5+$0x1CC60] =	vst.add.f32.msk $0xffff, v7  }
.Ltmp6:
0x22b: {  	[tilespmem:s5+$0x1E060] =	vst.add.f32.msk $0xffff, v7;
	(pc) =	sbr.rel @p0 .LBB2_16-.Ltmp6, $4  }
0x22c: {  	[tilespmem:s5+$0x1A470] =	vst.add.f32.msk $0xffff, v0  }
0x22d: {  	[tilespmem:s5+$0x1B870] =	vst.add.f32.msk $0xffff, v0  }
0x22e: {  	s21 =	sadd.s32 s4, s17;
	[tilespmem:s5+$0x1CC70] =	vst.add.f32.msk $0xffff, v0  }
0x22f: {  	[hbm4b:s21+s6] =	stream.linear.scatter [tilespmem:s31], [sflag:$0xC], $0x5000, $0x38;
	[tilespmem:$0x1F400] =	vst v63  }
0x230: {  	s5 =	rddreg [dreg:$0x9]  }
.Ltmp7:
0x231: {  	s5 =	sadd.s32 s20, s5;
	(pc) =	sbr.rel .LBB2_2-.Ltmp7, $4  }
0x232: {  	_ =	swait.ge [sflag:s18], $0x5000;
	s5 =	smul.u32 $0x280, s5  }
0x233: {  	[sflag:s18] =	ssyncset.done $0x0  }
0x234: {  	s19 =	sadd.s32 $0x1, s19;
	[sflag:s18] =	ssyncadd.s32 $0xFFFFB000;
	s5 =	sadd.s32 s1, s5  }
0x235: {  	[tilespmem:s24], [sflag:$0x3] =	stream.linear.gather [hbm4b:s5+s6], $0x5000, $0x38;
	[tilespmem:$0x1F400] =	vst v63  }
.LBB2_16:
0x236: {  	_ =	swait.ge [sflag:s25], $0x5000  }
0x237: {  	[sflag:s25] =	ssyncset.done $0x0  }
0x238: {  	s5 =	simm.s32 $0x0;
	s7 =	simm.s32 $0x200;
	[sflag:s25] =	ssyncadd.s32 $0xFFFFB000  }
.LBB2_17:
0x239: {  	p0 =	sne.s32 s7, $0x4E00;
	v0 =	vld [tilespmem:s5+$0x70]  }
0x23a: {  	v1 =	vld [tilespmem:s5+$0x0]  }
0x23b: {  	v2 =	vld [tilespmem:s5+$0x10]  }
0x23c: {  	v3 =	vld [tilespmem:s5+$0x20]  }
0x23d: {  	v4 =	vld [tilespmem:s5+$0x30]  }
0x23e: {  	[tilespmem:s5+$0x5070] =	vst.add.f32.msk $0xffff, v0  }
0x23f: {  	v5 =	vld [tilespmem:s5+$0x40]  }
0x240: {  	v6 =	vld [tilespmem:s5+$0x50]  }
0x241: {  	v7 =	vld [tilespmem:s5+$0x60]  }
0x242: {  	[tilespmem:s5+$0x1400] =	vst.add.f32.msk $0xffff, v1  }
0x243: {  	[tilespmem:s5+$0x2800] =	vst.add.f32.msk $0xffff, v1  }
0x244: {  	[tilespmem:s5+$0x3C00] =	vst.add.f32.msk $0xffff, v1  }
0x245: {  	[tilespmem:s5+$0x5000] =	vst.add.f32.msk $0xffff, v1  }
0x246: {  	[tilespmem:s5+$0x1410] =	vst.add.f32.msk $0xffff, v2  }
0x247: {  	[tilespmem:s5+$0x2810] =	vst.add.f32.msk $0xffff, v2  }
0x248: {  	[tilespmem:s5+$0x3C10] =	vst.add.f32.msk $0xffff, v2  }
0x249: {  	[tilespmem:s5+$0x5010] =	vst.add.f32.msk $0xffff, v2  }
0x24a: {  	[tilespmem:s5+$0x1420] =	vst.add.f32.msk $0xffff, v3  }
0x24b: {  	[tilespmem:s5+$0x2820] =	vst.add.f32.msk $0xffff, v3  }
0x24c: {  	[tilespmem:s5+$0x3C20] =	vst.add.f32.msk $0xffff, v3  }
0x24d: {  	[tilespmem:s5+$0x5020] =	vst.add.f32.msk $0xffff, v3  }
0x24e: {  	[tilespmem:s5+$0x1430] =	vst.add.f32.msk $0xffff, v4  }
0x24f: {  	[tilespmem:s5+$0x2830] =	vst.add.f32.msk $0xffff, v4  }
0x250: {  	[tilespmem:s5+$0x3C30] =	vst.add.f32.msk $0xffff, v4  }
0x251: {  	[tilespmem:s5+$0x5030] =	vst.add.f32.msk $0xffff, v4  }
0x252: {  	[tilespmem:s5+$0x1440] =	vst.add.f32.msk $0xffff, v5  }
0x253: {  	[tilespmem:s5+$0x2840] =	vst.add.f32.msk $0xffff, v5  }
0x254: {  	[tilespmem:s5+$0x3C40] =	vst.add.f32.msk $0xffff, v5  }
0x255: {  	[tilespmem:s5+$0x5040] =	vst.add.f32.msk $0xffff, v5  }
0x256: {  	[tilespmem:s5+$0x1450] =	vst.add.f32.msk $0xffff, v6  }
0x257: {  	[tilespmem:s5+$0x2850] =	vst.add.f32.msk $0xffff, v6  }
0x258: {  	[tilespmem:s5+$0x3C50] =	vst.add.f32.msk $0xffff, v6  }
0x259: {  	[tilespmem:s5+$0x5050] =	vst.add.f32.msk $0xffff, v6  }
0x25a: {  	[tilespmem:s5+$0x1460] =	vst.add.f32.msk $0xffff, v7  }
0x25b: {  	[tilespmem:s5+$0x2860] =	vst.add.f32.msk $0xffff, v7  }
.Ltmp8:
0x25c: {  	[tilespmem:s5+$0x3C60] =	vst.add.f32.msk $0xffff, v7;
	(pc) =	sbr.rel @p0 .LBB2_17-.Ltmp8, $4  }
0x25d: {  	[tilespmem:s5+$0x5060] =	vst.add.f32.msk $0xffff, v7  }
0x25e: {  	[tilespmem:s5+$0x1470] =	vst.add.f32.msk $0xffff, v0  }
0x25f: {  	[tilespmem:s5+$0x2870] =	vst.add.f32.msk $0xffff, v0  }
0x260: {  	[tilespmem:s5+$0x3C70] =	vst.add.f32.msk $0xffff, v0;
	s5 =	sshra.s32 s7, $0x2;
	s7 =	sadd.s32 $0x200, s7  }
0x261: {  	v0 =	vld [tilespmem:s5+$0x70]  }
0x262: {  	v1 =	vld [tilespmem:s5+$0x0]  }
0x263: {  	v2 =	vld [tilespmem:s5+$0x10]  }
0x264: {  	v3 =	vld [tilespmem:s5+$0x20]  }
0x265: {  	v4 =	vld [tilespmem:s5+$0x30]  }
0x266: {  	v5 =	vld [tilespmem:s5+$0x40]  }
0x267: {  	v6 =	vld [tilespmem:s5+$0x50]  }
0x268: {  	v7 =	vld [tilespmem:s5+$0x60]  }
0x269: {  	[tilespmem:s5+$0x5070] =	vst.add.f32.msk $0xffff, v0  }
0x26a: {  	[tilespmem:s5+$0x1400] =	vst.add.f32.msk $0xffff, v1  }
0x26b: {  	[tilespmem:s5+$0x2800] =	vst.add.f32.msk $0xffff, v1  }
0x26c: {  	[tilespmem:s5+$0x3C00] =	vst.add.f32.msk $0xffff, v1  }
0x26d: {  	[tilespmem:s5+$0x5000] =	vst.add.f32.msk $0xffff, v1  }
0x26e: {  	[tilespmem:s5+$0x1410] =	vst.add.f32.msk $0xffff, v2  }
0x26f: {  	[tilespmem:s5+$0x2810] =	vst.add.f32.msk $0xffff, v2  }
0x270: {  	[tilespmem:s5+$0x3C10] =	vst.add.f32.msk $0xffff, v2  }
0x271: {  	[tilespmem:s5+$0x5010] =	vst.add.f32.msk $0xffff, v2  }
0x272: {  	[tilespmem:s5+$0x1420] =	vst.add.f32.msk $0xffff, v3  }
0x273: {  	[tilespmem:s5+$0x2820] =	vst.add.f32.msk $0xffff, v3  }
0x274: {  	[tilespmem:s5+$0x3C20] =	vst.add.f32.msk $0xffff, v3  }
0x275: {  	[tilespmem:s5+$0x5020] =	vst.add.f32.msk $0xffff, v3  }
0x276: {  	[tilespmem:s5+$0x1430] =	vst.add.f32.msk $0xffff, v4  }
0x277: {  	[tilespmem:s5+$0x2830] =	vst.add.f32.msk $0xffff, v4  }
0x278: {  	[tilespmem:s5+$0x3C30] =	vst.add.f32.msk $0xffff, v4  }
0x279: {  	[tilespmem:s5+$0x5030] =	vst.add.f32.msk $0xffff, v4  }
0x27a: {  	[tilespmem:s5+$0x1440] =	vst.add.f32.msk $0xffff, v5  }
0x27b: {  	[tilespmem:s5+$0x2840] =	vst.add.f32.msk $0xffff, v5  }
0x27c: {  	[tilespmem:s5+$0x3C40] =	vst.add.f32.msk $0xffff, v5  }
0x27d: {  	[tilespmem:s5+$0x5040] =	vst.add.f32.msk $0xffff, v5  }
0x27e: {  	[tilespmem:s5+$0x1450] =	vst.add.f32.msk $0xffff, v6  }
0x27f: {  	[tilespmem:s5+$0x2850] =	vst.add.f32.msk $0xffff, v6  }
0x280: {  	[tilespmem:s5+$0x3C50] =	vst.add.f32.msk $0xffff, v6  }
0x281: {  	[tilespmem:s5+$0x5050] =	vst.add.f32.msk $0xffff, v6  }
0x282: {  	[tilespmem:s5+$0x1460] =	vst.add.f32.msk $0xffff, v7  }
0x283: {  	[tilespmem:s5+$0x2860] =	vst.add.f32.msk $0xffff, v7  }
0x284: {  	[tilespmem:s5+$0x3C60] =	vst.add.f32.msk $0xffff, v7  }
0x285: {  	[tilespmem:s5+$0x5060] =	vst.add.f32.msk $0xffff, v7  }
0x286: {  	[tilespmem:s5+$0x1470] =	vst.add.f32.msk $0xffff, v0  }
0x287: {  	[tilespmem:s5+$0x2870] =	vst.add.f32.msk $0xffff, v0  }
0x288: {  	s21 =	simm.s32 $0x0;
	s7 =	rddreg [dreg:$0xa];
	[tilespmem:s5+$0x3C70] =	vst.add.f32.msk $0xffff, v0  }
0x289: {  	[hbm4b:s7+s21] =	stream.linear.scatter [tilespmem:s22], [sflag:$0x7], $0x5000, $0x38;
	[tilespmem:$0x1F400] =	vst v63  }
0x28a: {  	_ =	swait.ge [sflag:s28], $0x5000  }
0x28b: {  	s5 =	simm.s32 $0x0;
	[sflag:s28] =	ssyncset.done $0x0  }
0x28c: {  	s7 =	simm.s32 $0x200;
	s10 =	rddreg [dreg:$0xd];
	[sflag:s28] =	ssyncadd.s32 $0xFFFFB000  }
.LBB2_19:
0x28d: {  	p0 =	sne.s32 s7, $0x4E00;
	v0 =	vld [tilespmem:s5+$0x70]  }
0x28e: {  	v1 =	vld [tilespmem:s5+$0x0]  }
0x28f: {  	v2 =	vld [tilespmem:s5+$0x10]  }
0x290: {  	v3 =	vld [tilespmem:s5+$0x20]  }
0x291: {  	v4 =	vld [tilespmem:s5+$0x30]  }
0x292: {  	[tilespmem:s5+$0xA070] =	vst.add.f32.msk $0xffff, v0  }
0x293: {  	v5 =	vld [tilespmem:s5+$0x40]  }
0x294: {  	v6 =	vld [tilespmem:s5+$0x50]  }
0x295: {  	v7 =	vld [tilespmem:s5+$0x60]  }
0x296: {  	[tilespmem:s5+$0x6400] =	vst.add.f32.msk $0xffff, v1  }
0x297: {  	[tilespmem:s5+$0x7800] =	vst.add.f32.msk $0xffff, v1  }
0x298: {  	[tilespmem:s5+$0x8C00] =	vst.add.f32.msk $0xffff, v1  }
0x299: {  	[tilespmem:s5+$0xA000] =	vst.add.f32.msk $0xffff, v1  }
0x29a: {  	[tilespmem:s5+$0x6410] =	vst.add.f32.msk $0xffff, v2  }
0x29b: {  	[tilespmem:s5+$0x7810] =	vst.add.f32.msk $0xffff, v2  }
0x29c: {  	[tilespmem:s5+$0x8C10] =	vst.add.f32.msk $0xffff, v2  }
0x29d: {  	[tilespmem:s5+$0xA010] =	vst.add.f32.msk $0xffff, v2  }
0x29e: {  	[tilespmem:s5+$0x6420] =	vst.add.f32.msk $0xffff, v3  }
0x29f: {  	[tilespmem:s5+$0x7820] =	vst.add.f32.msk $0xffff, v3  }
0x2a0: {  	[tilespmem:s5+$0x8C20] =	vst.add.f32.msk $0xffff, v3  }
0x2a1: {  	[tilespmem:s5+$0xA020] =	vst.add.f32.msk $0xffff, v3  }
0x2a2: {  	[tilespmem:s5+$0x6430] =	vst.add.f32.msk $0xffff, v4  }
0x2a3: {  	[tilespmem:s5+$0x7830] =	vst.add.f32.msk $0xffff, v4  }
0x2a4: {  	[tilespmem:s5+$0x8C30] =	vst.add.f32.msk $0xffff, v4  }
0x2a5: {  	[tilespmem:s5+$0xA030] =	vst.add.f32.msk $0xffff, v4  }
0x2a6: {  	[tilespmem:s5+$0x6440] =	vst.add.f32.msk $0xffff, v5  }
0x2a7: {  	[tilespmem:s5+$0x7840] =	vst.add.f32.msk $0xffff, v5  }
0x2a8: {  	[tilespmem:s5+$0x8C40] =	vst.add.f32.msk $0xffff, v5  }
0x2a9: {  	[tilespmem:s5+$0xA040] =	vst.add.f32.msk $0xffff, v5  }
0x2aa: {  	[tilespmem:s5+$0x6450] =	vst.add.f32.msk $0xffff, v6  }
0x2ab: {  	[tilespmem:s5+$0x7850] =	vst.add.f32.msk $0xffff, v6  }
0x2ac: {  	[tilespmem:s5+$0x8C50] =	vst.add.f32.msk $0xffff, v6  }
0x2ad: {  	[tilespmem:s5+$0xA050] =	vst.add.f32.msk $0xffff, v6  }
0x2ae: {  	[tilespmem:s5+$0x6460] =	vst.add.f32.msk $0xffff, v7  }
0x2af: {  	[tilespmem:s5+$0x7860] =	vst.add.f32.msk $0xffff, v7  }
.Ltmp9:
0x2b0: {  	[tilespmem:s5+$0x8C60] =	vst.add.f32.msk $0xffff, v7;
	(pc) =	sbr.rel @p0 .LBB2_19-.Ltmp9, $4  }
0x2b1: {  	[tilespmem:s5+$0xA060] =	vst.add.f32.msk $0xffff, v7  }
0x2b2: {  	[tilespmem:s5+$0x6470] =	vst.add.f32.msk $0xffff, v0  }
0x2b3: {  	[tilespmem:s5+$0x7870] =	vst.add.f32.msk $0xffff, v0  }
0x2b4: {  	[tilespmem:s5+$0x8C70] =	vst.add.f32.msk $0xffff, v0;
	s5 =	sshra.s32 s7, $0x2;
	s7 =	sadd.s32 $0x200, s7  }
0x2b5: {  	v0 =	vld [tilespmem:s5+$0x70]  }
0x2b6: {  	v1 =	vld [tilespmem:s5+$0x0]  }
0x2b7: {  	v2 =	vld [tilespmem:s5+$0x10]  }
0x2b8: {  	v3 =	vld [tilespmem:s5+$0x20]  }
0x2b9: {  	v4 =	vld [tilespmem:s5+$0x30]  }
0x2ba: {  	v5 =	vld [tilespmem:s5+$0x40]  }
0x2bb: {  	v6 =	vld [tilespmem:s5+$0x50]  }
0x2bc: {  	v7 =	vld [tilespmem:s5+$0x60]  }
0x2bd: {  	[tilespmem:s5+$0xA070] =	vst.add.f32.msk $0xffff, v0  }
0x2be: {  	[tilespmem:s5+$0x6400] =	vst.add.f32.msk $0xffff, v1  }
0x2bf: {  	[tilespmem:s5+$0x7800] =	vst.add.f32.msk $0xffff, v1  }
0x2c0: {  	[tilespmem:s5+$0x8C00] =	vst.add.f32.msk $0xffff, v1  }
0x2c1: {  	[tilespmem:s5+$0xA000] =	vst.add.f32.msk $0xffff, v1  }
0x2c2: {  	[tilespmem:s5+$0x6410] =	vst.add.f32.msk $0xffff, v2  }
0x2c3: {  	[tilespmem:s5+$0x7810] =	vst.add.f32.msk $0xffff, v2  }
0x2c4: {  	[tilespmem:s5+$0x8C10] =	vst.add.f32.msk $0xffff, v2  }
0x2c5: {  	[tilespmem:s5+$0xA010] =	vst.add.f32.msk $0xffff, v2  }
0x2c6: {  	[tilespmem:s5+$0x6420] =	vst.add.f32.msk $0xffff, v3  }
0x2c7: {  	[tilespmem:s5+$0x7820] =	vst.add.f32.msk $0xffff, v3  }
0x2c8: {  	[tilespmem:s5+$0x8C20] =	vst.add.f32.msk $0xffff, v3  }
0x2c9: {  	[tilespmem:s5+$0xA020] =	vst.add.f32.msk $0xffff, v3  }
0x2ca: {  	[tilespmem:s5+$0x6430] =	vst.add.f32.msk $0xffff, v4  }
0x2cb: {  	[tilespmem:s5+$0x7830] =	vst.add.f32.msk $0xffff, v4  }
0x2cc: {  	[tilespmem:s5+$0x8C30] =	vst.add.f32.msk $0xffff, v4  }
0x2cd: {  	[tilespmem:s5+$0xA030] =	vst.add.f32.msk $0xffff, v4  }
0x2ce: {  	[tilespmem:s5+$0x6440] =	vst.add.f32.msk $0xffff, v5  }
0x2cf: {  	[tilespmem:s5+$0x7840] =	vst.add.f32.msk $0xffff, v5  }
0x2d0: {  	[tilespmem:s5+$0x8C40] =	vst.add.f32.msk $0xffff, v5  }
0x2d1: {  	[tilespmem:s5+$0xA040] =	vst.add.f32.msk $0xffff, v5  }
0x2d2: {  	[tilespmem:s5+$0x6450] =	vst.add.f32.msk $0xffff, v6  }
0x2d3: {  	[tilespmem:s5+$0x7850] =	vst.add.f32.msk $0xffff, v6  }
0x2d4: {  	[tilespmem:s5+$0x8C50] =	vst.add.f32.msk $0xffff, v6  }
0x2d5: {  	[tilespmem:s5+$0xA050] =	vst.add.f32.msk $0xffff, v6  }
0x2d6: {  	[tilespmem:s5+$0x6460] =	vst.add.f32.msk $0xffff, v7  }
0x2d7: {  	[tilespmem:s5+$0x7860] =	vst.add.f32.msk $0xffff, v7  }
0x2d8: {  	[tilespmem:s5+$0x8C60] =	vst.add.f32.msk $0xffff, v7  }
0x2d9: {  	[tilespmem:s5+$0xA060] =	vst.add.f32.msk $0xffff, v7  }
0x2da: {  	[tilespmem:s5+$0x6470] =	vst.add.f32.msk $0xffff, v0  }
0x2db: {  	[tilespmem:s5+$0x7870] =	vst.add.f32.msk $0xffff, v0  }
0x2dc: {  	s17 =	rddreg [dreg:$0xb];
	[tilespmem:s5+$0x8C70] =	vst.add.f32.msk $0xffff, v0  }
0x2dd: {  	[hbm4b:s17+s6] =	stream.linear.scatter [tilespmem:s23], [sflag:$0x8], $0x5000, $0x38;
	[tilespmem:$0x1F400] =	vst v63  }
0x2de: {  	_ =	swait.ge [sflag:s0], $0x5000  }
0x2df: {  	[sflag:s0] =	ssyncset.done $0x0  }
0x2e0: {  	[sflag:s0] =	ssyncadd.s32 $0xFFFFB000  }
0x2e1: {  	_ =	swait.ge [sflag:s8], $0x5000  }
0x2e2: {  	[sflag:s8] =	ssyncset.done $0x0  }
0x2e3: {  	[sflag:s8] =	ssyncadd.s32 $0xFFFFB000  }
0x2e4: {  	_ =	swait.ge [sflag:s18], $0x5000  }
0x2e5: {  	[sflag:s18] =	ssyncset.done $0x0  }
0x2e6: {  	s19 =	simm.s32 $0xA;
	[sflag:s18] =	ssyncadd.s32 $0xFFFFB000  }
0x2e7: {  	_ =	swait.ge [sflag:s19], $0x5000  }
0x2e8: {  	[sflag:s19] =	ssyncset.done $0x0  }
0x2e9: {  	s20 =	simm.s32 $0xB;
	[sflag:s19] =	ssyncadd.s32 $0xFFFFB000  }
0x2ea: {  	_ =	swait.ge [sflag:s20], $0x5000  }
0x2eb: {  	[sflag:s20] =	ssyncset.done $0x0  }
0x2ec: {  	s7 =	simm.s32 $0xC;
	[sflag:s20] =	ssyncadd.s32 $0xFFFFB000  }
0x2ed: {  	_ =	swait.ge [sflag:s7], $0x5000  }
0x2ee: {  	s10 =	sadd.s32 $0x1, s10;
	s21 =	rddreg [dreg:$0xc]  }
0x2ef: {  	p0 =	sne.s32 s10, s21  }
.Ltmp10:
0x2f0: {  	_ = 	snop;
	(pc) =	sbr.rel @p0 .LBB2_1-.Ltmp10, $3  }
0x2f1: {  	_ =	sdelay $0x1  }
0x2f2: {  	[sflag:s7] =	ssyncset.done $0x0  }
0x2f3: {  	[sflag:s7] =	ssyncadd.s32 $0xFFFFB000  }
0x2f4: {  	_ =	sfence.sel $0x180000  }
0x2f5: {  	[bflag:$0x0] =	sbarrier.arrive $0xFFFF  }
0x2f6: {  	_ =	strace $0x90000047  }
0x2f7: {  	s0 =	stileid.u32;
	[bflag:$0x2] =	sbarrier.arrive $0xFFFF  }
0x2f8: {  	p0 =	sne.s32 s0, $0x0;
	s0 =	rddreg [dreg:$0x3]  }
0x2f9: {  	s0 =	sadd.s32 @!p0 $0x100000, s0  }
0x2fa: {  	[sflag:s0] =	ssyncadd.tile.s32 @!p0 $0x1;
	_ =	shalt  }
.Lfunc_end2:
_tile_overlayer_lowered:
.L_overlay_start_2:
0x2fb: {  	(tag) =	ssettag $0x2  }
0x2fc: {  	s0 =	rddreg [dreg:$0x0];
	s2 =	stileid.u32  }
0x2fd: {  	s1 =	rddreg [dreg:$0x1];
	p0 =	sne.s32 s2, $0x0  }
0x2fe: {  	s3 =	rddreg [dreg:$0x2];
	[bflag:$0x3] =	sbarrier.arrive $0xFFFF;
	s2 =	simm.s32 @!p0 $0x1C0D  }
0x2ff: {  	[timem:s3], [sflag:s2] =	dma.local @!p0 [hbm:s0], s1  }
0x300: {  	s0 =	simm.s32 @!p0 $0xD  }
0x301: {  	_ =	swait.ge @!p0 [sflag:s0], s1  }
0x302: {  	s1 =	ssub.s32 @!p0 $0x0, s1;
	[sflag:s0] =	ssyncset.done @!p0 $0x0  }
0x303: {  	[sflag:s0] =	ssyncadd.s32 @!p0 s1  }
0x304: {  	[bflag:$0x3] =	sbarrier.arrive $0xFFFF  }
0x305: {  	_ =	shalt  }

</sc_bundles>
